<compile_context>
chip_gen: v7x
topology: tpu7x:2x2x1
jax: 0.10.2.dev20260603
libtpu: 0.0.44.dev20260713+nightly
codegen_flags: <defaults>
</compile_context>

<pallas_src>
import functools

import jax
import jax.numpy as jnp
from jax import lax
from jax.experimental import pallas as pl
from jax.experimental.pallas import tpu as pltpu
from jax.experimental.pallas import tpu_sc as plsc

VOCAB = 1000
EMBED = 64
HIST = 50
NUM_CORES = 2
NUM_SUBCORES = 16
NUM_WORKERS = NUM_CORES * NUM_SUBCORES

B_PER_PHASE = 8
CHUNKS = 4


def _sc_gather(x_grp, table):
    _, b_per_w, _ = x_grp.shape
    n_phase = b_per_w // B_PER_PHASE
    n_pair = n_phase // 2
    batch = NUM_WORKERS * b_per_w

    mesh = plsc.VectorSubcoreMesh(
        core_axis_name="c", subcore_axis_name="s",
        num_cores=NUM_CORES, num_subcores=NUM_SUBCORES)

    @functools.partial(
        pl.kernel,
        mesh=mesh,
        out_type=jax.ShapeDtypeStruct((batch, HIST, EMBED), jnp.float32),
        scratch_types=[
            pltpu.VMEM((b_per_w, HIST), jnp.int32),
            pltpu.VMEM((B_PER_PHASE, HIST, EMBED), jnp.float32),
            pltpu.VMEM((B_PER_PHASE, HIST, EMBED), jnp.float32),
            pltpu.SemaphoreType.DMA,
            pltpu.SemaphoreType.DMA,
        ],
        compiler_params=pltpu.CompilerParams(use_tc_tiling_on_sc=False),
    )
    def k(x_hbm, table_hbm, out_hbm, idx_v, buf_a, buf_b, sem_a, sem_b):
        wid = lax.axis_index("s") * NUM_CORES + lax.axis_index("c")
        base_w = wid * b_per_w

        pltpu.sync_copy(x_hbm.at[wid], idx_v)

        def fire(phase, buf, sem):
            for q in range(B_PER_PHASE):
                pltpu.async_copy(
                    table_hbm.at[idx_v.at[phase * B_PER_PHASE + q]],
                    buf.at[q],
                    sem)

        def drain_and_store(phase, buf, sem):
            out_slice = out_hbm.at[pl.ds(base_w + phase * B_PER_PHASE,
                                         B_PER_PHASE)]
            pltpu.make_async_copy(out_slice, buf, sem).wait()
            pltpu.sync_copy(buf, out_slice)

        fire(0, buf_a, sem_a)

        def pair(i, carry):
            pa = 2 * i
            fire(pa + 1, buf_b, sem_b)
            drain_and_store(pa, buf_a, sem_a)

            @pl.when(i < n_pair - 1)
            def _():
                fire(pa + 2, buf_a, sem_a)

            drain_and_store(pa + 1, buf_b, sem_b)
            return carry

        lax.fori_loop(0, n_pair, pair, 0)

    return k(x_grp, table)


def kernel(x, embedding_matrix):
    batch, hist = x.shape
    bc = batch // CHUNKS
    xi = x.astype(jnp.int32)
    outs = []
    for c in range(CHUNKS):
        x_grp = lax.slice_in_dim(xi, c * bc, (c + 1) * bc).reshape(
            NUM_WORKERS, bc // NUM_WORKERS, hist)
        outs.append(_sc_gather(x_grp, embedding_matrix))
    return lax.concatenate(outs, 0)

# --- scband reference (transcript-rebuilt; emitter-appended) ---
"""Pipeline reference for scband-embedding-layer-7447473292101 (READ-ONLY COPY).

The authoritative reference and input builder live on the scoring server;
editing this copy changes nothing except your own understanding.
"""

import jax, jax.numpy as jnp
import numpy as np

VOCAB = 1000
EMBED = 64
BATCH = 16384
HIST = 50

def setup_inputs(seed: int = 0) -> dict:
    key = jax.random.key(seed)
    k1, k2 = jax.random.split(key)
    x = jax.random.randint(k1, (BATCH, HIST), 0, VOCAB)
    embedding_matrix = jax.random.normal(k2, (VOCAB, EMBED), dtype=jnp.float32)
    return {"x": x, "embedding_matrix": embedding_matrix}

def reference(x, embedding_matrix):
    # Faithful translation of: x = self.embedding_matrix[x]
    return jnp.take(embedding_matrix, x, axis=0)

if __name__ == "__main__":
    import jax
    _d = setup_inputs()
    print(jax.jit(kernel)(*tuple(_d.values())))

</pallas_src>

<mosaic_0001>
#map = affine_map<(d0, d1) -> (0, 0, 0)>
#map1 = affine_map<(d0, d1) -> (0, 0)>
module attributes {stable_mosaic.version = 14 : i64} {
  func.func @k(%arg0: i32, %arg1: i32, %arg2: memref<32x128x50xi32, #tpu.memory_space<hbm>>, %arg3: memref<1000x64xf32, #tpu.memory_space<hbm>>, %arg4: memref<4096x50x64xf32, #tpu.memory_space<hbm>>, %arg5: memref<128x50xi32, #tpu.memory_space<vmem>>, %arg6: memref<8x50x64xf32, #tpu.memory_space<vmem>>, %arg7: memref<8x50x64xf32, #tpu.memory_space<vmem>>, %arg8: memref<!tpu.dma_semaphore, #tpu.memory_space<semaphore_mem>>, %arg9: memref<!tpu.dma_semaphore, #tpu.memory_space<semaphore_mem>>) attributes {dimension_semantics = [#tpu.dimension_semantics<core_parallel>, #tpu.dimension_semantics<subcore_parallel>], iteration_bounds = array<i64: 2, 16>, scalar_prefetch = 0 : i64, scratch_operands = 5 : i64, tpu.core_type = #tpu.core_type<sc_vector_subcore>, window_params = [{transform_indices = #map}, {transform_indices = #map1}, {transform_indices = #map}]} {
    %mul3A = arith.constant 2 : i32
    %mul3A_0 = arith.muli %arg1, %mul3A : i32
    %add3A = arith.addi %mul3A_0, %arg0 : i32
    %mul3A_1 = arith.constant 128 : i32
    %mul3A_2 = arith.muli %add3A, %mul3A_1 : i32
    "tpu.region"() ({
      %run_scoped3A = tpu.sem_alloc : memref<!tpu.dma_semaphore, #tpu.memory_space<semaphore_mem>>
      %dma_start3A_103 = arith.constant 0 : i32
      %dma_start3A_104 = arith.constant 0 : i32
      %dma_start3A_105 = tpu.memref_slice %arg2[%add3A, %dma_start3A_103, %dma_start3A_104] : memref<32x128x50xi32, #tpu.memory_space<hbm>> -> memref<1x128x50xi32, #tpu.memory_space<hbm>>
      %dma_start3A_106 = tpu.memref_squeeze %dma_start3A_105 : memref<1x128x50xi32, #tpu.memory_space<hbm>> -> memref<128x50xi32, #tpu.memory_space<hbm>>
      %dma_start3A_107 = arith.constant 0 : i32
      %dma_start3A_108 = arith.constant 0 : i32
      %dma_start3A_109 = tpu.memref_slice %arg2[%add3A, %dma_start3A_107, %dma_start3A_108] : memref<32x128x50xi32, #tpu.memory_space<hbm>> -> memref<1x128x50xi32, #tpu.memory_space<hbm>>
      %dma_start3A_110 = tpu.memref_squeeze %dma_start3A_109 : memref<1x128x50xi32, #tpu.memory_space<hbm>> -> memref<128x50xi32, #tpu.memory_space<hbm>>
      tpu.enqueue_dma source(%dma_start3A_110 : memref<128x50xi32, #tpu.memory_space<hbm>>) target(%arg5 : memref<128x50xi32, #tpu.memory_space<vmem>>) target_semaphore(%run_scoped3A : memref<!tpu.dma_semaphore, #tpu.memory_space<semaphore_mem>>)
      %dma_wait3A = arith.constant 0 : i32
      %dma_wait3A_111 = arith.constant 0 : i32
      %dma_wait3A_112 = tpu.memref_slice %arg2[%add3A, %dma_wait3A, %dma_wait3A_111] : memref<32x128x50xi32, #tpu.memory_space<hbm>> -> memref<1x128x50xi32, #tpu.memory_space<hbm>>
      %dma_wait3A_113 = tpu.memref_squeeze %dma_wait3A_112 : memref<1x128x50xi32, #tpu.memory_space<hbm>> -> memref<128x50xi32, #tpu.memory_space<hbm>>
      %dma_wait3A_114 = arith.constant 0 : i32
      %dma_wait3A_115 = arith.constant 0 : i32
      %dma_wait3A_116 = tpu.memref_slice %arg2[%add3A, %dma_wait3A_114, %dma_wait3A_115] : memref<32x128x50xi32, #tpu.memory_space<hbm>> -> memref<1x128x50xi32, #tpu.memory_space<hbm>>
      %dma_wait3A_117 = tpu.memref_squeeze %dma_wait3A_116 : memref<1x128x50xi32, #tpu.memory_space<hbm>> -> memref<128x50xi32, #tpu.memory_space<hbm>>
      tpu.wait_dma2 semaphore(%run_scoped3A : memref<!tpu.dma_semaphore, #tpu.memory_space<semaphore_mem>>) src(%dma_wait3A_117 : memref<128x50xi32, #tpu.memory_space<hbm>>) dst(%arg5 : memref<128x50xi32, #tpu.memory_space<vmem>>)
      tpu.yield
    }) : () -> ()
    %dma_start3A = arith.constant 0 : i32
    %dma_start3A_3 = arith.constant 0 : i32
    %dma_start3A_4 = arith.constant 0 : i32
    %dma_start3A_5 = arith.constant 0 : i32
    %dma_start3A_6 = tpu.memref_slice %arg6[%dma_start3A_3, %dma_start3A_4, %dma_start3A_5] : memref<8x50x64xf32, #tpu.memory_space<vmem>> -> memref<1x50x64xf32, #tpu.memory_space<vmem>>
    %dma_start3A_7 = tpu.memref_squeeze %dma_start3A_6 : memref<1x50x64xf32, #tpu.memory_space<vmem>> -> memref<50x64xf32, #tpu.memory_space<vmem>>
    %dma_start3A_8 = arith.constant 0 : i32
    %dma_start3A_9 = tpu.memref_slice %arg5[%dma_start3A, %dma_start3A_8] : memref<128x50xi32, #tpu.memory_space<vmem>> -> memref<1x50xi32, #tpu.memory_space<vmem>>
    %dma_start3A_10 = tpu.memref_squeeze %dma_start3A_9 : memref<1x50xi32, #tpu.memory_space<vmem>> -> memref<50xi32, #tpu.memory_space<vmem>>
    %dma_start3A_11 = arith.constant 0 : i32
    %dma_start3A_12 = arith.constant 0 : i32
    %dma_start3A_13 = tpu.memref_slice %arg3[%dma_start3A_11, %dma_start3A_12] : memref<1000x64xf32, #tpu.memory_space<hbm>> -> memref<1000x64xf32, #tpu.memory_space<hbm>>
    tpu.enqueue_indirect_dma source(%dma_start3A_13 : memref<1000x64xf32, #tpu.memory_space<hbm>>) target(%dma_start3A_7 : memref<50x64xf32, #tpu.memory_space<vmem>>) offsets(%dma_start3A_10 : memref<50xi32, #tpu.memory_space<vmem>>) semaphore(%arg8 : memref<!tpu.dma_semaphore, #tpu.memory_space<semaphore_mem>>)
    %dma_start3A_14 = arith.constant 1 : i32
    %dma_start3A_15 = arith.constant 1 : i32
    %dma_start3A_16 = arith.constant 0 : i32
    %dma_start3A_17 = arith.constant 0 : i32
    %dma_start3A_18 = tpu.memref_slice %arg6[%dma_start3A_15, %dma_start3A_16, %dma_start3A_17] : memref<8x50x64xf32, #tpu.memory_space<vmem>> -> memref<1x50x64xf32, #tpu.memory_space<vmem>>
    %dma_start3A_19 = tpu.memref_squeeze %dma_start3A_18 : memref<1x50x64xf32, #tpu.memory_space<vmem>> -> memref<50x64xf32, #tpu.memory_space<vmem>>
    %dma_start3A_20 = arith.constant 0 : i32
    %dma_start3A_21 = tpu.memref_slice %arg5[%dma_start3A_14, %dma_start3A_20] : memref<128x50xi32, #tpu.memory_space<vmem>> -> memref<1x50xi32, #tpu.memory_space<vmem>>
    %dma_start3A_22 = tpu.memref_squeeze %dma_start3A_21 : memref<1x50xi32, #tpu.memory_space<vmem>> -> memref<50xi32, #tpu.memory_space<vmem>>
    %dma_start3A_23 = arith.constant 0 : i32
    %dma_start3A_24 = arith.constant 0 : i32
    %dma_start3A_25 = tpu.memref_slice %arg3[%dma_start3A_23, %dma_start3A_24] : memref<1000x64xf32, #tpu.memory_space<hbm>> -> memref<1000x64xf32, #tpu.memory_space<hbm>>
    tpu.enqueue_indirect_dma source(%dma_start3A_25 : memref<1000x64xf32, #tpu.memory_space<hbm>>) target(%dma_start3A_19 : memref<50x64xf32, #tpu.memory_space<vmem>>) offsets(%dma_start3A_22 : memref<50xi32, #tpu.memory_space<vmem>>) semaphore(%arg8 : memref<!tpu.dma_semaphore, #tpu.memory_space<semaphore_mem>>)
    %dma_start3A_26 = arith.constant 2 : i32
    %dma_start3A_27 = arith.constant 2 : i32
    %dma_start3A_28 = arith.constant 0 : i32
    %dma_start3A_29 = arith.constant 0 : i32
    %dma_start3A_30 = tpu.memref_slice %arg6[%dma_start3A_27, %dma_start3A_28, %dma_start3A_29] : memref<8x50x64xf32, #tpu.memory_space<vmem>> -> memref<1x50x64xf32, #tpu.memory_space<vmem>>
    %dma_start3A_31 = tpu.memref_squeeze %dma_start3A_30 : memref<1x50x64xf32, #tpu.memory_space<vmem>> -> memref<50x64xf32, #tpu.memory_space<vmem>>
    %dma_start3A_32 = arith.constant 0 : i32
    %dma_start3A_33 = tpu.memref_slice %arg5[%dma_start3A_26, %dma_start3A_32] : memref<128x50xi32, #tpu.memory_space<vmem>> -> memref<1x50xi32, #tpu.memory_space<vmem>>
    %dma_start3A_34 = tpu.memref_squeeze %dma_start3A_33 : memref<1x50xi32, #tpu.memory_space<vmem>> -> memref<50xi32, #tpu.memory_space<vmem>>
    %dma_start3A_35 = arith.constant 0 : i32
    %dma_start3A_36 = arith.constant 0 : i32
    %dma_start3A_37 = tpu.memref_slice %arg3[%dma_start3A_35, %dma_start3A_36] : memref<1000x64xf32, #tpu.memory_space<hbm>> -> memref<1000x64xf32, #tpu.memory_space<hbm>>
    tpu.enqueue_indirect_dma source(%dma_start3A_37 : memref<1000x64xf32, #tpu.memory_space<hbm>>) target(%dma_start3A_31 : memref<50x64xf32, #tpu.memory_space<vmem>>) offsets(%dma_start3A_34 : memref<50xi32, #tpu.memory_space<vmem>>) semaphore(%arg8 : memref<!tpu.dma_semaphore, #tpu.memory_space<semaphore_mem>>)
    %dma_start3A_38 = arith.constant 3 : i32
    %dma_start3A_39 = arith.constant 3 : i32
    %dma_start3A_40 = arith.constant 0 : i32
    %dma_start3A_41 = arith.constant 0 : i32
    %dma_start3A_42 = tpu.memref_slice %arg6[%dma_start3A_39, %dma_start3A_40, %dma_start3A_41] : memref<8x50x64xf32, #tpu.memory_space<vmem>> -> memref<1x50x64xf32, #tpu.memory_space<vmem>>
    %dma_start3A_43 = tpu.memref_squeeze %dma_start3A_42 : memref<1x50x64xf32, #tpu.memory_space<vmem>> -> memref<50x64xf32, #tpu.memory_space<vmem>>
    %dma_start3A_44 = arith.constant 0 : i32
    %dma_start3A_45 = tpu.memref_slice %arg5[%dma_start3A_38, %dma_start3A_44] : memref<128x50xi32, #tpu.memory_space<vmem>> -> memref<1x50xi32, #tpu.memory_space<vmem>>
    %dma_start3A_46 = tpu.memref_squeeze %dma_start3A_45 : memref<1x50xi32, #tpu.memory_space<vmem>> -> memref<50xi32, #tpu.memory_space<vmem>>
    %dma_start3A_47 = arith.constant 0 : i32
    %dma_start3A_48 = arith.constant 0 : i32
    %dma_start3A_49 = tpu.memref_slice %arg3[%dma_start3A_47, %dma_start3A_48] : memref<1000x64xf32, #tpu.memory_space<hbm>> -> memref<1000x64xf32, #tpu.memory_space<hbm>>
    tpu.enqueue_indirect_dma source(%dma_start3A_49 : memref<1000x64xf32, #tpu.memory_space<hbm>>) target(%dma_start3A_43 : memref<50x64xf32, #tpu.memory_space<vmem>>) offsets(%dma_start3A_46 : memref<50xi32, #tpu.memory_space<vmem>>) semaphore(%arg8 : memref<!tpu.dma_semaphore, #tpu.memory_space<semaphore_mem>>)
    %dma_start3A_50 = arith.constant 4 : i32
    %dma_start3A_51 = arith.constant 4 : i32
    %dma_start3A_52 = arith.constant 0 : i32
    %dma_start3A_53 = arith.constant 0 : i32
    %dma_start3A_54 = tpu.memref_slice %arg6[%dma_start3A_51, %dma_start3A_52, %dma_start3A_53] : memref<8x50x64xf32, #tpu.memory_space<vmem>> -> memref<1x50x64xf32, #tpu.memory_space<vmem>>
    %dma_start3A_55 = tpu.memref_squeeze %dma_start3A_54 : memref<1x50x64xf32, #tpu.memory_space<vmem>> -> memref<50x64xf32, #tpu.memory_space<vmem>>
    %dma_start3A_56 = arith.constant 0 : i32
    %dma_start3A_57 = tpu.memref_slice %arg5[%dma_start3A_50, %dma_start3A_56] : memref<128x50xi32, #tpu.memory_space<vmem>> -> memref<1x50xi32, #tpu.memory_space<vmem>>
    %dma_start3A_58 = tpu.memref_squeeze %dma_start3A_57 : memref<1x50xi32, #tpu.memory_space<vmem>> -> memref<50xi32, #tpu.memory_space<vmem>>
    %dma_start3A_59 = arith.constant 0 : i32
    %dma_start3A_60 = arith.constant 0 : i32
    %dma_start3A_61 = tpu.memref_slice %arg3[%dma_start3A_59, %dma_start3A_60] : memref<1000x64xf32, #tpu.memory_space<hbm>> -> memref<1000x64xf32, #tpu.memory_space<hbm>>
    tpu.enqueue_indirect_dma source(%dma_start3A_61 : memref<1000x64xf32, #tpu.memory_space<hbm>>) target(%dma_start3A_55 : memref<50x64xf32, #tpu.memory_space<vmem>>) offsets(%dma_start3A_58 : memref<50xi32, #tpu.memory_space<vmem>>) semaphore(%arg8 : memref<!tpu.dma_semaphore, #tpu.memory_space<semaphore_mem>>)
    %dma_start3A_62 = arith.constant 5 : i32
    %dma_start3A_63 = arith.constant 5 : i32
    %dma_start3A_64 = arith.constant 0 : i32
    %dma_start3A_65 = arith.constant 0 : i32
    %dma_start3A_66 = tpu.memref_slice %arg6[%dma_start3A_63, %dma_start3A_64, %dma_start3A_65] : memref<8x50x64xf32, #tpu.memory_space<vmem>> -> memref<1x50x64xf32, #tpu.memory_space<vmem>>
    %dma_start3A_67 = tpu.memref_squeeze %dma_start3A_66 : memref<1x50x64xf32, #tpu.memory_space<vmem>> -> memref<50x64xf32, #tpu.memory_space<vmem>>
    %dma_start3A_68 = arith.constant 0 : i32
    %dma_start3A_69 = tpu.memref_slice %arg5[%dma_start3A_62, %dma_start3A_68] : memref<128x50xi32, #tpu.memory_space<vmem>> -> memref<1x50xi32, #tpu.memory_space<vmem>>
    %dma_start3A_70 = tpu.memref_squeeze %dma_start3A_69 : memref<1x50xi32, #tpu.memory_space<vmem>> -> memref<50xi32, #tpu.memory_space<vmem>>
    %dma_start3A_71 = arith.constant 0 : i32
    %dma_start3A_72 = arith.constant 0 : i32
    %dma_start3A_73 = tpu.memref_slice %arg3[%dma_start3A_71, %dma_start3A_72] : memref<1000x64xf32, #tpu.memory_space<hbm>> -> memref<1000x64xf32, #tpu.memory_space<hbm>>
    tpu.enqueue_indirect_dma source(%dma_start3A_73 : memref<1000x64xf32, #tpu.memory_space<hbm>>) target(%dma_start3A_67 : memref<50x64xf32, #tpu.memory_space<vmem>>) offsets(%dma_start3A_70 : memref<50xi32, #tpu.memory_space<vmem>>) semaphore(%arg8 : memref<!tpu.dma_semaphore, #tpu.memory_space<semaphore_mem>>)
    %dma_start3A_74 = arith.constant 6 : i32
    %dma_start3A_75 = arith.constant 6 : i32
    %dma_start3A_76 = arith.constant 0 : i32
    %dma_start3A_77 = arith.constant 0 : i32
    %dma_start3A_78 = tpu.memref_slice %arg6[%dma_start3A_75, %dma_start3A_76, %dma_start3A_77] : memref<8x50x64xf32, #tpu.memory_space<vmem>> -> memref<1x50x64xf32, #tpu.memory_space<vmem>>
    %dma_start3A_79 = tpu.memref_squeeze %dma_start3A_78 : memref<1x50x64xf32, #tpu.memory_space<vmem>> -> memref<50x64xf32, #tpu.memory_space<vmem>>
    %dma_start3A_80 = arith.constant 0 : i32
    %dma_start3A_81 = tpu.memref_slice %arg5[%dma_start3A_74, %dma_start3A_80] : memref<128x50xi32, #tpu.memory_space<vmem>> -> memref<1x50xi32, #tpu.memory_space<vmem>>
    %dma_start3A_82 = tpu.memref_squeeze %dma_start3A_81 : memref<1x50xi32, #tpu.memory_space<vmem>> -> memref<50xi32, #tpu.memory_space<vmem>>
    %dma_start3A_83 = arith.constant 0 : i32
    %dma_start3A_84 = arith.constant 0 : i32
    %dma_start3A_85 = tpu.memref_slice %arg3[%dma_start3A_83, %dma_start3A_84] : memref<1000x64xf32, #tpu.memory_space<hbm>> -> memref<1000x64xf32, #tpu.memory_space<hbm>>
    tpu.enqueue_indirect_dma source(%dma_start3A_85 : memref<1000x64xf32, #tpu.memory_space<hbm>>) target(%dma_start3A_79 : memref<50x64xf32, #tpu.memory_space<vmem>>) offsets(%dma_start3A_82 : memref<50xi32, #tpu.memory_space<vmem>>) semaphore(%arg8 : memref<!tpu.dma_semaphore, #tpu.memory_space<semaphore_mem>>)
    %dma_start3A_86 = arith.constant 7 : i32
    %dma_start3A_87 = arith.constant 7 : i32
    %dma_start3A_88 = arith.constant 0 : i32
    %dma_start3A_89 = arith.constant 0 : i32
    %dma_start3A_90 = tpu.memref_slice %arg6[%dma_start3A_87, %dma_start3A_88, %dma_start3A_89] : memref<8x50x64xf32, #tpu.memory_space<vmem>> -> memref<1x50x64xf32, #tpu.memory_space<vmem>>
    %dma_start3A_91 = tpu.memref_squeeze %dma_start3A_90 : memref<1x50x64xf32, #tpu.memory_space<vmem>> -> memref<50x64xf32, #tpu.memory_space<vmem>>
    %dma_start3A_92 = arith.constant 0 : i32
    %dma_start3A_93 = tpu.memref_slice %arg5[%dma_start3A_86, %dma_start3A_92] : memref<128x50xi32, #tpu.memory_space<vmem>> -> memref<1x50xi32, #tpu.memory_space<vmem>>
    %dma_start3A_94 = tpu.memref_squeeze %dma_start3A_93 : memref<1x50xi32, #tpu.memory_space<vmem>> -> memref<50xi32, #tpu.memory_space<vmem>>
    %dma_start3A_95 = arith.constant 0 : i32
    %dma_start3A_96 = arith.constant 0 : i32
    %dma_start3A_97 = tpu.memref_slice %arg3[%dma_start3A_95, %dma_start3A_96] : memref<1000x64xf32, #tpu.memory_space<hbm>> -> memref<1000x64xf32, #tpu.memory_space<hbm>>
    tpu.enqueue_indirect_dma source(%dma_start3A_97 : memref<1000x64xf32, #tpu.memory_space<hbm>>) target(%dma_start3A_91 : memref<50x64xf32, #tpu.memory_space<vmem>>) offsets(%dma_start3A_94 : memref<50xi32, #tpu.memory_space<vmem>>) semaphore(%arg8 : memref<!tpu.dma_semaphore, #tpu.memory_space<semaphore_mem>>)
    %scan3A = arith.constant 0 : i32
    %scan3A_98 = arith.constant 0 : i32
    %scan3A_99 = arith.constant 8 : i32
    %scan3A_100 = arith.addi %scan3A_98, %scan3A_99 : i32
    %scan3A_101 = arith.constant 1 : i32
    scf.for %scan3A_103 = %scan3A_98 to %scan3A_100 step %scan3A_101  : i32 {
      %mul3A_104 = arith.constant 2 : i32
      %mul3A_105 = arith.muli %mul3A_104, %scan3A_103 : i32
      %add3A_106 = arith.constant 1 : i32
      %add3A_107 = arith.addi %mul3A_105, %add3A_106 : i32
      %mul3A_108 = arith.constant 8 : i32
      %mul3A_109 = arith.muli %add3A_107, %mul3A_108 : i32
      %add3A_110 = arith.constant 0 : i32
      %add3A_111 = arith.addi %mul3A_109, %add3A_110 : i32
      %dma_start3A_112 = arith.constant 0 : i32
      %dma_start3A_113 = arith.constant 0 : i32
      %dma_start3A_114 = arith.constant 0 : i32
      %dma_start3A_115 = tpu.memref_slice %arg7[%dma_start3A_112, %dma_start3A_113, %dma_start3A_114] : memref<8x50x64xf32, #tpu.memory_space<vmem>> -> memref<1x50x64xf32, #tpu.memory_space<vmem>>
      %dma_start3A_116 = tpu.memref_squeeze %dma_start3A_115 : memref<1x50x64xf32, #tpu.memory_space<vmem>> -> memref<50x64xf32, #tpu.memory_space<vmem>>
      %dma_start3A_117 = arith.constant 0 : i32
      %dma_start3A_118 = tpu.memref_slice %arg5[%add3A_111, %dma_start3A_117] : memref<128x50xi32, #tpu.memory_space<vmem>> -> memref<1x50xi32, #tpu.memory_space<vmem>>
      %dma_start3A_119 = tpu.memref_squeeze %dma_start3A_118 : memref<1x50xi32, #tpu.memory_space<vmem>> -> memref<50xi32, #tpu.memory_space<vmem>>
      %dma_start3A_120 = arith.constant 0 : i32
      %dma_start3A_121 = arith.constant 0 : i32
      %dma_start3A_122 = tpu.memref_slice %arg3[%dma_start3A_120, %dma_start3A_121] : memref<1000x64xf32, #tpu.memory_space<hbm>> -> memref<1000x64xf32, #tpu.memory_space<hbm>>
      tpu.enqueue_indirect_dma source(%dma_start3A_122 : memref<1000x64xf32, #tpu.memory_space<hbm>>) target(%dma_start3A_116 : memref<50x64xf32, #tpu.memory_space<vmem>>) offsets(%dma_start3A_119 : memref<50xi32, #tpu.memory_space<vmem>>) semaphore(%arg9 : memref<!tpu.dma_semaphore, #tpu.memory_space<semaphore_mem>>)
      %mul3A_123 = arith.constant 8 : i32
      %mul3A_124 = arith.muli %add3A_107, %mul3A_123 : i32
      %add3A_125 = arith.constant 1 : i32
      %add3A_126 = arith.addi %mul3A_124, %add3A_125 : i32
      %dma_start3A_127 = arith.constant 1 : i32
      %dma_start3A_128 = arith.constant 0 : i32
      %dma_start3A_129 = arith.constant 0 : i32
      %dma_start3A_130 = tpu.memref_slice %arg7[%dma_start3A_127, %dma_start3A_128, %dma_start3A_129] : memref<8x50x64xf32, #tpu.memory_space<vmem>> -> memref<1x50x64xf32, #tpu.memory_space<vmem>>
      %dma_start3A_131 = tpu.memref_squeeze %dma_start3A_130 : memref<1x50x64xf32, #tpu.memory_space<vmem>> -> memref<50x64xf32, #tpu.memory_space<vmem>>
      %dma_start3A_132 = arith.constant 0 : i32
      %dma_start3A_133 = tpu.memref_slice %arg5[%add3A_126, %dma_start3A_132] : memref<128x50xi32, #tpu.memory_space<vmem>> -> memref<1x50xi32, #tpu.memory_space<vmem>>
      %dma_start3A_134 = tpu.memref_squeeze %dma_start3A_133 : memref<1x50xi32, #tpu.memory_space<vmem>> -> memref<50xi32, #tpu.memory_space<vmem>>
      %dma_start3A_135 = arith.constant 0 : i32
      %dma_start3A_136 = arith.constant 0 : i32
      %dma_start3A_137 = tpu.memref_slice %arg3[%dma_start3A_135, %dma_start3A_136] : memref<1000x64xf32, #tpu.memory_space<hbm>> -> memref<1000x64xf32, #tpu.memory_space<hbm>>
      tpu.enqueue_indirect_dma source(%dma_start3A_137 : memref<1000x64xf32, #tpu.memory_space<hbm>>) target(%dma_start3A_131 : memref<50x64xf32, #tpu.memory_space<vmem>>) offsets(%dma_start3A_134 : memref<50xi32, #tpu.memory_space<vmem>>) semaphore(%arg9 : memref<!tpu.dma_semaphore, #tpu.memory_space<semaphore_mem>>)
      %mul3A_138 = arith.constant 8 : i32
      %mul3A_139 = arith.muli %add3A_107, %mul3A_138 : i32
      %add3A_140 = arith.constant 2 : i32
      %add3A_141 = arith.addi %mul3A_139, %add3A_140 : i32
      %dma_start3A_142 = arith.constant 2 : i32
      %dma_start3A_143 = arith.constant 0 : i32
      %dma_start3A_144 = arith.constant 0 : i32
      %dma_start3A_145 = tpu.memref_slice %arg7[%dma_start3A_142, %dma_start3A_143, %dma_start3A_144] : memref<8x50x64xf32, #tpu.memory_space<vmem>> -> memref<1x50x64xf32, #tpu.memory_space<vmem>>
      %dma_start3A_146 = tpu.memref_squeeze %dma_start3A_145 : memref<1x50x64xf32, #tpu.memory_space<vmem>> -> memref<50x64xf32, #tpu.memory_space<vmem>>
      %dma_start3A_147 = arith.constant 0 : i32
      %dma_start3A_148 = tpu.memref_slice %arg5[%add3A_141, %dma_start3A_147] : memref<128x50xi32, #tpu.memory_space<vmem>> -> memref<1x50xi32, #tpu.memory_space<vmem>>
      %dma_start3A_149 = tpu.memref_squeeze %dma_start3A_148 : memref<1x50xi32, #tpu.memory_space<vmem>> -> memref<50xi32, #tpu.memory_space<vmem>>
      %dma_start3A_150 = arith.constant 0 : i32
      %dma_start3A_151 = arith.constant 0 : i32
      %dma_start3A_152 = tpu.memref_slice %arg3[%dma_start3A_150, %dma_start3A_151] : memref<1000x64xf32, #tpu.memory_space<hbm>> -> memref<1000x64xf32, #tpu.memory_space<hbm>>
      tpu.enqueue_indirect_dma source(%dma_start3A_152 : memref<1000x64xf32, #tpu.memory_space<hbm>>) target(%dma_start3A_146 : memref<50x64xf32, #tpu.memory_space<vmem>>) offsets(%dma_start3A_149 : memref<50xi32, #tpu.memory_space<vmem>>) semaphore(%arg9 : memref<!tpu.dma_semaphore, #tpu.memory_space<semaphore_mem>>)
      %mul3A_153 = arith.constant 8 : i32
      %mul3A_154 = arith.muli %add3A_107, %mul3A_153 : i32
      %add3A_155 = arith.constant 3 : i32
      %add3A_156 = arith.addi %mul3A_154, %add3A_155 : i32
      %dma_start3A_157 = arith.constant 3 : i32
      %dma_start3A_158 = arith.constant 0 : i32
      %dma_start3A_159 = arith.constant 0 : i32
      %dma_start3A_160 = tpu.memref_slice %arg7[%dma_start3A_157, %dma_start3A_158, %dma_start3A_159] : memref<8x50x64xf32, #tpu.memory_space<vmem>> -> memref<1x50x64xf32, #tpu.memory_space<vmem>>
      %dma_start3A_161 = tpu.memref_squeeze %dma_start3A_160 : memref<1x50x64xf32, #tpu.memory_space<vmem>> -> memref<50x64xf32, #tpu.memory_space<vmem>>
      %dma_start3A_162 = arith.constant 0 : i32
      %dma_start3A_163 = tpu.memref_slice %arg5[%add3A_156, %dma_start3A_162] : memref<128x50xi32, #tpu.memory_space<vmem>> -> memref<1x50xi32, #tpu.memory_space<vmem>>
      %dma_start3A_164 = tpu.memref_squeeze %dma_start3A_163 : memref<1x50xi32, #tpu.memory_space<vmem>> -> memref<50xi32, #tpu.memory_space<vmem>>
      %dma_start3A_165 = arith.constant 0 : i32
      %dma_start3A_166 = arith.constant 0 : i32
      %dma_start3A_167 = tpu.memref_slice %arg3[%dma_start3A_165, %dma_start3A_166] : memref<1000x64xf32, #tpu.memory_space<hbm>> -> memref<1000x64xf32, #tpu.memory_space<hbm>>
      tpu.enqueue_indirect_dma source(%dma_start3A_167 : memref<1000x64xf32, #tpu.memory_space<hbm>>) target(%dma_start3A_161 : memref<50x64xf32, #tpu.memory_space<vmem>>) offsets(%dma_start3A_164 : memref<50xi32, #tpu.memory_space<vmem>>) semaphore(%arg9 : memref<!tpu.dma_semaphore, #tpu.memory_space<semaphore_mem>>)
      %mul3A_168 = arith.constant 8 : i32
      %mul3A_169 = arith.muli %add3A_107, %mul3A_168 : i32
      %add3A_170 = arith.constant 4 : i32
      %add3A_171 = arith.addi %mul3A_169, %add3A_170 : i32
      %dma_start3A_172 = arith.constant 4 : i32
      %dma_start3A_173 = arith.constant 0 : i32
      %dma_start3A_174 = arith.constant 0 : i32
      %dma_start3A_175 = tpu.memref_slice %arg7[%dma_start3A_172, %dma_start3A_173, %dma_start3A_174] : memref<8x50x64xf32, #tpu.memory_space<vmem>> -> memref<1x50x64xf32, #tpu.memory_space<vmem>>
      %dma_start3A_176 = tpu.memref_squeeze %dma_start3A_175 : memref<1x50x64xf32, #tpu.memory_space<vmem>> -> memref<50x64xf32, #tpu.memory_space<vmem>>
      %dma_start3A_177 = arith.constant 0 : i32
      %dma_start3A_178 = tpu.memref_slice %arg5[%add3A_171, %dma_start3A_177] : memref<128x50xi32, #tpu.memory_space<vmem>> -> memref<1x50xi32, #tpu.memory_space<vmem>>
      %dma_start3A_179 = tpu.memref_squeeze %dma_start3A_178 : memref<1x50xi32, #tpu.memory_space<vmem>> -> memref<50xi32, #tpu.memory_space<vmem>>
      %dma_start3A_180 = arith.constant 0 : i32
      %dma_start3A_181 = arith.constant 0 : i32
      %dma_start3A_182 = tpu.memref_slice %arg3[%dma_start3A_180, %dma_start3A_181] : memref<1000x64xf32, #tpu.memory_space<hbm>> -> memref<1000x64xf32, #tpu.memory_space<hbm>>
      tpu.enqueue_indirect_dma source(%dma_start3A_182 : memref<1000x64xf32, #tpu.memory_space<hbm>>) target(%dma_start3A_176 : memref<50x64xf32, #tpu.memory_space<vmem>>) offsets(%dma_start3A_179 : memref<50xi32, #tpu.memory_space<vmem>>) semaphore(%arg9 : memref<!tpu.dma_semaphore, #tpu.memory_space<semaphore_mem>>)
      %mul3A_183 = arith.constant 8 : i32
      %mul3A_184 = arith.muli %add3A_107, %mul3A_183 : i32
      %add3A_185 = arith.constant 5 : i32
      %add3A_186 = arith.addi %mul3A_184, %add3A_185 : i32
      %dma_start3A_187 = arith.constant 5 : i32
      %dma_start3A_188 = arith.constant 0 : i32
      %dma_start3A_189 = arith.constant 0 : i32
      %dma_start3A_190 = tpu.memref_slice %arg7[%dma_start3A_187, %dma_start3A_188, %dma_start3A_189] : memref<8x50x64xf32, #tpu.memory_space<vmem>> -> memref<1x50x64xf32, #tpu.memory_space<vmem>>
      %dma_start3A_191 = tpu.memref_squeeze %dma_start3A_190 : memref<1x50x64xf32, #tpu.memory_space<vmem>> -> memref<50x64xf32, #tpu.memory_space<vmem>>
      %dma_start3A_192 = arith.constant 0 : i32
      %dma_start3A_193 = tpu.memref_slice %arg5[%add3A_186, %dma_start3A_192] : memref<128x50xi32, #tpu.memory_space<vmem>> -> memref<1x50xi32, #tpu.memory_space<vmem>>
      %dma_start3A_194 = tpu.memref_squeeze %dma_start3A_193 : memref<1x50xi32, #tpu.memory_space<vmem>> -> memref<50xi32, #tpu.memory_space<vmem>>
      %dma_start3A_195 = arith.constant 0 : i32
      %dma_start3A_196 = arith.constant 0 : i32
      %dma_start3A_197 = tpu.memref_slice %arg3[%dma_start3A_195, %dma_start3A_196] : memref<1000x64xf32, #tpu.memory_space<hbm>> -> memref<1000x64xf32, #tpu.memory_space<hbm>>
      tpu.enqueue_indirect_dma source(%dma_start3A_197 : memref<1000x64xf32, #tpu.memory_space<hbm>>) target(%dma_start3A_191 : memref<50x64xf32, #tpu.memory_space<vmem>>) offsets(%dma_start3A_194 : memref<50xi32, #tpu.memory_space<vmem>>) semaphore(%arg9 : memref<!tpu.dma_semaphore, #tpu.memory_space<semaphore_mem>>)
      %mul3A_198 = arith.constant 8 : i32
      %mul3A_199 = arith.muli %add3A_107, %mul3A_198 : i32
      %add3A_200 = arith.constant 6 : i32
      %add3A_201 = arith.addi %mul3A_199, %add3A_200 : i32
      %dma_start3A_202 = arith.constant 6 : i32
      %dma_start3A_203 = arith.constant 0 : i32
      %dma_start3A_204 = arith.constant 0 : i32
      %dma_start3A_205 = tpu.memref_slice %arg7[%dma_start3A_202, %dma_start3A_203, %dma_start3A_204] : memref<8x50x64xf32, #tpu.memory_space<vmem>> -> memref<1x50x64xf32, #tpu.memory_space<vmem>>
      %dma_start3A_206 = tpu.memref_squeeze %dma_start3A_205 : memref<1x50x64xf32, #tpu.memory_space<vmem>> -> memref<50x64xf32, #tpu.memory_space<vmem>>
      %dma_start3A_207 = arith.constant 0 : i32
      %dma_start3A_208 = tpu.memref_slice %arg5[%add3A_201, %dma_start3A_207] : memref<128x50xi32, #tpu.memory_space<vmem>> -> memref<1x50xi32, #tpu.memory_space<vmem>>
      %dma_start3A_209 = tpu.memref_squeeze %dma_start3A_208 : memref<1x50xi32, #tpu.memory_space<vmem>> -> memref<50xi32, #tpu.memory_space<vmem>>
      %dma_start3A_210 = arith.constant 0 : i32
      %dma_start3A_211 = arith.constant 0 : i32
      %dma_start3A_212 = tpu.memref_slice %arg3[%dma_start3A_210, %dma_start3A_211] : memref<1000x64xf32, #tpu.memory_space<hbm>> -> memref<1000x64xf32, #tpu.memory_space<hbm>>
      tpu.enqueue_indirect_dma source(%dma_start3A_212 : memref<1000x64xf32, #tpu.memory_space<hbm>>) target(%dma_start3A_206 : memref<50x64xf32, #tpu.memory_space<vmem>>) offsets(%dma_start3A_209 : memref<50xi32, #tpu.memory_space<vmem>>) semaphore(%arg9 : memref<!tpu.dma_semaphore, #tpu.memory_space<semaphore_mem>>)
      %mul3A_213 = arith.constant 8 : i32
      %mul3A_214 = arith.muli %add3A_107, %mul3A_213 : i32
      %add3A_215 = arith.constant 7 : i32
      %add3A_216 = arith.addi %mul3A_214, %add3A_215 : i32
      %dma_start3A_217 = arith.constant 7 : i32
      %dma_start3A_218 = arith.constant 0 : i32
      %dma_start3A_219 = arith.constant 0 : i32
      %dma_start3A_220 = tpu.memref_slice %arg7[%dma_start3A_217, %dma_start3A_218, %dma_start3A_219] : memref<8x50x64xf32, #tpu.memory_space<vmem>> -> memref<1x50x64xf32, #tpu.memory_space<vmem>>
      %dma_start3A_221 = tpu.memref_squeeze %dma_start3A_220 : memref<1x50x64xf32, #tpu.memory_space<vmem>> -> memref<50x64xf32, #tpu.memory_space<vmem>>
      %dma_start3A_222 = arith.constant 0 : i32
      %dma_start3A_223 = tpu.memref_slice %arg5[%add3A_216, %dma_start3A_222] : memref<128x50xi32, #tpu.memory_space<vmem>> -> memref<1x50xi32, #tpu.memory_space<vmem>>
      %dma_start3A_224 = tpu.memref_squeeze %dma_start3A_223 : memref<1x50xi32, #tpu.memory_space<vmem>> -> memref<50xi32, #tpu.memory_space<vmem>>
      %dma_start3A_225 = arith.constant 0 : i32
      %dma_start3A_226 = arith.constant 0 : i32
      %dma_start3A_227 = tpu.memref_slice %arg3[%dma_start3A_225, %dma_start3A_226] : memref<1000x64xf32, #tpu.memory_space<hbm>> -> memref<1000x64xf32, #tpu.memory_space<hbm>>
      tpu.enqueue_indirect_dma source(%dma_start3A_227 : memref<1000x64xf32, #tpu.memory_space<hbm>>) target(%dma_start3A_221 : memref<50x64xf32, #tpu.memory_space<vmem>>) offsets(%dma_start3A_224 : memref<50xi32, #tpu.memory_space<vmem>>) semaphore(%arg9 : memref<!tpu.dma_semaphore, #tpu.memory_space<semaphore_mem>>)
      %mul3A_228 = arith.constant 8 : i32
      %mul3A_229 = arith.muli %mul3A_105, %mul3A_228 : i32
      %add3A_230 = arith.addi %mul3A_2, %mul3A_229 : i32
      %dma_wait3A = arith.constant 0 : i32
      %dma_wait3A_231 = arith.constant 0 : i32
      %dma_wait3A_232 = tpu.memref_slice %arg4[%add3A_230, %dma_wait3A, %dma_wait3A_231] : memref<4096x50x64xf32, #tpu.memory_space<hbm>> -> memref<8x50x64xf32, #tpu.memory_space<hbm>>
      %dma_wait3A_233 = arith.constant 0 : i32
      %dma_wait3A_234 = arith.constant 0 : i32
      %dma_wait3A_235 = tpu.memref_slice %arg4[%add3A_230, %dma_wait3A_233, %dma_wait3A_234] : memref<4096x50x64xf32, #tpu.memory_space<hbm>> -> memref<8x50x64xf32, #tpu.memory_space<hbm>>
      tpu.wait_dma2 semaphore(%arg8 : memref<!tpu.dma_semaphore, #tpu.memory_space<semaphore_mem>>) src(%dma_wait3A_235 : memref<8x50x64xf32, #tpu.memory_space<hbm>>) dst(%arg6 : memref<8x50x64xf32, #tpu.memory_space<vmem>>)
      "tpu.region"() ({
        %run_scoped3A = tpu.sem_alloc : memref<!tpu.dma_semaphore, #tpu.memory_space<semaphore_mem>>
        %dma_start3A_249 = arith.constant 0 : i32
        %dma_start3A_250 = arith.constant 0 : i32
        %dma_start3A_251 = tpu.memref_slice %arg4[%add3A_230, %dma_start3A_249, %dma_start3A_250] : memref<4096x50x64xf32, #tpu.memory_space<hbm>> -> memref<8x50x64xf32, #tpu.memory_space<hbm>>
        %dma_start3A_252 = arith.constant 0 : i32
        %dma_start3A_253 = arith.constant 0 : i32
        %dma_start3A_254 = tpu.memref_slice %arg4[%add3A_230, %dma_start3A_252, %dma_start3A_253] : memref<4096x50x64xf32, #tpu.memory_space<hbm>> -> memref<8x50x64xf32, #tpu.memory_space<hbm>>
        tpu.enqueue_dma source(%arg6 : memref<8x50x64xf32, #tpu.memory_space<vmem>>) target(%dma_start3A_254 : memref<8x50x64xf32, #tpu.memory_space<hbm>>) target_semaphore(%run_scoped3A : memref<!tpu.dma_semaphore, #tpu.memory_space<semaphore_mem>>)
        %dma_wait3A_255 = arith.constant 0 : i32
        %dma_wait3A_256 = arith.constant 0 : i32
        %dma_wait3A_257 = tpu.memref_slice %arg4[%add3A_230, %dma_wait3A_255, %dma_wait3A_256] : memref<4096x50x64xf32, #tpu.memory_space<hbm>> -> memref<8x50x64xf32, #tpu.memory_space<hbm>>
        %dma_wait3A_258 = arith.constant 0 : i32
        %dma_wait3A_259 = arith.constant 0 : i32
        %dma_wait3A_260 = tpu.memref_slice %arg4[%add3A_230, %dma_wait3A_258, %dma_wait3A_259] : memref<4096x50x64xf32, #tpu.memory_space<hbm>> -> memref<8x50x64xf32, #tpu.memory_space<hbm>>
        tpu.wait_dma2 semaphore(%run_scoped3A : memref<!tpu.dma_semaphore, #tpu.memory_space<semaphore_mem>>) src(%arg6 : memref<8x50x64xf32, #tpu.memory_space<vmem>>) dst(%dma_wait3A_260 : memref<8x50x64xf32, #tpu.memory_space<hbm>>)
        tpu.yield
      }) : () -> ()
      %lt3A = arith.constant 7 : i32
      %lt3A_236 = arith.cmpi slt, %scan3A_103, %lt3A : i32
      %convert_element_type3A = arith.extui %lt3A_236 : i1 to i32
      %cond3A = arith.constant 0 : i32
      %cond3A_237 = arith.cmpi ne, %convert_element_type3A, %cond3A : i32
      scf.if %cond3A_237 {
        %add3A_249 = arith.constant 2 : i32
        %add3A_250 = arith.addi %mul3A_105, %add3A_249 : i32
        %mul3A_251 = arith.constant 8 : i32
        %mul3A_252 = arith.muli %add3A_250, %mul3A_251 : i32
        %add3A_253 = arith.constant 0 : i32
        %add3A_254 = arith.addi %mul3A_252, %add3A_253 : i32
        %dma_start3A_255 = arith.constant 0 : i32
        %dma_start3A_256 = arith.constant 0 : i32
        %dma_start3A_257 = arith.constant 0 : i32
        %dma_start3A_258 = tpu.memref_slice %arg6[%dma_start3A_255, %dma_start3A_256, %dma_start3A_257] : memref<8x50x64xf32, #tpu.memory_space<vmem>> -> memref<1x50x64xf32, #tpu.memory_space<vmem>>
        %dma_start3A_259 = tpu.memref_squeeze %dma_start3A_258 : memref<1x50x64xf32, #tpu.memory_space<vmem>> -> memref<50x64xf32, #tpu.memory_space<vmem>>
        %dma_start3A_260 = arith.constant 0 : i32
        %dma_start3A_261 = tpu.memref_slice %arg5[%add3A_254, %dma_start3A_260] : memref<128x50xi32, #tpu.memory_space<vmem>> -> memref<1x50xi32, #tpu.memory_space<vmem>>
        %dma_start3A_262 = tpu.memref_squeeze %dma_start3A_261 : memref<1x50xi32, #tpu.memory_space<vmem>> -> memref<50xi32, #tpu.memory_space<vmem>>
        %dma_start3A_263 = arith.constant 0 : i32
        %dma_start3A_264 = arith.constant 0 : i32
        %dma_start3A_265 = tpu.memref_slice %arg3[%dma_start3A_263, %dma_start3A_264] : memref<1000x64xf32, #tpu.memory_space<hbm>> -> memref<1000x64xf32, #tpu.memory_space<hbm>>
        tpu.enqueue_indirect_dma source(%dma_start3A_265 : memref<1000x64xf32, #tpu.memory_space<hbm>>) target(%dma_start3A_259 : memref<50x64xf32, #tpu.memory_space<vmem>>) offsets(%dma_start3A_262 : memref<50xi32, #tpu.memory_space<vmem>>) semaphore(%arg8 : memref<!tpu.dma_semaphore, #tpu.memory_space<semaphore_mem>>)
        %mul3A_266 = arith.constant 8 : i32
        %mul3A_267 = arith.muli %add3A_250, %mul3A_266 : i32
        %add3A_268 = arith.constant 1 : i32
        %add3A_269 = arith.addi %mul3A_267, %add3A_268 : i32
        %dma_start3A_270 = arith.constant 1 : i32
        %dma_start3A_271 = arith.constant 0 : i32
        %dma_start3A_272 = arith.constant 0 : i32
        %dma_start3A_273 = tpu.memref_slice %arg6[%dma_start3A_270, %dma_start3A_271, %dma_start3A_272] : memref<8x50x64xf32, #tpu.memory_space<vmem>> -> memref<1x50x64xf32, #tpu.memory_space<vmem>>
        %dma_start3A_274 = tpu.memref_squeeze %dma_start3A_273 : memref<1x50x64xf32, #tpu.memory_space<vmem>> -> memref<50x64xf32, #tpu.memory_space<vmem>>
        %dma_start3A_275 = arith.constant 0 : i32
        %dma_start3A_276 = tpu.memref_slice %arg5[%add3A_269, %dma_start3A_275] : memref<128x50xi32, #tpu.memory_space<vmem>> -> memref<1x50xi32, #tpu.memory_space<vmem>>
        %dma_start3A_277 = tpu.memref_squeeze %dma_start3A_276 : memref<1x50xi32, #tpu.memory_space<vmem>> -> memref<50xi32, #tpu.memory_space<vmem>>
        %dma_start3A_278 = arith.constant 0 : i32
        %dma_start3A_279 = arith.constant 0 : i32
        %dma_start3A_280 = tpu.memref_slice %arg3[%dma_start3A_278, %dma_start3A_279] : memref<1000x64xf32, #tpu.memory_space<hbm>> -> memref<1000x64xf32, #tpu.memory_space<hbm>>
        tpu.enqueue_indirect_dma source(%dma_start3A_280 : memref<1000x64xf32, #tpu.memory_space<hbm>>) target(%dma_start3A_274 : memref<50x64xf32, #tpu.memory_space<vmem>>) offsets(%dma_start3A_277 : memref<50xi32, #tpu.memory_space<vmem>>) semaphore(%arg8 : memref<!tpu.dma_semaphore, #tpu.memory_space<semaphore_mem>>)
        %mul3A_281 = arith.constant 8 : i32
        %mul3A_282 = arith.muli %add3A_250, %mul3A_281 : i32
        %add3A_283 = arith.constant 2 : i32
        %add3A_284 = arith.addi %mul3A_282, %add3A_283 : i32
        %dma_start3A_285 = arith.constant 2 : i32
        %dma_start3A_286 = arith.constant 0 : i32
        %dma_start3A_287 = arith.constant 0 : i32
        %dma_start3A_288 = tpu.memref_slice %arg6[%dma_start3A_285, %dma_start3A_286, %dma_start3A_287] : memref<8x50x64xf32, #tpu.memory_space<vmem>> -> memref<1x50x64xf32, #tpu.memory_space<vmem>>
        %dma_start3A_289 = tpu.memref_squeeze %dma_start3A_288 : memref<1x50x64xf32, #tpu.memory_space<vmem>> -> memref<50x64xf32, #tpu.memory_space<vmem>>
        %dma_start3A_290 = arith.constant 0 : i32
        %dma_start3A_291 = tpu.memref_slice %arg5[%add3A_284, %dma_start3A_290] : memref<128x50xi32, #tpu.memory_space<vmem>> -> memref<1x50xi32, #tpu.memory_space<vmem>>
        %dma_start3A_292 = tpu.memref_squeeze %dma_start3A_291 : memref<1x50xi32, #tpu.memory_space<vmem>> -> memref<50xi32, #tpu.memory_space<vmem>>
        %dma_start3A_293 = arith.constant 0 : i32
        %dma_start3A_294 = arith.constant 0 : i32
        %dma_start3A_295 = tpu.memref_slice %arg3[%dma_start3A_293, %dma_start3A_294] : memref<1000x64xf32, #tpu.memory_space<hbm>> -> memref<1000x64xf32, #tpu.memory_space<hbm>>
        tpu.enqueue_indirect_dma source(%dma_start3A_295 : memref<1000x64xf32, #tpu.memory_space<hbm>>) target(%dma_start3A_289 : memref<50x64xf32, #tpu.memory_space<vmem>>) offsets(%dma_start3A_292 : memref<50xi32, #tpu.memory_space<vmem>>) semaphore(%arg8 : memref<!tpu.dma_semaphore, #tpu.memory_space<semaphore_mem>>)
        %mul3A_296 = arith.constant 8 : i32
        %mul3A_297 = arith.muli %add3A_250, %mul3A_296 : i32
        %add3A_298 = arith.constant 3 : i32
        %add3A_299 = arith.addi %mul3A_297, %add3A_298 : i32
        %dma_start3A_300 = arith.constant 3 : i32
        %dma_start3A_301 = arith.constant 0 : i32
        %dma_start3A_302 = arith.constant 0 : i32
        %dma_start3A_303 = tpu.memref_slice %arg6[%dma_start3A_300, %dma_start3A_301, %dma_start3A_302] : memref<8x50x64xf32, #tpu.memory_space<vmem>> -> memref<1x50x64xf32, #tpu.memory_space<vmem>>
        %dma_start3A_304 = tpu.memref_squeeze %dma_start3A_303 : memref<1x50x64xf32, #tpu.memory_space<vmem>> -> memref<50x64xf32, #tpu.memory_space<vmem>>
        %dma_start3A_305 = arith.constant 0 : i32
        %dma_start3A_306 = tpu.memref_slice %arg5[%add3A_299, %dma_start3A_305] : memref<128x50xi32, #tpu.memory_space<vmem>> -> memref<1x50xi32, #tpu.memory_space<vmem>>
        %dma_start3A_307 = tpu.memref_squeeze %dma_start3A_306 : memref<1x50xi32, #tpu.memory_space<vmem>> -> memref<50xi32, #tpu.memory_space<vmem>>
        %dma_start3A_308 = arith.constant 0 : i32
        %dma_start3A_309 = arith.constant 0 : i32
        %dma_start3A_310 = tpu.memref_slice %arg3[%dma_start3A_308, %dma_start3A_309] : memref<1000x64xf32, #tpu.memory_space<hbm>> -> memref<1000x64xf32, #tpu.memory_space<hbm>>
        tpu.enqueue_indirect_dma source(%dma_start3A_310 : memref<1000x64xf32, #tpu.memory_space<hbm>>) target(%dma_start3A_304 : memref<50x64xf32, #tpu.memory_space<vmem>>) offsets(%dma_start3A_307 : memref<50xi32, #tpu.memory_space<vmem>>) semaphore(%arg8 : memref<!tpu.dma_semaphore, #tpu.memory_space<semaphore_mem>>)
        %mul3A_311 = arith.constant 8 : i32
        %mul3A_312 = arith.muli %add3A_250, %mul3A_311 : i32
        %add3A_313 = arith.constant 4 : i32
        %add3A_314 = arith.addi %mul3A_312, %add3A_313 : i32
        %dma_start3A_315 = arith.constant 4 : i32
        %dma_start3A_316 = arith.constant 0 : i32
        %dma_start3A_317 = arith.constant 0 : i32
        %dma_start3A_318 = tpu.memref_slice %arg6[%dma_start3A_315, %dma_start3A_316, %dma_start3A_317] : memref<8x50x64xf32, #tpu.memory_space<vmem>> -> memref<1x50x64xf32, #tpu.memory_space<vmem>>
        %dma_start3A_319 = tpu.memref_squeeze %dma_start3A_318 : memref<1x50x64xf32, #tpu.memory_space<vmem>> -> memref<50x64xf32, #tpu.memory_space<vmem>>
        %dma_start3A_320 = arith.constant 0 : i32
        %dma_start3A_321 = tpu.memref_slice %arg5[%add3A_314, %dma_start3A_320] : memref<128x50xi32, #tpu.memory_space<vmem>> -> memref<1x50xi32, #tpu.memory_space<vmem>>
        %dma_start3A_322 = tpu.memref_squeeze %dma_start3A_321 : memref<1x50xi32, #tpu.memory_space<vmem>> -> memref<50xi32, #tpu.memory_space<vmem>>
        %dma_start3A_323 = arith.constant 0 : i32
        %dma_start3A_324 = arith.constant 0 : i32
        %dma_start3A_325 = tpu.memref_slice %arg3[%dma_start3A_323, %dma_start3A_324] : memref<1000x64xf32, #tpu.memory_space<hbm>> -> memref<1000x64xf32, #tpu.memory_space<hbm>>
        tpu.enqueue_indirect_dma source(%dma_start3A_325 : memref<1000x64xf32, #tpu.memory_space<hbm>>) target(%dma_start3A_319 : memref<50x64xf32, #tpu.memory_space<vmem>>) offsets(%dma_start3A_322 : memref<50xi32, #tpu.memory_space<vmem>>) semaphore(%arg8 : memref<!tpu.dma_semaphore, #tpu.memory_space<semaphore_mem>>)
        %mul3A_326 = arith.constant 8 : i32
        %mul3A_327 = arith.muli %add3A_250, %mul3A_326 : i32
        %add3A_328 = arith.constant 5 : i32
        %add3A_329 = arith.addi %mul3A_327, %add3A_328 : i32
        %dma_start3A_330 = arith.constant 5 : i32
        %dma_start3A_331 = arith.constant 0 : i32
        %dma_start3A_332 = arith.constant 0 : i32
        %dma_start3A_333 = tpu.memref_slice %arg6[%dma_start3A_330, %dma_start3A_331, %dma_start3A_332] : memref<8x50x64xf32, #tpu.memory_space<vmem>> -> memref<1x50x64xf32, #tpu.memory_space<vmem>>
        %dma_start3A_334 = tpu.memref_squeeze %dma_start3A_333 : memref<1x50x64xf32, #tpu.memory_space<vmem>> -> memref<50x64xf32, #tpu.memory_space<vmem>>
        %dma_start3A_335 = arith.constant 0 : i32
        %dma_start3A_336 = tpu.memref_slice %arg5[%add3A_329, %dma_start3A_335] : memref<128x50xi32, #tpu.memory_space<vmem>> -> memref<1x50xi32, #tpu.memory_space<vmem>>
        %dma_start3A_337 = tpu.memref_squeeze %dma_start3A_336 : memref<1x50xi32, #tpu.memory_space<vmem>> -> memref<50xi32, #tpu.memory_space<vmem>>
        %dma_start3A_338 = arith.constant 0 : i32
        %dma_start3A_339 = arith.constant 0 : i32
        %dma_start3A_340 = tpu.memref_slice %arg3[%dma_start3A_338, %dma_start3A_339] : memref<1000x64xf32, #tpu.memory_space<hbm>> -> memref<1000x64xf32, #tpu.memory_space<hbm>>
        tpu.enqueue_indirect_dma source(%dma_start3A_340 : memref<1000x64xf32, #tpu.memory_space<hbm>>) target(%dma_start3A_334 : memref<50x64xf32, #tpu.memory_space<vmem>>) offsets(%dma_start3A_337 : memref<50xi32, #tpu.memory_space<vmem>>) semaphore(%arg8 : memref<!tpu.dma_semaphore, #tpu.memory_space<semaphore_mem>>)
        %mul3A_341 = arith.constant 8 : i32
        %mul3A_342 = arith.muli %add3A_250, %mul3A_341 : i32
        %add3A_343 = arith.constant 6 : i32
        %add3A_344 = arith.addi %mul3A_342, %add3A_343 : i32
        %dma_start3A_345 = arith.constant 6 : i32
        %dma_start3A_346 = arith.constant 0 : i32
        %dma_start3A_347 = arith.constant 0 : i32
        %dma_start3A_348 = tpu.memref_slice %arg6[%dma_start3A_345, %dma_start3A_346, %dma_start3A_347] : memref<8x50x64xf32, #tpu.memory_space<vmem>> -> memref<1x50x64xf32, #tpu.memory_space<vmem>>
        %dma_start3A_349 = tpu.memref_squeeze %dma_start3A_348 : memref<1x50x64xf32, #tpu.memory_space<vmem>> -> memref<50x64xf32, #tpu.memory_space<vmem>>
        %dma_start3A_350 = arith.constant 0 : i32
        %dma_start3A_351 = tpu.memref_slice %arg5[%add3A_344, %dma_start3A_350] : memref<128x50xi32, #tpu.memory_space<vmem>> -> memref<1x50xi32, #tpu.memory_space<vmem>>
        %dma_start3A_352 = tpu.memref_squeeze %dma_start3A_351 : memref<1x50xi32, #tpu.memory_space<vmem>> -> memref<50xi32, #tpu.memory_space<vmem>>
        %dma_start3A_353 = arith.constant 0 : i32
        %dma_start3A_354 = arith.constant 0 : i32
        %dma_start3A_355 = tpu.memref_slice %arg3[%dma_start3A_353, %dma_start3A_354] : memref<1000x64xf32, #tpu.memory_space<hbm>> -> memref<1000x64xf32, #tpu.memory_space<hbm>>
        tpu.enqueue_indirect_dma source(%dma_start3A_355 : memref<1000x64xf32, #tpu.memory_space<hbm>>) target(%dma_start3A_349 : memref<50x64xf32, #tpu.memory_space<vmem>>) offsets(%dma_start3A_352 : memref<50xi32, #tpu.memory_space<vmem>>) semaphore(%arg8 : memref<!tpu.dma_semaphore, #tpu.memory_space<semaphore_mem>>)
        %mul3A_356 = arith.constant 8 : i32
        %mul3A_357 = arith.muli %add3A_250, %mul3A_356 : i32
        %add3A_358 = arith.constant 7 : i32
        %add3A_359 = arith.addi %mul3A_357, %add3A_358 : i32
        %dma_start3A_360 = arith.constant 7 : i32
        %dma_start3A_361 = arith.constant 0 : i32
        %dma_start3A_362 = arith.constant 0 : i32
        %dma_start3A_363 = tpu.memref_slice %arg6[%dma_start3A_360, %dma_start3A_361, %dma_start3A_362] : memref<8x50x64xf32, #tpu.memory_space<vmem>> -> memref<1x50x64xf32, #tpu.memory_space<vmem>>
        %dma_start3A_364 = tpu.memref_squeeze %dma_start3A_363 : memref<1x50x64xf32, #tpu.memory_space<vmem>> -> memref<50x64xf32, #tpu.memory_space<vmem>>
        %dma_start3A_365 = arith.constant 0 : i32
        %dma_start3A_366 = tpu.memref_slice %arg5[%add3A_359, %dma_start3A_365] : memref<128x50xi32, #tpu.memory_space<vmem>> -> memref<1x50xi32, #tpu.memory_space<vmem>>
        %dma_start3A_367 = tpu.memref_squeeze %dma_start3A_366 : memref<1x50xi32, #tpu.memory_space<vmem>> -> memref<50xi32, #tpu.memory_space<vmem>>
        %dma_start3A_368 = arith.constant 0 : i32
        %dma_start3A_369 = arith.constant 0 : i32
        %dma_start3A_370 = tpu.memref_slice %arg3[%dma_start3A_368, %dma_start3A_369] : memref<1000x64xf32, #tpu.memory_space<hbm>> -> memref<1000x64xf32, #tpu.memory_space<hbm>>
        tpu.enqueue_indirect_dma source(%dma_start3A_370 : memref<1000x64xf32, #tpu.memory_space<hbm>>) target(%dma_start3A_364 : memref<50x64xf32, #tpu.memory_space<vmem>>) offsets(%dma_start3A_367 : memref<50xi32, #tpu.memory_space<vmem>>) semaphore(%arg8 : memref<!tpu.dma_semaphore, #tpu.memory_space<semaphore_mem>>)
      } else {
      }
      %add3A_238 = arith.constant 1 : i32
      %add3A_239 = arith.addi %mul3A_105, %add3A_238 : i32
      %mul3A_240 = arith.constant 8 : i32
      %mul3A_241 = arith.muli %add3A_239, %mul3A_240 : i32
      %add3A_242 = arith.addi %mul3A_2, %mul3A_241 : i32
      %dma_wait3A_243 = arith.constant 0 : i32
      %dma_wait3A_244 = arith.constant 0 : i32
      %dma_wait3A_245 = tpu.memref_slice %arg4[%add3A_242, %dma_wait3A_243, %dma_wait3A_244] : memref<4096x50x64xf32, #tpu.memory_space<hbm>> -> memref<8x50x64xf32, #tpu.memory_space<hbm>>
      %dma_wait3A_246 = arith.constant 0 : i32
      %dma_wait3A_247 = arith.constant 0 : i32
      %dma_wait3A_248 = tpu.memref_slice %arg4[%add3A_242, %dma_wait3A_246, %dma_wait3A_247] : memref<4096x50x64xf32, #tpu.memory_space<hbm>> -> memref<8x50x64xf32, #tpu.memory_space<hbm>>
      tpu.wait_dma2 semaphore(%arg9 : memref<!tpu.dma_semaphore, #tpu.memory_space<semaphore_mem>>) src(%dma_wait3A_248 : memref<8x50x64xf32, #tpu.memory_space<hbm>>) dst(%arg7 : memref<8x50x64xf32, #tpu.memory_space<vmem>>)
      "tpu.region"() ({
        %run_scoped3A = tpu.sem_alloc : memref<!tpu.dma_semaphore, #tpu.memory_space<semaphore_mem>>
        %dma_start3A_249 = arith.constant 0 : i32
        %dma_start3A_250 = arith.constant 0 : i32
        %dma_start3A_251 = tpu.memref_slice %arg4[%add3A_242, %dma_start3A_249, %dma_start3A_250] : memref<4096x50x64xf32, #tpu.memory_space<hbm>> -> memref<8x50x64xf32, #tpu.memory_space<hbm>>
        %dma_start3A_252 = arith.constant 0 : i32
        %dma_start3A_253 = arith.constant 0 : i32
        %dma_start3A_254 = tpu.memref_slice %arg4[%add3A_242, %dma_start3A_252, %dma_start3A_253] : memref<4096x50x64xf32, #tpu.memory_space<hbm>> -> memref<8x50x64xf32, #tpu.memory_space<hbm>>
        tpu.enqueue_dma source(%arg7 : memref<8x50x64xf32, #tpu.memory_space<vmem>>) target(%dma_start3A_254 : memref<8x50x64xf32, #tpu.memory_space<hbm>>) target_semaphore(%run_scoped3A : memref<!tpu.dma_semaphore, #tpu.memory_space<semaphore_mem>>)
        %dma_wait3A_255 = arith.constant 0 : i32
        %dma_wait3A_256 = arith.constant 0 : i32
        %dma_wait3A_257 = tpu.memref_slice %arg4[%add3A_242, %dma_wait3A_255, %dma_wait3A_256] : memref<4096x50x64xf32, #tpu.memory_space<hbm>> -> memref<8x50x64xf32, #tpu.memory_space<hbm>>
        %dma_wait3A_258 = arith.constant 0 : i32
        %dma_wait3A_259 = arith.constant 0 : i32
        %dma_wait3A_260 = tpu.memref_slice %arg4[%add3A_242, %dma_wait3A_258, %dma_wait3A_259] : memref<4096x50x64xf32, #tpu.memory_space<hbm>> -> memref<8x50x64xf32, #tpu.memory_space<hbm>>
        tpu.wait_dma2 semaphore(%run_scoped3A : memref<!tpu.dma_semaphore, #tpu.memory_space<semaphore_mem>>) src(%arg7 : memref<8x50x64xf32, #tpu.memory_space<vmem>>) dst(%dma_wait3A_260 : memref<8x50x64xf32, #tpu.memory_space<hbm>>)
        tpu.yield
      }) : () -> ()
    }
    %scan3A_102 = arith.constant 8 : i32
    return
  }
}

#map = affine_map<(d0, d1) -> (0, 0, 0)>
#map1 = affine_map<(d0, d1) -> (0, 0)>
module attributes {stable_mosaic.version = 14 : i64} {
  func.func @k(%arg0: i32, %arg1: i32, %arg2: memref<32x128x50xi32, #tpu.memory_space<hbm>>, %arg3: memref<1000x64xf32, #tpu.memory_space<hbm>>, %arg4: memref<4096x50x64xf32, #tpu.memory_space<hbm>>, %arg5: memref<128x50xi32, #tpu.memory_space<vmem>>, %arg6: memref<8x50x64xf32, #tpu.memory_space<vmem>>, %arg7: memref<8x50x64xf32, #tpu.memory_space<vmem>>, %arg8: memref<!tpu.dma_semaphore, #tpu.memory_space<semaphore_mem>>, %arg9: memref<!tpu.dma_semaphore, #tpu.memory_space<semaphore_mem>>) attributes {dimension_semantics = [#tpu.dimension_semantics<core_parallel>, #tpu.dimension_semantics<subcore_parallel>], iteration_bounds = array<i64: 2, 16>, scalar_prefetch = 0 : i64, scratch_operands = 5 : i64, tpu.core_type = #tpu.core_type<sc_vector_subcore>, window_params = [{transform_indices = #map}, {transform_indices = #map1}, {transform_indices = #map}]} {
    %mul3A = arith.constant 2 : i32
    %mul3A_0 = arith.muli %arg1, %mul3A : i32
    %add3A = arith.addi %mul3A_0, %arg0 : i32
    %mul3A_1 = arith.constant 128 : i32
    %mul3A_2 = arith.muli %add3A, %mul3A_1 : i32
    "tpu.region"() ({
      %run_scoped3A = tpu.sem_alloc : memref<!tpu.dma_semaphore, #tpu.memory_space<semaphore_mem>>
      %dma_start3A_103 = arith.constant 0 : i32
      %dma_start3A_104 = arith.constant 0 : i32
      %dma_start3A_105 = tpu.memref_slice %arg2[%add3A, %dma_start3A_103, %dma_start3A_104] : memref<32x128x50xi32, #tpu.memory_space<hbm>> -> memref<1x128x50xi32, #tpu.memory_space<hbm>>
      %dma_start3A_106 = tpu.memref_squeeze %dma_start3A_105 : memref<1x128x50xi32, #tpu.memory_space<hbm>> -> memref<128x50xi32, #tpu.memory_space<hbm>>
      %dma_start3A_107 = arith.constant 0 : i32
      %dma_start3A_108 = arith.constant 0 : i32
      %dma_start3A_109 = tpu.memref_slice %arg2[%add3A, %dma_start3A_107, %dma_start3A_108] : memref<32x128x50xi32, #tpu.memory_space<hbm>> -> memref<1x128x50xi32, #tpu.memory_space<hbm>>
      %dma_start3A_110 = tpu.memref_squeeze %dma_start3A_109 : memref<1x128x50xi32, #tpu.memory_space<hbm>> -> memref<128x50xi32, #tpu.memory_space<hbm>>
      tpu.enqueue_dma source(%dma_start3A_110 : memref<128x50xi32, #tpu.memory_space<hbm>>) target(%arg5 : memref<128x50xi32, #tpu.memory_space<vmem>>) target_semaphore(%run_scoped3A : memref<!tpu.dma_semaphore, #tpu.memory_space<semaphore_mem>>)
      %dma_wait3A = arith.constant 0 : i32
      %dma_wait3A_111 = arith.constant 0 : i32
      %dma_wait3A_112 = tpu.memref_slice %arg2[%add3A, %dma_wait3A, %dma_wait3A_111] : memref<32x128x50xi32, #tpu.memory_space<hbm>> -> memref<1x128x50xi32, #tpu.memory_space<hbm>>
      %dma_wait3A_113 = tpu.memref_squeeze %dma_wait3A_112 : memref<1x128x50xi32, #tpu.memory_space<hbm>> -> memref<128x50xi32, #tpu.memory_space<hbm>>
      %dma_wait3A_114 = arith.constant 0 : i32
      %dma_wait3A_115 = arith.constant 0 : i32
      %dma_wait3A_116 = tpu.memref_slice %arg2[%add3A, %dma_wait3A_114, %dma_wait3A_115] : memref<32x128x50xi32, #tpu.memory_space<hbm>> -> memref<1x128x50xi32, #tpu.memory_space<hbm>>
      %dma_wait3A_117 = tpu.memref_squeeze %dma_wait3A_116 : memref<1x128x50xi32, #tpu.memory_space<hbm>> -> memref<128x50xi32, #tpu.memory_space<hbm>>
      tpu.wait_dma2 semaphore(%run_scoped3A : memref<!tpu.dma_semaphore, #tpu.memory_space<semaphore_mem>>) src(%dma_wait3A_117 : memref<128x50xi32, #tpu.memory_space<hbm>>) dst(%arg5 : memref<128x50xi32, #tpu.memory_space<vmem>>)
      tpu.yield
    }) : () -> ()
    %dma_start3A = arith.constant 0 : i32
    %dma_start3A_3 = arith.constant 0 : i32
    %dma_start3A_4 = arith.constant 0 : i32
    %dma_start3A_5 = arith.constant 0 : i32
    %dma_start3A_6 = tpu.memref_slice %arg6[%dma_start3A_3, %dma_start3A_4, %dma_start3A_5] : memref<8x50x64xf32, #tpu.memory_space<vmem>> -> memref<1x50x64xf32, #tpu.memory_space<vmem>>
    %dma_start3A_7 = tpu.memref_squeeze %dma_start3A_6 : memref<1x50x64xf32, #tpu.memory_space<vmem>> -> memref<50x64xf32, #tpu.memory_space<vmem>>
    %dma_start3A_8 = arith.constant 0 : i32
    %dma_start3A_9 = tpu.memref_slice %arg5[%dma_start3A, %dma_start3A_8] : memref<128x50xi32, #tpu.memory_space<vmem>> -> memref<1x50xi32, #tpu.memory_space<vmem>>
    %dma_start3A_10 = tpu.memref_squeeze %dma_start3A_9 : memref<1x50xi32, #tpu.memory_space<vmem>> -> memref<50xi32, #tpu.memory_space<vmem>>
    %dma_start3A_11 = arith.constant 0 : i32
    %dma_start3A_12 = arith.constant 0 : i32
    %dma_start3A_13 = tpu.memref_slice %arg3[%dma_start3A_11, %dma_start3A_12] : memref<1000x64xf32, #tpu.memory_space<hbm>> -> memref<1000x64xf32, #tpu.memory_space<hbm>>
    tpu.enqueue_indirect_dma source(%dma_start3A_13 : memref<1000x64xf32, #tpu.memory_space<hbm>>) target(%dma_start3A_7 : memref<50x64xf32, #tpu.memory_space<vmem>>) offsets(%dma_start3A_10 : memref<50xi32, #tpu.memory_space<vmem>>) semaphore(%arg8 : memref<!tpu.dma_semaphore, #tpu.memory_space<semaphore_mem>>)
    %dma_start3A_14 = arith.constant 1 : i32
    %dma_start3A_15 = arith.constant 1 : i32
    %dma_start3A_16 = arith.constant 0 : i32
    %dma_start3A_17 = arith.constant 0 : i32
    %dma_start3A_18 = tpu.memref_slice %arg6[%dma_start3A_15, %dma_start3A_16, %dma_start3A_17] : memref<8x50x64xf32, #tpu.memory_space<vmem>> -> memref<1x50x64xf32, #tpu.memory_space<vmem>>
    %dma_start3A_19 = tpu.memref_squeeze %dma_start3A_18 : memref<1x50x64xf32, #tpu.memory_space<vmem>> -> memref<50x64xf32, #tpu.memory_space<vmem>>
    %dma_start3A_20 = arith.constant 0 : i32
    %dma_start3A_21 = tpu.memref_slice %arg5[%dma_start3A_14, %dma_start3A_20] : memref<128x50xi32, #tpu.memory_space<vmem>> -> memref<1x50xi32, #tpu.memory_space<vmem>>
    %dma_start3A_22 = tpu.memref_squeeze %dma_start3A_21 : memref<1x50xi32, #tpu.memory_space<vmem>> -> memref<50xi32, #tpu.memory_space<vmem>>
    %dma_start3A_23 = arith.constant 0 : i32
    %dma_start3A_24 = arith.constant 0 : i32
    %dma_start3A_25 = tpu.memref_slice %arg3[%dma_start3A_23, %dma_start3A_24] : memref<1000x64xf32, #tpu.memory_space<hbm>> -> memref<1000x64xf32, #tpu.memory_space<hbm>>
    tpu.enqueue_indirect_dma source(%dma_start3A_25 : memref<1000x64xf32, #tpu.memory_space<hbm>>) target(%dma_start3A_19 : memref<50x64xf32, #tpu.memory_space<vmem>>) offsets(%dma_start3A_22 : memref<50xi32, #tpu.memory_space<vmem>>) semaphore(%arg8 : memref<!tpu.dma_semaphore, #tpu.memory_space<semaphore_mem>>)
    %dma_start3A_26 = arith.constant 2 : i32
    %dma_start3A_27 = arith.constant 2 : i32
    %dma_start3A_28 = arith.constant 0 : i32
    %dma_start3A_29 = arith.constant 0 : i32
    %dma_start3A_30 = tpu.memref_slice %arg6[%dma_start3A_27, %dma_start3A_28, %dma_start3A_29] : memref<8x50x64xf32, #tpu.memory_space<vmem>> -> memref<1x50x64xf32, #tpu.memory_space<vmem>>
    %dma_start3A_31 = tpu.memref_squeeze %dma_start3A_30 : memref<1x50x64xf32, #tpu.memory_space<vmem>> -> memref<50x64xf32, #tpu.memory_space<vmem>>
    %dma_start3A_32 = arith.constant 0 : i32
    %dma_start3A_33 = tpu.memref_slice %arg5[%dma_start3A_26, %dma_start3A_32] : memref<128x50xi32, #tpu.memory_space<vmem>> -> memref<1x50xi32, #tpu.memory_space<vmem>>
    %dma_start3A_34 = tpu.memref_squeeze %dma_start3A_33 : memref<1x50xi32, #tpu.memory_space<vmem>> -> memref<50xi32, #tpu.memory_space<vmem>>
    %dma_start3A_35 = arith.constant 0 : i32
    %dma_start3A_36 = arith.constant 0 : i32
    %dma_start3A_37 = tpu.memref_slice %arg3[%dma_start3A_35, %dma_start3A_36] : memref<1000x64xf32, #tpu.memory_space<hbm>> -> memref<1000x64xf32, #tpu.memory_space<hbm>>
    tpu.enqueue_indirect_dma source(%dma_start3A_37 : memref<1000x64xf32, #tpu.memory_space<hbm>>) target(%dma_start3A_31 : memref<50x64xf32, #tpu.memory_space<vmem>>) offsets(%dma_start3A_34 : memref<50xi32, #tpu.memory_space<vmem>>) semaphore(%arg8 : memref<!tpu.dma_semaphore, #tpu.memory_space<semaphore_mem>>)
    %dma_start3A_38 = arith.constant 3 : i32
    %dma_start3A_39 = arith.constant 3 : i32
    %dma_start3A_40 = arith.constant 0 : i32
    %dma_start3A_41 = arith.constant 0 : i32
    %dma_start3A_42 = tpu.memref_slice %arg6[%dma_start3A_39, %dma_start3A_40, %dma_start3A_41] : memref<8x50x64xf32, #tpu.memory_space<vmem>> -> memref<1x50x64xf32, #tpu.memory_space<vmem>>
    %dma_start3A_43 = tpu.memref_squeeze %dma_start3A_42 : memref<1x50x64xf32, #tpu.memory_space<vmem>> -> memref<50x64xf32, #tpu.memory_space<vmem>>
    %dma_start3A_44 = arith.constant 0 : i32
    %dma_start3A_45 = tpu.memref_slice %arg5[%dma_start3A_38, %dma_start3A_44] : memref<128x50xi32, #tpu.memory_space<vmem>> -> memref<1x50xi32, #tpu.memory_space<vmem>>
    %dma_start3A_46 = tpu.memref_squeeze %dma_start3A_45 : memref<1x50xi32, #tpu.memory_space<vmem>> -> memref<50xi32, #tpu.memory_space<vmem>>
    %dma_start3A_47 = arith.constant 0 : i32
    %dma_start3A_48 = arith.constant 0 : i32
    %dma_start3A_49 = tpu.memref_slice %arg3[%dma_start3A_47, %dma_start3A_48] : memref<1000x64xf32, #tpu.memory_space<hbm>> -> memref<1000x64xf32, #tpu.memory_space<hbm>>
    tpu.enqueue_indirect_dma source(%dma_start3A_49 : memref<1000x64xf32, #tpu.memory_space<hbm>>) target(%dma_start3A_43 : memref<50x64xf32, #tpu.memory_space<vmem>>) offsets(%dma_start3A_46 : memref<50xi32, #tpu.memory_space<vmem>>) semaphore(%arg8 : memref<!tpu.dma_semaphore, #tpu.memory_space<semaphore_mem>>)
    %dma_start3A_50 = arith.constant 4 : i32
    %dma_start3A_51 = arith.constant 4 : i32
    %dma_start3A_52 = arith.constant 0 : i32
    %dma_start3A_53 = arith.constant 0 : i32
    %dma_start3A_54 = tpu.memref_slice %arg6[%dma_start3A_51, %dma_start3A_52, %dma_start3A_53] : memref<8x50x64xf32, #tpu.memory_space<vmem>> -> memref<1x50x64xf32, #tpu.memory_space<vmem>>
    %dma_start3A_55 = tpu.memref_squeeze %dma_start3A_54 : memref<1x50x64xf32, #tpu.memory_space<vmem>> -> memref<50x64xf32, #tpu.memory_space<vmem>>
    %dma_start3A_56 = arith.constant 0 : i32
    %dma_start3A_57 = tpu.memref_slice %arg5[%dma_start3A_50, %dma_start3A_56] : memref<128x50xi32, #tpu.memory_space<vmem>> -> memref<1x50xi32, #tpu.memory_space<vmem>>
    %dma_start3A_58 = tpu.memref_squeeze %dma_start3A_57 : memref<1x50xi32, #tpu.memory_space<vmem>> -> memref<50xi32, #tpu.memory_space<vmem>>
    %dma_start3A_59 = arith.constant 0 : i32
    %dma_start3A_60 = arith.constant 0 : i32
    %dma_start3A_61 = tpu.memref_slice %arg3[%dma_start3A_59, %dma_start3A_60] : memref<1000x64xf32, #tpu.memory_space<hbm>> -> memref<1000x64xf32, #tpu.memory_space<hbm>>
    tpu.enqueue_indirect_dma source(%dma_start3A_61 : memref<1000x64xf32, #tpu.memory_space<hbm>>) target(%dma_start3A_55 : memref<50x64xf32, #tpu.memory_space<vmem>>) offsets(%dma_start3A_58 : memref<50xi32, #tpu.memory_space<vmem>>) semaphore(%arg8 : memref<!tpu.dma_semaphore, #tpu.memory_space<semaphore_mem>>)
    %dma_start3A_62 = arith.constant 5 : i32
    %dma_start3A_63 = arith.constant 5 : i32
    %dma_start3A_64 = arith.constant 0 : i32
    %dma_start3A_65 = arith.constant 0 : i32
    %dma_start3A_66 = tpu.memref_slice %arg6[%dma_start3A_63, %dma_start3A_64, %dma_start3A_65] : memref<8x50x64xf32, #tpu.memory_space<vmem>> -> memref<1x50x64xf32, #tpu.memory_space<vmem>>
    %dma_start3A_67 = tpu.memref_squeeze %dma_start3A_66 : memref<1x50x64xf32, #tpu.memory_space<vmem>> -> memref<50x64xf32, #tpu.memory_space<vmem>>
    %dma_start3A_68 = arith.constant 0 : i32
    %dma_start3A_69 = tpu.memref_slice %arg5[%dma_start3A_62, %dma_start3A_68] : memref<128x50xi32, #tpu.memory_space<vmem>> -> memref<1x50xi32, #tpu.memory_space<vmem>>
    %dma_start3A_70 = tpu.memref_squeeze %dma_start3A_69 : memref<1x50xi32, #tpu.memory_space<vmem>> -> memref<50xi32, #tpu.memory_space<vmem>>
    %dma_start3A_71 = arith.constant 0 : i32
    %dma_start3A_72 = arith.constant 0 : i32
    %dma_start3A_73 = tpu.memref_slice %arg3[%dma_start3A_71, %dma_start3A_72] : memref<1000x64xf32, #tpu.memory_space<hbm>> -> memref<1000x64xf32, #tpu.memory_space<hbm>>
    tpu.enqueue_indirect_dma source(%dma_start3A_73 : memref<1000x64xf32, #tpu.memory_space<hbm>>) target(%dma_start3A_67 : memref<50x64xf32, #tpu.memory_space<vmem>>) offsets(%dma_start3A_70 : memref<50xi32, #tpu.memory_space<vmem>>) semaphore(%arg8 : memref<!tpu.dma_semaphore, #tpu.memory_space<semaphore_mem>>)
    %dma_start3A_74 = arith.constant 6 : i32
    %dma_start3A_75 = arith.constant 6 : i32
    %dma_start3A_76 = arith.constant 0 : i32
    %dma_start3A_77 = arith.constant 0 : i32
    %dma_start3A_78 = tpu.memref_slice %arg6[%dma_start3A_75, %dma_start3A_76, %dma_start3A_77] : memref<8x50x64xf32, #tpu.memory_space<vmem>> -> memref<1x50x64xf32, #tpu.memory_space<vmem>>
    %dma_start3A_79 = tpu.memref_squeeze %dma_start3A_78 : memref<1x50x64xf32, #tpu.memory_space<vmem>> -> memref<50x64xf32, #tpu.memory_space<vmem>>
    %dma_start3A_80 = arith.constant 0 : i32
    %dma_start3A_81 = tpu.memref_slice %arg5[%dma_start3A_74, %dma_start3A_80] : memref<128x50xi32, #tpu.memory_space<vmem>> -> memref<1x50xi32, #tpu.memory_space<vmem>>
    %dma_start3A_82 = tpu.memref_squeeze %dma_start3A_81 : memref<1x50xi32, #tpu.memory_space<vmem>> -> memref<50xi32, #tpu.memory_space<vmem>>
    %dma_start3A_83 = arith.constant 0 : i32
    %dma_start3A_84 = arith.constant 0 : i32
    %dma_start3A_85 = tpu.memref_slice %arg3[%dma_start3A_83, %dma_start3A_84] : memref<1000x64xf32, #tpu.memory_space<hbm>> -> memref<1000x64xf32, #tpu.memory_space<hbm>>
    tpu.enqueue_indirect_dma source(%dma_start3A_85 : memref<1000x64xf32, #tpu.memory_space<hbm>>) target(%dma_start3A_79 : memref<50x64xf32, #tpu.memory_space<vmem>>) offsets(%dma_start3A_82 : memref<50xi32, #tpu.memory_space<vmem>>) semaphore(%arg8 : memref<!tpu.dma_semaphore, #tpu.memory_space<semaphore_mem>>)
    %dma_start3A_86 = arith.constant 7 : i32
    %dma_start3A_87 = arith.constant 7 : i32
    %dma_start3A_88 = arith.constant 0 : i32
    %dma_start3A_89 = arith.constant 0 : i32
    %dma_start3A_90 = tpu.memref_slice %arg6[%dma_start3A_87, %dma_start3A_88, %dma_start3A_89] : memref<8x50x64xf32, #tpu.memory_space<vmem>> -> memref<1x50x64xf32, #tpu.memory_space<vmem>>
    %dma_start3A_91 = tpu.memref_squeeze %dma_start3A_90 : memref<1x50x64xf32, #tpu.memory_space<vmem>> -> memref<50x64xf32, #tpu.memory_space<vmem>>
    %dma_start3A_92 = arith.constant 0 : i32
    %dma_start3A_93 = tpu.memref_slice %arg5[%dma_start3A_86, %dma_start3A_92] : memref<128x50xi32, #tpu.memory_space<vmem>> -> memref<1x50xi32, #tpu.memory_space<vmem>>
    %dma_start3A_94 = tpu.memref_squeeze %dma_start3A_93 : memref<1x50xi32, #tpu.memory_space<vmem>> -> memref<50xi32, #tpu.memory_space<vmem>>
    %dma_start3A_95 = arith.constant 0 : i32
    %dma_start3A_96 = arith.constant 0 : i32
    %dma_start3A_97 = tpu.memref_slice %arg3[%dma_start3A_95, %dma_start3A_96] : memref<1000x64xf32, #tpu.memory_space<hbm>> -> memref<1000x64xf32, #tpu.memory_space<hbm>>
    tpu.enqueue_indirect_dma source(%dma_start3A_97 : memref<1000x64xf32, #tpu.memory_space<hbm>>) target(%dma_start3A_91 : memref<50x64xf32, #tpu.memory_space<vmem>>) offsets(%dma_start3A_94 : memref<50xi32, #tpu.memory_space<vmem>>) semaphore(%arg8 : memref<!tpu.dma_semaphore, #tpu.memory_space<semaphore_mem>>)
    %scan3A = arith.constant 0 : i32
    %scan3A_98 = arith.constant 0 : i32
    %scan3A_99 = arith.constant 8 : i32
    %scan3A_100 = arith.addi %scan3A_98, %scan3A_99 : i32
    %scan3A_101 = arith.constant 1 : i32
    scf.for %scan3A_103 = %scan3A_98 to %scan3A_100 step %scan3A_101  : i32 {
      %mul3A_104 = arith.constant 2 : i32
      %mul3A_105 = arith.muli %mul3A_104, %scan3A_103 : i32
      %add3A_106 = arith.constant 1 : i32
      %add3A_107 = arith.addi %mul3A_105, %add3A_106 : i32
      %mul3A_108 = arith.constant 8 : i32
      %mul3A_109 = arith.muli %add3A_107, %mul3A_108 : i32
      %add3A_110 = arith.constant 0 : i32
      %add3A_111 = arith.addi %mul3A_109, %add3A_110 : i32
      %dma_start3A_112 = arith.constant 0 : i32
      %dma_start3A_113 = arith.constant 0 : i32
      %dma_start3A_114 = arith.constant 0 : i32
      %dma_start3A_115 = tpu.memref_slice %arg7[%dma_start3A_112, %dma_start3A_113, %dma_start3A_114] : memref<8x50x64xf32, #tpu.memory_space<vmem>> -> memref<1x50x64xf32, #tpu.memory_space<vmem>>
      %dma_start3A_116 = tpu.memref_squeeze %dma_start3A_115 : memref<1x50x64xf32, #tpu.memory_space<vmem>> -> memref<50x64xf32, #tpu.memory_space<vmem>>
      %dma_start3A_117 = arith.constant 0 : i32
      %dma_start3A_118 = tpu.memref_slice %arg5[%add3A_111, %dma_start3A_117] : memref<128x50xi32, #tpu.memory_space<vmem>> -> memref<1x50xi32, #tpu.memory_space<vmem>>
      %dma_start3A_119 = tpu.memref_squeeze %dma_start3A_118 : memref<1x50xi32, #tpu.memory_space<vmem>> -> memref<50xi32, #tpu.memory_space<vmem>>
      %dma_start3A_120 = arith.constant 0 : i32
      %dma_start3A_121 = arith.constant 0 : i32
      %dma_start3A_122 = tpu.memref_slice %arg3[%dma_start3A_120, %dma_start3A_121] : memref<1000x64xf32, #tpu.memory_space<hbm>> -> memref<1000x64xf32, #tpu.memory_space<hbm>>
      tpu.enqueue_indirect_dma source(%dma_start3A_122 : memref<1000x64xf32, #tpu.memory_space<hbm>>) target(%dma_start3A_116 : memref<50x64xf32, #tpu.memory_space<vmem>>) offsets(%dma_start3A_119 : memref<50xi32, #tpu.memory_space<vmem>>) semaphore(%arg9 : memref<!tpu.dma_semaphore, #tpu.memory_space<semaphore_mem>>)
      %mul3A_123 = arith.constant 8 : i32
      %mul3A_124 = arith.muli %add3A_107, %mul3A_123 : i32
      %add3A_125 = arith.constant 1 : i32
      %add3A_126 = arith.addi %mul3A_124, %add3A_125 : i32
      %dma_start3A_127 = arith.constant 1 : i32
      %dma_start3A_128 = arith.constant 0 : i32
      %dma_start3A_129 = arith.constant 0 : i32
      %dma_start3A_130 = tpu.memref_slice %arg7[%dma_start3A_127, %dma_start3A_128, %dma_start3A_129] : memref<8x50x64xf32, #tpu.memory_space<vmem>> -> memref<1x50x64xf32, #tpu.memory_space<vmem>>
      %dma_start3A_131 = tpu.memref_squeeze %dma_start3A_130 : memref<1x50x64xf32, #tpu.memory_space<vmem>> -> memref<50x64xf32, #tpu.memory_space<vmem>>
      %dma_start3A_132 = arith.constant 0 : i32
      %dma_start3A_133 = tpu.memref_slice %arg5[%add3A_126, %dma_start3A_132] : memref<128x50xi32, #tpu.memory_space<vmem>> -> memref<1x50xi32, #tpu.memory_space<vmem>>
      %dma_start3A_134 = tpu.memref_squeeze %dma_start3A_133 : memref<1x50xi32, #tpu.memory_space<vmem>> -> memref<50xi32, #tpu.memory_space<vmem>>
      %dma_start3A_135 = arith.constant 0 : i32
      %dma_start3A_136 = arith.constant 0 : i32
      %dma_start3A_137 = tpu.memref_slice %arg3[%dma_start3A_135, %dma_start3A_136] : memref<1000x64xf32, #tpu.memory_space<hbm>> -> memref<1000x64xf32, #tpu.memory_space<hbm>>
      tpu.enqueue_indirect_dma source(%dma_start3A_137 : memref<1000x64xf32, #tpu.memory_space<hbm>>) target(%dma_start3A_131 : memref<50x64xf32, #tpu.memory_space<vmem>>) offsets(%dma_start3A_134 : memref<50xi32, #tpu.memory_space<vmem>>) semaphore(%arg9 : memref<!tpu.dma_semaphore, #tpu.memory_space<semaphore_mem>>)
      %mul3A_138 = arith.constant 8 : i32
      %mul3A_139 = arith.muli %add3A_107, %mul3A_138 : i32
      %add3A_140 = arith.constant 2 : i32
      %add3A_141 = arith.addi %mul3A_139, %add3A_140 : i32
      %dma_start3A_142 = arith.constant 2 : i32
      %dma_start3A_143 = arith.constant 0 : i32
      %dma_start3A_144 = arith.constant 0 : i32
      %dma_start3A_145 = tpu.memref_slice %arg7[%dma_start3A_142, %dma_start3A_143, %dma_start3A_144] : memref<8x50x64xf32, #tpu.memory_space<vmem>> -> memref<1x50x64xf32, #tpu.memory_space<vmem>>
      %dma_start3A_146 = tpu.memref_squeeze %dma_start3A_145 : memref<1x50x64xf32, #tpu.memory_space<vmem>> -> memref<50x64xf32, #tpu.memory_space<vmem>>
      %dma_start3A_147 = arith.constant 0 : i32
      %dma_start3A_148 = tpu.memref_slice %arg5[%add3A_141, %dma_start3A_147] : memref<128x50xi32, #tpu.memory_space<vmem>> -> memref<1x50xi32, #tpu.memory_space<vmem>>
      %dma_start3A_149 = tpu.memref_squeeze %dma_start3A_148 : memref<1x50xi32, #tpu.memory_space<vmem>> -> memref<50xi32, #tpu.memory_space<vmem>>
      %dma_start3A_150 = arith.constant 0 : i32
      %dma_start3A_151 = arith.constant 0 : i32
      %dma_start3A_152 = tpu.memref_slice %arg3[%dma_start3A_150, %dma_start3A_151] : memref<1000x64xf32, #tpu.memory_space<hbm>> -> memref<1000x64xf32, #tpu.memory_space<hbm>>
      tpu.enqueue_indirect_dma source(%dma_start3A_152 : memref<1000x64xf32, #tpu.memory_space<hbm>>) target(%dma_start3A_146 : memref<50x64xf32, #tpu.memory_space<vmem>>) offsets(%dma_start3A_149 : memref<50xi32, #tpu.memory_space<vmem>>) semaphore(%arg9 : memref<!tpu.dma_semaphore, #tpu.memory_space<semaphore_mem>>)
      %mul3A_153 = arith.constant 8 : i32
      %mul3A_154 = arith.muli %add3A_107, %mul3A_153 : i32
      %add3A_155 = arith.constant 3 : i32
      %add3A_156 = arith.addi %mul3A_154, %add3A_155 : i32
      %dma_start3A_157 = arith.constant 3 : i32
      %dma_start3A_158 = arith.constant 0 : i32
      %dma_start3A_159 = arith.constant 0 : i32
      %dma_start3A_160 = tpu.memref_slice %arg7[%dma_start3A_157, %dma_start3A_158, %dma_start3A_159] : memref<8x50x64xf32, #tpu.memory_space<vmem>> -> memref<1x50x64xf32, #tpu.memory_space<vmem>>
      %dma_start3A_161 = tpu.memref_squeeze %dma_start3A_160 : memref<1x50x64xf32, #tpu.memory_space<vmem>> -> memref<50x64xf32, #tpu.memory_space<vmem>>
      %dma_start3A_162 = arith.constant 0 : i32
      %dma_start3A_163 = tpu.memref_slice %arg5[%add3A_156, %dma_start3A_162] : memref<128x50xi32, #tpu.memory_space<vmem>> -> memref<1x50xi32, #tpu.memory_space<vmem>>
      %dma_start3A_164 = tpu.memref_squeeze %dma_start3A_163 : memref<1x50xi32, #tpu.memory_space<vmem>> -> memref<50xi32, #tpu.memory_space<vmem>>
      %dma_start3A_165 = arith.constant 0 : i32
      %dma_start3A_166 = arith.constant 0 : i32
      %dma_start3A_167 = tpu.memref_slice %arg3[%dma_start3A_165, %dma_start3A_166] : memref<1000x64xf32, #tpu.memory_space<hbm>> -> memref<1000x64xf32, #tpu.memory_space<hbm>>
      tpu.enqueue_indirect_dma source(%dma_start3A_167 : memref<1000x64xf32, #tpu.memory_space<hbm>>) target(%dma_start3A_161 : memref<50x64xf32, #tpu.memory_space<vmem>>) offsets(%dma_start3A_164 : memref<50xi32, #tpu.memory_space<vmem>>) semaphore(%arg9 : memref<!tpu.dma_semaphore, #tpu.memory_space<semaphore_mem>>)
      %mul3A_168 = arith.constant 8 : i32
      %mul3A_169 = arith.muli %add3A_107, %mul3A_168 : i32
      %add3A_170 = arith.constant 4 : i32
      %add3A_171 = arith.addi %mul3A_169, %add3A_170 : i32
      %dma_start3A_172 = arith.constant 4 : i32
      %dma_start3A_173 = arith.constant 0 : i32
      %dma_start3A_174 = arith.constant 0 : i32
      %dma_start3A_175 = tpu.memref_slice %arg7[%dma_start3A_172, %dma_start3A_173, %dma_start3A_174] : memref<8x50x64xf32, #tpu.memory_space<vmem>> -> memref<1x50x64xf32, #tpu.memory_space<vmem>>
      %dma_start3A_176 = tpu.memref_squeeze %dma_start3A_175 : memref<1x50x64xf32, #tpu.memory_space<vmem>> -> memref<50x64xf32, #tpu.memory_space<vmem>>
      %dma_start3A_177 = arith.constant 0 : i32
      %dma_start3A_178 = tpu.memref_slice %arg5[%add3A_171, %dma_start3A_177] : memref<128x50xi32, #tpu.memory_space<vmem>> -> memref<1x50xi32, #tpu.memory_space<vmem>>
      %dma_start3A_179 = tpu.memref_squeeze %dma_start3A_178 : memref<1x50xi32, #tpu.memory_space<vmem>> -> memref<50xi32, #tpu.memory_space<vmem>>
      %dma_start3A_180 = arith.constant 0 : i32
      %dma_start3A_181 = arith.constant 0 : i32
      %dma_start3A_182 = tpu.memref_slice %arg3[%dma_start3A_180, %dma_start3A_181] : memref<1000x64xf32, #tpu.memory_space<hbm>> -> memref<1000x64xf32, #tpu.memory_space<hbm>>
      tpu.enqueue_indirect_dma source(%dma_start3A_182 : memref<1000x64xf32, #tpu.memory_space<hbm>>) target(%dma_start3A_176 : memref<50x64xf32, #tpu.memory_space<vmem>>) offsets(%dma_start3A_179 : memref<50xi32, #tpu.memory_space<vmem>>) semaphore(%arg9 : memref<!tpu.dma_semaphore, #tpu.memory_space<semaphore_mem>>)
      %mul3A_183 = arith.constant 8 : i32
      %mul3A_184 = arith.muli %add3A_107, %mul3A_183 : i32
      %add3A_185 = arith.constant 5 : i32
      %add3A_186 = arith.addi %mul3A_184, %add3A_185 : i32
      %dma_start3A_187 = arith.constant 5 : i32
      %dma_start3A_188 = arith.constant 0 : i32
      %dma_start3A_189 = arith.constant 0 : i32
      %dma_start3A_190 = tpu.memref_slice %arg7[%dma_start3A_187, %dma_start3A_188, %dma_start3A_189] : memref<8x50x64xf32, #tpu.memory_space<vmem>> -> memref<1x50x64xf32, #tpu.memory_space<vmem>>
      %dma_start3A_191 = tpu.memref_squeeze %dma_start3A_190 : memref<1x50x64xf32, #tpu.memory_space<vmem>> -> memref<50x64xf32, #tpu.memory_space<vmem>>
      %dma_start3A_192 = arith.constant 0 : i32
      %dma_start3A_193 = tpu.memref_slice %arg5[%add3A_186, %dma_start3A_192] : memref<128x50xi32, #tpu.memory_space<vmem>> -> memref<1x50xi32, #tpu.memory_space<vmem>>
      %dma_start3A_194 = tpu.memref_squeeze %dma_start3A_193 : memref<1x50xi32, #tpu.memory_space<vmem>> -> memref<50xi32, #tpu.memory_space<vmem>>
      %dma_start3A_195 = arith.constant 0 : i32
      %dma_start3A_196 = arith.constant 0 : i32
      %dma_start3A_197 = tpu.memref_slice %arg3[%dma_start3A_195, %dma_start3A_196] : memref<1000x64xf32, #tpu.memory_space<hbm>> -> memref<1000x64xf32, #tpu.memory_space<hbm>>
      tpu.enqueue_indirect_dma source(%dma_start3A_197 : memref<1000x64xf32, #tpu.memory_space<hbm>>) target(%dma_start3A_191 : memref<50x64xf32, #tpu.memory_space<vmem>>) offsets(%dma_start3A_194 : memref<50xi32, #tpu.memory_space<vmem>>) semaphore(%arg9 : memref<!tpu.dma_semaphore, #tpu.memory_space<semaphore_mem>>)
      %mul3A_198 = arith.constant 8 : i32
      %mul3A_199 = arith.muli %add3A_107, %mul3A_198 : i32
      %add3A_200 = arith.constant 6 : i32
      %add3A_201 = arith.addi %mul3A_199, %add3A_200 : i32
      %dma_start3A_202 = arith.constant 6 : i32
      %dma_start3A_203 = arith.constant 0 : i32
      %dma_start3A_204 = arith.constant 0 : i32
      %dma_start3A_205 = tpu.memref_slice %arg7[%dma_start3A_202, %dma_start3A_203, %dma_start3A_204] : memref<8x50x64xf32, #tpu.memory_space<vmem>> -> memref<1x50x64xf32, #tpu.memory_space<vmem>>
      %dma_start3A_206 = tpu.memref_squeeze %dma_start3A_205 : memref<1x50x64xf32, #tpu.memory_space<vmem>> -> memref<50x64xf32, #tpu.memory_space<vmem>>
      %dma_start3A_207 = arith.constant 0 : i32
      %dma_start3A_208 = tpu.memref_slice %arg5[%add3A_201, %dma_start3A_207] : memref<128x50xi32, #tpu.memory_space<vmem>> -> memref<1x50xi32, #tpu.memory_space<vmem>>
      %dma_start3A_209 = tpu.memref_squeeze %dma_start3A_208 : memref<1x50xi32, #tpu.memory_space<vmem>> -> memref<50xi32, #tpu.memory_space<vmem>>
      %dma_start3A_210 = arith.constant 0 : i32
      %dma_start3A_211 = arith.constant 0 : i32
      %dma_start3A_212 = tpu.memref_slice %arg3[%dma_start3A_210, %dma_start3A_211] : memref<1000x64xf32, #tpu.memory_space<hbm>> -> memref<1000x64xf32, #tpu.memory_space<hbm>>
      tpu.enqueue_indirect_dma source(%dma_start3A_212 : memref<1000x64xf32, #tpu.memory_space<hbm>>) target(%dma_start3A_206 : memref<50x64xf32, #tpu.memory_space<vmem>>) offsets(%dma_start3A_209 : memref<50xi32, #tpu.memory_space<vmem>>) semaphore(%arg9 : memref<!tpu.dma_semaphore, #tpu.memory_space<semaphore_mem>>)
      %mul3A_213 = arith.constant 8 : i32
      %mul3A_214 = arith.muli %add3A_107, %mul3A_213 : i32
      %add3A_215 = arith.constant 7 : i32
      %add3A_216 = arith.addi %mul3A_214, %add3A_215 : i32
      %dma_start3A_217 = arith.constant 7 : i32
      %dma_start3A_218 = arith.constant 0 : i32
      %dma_start3A_219 = arith.constant 0 : i32
      %dma_start3A_220 = tpu.memref_slice %arg7[%dma_start3A_217, %dma_start3A_218, %dma_start3A_219] : memref<8x50x64xf32, #tpu.memory_space<vmem>> -> memref<1x50x64xf32, #tpu.memory_space<vmem>>
      %dma_start3A_221 = tpu.memref_squeeze %dma_start3A_220 : memref<1x50x64xf32, #tpu.memory_space<vmem>> -> memref<50x64xf32, #tpu.memory_space<vmem>>
      %dma_start3A_222 = arith.constant 0 : i32
      %dma_start3A_223 = tpu.memref_slice %arg5[%add3A_216, %dma_start3A_222] : memref<128x50xi32, #tpu.memory_space<vmem>> -> memref<1x50xi32, #tpu.memory_space<vmem>>
      %dma_start3A_224 = tpu.memref_squeeze %dma_start3A_223 : memref<1x50xi32, #tpu.memory_space<vmem>> -> memref<50xi32, #tpu.memory_space<vmem>>
      %dma_start3A_225 = arith.constant 0 : i32
      %dma_start3A_226 = arith.constant 0 : i32
      %dma_start3A_227 = tpu.memref_slice %arg3[%dma_start3A_225, %dma_start3A_226] : memref<1000x64xf32, #tpu.memory_space<hbm>> -> memref<1000x64xf32, #tpu.memory_space<hbm>>
      tpu.enqueue_indirect_dma source(%dma_start3A_227 : memref<1000x64xf32, #tpu.memory_space<hbm>>) target(%dma_start3A_221 : memref<50x64xf32, #tpu.memory_space<vmem>>) offsets(%dma_start3A_224 : memref<50xi32, #tpu.memory_space<vmem>>) semaphore(%arg9 : memref<!tpu.dma_semaphore, #tpu.memory_space<semaphore_mem>>)
      %mul3A_228 = arith.constant 8 : i32
      %mul3A_229 = arith.muli %mul3A_105, %mul3A_228 : i32
      %add3A_230 = arith.addi %mul3A_2, %mul3A_229 : i32
      %dma_wait3A = arith.constant 0 : i32
      %dma_wait3A_231 = arith.constant 0 : i32
      %dma_wait3A_232 = tpu.memref_slice %arg4[%add3A_230, %dma_wait3A, %dma_wait3A_231] : memref<4096x50x64xf32, #tpu.memory_space<hbm>> -> memref<8x50x64xf32, #tpu.memory_space<hbm>>
      %dma_wait3A_233 = arith.constant 0 : i32
      %dma_wait3A_234 = arith.constant 0 : i32
      %dma_wait3A_235 = tpu.memref_slice %arg4[%add3A_230, %dma_wait3A_233, %dma_wait3A_234] : memref<4096x50x64xf32, #tpu.memory_space<hbm>> -> memref<8x50x64xf32, #tpu.memory_space<hbm>>
      tpu.wait_dma2 semaphore(%arg8 : memref<!tpu.dma_semaphore, #tpu.memory_space<semaphore_mem>>) src(%dma_wait3A_235 : memref<8x50x64xf32, #tpu.memory_space<hbm>>) dst(%arg6 : memref<8x50x64xf32, #tpu.memory_space<vmem>>)
      "tpu.region"() ({
        %run_scoped3A = tpu.sem_alloc : memref<!tpu.dma_semaphore, #tpu.memory_space<semaphore_mem>>
        %dma_start3A_249 = arith.constant 0 : i32
        %dma_start3A_250 = arith.constant 0 : i32
        %dma_start3A_251 = tpu.memref_slice %arg4[%add3A_230, %dma_start3A_249, %dma_start3A_250] : memref<4096x50x64xf32, #tpu.memory_space<hbm>> -> memref<8x50x64xf32, #tpu.memory_space<hbm>>
        %dma_start3A_252 = arith.constant 0 : i32
        %dma_start3A_253 = arith.constant 0 : i32
        %dma_start3A_254 = tpu.memref_slice %arg4[%add3A_230, %dma_start3A_252, %dma_start3A_253] : memref<4096x50x64xf32, #tpu.memory_space<hbm>> -> memref<8x50x64xf32, #tpu.memory_space<hbm>>
        tpu.enqueue_dma source(%arg6 : memref<8x50x64xf32, #tpu.memory_space<vmem>>) target(%dma_start3A_254 : memref<8x50x64xf32, #tpu.memory_space<hbm>>) target_semaphore(%run_scoped3A : memref<!tpu.dma_semaphore, #tpu.memory_space<semaphore_mem>>)
        %dma_wait3A_255 = arith.constant 0 : i32
        %dma_wait3A_256 = arith.constant 0 : i32
        %dma_wait3A_257 = tpu.memref_slice %arg4[%add3A_230, %dma_wait3A_255, %dma_wait3A_256] : memref<4096x50x64xf32, #tpu.memory_space<hbm>> -> memref<8x50x64xf32, #tpu.memory_space<hbm>>
        %dma_wait3A_258 = arith.constant 0 : i32
        %dma_wait3A_259 = arith.constant 0 : i32
        %dma_wait3A_260 = tpu.memref_slice %arg4[%add3A_230, %dma_wait3A_258, %dma_wait3A_259] : memref<4096x50x64xf32, #tpu.memory_space<hbm>> -> memref<8x50x64xf32, #tpu.memory_space<hbm>>
        tpu.wait_dma2 semaphore(%run_scoped3A : memref<!tpu.dma_semaphore, #tpu.memory_space<semaphore_mem>>) src(%arg6 : memref<8x50x64xf32, #tpu.memory_space<vmem>>) dst(%dma_wait3A_260 : memref<8x50x64xf32, #tpu.memory_space<hbm>>)
        tpu.yield
      }) : () -> ()
      %lt3A = arith.constant 7 : i32
      %lt3A_236 = arith.cmpi slt, %scan3A_103, %lt3A : i32
      %convert_element_type3A = arith.extui %lt3A_236 : i1 to i32
      %cond3A = arith.constant 0 : i32
      %cond3A_237 = arith.cmpi ne, %convert_element_type3A, %cond3A : i32
      scf.if %cond3A_237 {
        %add3A_249 = arith.constant 2 : i32
        %add3A_250 = arith.addi %mul3A_105, %add3A_249 : i32
        %mul3A_251 = arith.constant 8 : i32
        %mul3A_252 = arith.muli %add3A_250, %mul3A_251 : i32
        %add3A_253 = arith.constant 0 : i32
        %add3A_254 = arith.addi %mul3A_252, %add3A_253 : i32
        %dma_start3A_255 = arith.constant 0 : i32
        %dma_start3A_256 = arith.constant 0 : i32
        %dma_start3A_257 = arith.constant 0 : i32
        %dma_start3A_258 = tpu.memref_slice %arg6[%dma_start3A_255, %dma_start3A_256, %dma_start3A_257] : memref<8x50x64xf32, #tpu.memory_space<vmem>> -> memref<1x50x64xf32, #tpu.memory_space<vmem>>
        %dma_start3A_259 = tpu.memref_squeeze %dma_start3A_258 : memref<1x50x64xf32, #tpu.memory_space<vmem>> -> memref<50x64xf32, #tpu.memory_space<vmem>>
        %dma_start3A_260 = arith.constant 0 : i32
        %dma_start3A_261 = tpu.memref_slice %arg5[%add3A_254, %dma_start3A_260] : memref<128x50xi32, #tpu.memory_space<vmem>> -> memref<1x50xi32, #tpu.memory_space<vmem>>
        %dma_start3A_262 = tpu.memref_squeeze %dma_start3A_261 : memref<1x50xi32, #tpu.memory_space<vmem>> -> memref<50xi32, #tpu.memory_space<vmem>>
        %dma_start3A_263 = arith.constant 0 : i32
        %dma_start3A_264 = arith.constant 0 : i32
        %dma_start3A_265 = tpu.memref_slice %arg3[%dma_start3A_263, %dma_start3A_264] : memref<1000x64xf32, #tpu.memory_space<hbm>> -> memref<1000x64xf32, #tpu.memory_space<hbm>>
        tpu.enqueue_indirect_dma source(%dma_start3A_265 : memref<1000x64xf32, #tpu.memory_space<hbm>>) target(%dma_start3A_259 : memref<50x64xf32, #tpu.memory_space<vmem>>) offsets(%dma_start3A_262 : memref<50xi32, #tpu.memory_space<vmem>>) semaphore(%arg8 : memref<!tpu.dma_semaphore, #tpu.memory_space<semaphore_mem>>)
        %mul3A_266 = arith.constant 8 : i32
        %mul3A_267 = arith.muli %add3A_250, %mul3A_266 : i32
        %add3A_268 = arith.constant 1 : i32
        %add3A_269 = arith.addi %mul3A_267, %add3A_268 : i32
        %dma_start3A_270 = arith.constant 1 : i32
        %dma_start3A_271 = arith.constant 0 : i32
        %dma_start3A_272 = arith.constant 0 : i32
        %dma_start3A_273 = tpu.memref_slice %arg6[%dma_start3A_270, %dma_start3A_271, %dma_start3A_272] : memref<8x50x64xf32, #tpu.memory_space<vmem>> -> memref<1x50x64xf32, #tpu.memory_space<vmem>>
        %dma_start3A_274 = tpu.memref_squeeze %dma_start3A_273 : memref<1x50x64xf32, #tpu.memory_space<vmem>> -> memref<50x64xf32, #tpu.memory_space<vmem>>
        %dma_start3A_275 = arith.constant 0 : i32
        %dma_start3A_276 = tpu.memref_slice %arg5[%add3A_269, %dma_start3A_275] : memref<128x50xi32, #tpu.memory_space<vmem>> -> memref<1x50xi32, #tpu.memory_space<vmem>>
        %dma_start3A_277 = tpu.memref_squeeze %dma_start3A_276 : memref<1x50xi32, #tpu.memory_space<vmem>> -> memref<50xi32, #tpu.memory_space<vmem>>
        %dma_start3A_278 = arith.constant 0 : i32
        %dma_start3A_279 = arith.constant 0 : i32
        %dma_start3A_280 = tpu.memref_slice %arg3[%dma_start3A_278, %dma_start3A_279] : memref<1000x64xf32, #tpu.memory_space<hbm>> -> memref<1000x64xf32, #tpu.memory_space<hbm>>
        tpu.enqueue_indirect_dma source(%dma_start3A_280 : memref<1000x64xf32, #tpu.memory_space<hbm>>) target(%dma_start3A_274 : memref<50x64xf32, #tpu.memory_space<vmem>>) offsets(%dma_start3A_277 : memref<50xi32, #tpu.memory_space<vmem>>) semaphore(%arg8 : memref<!tpu.dma_semaphore, #tpu.memory_space<semaphore_mem>>)
        %mul3A_281 = arith.constant 8 : i32
        %mul3A_282 = arith.muli %add3A_250, %mul3A_281 : i32
        %add3A_283 = arith.constant 2 : i32
        %add3A_284 = arith.addi %mul3A_282, %add3A_283 : i32
        %dma_start3A_285 = arith.constant 2 : i32
        %dma_start3A_286 = arith.constant 0 : i32
        %dma_start3A_287 = arith.constant 0 : i32
        %dma_start3A_288 = tpu.memref_slice %arg6[%dma_start3A_285, %dma_start3A_286, %dma_start3A_287] : memref<8x50x64xf32, #tpu.memory_space<vmem>> -> memref<1x50x64xf32, #tpu.memory_space<vmem>>
        %dma_start3A_289 = tpu.memref_squeeze %dma_start3A_288 : memref<1x50x64xf32, #tpu.memory_space<vmem>> -> memref<50x64xf32, #tpu.memory_space<vmem>>
        %dma_start3A_290 = arith.constant 0 : i32
        %dma_start3A_291 = tpu.memref_slice %arg5[%add3A_284, %dma_start3A_290] : memref<128x50xi32, #tpu.memory_space<vmem>> -> memref<1x50xi32, #tpu.memory_space<vmem>>
        %dma_start3A_292 = tpu.memref_squeeze %dma_start3A_291 : memref<1x50xi32, #tpu.memory_space<vmem>> -> memref<50xi32, #tpu.memory_space<vmem>>
        %dma_start3A_293 = arith.constant 0 : i32
        %dma_start3A_294 = arith.constant 0 : i32
        %dma_start3A_295 = tpu.memref_slice %arg3[%dma_start3A_293, %dma_start3A_294] : memref<1000x64xf32, #tpu.memory_space<hbm>> -> memref<1000x64xf32, #tpu.memory_space<hbm>>
        tpu.enqueue_indirect_dma source(%dma_start3A_295 : memref<1000x64xf32, #tpu.memory_space<hbm>>) target(%dma_start3A_289 : memref<50x64xf32, #tpu.memory_space<vmem>>) offsets(%dma_start3A_292 : memref<50xi32, #tpu.memory_space<vmem>>) semaphore(%arg8 : memref<!tpu.dma_semaphore, #tpu.memory_space<semaphore_mem>>)
        %mul3A_296 = arith.constant 8 : i32
        %mul3A_297 = arith.muli %add3A_250, %mul3A_296 : i32
        %add3A_298 = arith.constant 3 : i32
        %add3A_299 = arith.addi %mul3A_297, %add3A_298 : i32
        %dma_start3A_300 = arith.constant 3 : i32
        %dma_start3A_301 = arith.constant 0 : i32
        %dma_start3A_302 = arith.constant 0 : i32
        %dma_start3A_303 = tpu.memref_slice %arg6[%dma_start3A_300, %dma_start3A_301, %dma_start3A_302] : memref<8x50x64xf32, #tpu.memory_space<vmem>> -> memref<1x50x64xf32, #tpu.memory_space<vmem>>
        %dma_start3A_304 = tpu.memref_squeeze %dma_start3A_303 : memref<1x50x64xf32, #tpu.memory_space<vmem>> -> memref<50x64xf32, #tpu.memory_space<vmem>>
        %dma_start3A_305 = arith.constant 0 : i32
        %dma_start3A_306 = tpu.memref_slice %arg5[%add3A_299, %dma_start3A_305] : memref<128x50xi32, #tpu.memory_space<vmem>> -> memref<1x50xi32, #tpu.memory_space<vmem>>
        %dma_start3A_307 = tpu.memref_squeeze %dma_start3A_306 : memref<1x50xi32, #tpu.memory_space<vmem>> -> memref<50xi32, #tpu.memory_space<vmem>>
        %dma_start3A_308 = arith.constant 0 : i32
        %dma_start3A_309 = arith.constant 0 : i32
        %dma_start3A_310 = tpu.memref_slice %arg3[%dma_start3A_308, %dma_start3A_309] : memref<1000x64xf32, #tpu.memory_space<hbm>> -> memref<1000x64xf32, #tpu.memory_space<hbm>>
        tpu.enqueue_indirect_dma source(%dma_start3A_310 : memref<1000x64xf32, #tpu.memory_space<hbm>>) target(%dma_start3A_304 : memref<50x64xf32, #tpu.memory_space<vmem>>) offsets(%dma_start3A_307 : memref<50xi32, #tpu.memory_space<vmem>>) semaphore(%arg8 : memref<!tpu.dma_semaphore, #tpu.memory_space<semaphore_mem>>)
        %mul3A_311 = arith.constant 8 : i32
        %mul3A_312 = arith.muli %add3A_250, %mul3A_311 : i32
        %add3A_313 = arith.constant 4 : i32
        %add3A_314 = arith.addi %mul3A_312, %add3A_313 : i32
        %dma_start3A_315 = arith.constant 4 : i32
        %dma_start3A_316 = arith.constant 0 : i32
        %dma_start3A_317 = arith.constant 0 : i32
        %dma_start3A_318 = tpu.memref_slice %arg6[%dma_start3A_315, %dma_start3A_316, %dma_start3A_317] : memref<8x50x64xf32, #tpu.memory_space<vmem>> -> memref<1x50x64xf32, #tpu.memory_space<vmem>>
        %dma_start3A_319 = tpu.memref_squeeze %dma_start3A_318 : memref<1x50x64xf32, #tpu.memory_space<vmem>> -> memref<50x64xf32, #tpu.memory_space<vmem>>
        %dma_start3A_320 = arith.constant 0 : i32
        %dma_start3A_321 = tpu.memref_slice %arg5[%add3A_314, %dma_start3A_320] : memref<128x50xi32, #tpu.memory_space<vmem>> -> memref<1x50xi32, #tpu.memory_space<vmem>>
        %dma_start3A_322 = tpu.memref_squeeze %dma_start3A_321 : memref<1x50xi32, #tpu.memory_space<vmem>> -> memref<50xi32, #tpu.memory_space<vmem>>
        %dma_start3A_323 = arith.constant 0 : i32
        %dma_start3A_324 = arith.constant 0 : i32
        %dma_start3A_325 = tpu.memref_slice %arg3[%dma_start3A_323, %dma_start3A_324] : memref<1000x64xf32, #tpu.memory_space<hbm>> -> memref<1000x64xf32, #tpu.memory_space<hbm>>
        tpu.enqueue_indirect_dma source(%dma_start3A_325 : memref<1000x64xf32, #tpu.memory_space<hbm>>) target(%dma_start3A_319 : memref<50x64xf32, #tpu.memory_space<vmem>>) offsets(%dma_start3A_322 : memref<50xi32, #tpu.memory_space<vmem>>) semaphore(%arg8 : memref<!tpu.dma_semaphore, #tpu.memory_space<semaphore_mem>>)
        %mul3A_326 = arith.constant 8 : i32
        %mul3A_327 = arith.muli %add3A_250, %mul3A_326 : i32
        %add3A_328 = arith.constant 5 : i32
        %add3A_329 = arith.addi %mul3A_327, %add3A_328 : i32
        %dma_start3A_330 = arith.constant 5 : i32
        %dma_start3A_331 = arith.constant 0 : i32
        %dma_start3A_332 = arith.constant 0 : i32
        %dma_start3A_333 = tpu.memref_slice %arg6[%dma_start3A_330, %dma_start3A_331, %dma_start3A_332] : memref<8x50x64xf32, #tpu.memory_space<vmem>> -> memref<1x50x64xf32, #tpu.memory_space<vmem>>
        %dma_start3A_334 = tpu.memref_squeeze %dma_start3A_333 : memref<1x50x64xf32, #tpu.memory_space<vmem>> -> memref<50x64xf32, #tpu.memory_space<vmem>>
        %dma_start3A_335 = arith.constant 0 : i32
        %dma_start3A_336 = tpu.memref_slice %arg5[%add3A_329, %dma_start3A_335] : memref<128x50xi32, #tpu.memory_space<vmem>> -> memref<1x50xi32, #tpu.memory_space<vmem>>
        %dma_start3A_337 = tpu.memref_squeeze %dma_start3A_336 : memref<1x50xi32, #tpu.memory_space<vmem>> -> memref<50xi32, #tpu.memory_space<vmem>>
        %dma_start3A_338 = arith.constant 0 : i32
        %dma_start3A_339 = arith.constant 0 : i32
        %dma_start3A_340 = tpu.memref_slice %arg3[%dma_start3A_338, %dma_start3A_339] : memref<1000x64xf32, #tpu.memory_space<hbm>> -> memref<1000x64xf32, #tpu.memory_space<hbm>>
        tpu.enqueue_indirect_dma source(%dma_start3A_340 : memref<1000x64xf32, #tpu.memory_space<hbm>>) target(%dma_start3A_334 : memref<50x64xf32, #tpu.memory_space<vmem>>) offsets(%dma_start3A_337 : memref<50xi32, #tpu.memory_space<vmem>>) semaphore(%arg8 : memref<!tpu.dma_semaphore, #tpu.memory_space<semaphore_mem>>)
        %mul3A_341 = arith.constant 8 : i32
        %mul3A_342 = arith.muli %add3A_250, %mul3A_341 : i32
        %add3A_343 = arith.constant 6 : i32
        %add3A_344 = arith.addi %mul3A_342, %add3A_343 : i32
        %dma_start3A_345 = arith.constant 6 : i32
        %dma_start3A_346 = arith.constant 0 : i32
        %dma_start3A_347 = arith.constant 0 : i32
        %dma_start3A_348 = tpu.memref_slice %arg6[%dma_start3A_345, %dma_start3A_346, %dma_start3A_347] : memref<8x50x64xf32, #tpu.memory_space<vmem>> -> memref<1x50x64xf32, #tpu.memory_space<vmem>>
        %dma_start3A_349 = tpu.memref_squeeze %dma_start3A_348 : memref<1x50x64xf32, #tpu.memory_space<vmem>> -> memref<50x64xf32, #tpu.memory_space<vmem>>
        %dma_start3A_350 = arith.constant 0 : i32
        %dma_start3A_351 = tpu.memref_slice %arg5[%add3A_344, %dma_start3A_350] : memref<128x50xi32, #tpu.memory_space<vmem>> -> memref<1x50xi32, #tpu.memory_space<vmem>>
        %dma_start3A_352 = tpu.memref_squeeze %dma_start3A_351 : memref<1x50xi32, #tpu.memory_space<vmem>> -> memref<50xi32, #tpu.memory_space<vmem>>
        %dma_start3A_353 = arith.constant 0 : i32
        %dma_start3A_354 = arith.constant 0 : i32
        %dma_start3A_355 = tpu.memref_slice %arg3[%dma_start3A_353, %dma_start3A_354] : memref<1000x64xf32, #tpu.memory_space<hbm>> -> memref<1000x64xf32, #tpu.memory_space<hbm>>
        tpu.enqueue_indirect_dma source(%dma_start3A_355 : memref<1000x64xf32, #tpu.memory_space<hbm>>) target(%dma_start3A_349 : memref<50x64xf32, #tpu.memory_space<vmem>>) offsets(%dma_start3A_352 : memref<50xi32, #tpu.memory_space<vmem>>) semaphore(%arg8 : memref<!tpu.dma_semaphore, #tpu.memory_space<semaphore_mem>>)
        %mul3A_356 = arith.constant 8 : i32
        %mul3A_357 = arith.muli %add3A_250, %mul3A_356 : i32
        %add3A_358 = arith.constant 7 : i32
        %add3A_359 = arith.addi %mul3A_357, %add3A_358 : i32
        %dma_start3A_360 = arith.constant 7 : i32
        %dma_start3A_361 = arith.constant 0 : i32
        %dma_start3A_362 = arith.constant 0 : i32
        %dma_start3A_363 = tpu.memref_slice %arg6[%dma_start3A_360, %dma_start3A_361, %dma_start3A_362] : memref<8x50x64xf32, #tpu.memory_space<vmem>> -> memref<1x50x64xf32, #tpu.memory_space<vmem>>
        %dma_start3A_364 = tpu.memref_squeeze %dma_start3A_363 : memref<1x50x64xf32, #tpu.memory_space<vmem>> -> memref<50x64xf32, #tpu.memory_space<vmem>>
        %dma_start3A_365 = arith.constant 0 : i32
        %dma_start3A_366 = tpu.memref_slice %arg5[%add3A_359, %dma_start3A_365] : memref<128x50xi32, #tpu.memory_space<vmem>> -> memref<1x50xi32, #tpu.memory_space<vmem>>
        %dma_start3A_367 = tpu.memref_squeeze %dma_start3A_366 : memref<1x50xi32, #tpu.memory_space<vmem>> -> memref<50xi32, #tpu.memory_space<vmem>>
        %dma_start3A_368 = arith.constant 0 : i32
        %dma_start3A_369 = arith.constant 0 : i32
        %dma_start3A_370 = tpu.memref_slice %arg3[%dma_start3A_368, %dma_start3A_369] : memref<1000x64xf32, #tpu.memory_space<hbm>> -> memref<1000x64xf32, #tpu.memory_space<hbm>>
        tpu.enqueue_indirect_dma source(%dma_start3A_370 : memref<1000x64xf32, #tpu.memory_space<hbm>>) target(%dma_start3A_364 : memref<50x64xf32, #tpu.memory_space<vmem>>) offsets(%dma_start3A_367 : memref<50xi32, #tpu.memory_space<vmem>>) semaphore(%arg8 : memref<!tpu.dma_semaphore, #tpu.memory_space<semaphore_mem>>)
      } else {
      }
      %add3A_238 = arith.constant 1 : i32
      %add3A_239 = arith.addi %mul3A_105, %add3A_238 : i32
      %mul3A_240 = arith.constant 8 : i32
      %mul3A_241 = arith.muli %add3A_239, %mul3A_240 : i32
      %add3A_242 = arith.addi %mul3A_2, %mul3A_241 : i32
      %dma_wait3A_243 = arith.constant 0 : i32
      %dma_wait3A_244 = arith.constant 0 : i32
      %dma_wait3A_245 = tpu.memref_slice %arg4[%add3A_242, %dma_wait3A_243, %dma_wait3A_244] : memref<4096x50x64xf32, #tpu.memory_space<hbm>> -> memref<8x50x64xf32, #tpu.memory_space<hbm>>
      %dma_wait3A_246 = arith.constant 0 : i32
      %dma_wait3A_247 = arith.constant 0 : i32
      %dma_wait3A_248 = tpu.memref_slice %arg4[%add3A_242, %dma_wait3A_246, %dma_wait3A_247] : memref<4096x50x64xf32, #tpu.memory_space<hbm>> -> memref<8x50x64xf32, #tpu.memory_space<hbm>>
      tpu.wait_dma2 semaphore(%arg9 : memref<!tpu.dma_semaphore, #tpu.memory_space<semaphore_mem>>) src(%dma_wait3A_248 : memref<8x50x64xf32, #tpu.memory_space<hbm>>) dst(%arg7 : memref<8x50x64xf32, #tpu.memory_space<vmem>>)
      "tpu.region"() ({
        %run_scoped3A = tpu.sem_alloc : memref<!tpu.dma_semaphore, #tpu.memory_space<semaphore_mem>>
        %dma_start3A_249 = arith.constant 0 : i32
        %dma_start3A_250 = arith.constant 0 : i32
        %dma_start3A_251 = tpu.memref_slice %arg4[%add3A_242, %dma_start3A_249, %dma_start3A_250] : memref<4096x50x64xf32, #tpu.memory_space<hbm>> -> memref<8x50x64xf32, #tpu.memory_space<hbm>>
        %dma_start3A_252 = arith.constant 0 : i32
        %dma_start3A_253 = arith.constant 0 : i32
        %dma_start3A_254 = tpu.memref_slice %arg4[%add3A_242, %dma_start3A_252, %dma_start3A_253] : memref<4096x50x64xf32, #tpu.memory_space<hbm>> -> memref<8x50x64xf32, #tpu.memory_space<hbm>>
        tpu.enqueue_dma source(%arg7 : memref<8x50x64xf32, #tpu.memory_space<vmem>>) target(%dma_start3A_254 : memref<8x50x64xf32, #tpu.memory_space<hbm>>) target_semaphore(%run_scoped3A : memref<!tpu.dma_semaphore, #tpu.memory_space<semaphore_mem>>)
        %dma_wait3A_255 = arith.constant 0 : i32
        %dma_wait3A_256 = arith.constant 0 : i32
        %dma_wait3A_257 = tpu.memref_slice %arg4[%add3A_242, %dma_wait3A_255, %dma_wait3A_256] : memref<4096x50x64xf32, #tpu.memory_space<hbm>> -> memref<8x50x64xf32, #tpu.memory_space<hbm>>
        %dma_wait3A_258 = arith.constant 0 : i32
        %dma_wait3A_259 = arith.constant 0 : i32
        %dma_wait3A_260 = tpu.memref_slice %arg4[%add3A_242, %dma_wait3A_258, %dma_wait3A_259] : memref<4096x50x64xf32, #tpu.memory_space<hbm>> -> memref<8x50x64xf32, #tpu.memory_space<hbm>>
        tpu.wait_dma2 semaphore(%run_scoped3A : memref<!tpu.dma_semaphore, #tpu.memory_space<semaphore_mem>>) src(%arg7 : memref<8x50x64xf32, #tpu.memory_space<vmem>>) dst(%dma_wait3A_260 : memref<8x50x64xf32, #tpu.memory_space<hbm>>)
        tpu.yield
      }) : () -> ()
    }
    %scan3A_102 = arith.constant 8 : i32
    return
  }
}

#map = affine_map<(d0, d1) -> (0, 0, 0)>
#map1 = affine_map<(d0, d1) -> (0, 0)>
module attributes {stable_mosaic.version = 14 : i64} {
  func.func @k(%arg0: i32, %arg1: i32, %arg2: memref<32x128x50xi32, #tpu.memory_space<hbm>>, %arg3: memref<1000x64xf32, #tpu.memory_space<hbm>>, %arg4: memref<4096x50x64xf32, #tpu.memory_space<hbm>>, %arg5: memref<128x50xi32, #tpu.memory_space<vmem>>, %arg6: memref<8x50x64xf32, #tpu.memory_space<vmem>>, %arg7: memref<8x50x64xf32, #tpu.memory_space<vmem>>, %arg8: memref<!tpu.dma_semaphore, #tpu.memory_space<semaphore_mem>>, %arg9: memref<!tpu.dma_semaphore, #tpu.memory_space<semaphore_mem>>) attributes {dimension_semantics = [#tpu.dimension_semantics<core_parallel>, #tpu.dimension_semantics<subcore_parallel>], iteration_bounds = array<i64: 2, 16>, scalar_prefetch = 0 : i64, scratch_operands = 5 : i64, tpu.core_type = #tpu.core_type<sc_vector_subcore>, window_params = [{transform_indices = #map}, {transform_indices = #map1}, {transform_indices = #map}]} {
    %mul3A = arith.constant 2 : i32
    %mul3A_0 = arith.muli %arg1, %mul3A : i32
    %add3A = arith.addi %mul3A_0, %arg0 : i32
    %mul3A_1 = arith.constant 128 : i32
    %mul3A_2 = arith.muli %add3A, %mul3A_1 : i32
    "tpu.region"() ({
      %run_scoped3A = tpu.sem_alloc : memref<!tpu.dma_semaphore, #tpu.memory_space<semaphore_mem>>
      %dma_start3A_103 = arith.constant 0 : i32
      %dma_start3A_104 = arith.constant 0 : i32
      %dma_start3A_105 = tpu.memref_slice %arg2[%add3A, %dma_start3A_103, %dma_start3A_104] : memref<32x128x50xi32, #tpu.memory_space<hbm>> -> memref<1x128x50xi32, #tpu.memory_space<hbm>>
      %dma_start3A_106 = tpu.memref_squeeze %dma_start3A_105 : memref<1x128x50xi32, #tpu.memory_space<hbm>> -> memref<128x50xi32, #tpu.memory_space<hbm>>
      %dma_start3A_107 = arith.constant 0 : i32
      %dma_start3A_108 = arith.constant 0 : i32
      %dma_start3A_109 = tpu.memref_slice %arg2[%add3A, %dma_start3A_107, %dma_start3A_108] : memref<32x128x50xi32, #tpu.memory_space<hbm>> -> memref<1x128x50xi32, #tpu.memory_space<hbm>>
      %dma_start3A_110 = tpu.memref_squeeze %dma_start3A_109 : memref<1x128x50xi32, #tpu.memory_space<hbm>> -> memref<128x50xi32, #tpu.memory_space<hbm>>
      tpu.enqueue_dma source(%dma_start3A_110 : memref<128x50xi32, #tpu.memory_space<hbm>>) target(%arg5 : memref<128x50xi32, #tpu.memory_space<vmem>>) target_semaphore(%run_scoped3A : memref<!tpu.dma_semaphore, #tpu.memory_space<semaphore_mem>>)
      %dma_wait3A = arith.constant 0 : i32
      %dma_wait3A_111 = arith.constant 0 : i32
      %dma_wait3A_112 = tpu.memref_slice %arg2[%add3A, %dma_wait3A, %dma_wait3A_111] : memref<32x128x50xi32, #tpu.memory_space<hbm>> -> memref<1x128x50xi32, #tpu.memory_space<hbm>>
      %dma_wait3A_113 = tpu.memref_squeeze %dma_wait3A_112 : memref<1x128x50xi32, #tpu.memory_space<hbm>> -> memref<128x50xi32, #tpu.memory_space<hbm>>
      %dma_wait3A_114 = arith.constant 0 : i32
      %dma_wait3A_115 = arith.constant 0 : i32
      %dma_wait3A_116 = tpu.memref_slice %arg2[%add3A, %dma_wait3A_114, %dma_wait3A_115] : memref<32x128x50xi32, #tpu.memory_space<hbm>> -> memref<1x128x50xi32, #tpu.memory_space<hbm>>
      %dma_wait3A_117 = tpu.memref_squeeze %dma_wait3A_116 : memref<1x128x50xi32, #tpu.memory_space<hbm>> -> memref<128x50xi32, #tpu.memory_space<hbm>>
      tpu.wait_dma2 semaphore(%run_scoped3A : memref<!tpu.dma_semaphore, #tpu.memory_space<semaphore_mem>>) src(%dma_wait3A_117 : memref<128x50xi32, #tpu.memory_space<hbm>>) dst(%arg5 : memref<128x50xi32, #tpu.memory_space<vmem>>)
      tpu.yield
    }) : () -> ()
    %dma_start3A = arith.constant 0 : i32
    %dma_start3A_3 = arith.constant 0 : i32
    %dma_start3A_4 = arith.constant 0 : i32
    %dma_start3A_5 = arith.constant 0 : i32
    %dma_start3A_6 = tpu.memref_slice %arg6[%dma_start3A_3, %dma_start3A_4, %dma_start3A_5] : memref<8x50x64xf32, #tpu.memory_space<vmem>> -> memref<1x50x64xf32, #tpu.memory_space<vmem>>
    %dma_start3A_7 = tpu.memref_squeeze %dma_start3A_6 : memref<1x50x64xf32, #tpu.memory_space<vmem>> -> memref<50x64xf32, #tpu.memory_space<vmem>>
    %dma_start3A_8 = arith.constant 0 : i32
    %dma_start3A_9 = tpu.memref_slice %arg5[%dma_start3A, %dma_start3A_8] : memref<128x50xi32, #tpu.memory_space<vmem>> -> memref<1x50xi32, #tpu.memory_space<vmem>>
    %dma_start3A_10 = tpu.memref_squeeze %dma_start3A_9 : memref<1x50xi32, #tpu.memory_space<vmem>> -> memref<50xi32, #tpu.memory_space<vmem>>
    %dma_start3A_11 = arith.constant 0 : i32
    %dma_start3A_12 = arith.constant 0 : i32
    %dma_start3A_13 = tpu.memref_slice %arg3[%dma_start3A_11, %dma_start3A_12] : memref<1000x64xf32, #tpu.memory_space<hbm>> -> memref<1000x64xf32, #tpu.memory_space<hbm>>
    tpu.enqueue_indirect_dma source(%dma_start3A_13 : memref<1000x64xf32, #tpu.memory_space<hbm>>) target(%dma_start3A_7 : memref<50x64xf32, #tpu.memory_space<vmem>>) offsets(%dma_start3A_10 : memref<50xi32, #tpu.memory_space<vmem>>) semaphore(%arg8 : memref<!tpu.dma_semaphore, #tpu.memory_space<semaphore_mem>>)
    %dma_start3A_14 = arith.constant 1 : i32
    %dma_start3A_15 = arith.constant 1 : i32
    %dma_start3A_16 = arith.constant 0 : i32
    %dma_start3A_17 = arith.constant 0 : i32
    %dma_start3A_18 = tpu.memref_slice %arg6[%dma_start3A_15, %dma_start3A_16, %dma_start3A_17] : memref<8x50x64xf32, #tpu.memory_space<vmem>> -> memref<1x50x64xf32, #tpu.memory_space<vmem>>
    %dma_start3A_19 = tpu.memref_squeeze %dma_start3A_18 : memref<1x50x64xf32, #tpu.memory_space<vmem>> -> memref<50x64xf32, #tpu.memory_space<vmem>>
    %dma_start3A_20 = arith.constant 0 : i32
    %dma_start3A_21 = tpu.memref_slice %arg5[%dma_start3A_14, %dma_start3A_20] : memref<128x50xi32, #tpu.memory_space<vmem>> -> memref<1x50xi32, #tpu.memory_space<vmem>>
    %dma_start3A_22 = tpu.memref_squeeze %dma_start3A_21 : memref<1x50xi32, #tpu.memory_space<vmem>> -> memref<50xi32, #tpu.memory_space<vmem>>
    %dma_start3A_23 = arith.constant 0 : i32
    %dma_start3A_24 = arith.constant 0 : i32
    %dma_start3A_25 = tpu.memref_slice %arg3[%dma_start3A_23, %dma_start3A_24] : memref<1000x64xf32, #tpu.memory_space<hbm>> -> memref<1000x64xf32, #tpu.memory_space<hbm>>
    tpu.enqueue_indirect_dma source(%dma_start3A_25 : memref<1000x64xf32, #tpu.memory_space<hbm>>) target(%dma_start3A_19 : memref<50x64xf32, #tpu.memory_space<vmem>>) offsets(%dma_start3A_22 : memref<50xi32, #tpu.memory_space<vmem>>) semaphore(%arg8 : memref<!tpu.dma_semaphore, #tpu.memory_space<semaphore_mem>>)
    %dma_start3A_26 = arith.constant 2 : i32
    %dma_start3A_27 = arith.constant 2 : i32
    %dma_start3A_28 = arith.constant 0 : i32
    %dma_start3A_29 = arith.constant 0 : i32
    %dma_start3A_30 = tpu.memref_slice %arg6[%dma_start3A_27, %dma_start3A_28, %dma_start3A_29] : memref<8x50x64xf32, #tpu.memory_space<vmem>> -> memref<1x50x64xf32, #tpu.memory_space<vmem>>
    %dma_start3A_31 = tpu.memref_squeeze %dma_start3A_30 : memref<1x50x64xf32, #tpu.memory_space<vmem>> -> memref<50x64xf32, #tpu.memory_space<vmem>>
    %dma_start3A_32 = arith.constant 0 : i32
    %dma_start3A_33 = tpu.memref_slice %arg5[%dma_start3A_26, %dma_start3A_32] : memref<128x50xi32, #tpu.memory_space<vmem>> -> memref<1x50xi32, #tpu.memory_space<vmem>>
    %dma_start3A_34 = tpu.memref_squeeze %dma_start3A_33 : memref<1x50xi32, #tpu.memory_space<vmem>> -> memref<50xi32, #tpu.memory_space<vmem>>
    %dma_start3A_35 = arith.constant 0 : i32
    %dma_start3A_36 = arith.constant 0 : i32
    %dma_start3A_37 = tpu.memref_slice %arg3[%dma_start3A_35, %dma_start3A_36] : memref<1000x64xf32, #tpu.memory_space<hbm>> -> memref<1000x64xf32, #tpu.memory_space<hbm>>
    tpu.enqueue_indirect_dma source(%dma_start3A_37 : memref<1000x64xf32, #tpu.memory_space<hbm>>) target(%dma_start3A_31 : memref<50x64xf32, #tpu.memory_space<vmem>>) offsets(%dma_start3A_34 : memref<50xi32, #tpu.memory_space<vmem>>) semaphore(%arg8 : memref<!tpu.dma_semaphore, #tpu.memory_space<semaphore_mem>>)
    %dma_start3A_38 = arith.constant 3 : i32
    %dma_start3A_39 = arith.constant 3 : i32
    %dma_start3A_40 = arith.constant 0 : i32
    %dma_start3A_41 = arith.constant 0 : i32
    %dma_start3A_42 = tpu.memref_slice %arg6[%dma_start3A_39, %dma_start3A_40, %dma_start3A_41] : memref<8x50x64xf32, #tpu.memory_space<vmem>> -> memref<1x50x64xf32, #tpu.memory_space<vmem>>
    %dma_start3A_43 = tpu.memref_squeeze %dma_start3A_42 : memref<1x50x64xf32, #tpu.memory_space<vmem>> -> memref<50x64xf32, #tpu.memory_space<vmem>>
    %dma_start3A_44 = arith.constant 0 : i32
    %dma_start3A_45 = tpu.memref_slice %arg5[%dma_start3A_38, %dma_start3A_44] : memref<128x50xi32, #tpu.memory_space<vmem>> -> memref<1x50xi32, #tpu.memory_space<vmem>>
    %dma_start3A_46 = tpu.memref_squeeze %dma_start3A_45 : memref<1x50xi32, #tpu.memory_space<vmem>> -> memref<50xi32, #tpu.memory_space<vmem>>
    %dma_start3A_47 = arith.constant 0 : i32
    %dma_start3A_48 = arith.constant 0 : i32
    %dma_start3A_49 = tpu.memref_slice %arg3[%dma_start3A_47, %dma_start3A_48] : memref<1000x64xf32, #tpu.memory_space<hbm>> -> memref<1000x64xf32, #tpu.memory_space<hbm>>
    tpu.enqueue_indirect_dma source(%dma_start3A_49 : memref<1000x64xf32, #tpu.memory_space<hbm>>) target(%dma_start3A_43 : memref<50x64xf32, #tpu.memory_space<vmem>>) offsets(%dma_start3A_46 : memref<50xi32, #tpu.memory_space<vmem>>) semaphore(%arg8 : memref<!tpu.dma_semaphore, #tpu.memory_space<semaphore_mem>>)
    %dma_start3A_50 = arith.constant 4 : i32
    %dma_start3A_51 = arith.constant 4 : i32
    %dma_start3A_52 = arith.constant 0 : i32
    %dma_start3A_53 = arith.constant 0 : i32
    %dma_start3A_54 = tpu.memref_slice %arg6[%dma_start3A_51, %dma_start3A_52, %dma_start3A_53] : memref<8x50x64xf32, #tpu.memory_space<vmem>> -> memref<1x50x64xf32, #tpu.memory_space<vmem>>
    %dma_start3A_55 = tpu.memref_squeeze %dma_start3A_54 : memref<1x50x64xf32, #tpu.memory_space<vmem>> -> memref<50x64xf32, #tpu.memory_space<vmem>>
    %dma_start3A_56 = arith.constant 0 : i32
    %dma_start3A_57 = tpu.memref_slice %arg5[%dma_start3A_50, %dma_start3A_56] : memref<128x50xi32, #tpu.memory_space<vmem>> -> memref<1x50xi32, #tpu.memory_space<vmem>>
    %dma_start3A_58 = tpu.memref_squeeze %dma_start3A_57 : memref<1x50xi32, #tpu.memory_space<vmem>> -> memref<50xi32, #tpu.memory_space<vmem>>
    %dma_start3A_59 = arith.constant 0 : i32
    %dma_start3A_60 = arith.constant 0 : i32
    %dma_start3A_61 = tpu.memref_slice %arg3[%dma_start3A_59, %dma_start3A_60] : memref<1000x64xf32, #tpu.memory_space<hbm>> -> memref<1000x64xf32, #tpu.memory_space<hbm>>
    tpu.enqueue_indirect_dma source(%dma_start3A_61 : memref<1000x64xf32, #tpu.memory_space<hbm>>) target(%dma_start3A_55 : memref<50x64xf32, #tpu.memory_space<vmem>>) offsets(%dma_start3A_58 : memref<50xi32, #tpu.memory_space<vmem>>) semaphore(%arg8 : memref<!tpu.dma_semaphore, #tpu.memory_space<semaphore_mem>>)
    %dma_start3A_62 = arith.constant 5 : i32
    %dma_start3A_63 = arith.constant 5 : i32
    %dma_start3A_64 = arith.constant 0 : i32
    %dma_start3A_65 = arith.constant 0 : i32
    %dma_start3A_66 = tpu.memref_slice %arg6[%dma_start3A_63, %dma_start3A_64, %dma_start3A_65] : memref<8x50x64xf32, #tpu.memory_space<vmem>> -> memref<1x50x64xf32, #tpu.memory_space<vmem>>
    %dma_start3A_67 = tpu.memref_squeeze %dma_start3A_66 : memref<1x50x64xf32, #tpu.memory_space<vmem>> -> memref<50x64xf32, #tpu.memory_space<vmem>>
    %dma_start3A_68 = arith.constant 0 : i32
    %dma_start3A_69 = tpu.memref_slice %arg5[%dma_start3A_62, %dma_start3A_68] : memref<128x50xi32, #tpu.memory_space<vmem>> -> memref<1x50xi32, #tpu.memory_space<vmem>>
    %dma_start3A_70 = tpu.memref_squeeze %dma_start3A_69 : memref<1x50xi32, #tpu.memory_space<vmem>> -> memref<50xi32, #tpu.memory_space<vmem>>
    %dma_start3A_71 = arith.constant 0 : i32
    %dma_start3A_72 = arith.constant 0 : i32
    %dma_start3A_73 = tpu.memref_slice %arg3[%dma_start3A_71, %dma_start3A_72] : memref<1000x64xf32, #tpu.memory_space<hbm>> -> memref<1000x64xf32, #tpu.memory_space<hbm>>
    tpu.enqueue_indirect_dma source(%dma_start3A_73 : memref<1000x64xf32, #tpu.memory_space<hbm>>) target(%dma_start3A_67 : memref<50x64xf32, #tpu.memory_space<vmem>>) offsets(%dma_start3A_70 : memref<50xi32, #tpu.memory_space<vmem>>) semaphore(%arg8 : memref<!tpu.dma_semaphore, #tpu.memory_space<semaphore_mem>>)
    %dma_start3A_74 = arith.constant 6 : i32
    %dma_start3A_75 = arith.constant 6 : i32
    %dma_start3A_76 = arith.constant 0 : i32
    %dma_start3A_77 = arith.constant 0 : i32
    %dma_start3A_78 = tpu.memref_slice %arg6[%dma_start3A_75, %dma_start3A_76, %dma_start3A_77] : memref<8x50x64xf32, #tpu.memory_space<vmem>> -> memref<1x50x64xf32, #tpu.memory_space<vmem>>
    %dma_start3A_79 = tpu.memref_squeeze %dma_start3A_78 : memref<1x50x64xf32, #tpu.memory_space<vmem>> -> memref<50x64xf32, #tpu.memory_space<vmem>>
    %dma_start3A_80 = arith.constant 0 : i32
    %dma_start3A_81 = tpu.memref_slice %arg5[%dma_start3A_74, %dma_start3A_80] : memref<128x50xi32, #tpu.memory_space<vmem>> -> memref<1x50xi32, #tpu.memory_space<vmem>>
    %dma_start3A_82 = tpu.memref_squeeze %dma_start3A_81 : memref<1x50xi32, #tpu.memory_space<vmem>> -> memref<50xi32, #tpu.memory_space<vmem>>
    %dma_start3A_83 = arith.constant 0 : i32
    %dma_start3A_84 = arith.constant 0 : i32
    %dma_start3A_85 = tpu.memref_slice %arg3[%dma_start3A_83, %dma_start3A_84] : memref<1000x64xf32, #tpu.memory_space<hbm>> -> memref<1000x64xf32, #tpu.memory_space<hbm>>
    tpu.enqueue_indirect_dma source(%dma_start3A_85 : memref<1000x64xf32, #tpu.memory_space<hbm>>) target(%dma_start3A_79 : memref<50x64xf32, #tpu.memory_space<vmem>>) offsets(%dma_start3A_82 : memref<50xi32, #tpu.memory_space<vmem>>) semaphore(%arg8 : memref<!tpu.dma_semaphore, #tpu.memory_space<semaphore_mem>>)
    %dma_start3A_86 = arith.constant 7 : i32
    %dma_start3A_87 = arith.constant 7 : i32
    %dma_start3A_88 = arith.constant 0 : i32
    %dma_start3A_89 = arith.constant 0 : i32
    %dma_start3A_90 = tpu.memref_slice %arg6[%dma_start3A_87, %dma_start3A_88, %dma_start3A_89] : memref<8x50x64xf32, #tpu.memory_space<vmem>> -> memref<1x50x64xf32, #tpu.memory_space<vmem>>
    %dma_start3A_91 = tpu.memref_squeeze %dma_start3A_90 : memref<1x50x64xf32, #tpu.memory_space<vmem>> -> memref<50x64xf32, #tpu.memory_space<vmem>>
    %dma_start3A_92 = arith.constant 0 : i32
    %dma_start3A_93 = tpu.memref_slice %arg5[%dma_start3A_86, %dma_start3A_92] : memref<128x50xi32, #tpu.memory_space<vmem>> -> memref<1x50xi32, #tpu.memory_space<vmem>>
    %dma_start3A_94 = tpu.memref_squeeze %dma_start3A_93 : memref<1x50xi32, #tpu.memory_space<vmem>> -> memref<50xi32, #tpu.memory_space<vmem>>
    %dma_start3A_95 = arith.constant 0 : i32
    %dma_start3A_96 = arith.constant 0 : i32
    %dma_start3A_97 = tpu.memref_slice %arg3[%dma_start3A_95, %dma_start3A_96] : memref<1000x64xf32, #tpu.memory_space<hbm>> -> memref<1000x64xf32, #tpu.memory_space<hbm>>
    tpu.enqueue_indirect_dma source(%dma_start3A_97 : memref<1000x64xf32, #tpu.memory_space<hbm>>) target(%dma_start3A_91 : memref<50x64xf32, #tpu.memory_space<vmem>>) offsets(%dma_start3A_94 : memref<50xi32, #tpu.memory_space<vmem>>) semaphore(%arg8 : memref<!tpu.dma_semaphore, #tpu.memory_space<semaphore_mem>>)
    %scan3A = arith.constant 0 : i32
    %scan3A_98 = arith.constant 0 : i32
    %scan3A_99 = arith.constant 8 : i32
    %scan3A_100 = arith.addi %scan3A_98, %scan3A_99 : i32
    %scan3A_101 = arith.constant 1 : i32
    scf.for %scan3A_103 = %scan3A_98 to %scan3A_100 step %scan3A_101  : i32 {
      %mul3A_104 = arith.constant 2 : i32
      %mul3A_105 = arith.muli %mul3A_104, %scan3A_103 : i32
      %add3A_106 = arith.constant 1 : i32
      %add3A_107 = arith.addi %mul3A_105, %add3A_106 : i32
      %mul3A_108 = arith.constant 8 : i32
      %mul3A_109 = arith.muli %add3A_107, %mul3A_108 : i32
      %add3A_110 = arith.constant 0 : i32
      %add3A_111 = arith.addi %mul3A_109, %add3A_110 : i32
      %dma_start3A_112 = arith.constant 0 : i32
      %dma_start3A_113 = arith.constant 0 : i32
      %dma_start3A_114 = arith.constant 0 : i32
      %dma_start3A_115 = tpu.memref_slice %arg7[%dma_start3A_112, %dma_start3A_113, %dma_start3A_114] : memref<8x50x64xf32, #tpu.memory_space<vmem>> -> memref<1x50x64xf32, #tpu.memory_space<vmem>>
      %dma_start3A_116 = tpu.memref_squeeze %dma_start3A_115 : memref<1x50x64xf32, #tpu.memory_space<vmem>> -> memref<50x64xf32, #tpu.memory_space<vmem>>
      %dma_start3A_117 = arith.constant 0 : i32
      %dma_start3A_118 = tpu.memref_slice %arg5[%add3A_111, %dma_start3A_117] : memref<128x50xi32, #tpu.memory_space<vmem>> -> memref<1x50xi32, #tpu.memory_space<vmem>>
      %dma_start3A_119 = tpu.memref_squeeze %dma_start3A_118 : memref<1x50xi32, #tpu.memory_space<vmem>> -> memref<50xi32, #tpu.memory_space<vmem>>
      %dma_start3A_120 = arith.constant 0 : i32
      %dma_start3A_121 = arith.constant 0 : i32
      %dma_start3A_122 = tpu.memref_slice %arg3[%dma_start3A_120, %dma_start3A_121] : memref<1000x64xf32, #tpu.memory_space<hbm>> -> memref<1000x64xf32, #tpu.memory_space<hbm>>
      tpu.enqueue_indirect_dma source(%dma_start3A_122 : memref<1000x64xf32, #tpu.memory_space<hbm>>) target(%dma_start3A_116 : memref<50x64xf32, #tpu.memory_space<vmem>>) offsets(%dma_start3A_119 : memref<50xi32, #tpu.memory_space<vmem>>) semaphore(%arg9 : memref<!tpu.dma_semaphore, #tpu.memory_space<semaphore_mem>>)
      %mul3A_123 = arith.constant 8 : i32
      %mul3A_124 = arith.muli %add3A_107, %mul3A_123 : i32
      %add3A_125 = arith.constant 1 : i32
      %add3A_126 = arith.addi %mul3A_124, %add3A_125 : i32
      %dma_start3A_127 = arith.constant 1 : i32
      %dma_start3A_128 = arith.constant 0 : i32
      %dma_start3A_129 = arith.constant 0 : i32
      %dma_start3A_130 = tpu.memref_slice %arg7[%dma_start3A_127, %dma_start3A_128, %dma_start3A_129] : memref<8x50x64xf32, #tpu.memory_space<vmem>> -> memref<1x50x64xf32, #tpu.memory_space<vmem>>
      %dma_start3A_131 = tpu.memref_squeeze %dma_start3A_130 : memref<1x50x64xf32, #tpu.memory_space<vmem>> -> memref<50x64xf32, #tpu.memory_space<vmem>>
      %dma_start3A_132 = arith.constant 0 : i32
      %dma_start3A_133 = tpu.memref_slice %arg5[%add3A_126, %dma_start3A_132] : memref<128x50xi32, #tpu.memory_space<vmem>> -> memref<1x50xi32, #tpu.memory_space<vmem>>
      %dma_start3A_134 = tpu.memref_squeeze %dma_start3A_133 : memref<1x50xi32, #tpu.memory_space<vmem>> -> memref<50xi32, #tpu.memory_space<vmem>>
      %dma_start3A_135 = arith.constant 0 : i32
      %dma_start3A_136 = arith.constant 0 : i32
      %dma_start3A_137 = tpu.memref_slice %arg3[%dma_start3A_135, %dma_start3A_136] : memref<1000x64xf32, #tpu.memory_space<hbm>> -> memref<1000x64xf32, #tpu.memory_space<hbm>>
      tpu.enqueue_indirect_dma source(%dma_start3A_137 : memref<1000x64xf32, #tpu.memory_space<hbm>>) target(%dma_start3A_131 : memref<50x64xf32, #tpu.memory_space<vmem>>) offsets(%dma_start3A_134 : memref<50xi32, #tpu.memory_space<vmem>>) semaphore(%arg9 : memref<!tpu.dma_semaphore, #tpu.memory_space<semaphore_mem>>)
      %mul3A_138 = arith.constant 8 : i32
      %mul3A_139 = arith.muli %add3A_107, %mul3A_138 : i32
      %add3A_140 = arith.constant 2 : i32
      %add3A_141 = arith.addi %mul3A_139, %add3A_140 : i32
      %dma_start3A_142 = arith.constant 2 : i32
      %dma_start3A_143 = arith.constant 0 : i32
      %dma_start3A_144 = arith.constant 0 : i32
      %dma_start3A_145 = tpu.memref_slice %arg7[%dma_start3A_142, %dma_start3A_143, %dma_start3A_144] : memref<8x50x64xf32, #tpu.memory_space<vmem>> -> memref<1x50x64xf32, #tpu.memory_space<vmem>>
      %dma_start3A_146 = tpu.memref_squeeze %dma_start3A_145 : memref<1x50x64xf32, #tpu.memory_space<vmem>> -> memref<50x64xf32, #tpu.memory_space<vmem>>
      %dma_start3A_147 = arith.constant 0 : i32
      %dma_start3A_148 = tpu.memref_slice %arg5[%add3A_141, %dma_start3A_147] : memref<128x50xi32, #tpu.memory_space<vmem>> -> memref<1x50xi32, #tpu.memory_space<vmem>>
      %dma_start3A_149 = tpu.memref_squeeze %dma_start3A_148 : memref<1x50xi32, #tpu.memory_space<vmem>> -> memref<50xi32, #tpu.memory_space<vmem>>
      %dma_start3A_150 = arith.constant 0 : i32
      %dma_start3A_151 = arith.constant 0 : i32
      %dma_start3A_152 = tpu.memref_slice %arg3[%dma_start3A_150, %dma_start3A_151] : memref<1000x64xf32, #tpu.memory_space<hbm>> -> memref<1000x64xf32, #tpu.memory_space<hbm>>
      tpu.enqueue_indirect_dma source(%dma_start3A_152 : memref<1000x64xf32, #tpu.memory_space<hbm>>) target(%dma_start3A_146 : memref<50x64xf32, #tpu.memory_space<vmem>>) offsets(%dma_start3A_149 : memref<50xi32, #tpu.memory_space<vmem>>) semaphore(%arg9 : memref<!tpu.dma_semaphore, #tpu.memory_space<semaphore_mem>>)
      %mul3A_153 = arith.constant 8 : i32
      %mul3A_154 = arith.muli %add3A_107, %mul3A_153 : i32
      %add3A_155 = arith.constant 3 : i32
      %add3A_156 = arith.addi %mul3A_154, %add3A_155 : i32
      %dma_start3A_157 = arith.constant 3 : i32
      %dma_start3A_158 = arith.constant 0 : i32
      %dma_start3A_159 = arith.constant 0 : i32
      %dma_start3A_160 = tpu.memref_slice %arg7[%dma_start3A_157, %dma_start3A_158, %dma_start3A_159] : memref<8x50x64xf32, #tpu.memory_space<vmem>> -> memref<1x50x64xf32, #tpu.memory_space<vmem>>
      %dma_start3A_161 = tpu.memref_squeeze %dma_start3A_160 : memref<1x50x64xf32, #tpu.memory_space<vmem>> -> memref<50x64xf32, #tpu.memory_space<vmem>>
      %dma_start3A_162 = arith.constant 0 : i32
      %dma_start3A_163 = tpu.memref_slice %arg5[%add3A_156, %dma_start3A_162] : memref<128x50xi32, #tpu.memory_space<vmem>> -> memref<1x50xi32, #tpu.memory_space<vmem>>
      %dma_start3A_164 = tpu.memref_squeeze %dma_start3A_163 : memref<1x50xi32, #tpu.memory_space<vmem>> -> memref<50xi32, #tpu.memory_space<vmem>>
      %dma_start3A_165 = arith.constant 0 : i32
      %dma_start3A_166 = arith.constant 0 : i32
      %dma_start3A_167 = tpu.memref_slice %arg3[%dma_start3A_165, %dma_start3A_166] : memref<1000x64xf32, #tpu.memory_space<hbm>> -> memref<1000x64xf32, #tpu.memory_space<hbm>>
      tpu.enqueue_indirect_dma source(%dma_start3A_167 : memref<1000x64xf32, #tpu.memory_space<hbm>>) target(%dma_start3A_161 : memref<50x64xf32, #tpu.memory_space<vmem>>) offsets(%dma_start3A_164 : memref<50xi32, #tpu.memory_space<vmem>>) semaphore(%arg9 : memref<!tpu.dma_semaphore, #tpu.memory_space<semaphore_mem>>)
      %mul3A_168 = arith.constant 8 : i32
      %mul3A_169 = arith.muli %add3A_107, %mul3A_168 : i32
      %add3A_170 = arith.constant 4 : i32
      %add3A_171 = arith.addi %mul3A_169, %add3A_170 : i32
      %dma_start3A_172 = arith.constant 4 : i32
      %dma_start3A_173 = arith.constant 0 : i32
      %dma_start3A_174 = arith.constant 0 : i32
      %dma_start3A_175 = tpu.memref_slice %arg7[%dma_start3A_172, %dma_start3A_173, %dma_start3A_174] : memref<8x50x64xf32, #tpu.memory_space<vmem>> -> memref<1x50x64xf32, #tpu.memory_space<vmem>>
      %dma_start3A_176 = tpu.memref_squeeze %dma_start3A_175 : memref<1x50x64xf32, #tpu.memory_space<vmem>> -> memref<50x64xf32, #tpu.memory_space<vmem>>
      %dma_start3A_177 = arith.constant 0 : i32
      %dma_start3A_178 = tpu.memref_slice %arg5[%add3A_171, %dma_start3A_177] : memref<128x50xi32, #tpu.memory_space<vmem>> -> memref<1x50xi32, #tpu.memory_space<vmem>>
      %dma_start3A_179 = tpu.memref_squeeze %dma_start3A_178 : memref<1x50xi32, #tpu.memory_space<vmem>> -> memref<50xi32, #tpu.memory_space<vmem>>
      %dma_start3A_180 = arith.constant 0 : i32
      %dma_start3A_181 = arith.constant 0 : i32
      %dma_start3A_182 = tpu.memref_slice %arg3[%dma_start3A_180, %dma_start3A_181] : memref<1000x64xf32, #tpu.memory_space<hbm>> -> memref<1000x64xf32, #tpu.memory_space<hbm>>
      tpu.enqueue_indirect_dma source(%dma_start3A_182 : memref<1000x64xf32, #tpu.memory_space<hbm>>) target(%dma_start3A_176 : memref<50x64xf32, #tpu.memory_space<vmem>>) offsets(%dma_start3A_179 : memref<50xi32, #tpu.memory_space<vmem>>) semaphore(%arg9 : memref<!tpu.dma_semaphore, #tpu.memory_space<semaphore_mem>>)
      %mul3A_183 = arith.constant 8 : i32
      %mul3A_184 = arith.muli %add3A_107, %mul3A_183 : i32
      %add3A_185 = arith.constant 5 : i32
      %add3A_186 = arith.addi %mul3A_184, %add3A_185 : i32
      %dma_start3A_187 = arith.constant 5 : i32
      %dma_start3A_188 = arith.constant 0 : i32
      %dma_start3A_189 = arith.constant 0 : i32
      %dma_start3A_190 = tpu.memref_slice %arg7[%dma_start3A_187, %dma_start3A_188, %dma_start3A_189] : memref<8x50x64xf32, #tpu.memory_space<vmem>> -> memref<1x50x64xf32, #tpu.memory_space<vmem>>
      %dma_start3A_191 = tpu.memref_squeeze %dma_start3A_190 : memref<1x50x64xf32, #tpu.memory_space<vmem>> -> memref<50x64xf32, #tpu.memory_space<vmem>>
      %dma_start3A_192 = arith.constant 0 : i32
      %dma_start3A_193 = tpu.memref_slice %arg5[%add3A_186, %dma_start3A_192] : memref<128x50xi32, #tpu.memory_space<vmem>> -> memref<1x50xi32, #tpu.memory_space<vmem>>
      %dma_start3A_194 = tpu.memref_squeeze %dma_start3A_193 : memref<1x50xi32, #tpu.memory_space<vmem>> -> memref<50xi32, #tpu.memory_space<vmem>>
      %dma_start3A_195 = arith.constant 0 : i32
      %dma_start3A_196 = arith.constant 0 : i32
      %dma_start3A_197 = tpu.memref_slice %arg3[%dma_start3A_195, %dma_start3A_196] : memref<1000x64xf32, #tpu.memory_space<hbm>> -> memref<1000x64xf32, #tpu.memory_space<hbm>>
      tpu.enqueue_indirect_dma source(%dma_start3A_197 : memref<1000x64xf32, #tpu.memory_space<hbm>>) target(%dma_start3A_191 : memref<50x64xf32, #tpu.memory_space<vmem>>) offsets(%dma_start3A_194 : memref<50xi32, #tpu.memory_space<vmem>>) semaphore(%arg9 : memref<!tpu.dma_semaphore, #tpu.memory_space<semaphore_mem>>)
      %mul3A_198 = arith.constant 8 : i32
      %mul3A_199 = arith.muli %add3A_107, %mul3A_198 : i32
      %add3A_200 = arith.constant 6 : i32
      %add3A_201 = arith.addi %mul3A_199, %add3A_200 : i32
      %dma_start3A_202 = arith.constant 6 : i32
      %dma_start3A_203 = arith.constant 0 : i32
      %dma_start3A_204 = arith.constant 0 : i32
      %dma_start3A_205 = tpu.memref_slice %arg7[%dma_start3A_202, %dma_start3A_203, %dma_start3A_204] : memref<8x50x64xf32, #tpu.memory_space<vmem>> -> memref<1x50x64xf32, #tpu.memory_space<vmem>>
      %dma_start3A_206 = tpu.memref_squeeze %dma_start3A_205 : memref<1x50x64xf32, #tpu.memory_space<vmem>> -> memref<50x64xf32, #tpu.memory_space<vmem>>
      %dma_start3A_207 = arith.constant 0 : i32
      %dma_start3A_208 = tpu.memref_slice %arg5[%add3A_201, %dma_start3A_207] : memref<128x50xi32, #tpu.memory_space<vmem>> -> memref<1x50xi32, #tpu.memory_space<vmem>>
      %dma_start3A_209 = tpu.memref_squeeze %dma_start3A_208 : memref<1x50xi32, #tpu.memory_space<vmem>> -> memref<50xi32, #tpu.memory_space<vmem>>
      %dma_start3A_210 = arith.constant 0 : i32
      %dma_start3A_211 = arith.constant 0 : i32
      %dma_start3A_212 = tpu.memref_slice %arg3[%dma_start3A_210, %dma_start3A_211] : memref<1000x64xf32, #tpu.memory_space<hbm>> -> memref<1000x64xf32, #tpu.memory_space<hbm>>
      tpu.enqueue_indirect_dma source(%dma_start3A_212 : memref<1000x64xf32, #tpu.memory_space<hbm>>) target(%dma_start3A_206 : memref<50x64xf32, #tpu.memory_space<vmem>>) offsets(%dma_start3A_209 : memref<50xi32, #tpu.memory_space<vmem>>) semaphore(%arg9 : memref<!tpu.dma_semaphore, #tpu.memory_space<semaphore_mem>>)
      %mul3A_213 = arith.constant 8 : i32
      %mul3A_214 = arith.muli %add3A_107, %mul3A_213 : i32
      %add3A_215 = arith.constant 7 : i32
      %add3A_216 = arith.addi %mul3A_214, %add3A_215 : i32
      %dma_start3A_217 = arith.constant 7 : i32
      %dma_start3A_218 = arith.constant 0 : i32
      %dma_start3A_219 = arith.constant 0 : i32
      %dma_start3A_220 = tpu.memref_slice %arg7[%dma_start3A_217, %dma_start3A_218, %dma_start3A_219] : memref<8x50x64xf32, #tpu.memory_space<vmem>> -> memref<1x50x64xf32, #tpu.memory_space<vmem>>
      %dma_start3A_221 = tpu.memref_squeeze %dma_start3A_220 : memref<1x50x64xf32, #tpu.memory_space<vmem>> -> memref<50x64xf32, #tpu.memory_space<vmem>>
      %dma_start3A_222 = arith.constant 0 : i32
      %dma_start3A_223 = tpu.memref_slice %arg5[%add3A_216, %dma_start3A_222] : memref<128x50xi32, #tpu.memory_space<vmem>> -> memref<1x50xi32, #tpu.memory_space<vmem>>
      %dma_start3A_224 = tpu.memref_squeeze %dma_start3A_223 : memref<1x50xi32, #tpu.memory_space<vmem>> -> memref<50xi32, #tpu.memory_space<vmem>>
      %dma_start3A_225 = arith.constant 0 : i32
      %dma_start3A_226 = arith.constant 0 : i32
      %dma_start3A_227 = tpu.memref_slice %arg3[%dma_start3A_225, %dma_start3A_226] : memref<1000x64xf32, #tpu.memory_space<hbm>> -> memref<1000x64xf32, #tpu.memory_space<hbm>>
      tpu.enqueue_indirect_dma source(%dma_start3A_227 : memref<1000x64xf32, #tpu.memory_space<hbm>>) target(%dma_start3A_221 : memref<50x64xf32, #tpu.memory_space<vmem>>) offsets(%dma_start3A_224 : memref<50xi32, #tpu.memory_space<vmem>>) semaphore(%arg9 : memref<!tpu.dma_semaphore, #tpu.memory_space<semaphore_mem>>)
      %mul3A_228 = arith.constant 8 : i32
      %mul3A_229 = arith.muli %mul3A_105, %mul3A_228 : i32
      %add3A_230 = arith.addi %mul3A_2, %mul3A_229 : i32
      %dma_wait3A = arith.constant 0 : i32
      %dma_wait3A_231 = arith.constant 0 : i32
      %dma_wait3A_232 = tpu.memref_slice %arg4[%add3A_230, %dma_wait3A, %dma_wait3A_231] : memref<4096x50x64xf32, #tpu.memory_space<hbm>> -> memref<8x50x64xf32, #tpu.memory_space<hbm>>
      %dma_wait3A_233 = arith.constant 0 : i32
      %dma_wait3A_234 = arith.constant 0 : i32
      %dma_wait3A_235 = tpu.memref_slice %arg4[%add3A_230, %dma_wait3A_233, %dma_wait3A_234] : memref<4096x50x64xf32, #tpu.memory_space<hbm>> -> memref<8x50x64xf32, #tpu.memory_space<hbm>>
      tpu.wait_dma2 semaphore(%arg8 : memref<!tpu.dma_semaphore, #tpu.memory_space<semaphore_mem>>) src(%dma_wait3A_235 : memref<8x50x64xf32, #tpu.memory_space<hbm>>) dst(%arg6 : memref<8x50x64xf32, #tpu.memory_space<vmem>>)
      "tpu.region"() ({
        %run_scoped3A = tpu.sem_alloc : memref<!tpu.dma_semaphore, #tpu.memory_space<semaphore_mem>>
        %dma_start3A_249 = arith.constant 0 : i32
        %dma_start3A_250 = arith.constant 0 : i32
        %dma_start3A_251 = tpu.memref_slice %arg4[%add3A_230, %dma_start3A_249, %dma_start3A_250] : memref<4096x50x64xf32, #tpu.memory_space<hbm>> -> memref<8x50x64xf32, #tpu.memory_space<hbm>>
        %dma_start3A_252 = arith.constant 0 : i32
        %dma_start3A_253 = arith.constant 0 : i32
        %dma_start3A_254 = tpu.memref_slice %arg4[%add3A_230, %dma_start3A_252, %dma_start3A_253] : memref<4096x50x64xf32, #tpu.memory_space<hbm>> -> memref<8x50x64xf32, #tpu.memory_space<hbm>>
        tpu.enqueue_dma source(%arg6 : memref<8x50x64xf32, #tpu.memory_space<vmem>>) target(%dma_start3A_254 : memref<8x50x64xf32, #tpu.memory_space<hbm>>) target_semaphore(%run_scoped3A : memref<!tpu.dma_semaphore, #tpu.memory_space<semaphore_mem>>)
        %dma_wait3A_255 = arith.constant 0 : i32
        %dma_wait3A_256 = arith.constant 0 : i32
        %dma_wait3A_257 = tpu.memref_slice %arg4[%add3A_230, %dma_wait3A_255, %dma_wait3A_256] : memref<4096x50x64xf32, #tpu.memory_space<hbm>> -> memref<8x50x64xf32, #tpu.memory_space<hbm>>
        %dma_wait3A_258 = arith.constant 0 : i32
        %dma_wait3A_259 = arith.constant 0 : i32
        %dma_wait3A_260 = tpu.memref_slice %arg4[%add3A_230, %dma_wait3A_258, %dma_wait3A_259] : memref<4096x50x64xf32, #tpu.memory_space<hbm>> -> memref<8x50x64xf32, #tpu.memory_space<hbm>>
        tpu.wait_dma2 semaphore(%run_scoped3A : memref<!tpu.dma_semaphore, #tpu.memory_space<semaphore_mem>>) src(%arg6 : memref<8x50x64xf32, #tpu.memory_space<vmem>>) dst(%dma_wait3A_260 : memref<8x50x64xf32, #tpu.memory_space<hbm>>)
        tpu.yield
      }) : () -> ()
      %lt3A = arith.constant 7 : i32
      %lt3A_236 = arith.cmpi slt, %scan3A_103, %lt3A : i32
      %convert_element_type3A = arith.extui %lt3A_236 : i1 to i32
      %cond3A = arith.constant 0 : i32
      %cond3A_237 = arith.cmpi ne, %convert_element_type3A, %cond3A : i32
      scf.if %cond3A_237 {
        %add3A_249 = arith.constant 2 : i32
        %add3A_250 = arith.addi %mul3A_105, %add3A_249 : i32
        %mul3A_251 = arith.constant 8 : i32
        %mul3A_252 = arith.muli %add3A_250, %mul3A_251 : i32
        %add3A_253 = arith.constant 0 : i32
        %add3A_254 = arith.addi %mul3A_252, %add3A_253 : i32
        %dma_start3A_255 = arith.constant 0 : i32
        %dma_start3A_256 = arith.constant 0 : i32
        %dma_start3A_257 = arith.constant 0 : i32
        %dma_start3A_258 = tpu.memref_slice %arg6[%dma_start3A_255, %dma_start3A_256, %dma_start3A_257] : memref<8x50x64xf32, #tpu.memory_space<vmem>> -> memref<1x50x64xf32, #tpu.memory_space<vmem>>
        %dma_start3A_259 = tpu.memref_squeeze %dma_start3A_258 : memref<1x50x64xf32, #tpu.memory_space<vmem>> -> memref<50x64xf32, #tpu.memory_space<vmem>>
        %dma_start3A_260 = arith.constant 0 : i32
        %dma_start3A_261 = tpu.memref_slice %arg5[%add3A_254, %dma_start3A_260] : memref<128x50xi32, #tpu.memory_space<vmem>> -> memref<1x50xi32, #tpu.memory_space<vmem>>
        %dma_start3A_262 = tpu.memref_squeeze %dma_start3A_261 : memref<1x50xi32, #tpu.memory_space<vmem>> -> memref<50xi32, #tpu.memory_space<vmem>>
        %dma_start3A_263 = arith.constant 0 : i32
        %dma_start3A_264 = arith.constant 0 : i32
        %dma_start3A_265 = tpu.memref_slice %arg3[%dma_start3A_263, %dma_start3A_264] : memref<1000x64xf32, #tpu.memory_space<hbm>> -> memref<1000x64xf32, #tpu.memory_space<hbm>>
        tpu.enqueue_indirect_dma source(%dma_start3A_265 : memref<1000x64xf32, #tpu.memory_space<hbm>>) target(%dma_start3A_259 : memref<50x64xf32, #tpu.memory_space<vmem>>) offsets(%dma_start3A_262 : memref<50xi32, #tpu.memory_space<vmem>>) semaphore(%arg8 : memref<!tpu.dma_semaphore, #tpu.memory_space<semaphore_mem>>)
        %mul3A_266 = arith.constant 8 : i32
        %mul3A_267 = arith.muli %add3A_250, %mul3A_266 : i32
        %add3A_268 = arith.constant 1 : i32
        %add3A_269 = arith.addi %mul3A_267, %add3A_268 : i32
        %dma_start3A_270 = arith.constant 1 : i32
        %dma_start3A_271 = arith.constant 0 : i32
        %dma_start3A_272 = arith.constant 0 : i32
        %dma_start3A_273 = tpu.memref_slice %arg6[%dma_start3A_270, %dma_start3A_271, %dma_start3A_272] : memref<8x50x64xf32, #tpu.memory_space<vmem>> -> memref<1x50x64xf32, #tpu.memory_space<vmem>>
        %dma_start3A_274 = tpu.memref_squeeze %dma_start3A_273 : memref<1x50x64xf32, #tpu.memory_space<vmem>> -> memref<50x64xf32, #tpu.memory_space<vmem>>
        %dma_start3A_275 = arith.constant 0 : i32
        %dma_start3A_276 = tpu.memref_slice %arg5[%add3A_269, %dma_start3A_275] : memref<128x50xi32, #tpu.memory_space<vmem>> -> memref<1x50xi32, #tpu.memory_space<vmem>>
        %dma_start3A_277 = tpu.memref_squeeze %dma_start3A_276 : memref<1x50xi32, #tpu.memory_space<vmem>> -> memref<50xi32, #tpu.memory_space<vmem>>
        %dma_start3A_278 = arith.constant 0 : i32
        %dma_start3A_279 = arith.constant 0 : i32
        %dma_start3A_280 = tpu.memref_slice %arg3[%dma_start3A_278, %dma_start3A_279] : memref<1000x64xf32, #tpu.memory_space<hbm>> -> memref<1000x64xf32, #tpu.memory_space<hbm>>
        tpu.enqueue_indirect_dma source(%dma_start3A_280 : memref<1000x64xf32, #tpu.memory_space<hbm>>) target(%dma_start3A_274 : memref<50x64xf32, #tpu.memory_space<vmem>>) offsets(%dma_start3A_277 : memref<50xi32, #tpu.memory_space<vmem>>) semaphore(%arg8 : memref<!tpu.dma_semaphore, #tpu.memory_space<semaphore_mem>>)
        %mul3A_281 = arith.constant 8 : i32
        %mul3A_282 = arith.muli %add3A_250, %mul3A_281 : i32
        %add3A_283 = arith.constant 2 : i32
        %add3A_284 = arith.addi %mul3A_282, %add3A_283 : i32
        %dma_start3A_285 = arith.constant 2 : i32
        %dma_start3A_286 = arith.constant 0 : i32
        %dma_start3A_287 = arith.constant 0 : i32
        %dma_start3A_288 = tpu.memref_slice %arg6[%dma_start3A_285, %dma_start3A_286, %dma_start3A_287] : memref<8x50x64xf32, #tpu.memory_space<vmem>> -> memref<1x50x64xf32, #tpu.memory_space<vmem>>
        %dma_start3A_289 = tpu.memref_squeeze %dma_start3A_288 : memref<1x50x64xf32, #tpu.memory_space<vmem>> -> memref<50x64xf32, #tpu.memory_space<vmem>>
        %dma_start3A_290 = arith.constant 0 : i32
        %dma_start3A_291 = tpu.memref_slice %arg5[%add3A_284, %dma_start3A_290] : memref<128x50xi32, #tpu.memory_space<vmem>> -> memref<1x50xi32, #tpu.memory_space<vmem>>
        %dma_start3A_292 = tpu.memref_squeeze %dma_start3A_291 : memref<1x50xi32, #tpu.memory_space<vmem>> -> memref<50xi32, #tpu.memory_space<vmem>>
        %dma_start3A_293 = arith.constant 0 : i32
        %dma_start3A_294 = arith.constant 0 : i32
        %dma_start3A_295 = tpu.memref_slice %arg3[%dma_start3A_293, %dma_start3A_294] : memref<1000x64xf32, #tpu.memory_space<hbm>> -> memref<1000x64xf32, #tpu.memory_space<hbm>>
        tpu.enqueue_indirect_dma source(%dma_start3A_295 : memref<1000x64xf32, #tpu.memory_space<hbm>>) target(%dma_start3A_289 : memref<50x64xf32, #tpu.memory_space<vmem>>) offsets(%dma_start3A_292 : memref<50xi32, #tpu.memory_space<vmem>>) semaphore(%arg8 : memref<!tpu.dma_semaphore, #tpu.memory_space<semaphore_mem>>)
        %mul3A_296 = arith.constant 8 : i32
        %mul3A_297 = arith.muli %add3A_250, %mul3A_296 : i32
        %add3A_298 = arith.constant 3 : i32
        %add3A_299 = arith.addi %mul3A_297, %add3A_298 : i32
        %dma_start3A_300 = arith.constant 3 : i32
        %dma_start3A_301 = arith.constant 0 : i32
        %dma_start3A_302 = arith.constant 0 : i32
        %dma_start3A_303 = tpu.memref_slice %arg6[%dma_start3A_300, %dma_start3A_301, %dma_start3A_302] : memref<8x50x64xf32, #tpu.memory_space<vmem>> -> memref<1x50x64xf32, #tpu.memory_space<vmem>>
        %dma_start3A_304 = tpu.memref_squeeze %dma_start3A_303 : memref<1x50x64xf32, #tpu.memory_space<vmem>> -> memref<50x64xf32, #tpu.memory_space<vmem>>
        %dma_start3A_305 = arith.constant 0 : i32
        %dma_start3A_306 = tpu.memref_slice %arg5[%add3A_299, %dma_start3A_305] : memref<128x50xi32, #tpu.memory_space<vmem>> -> memref<1x50xi32, #tpu.memory_space<vmem>>
        %dma_start3A_307 = tpu.memref_squeeze %dma_start3A_306 : memref<1x50xi32, #tpu.memory_space<vmem>> -> memref<50xi32, #tpu.memory_space<vmem>>
        %dma_start3A_308 = arith.constant 0 : i32
        %dma_start3A_309 = arith.constant 0 : i32
        %dma_start3A_310 = tpu.memref_slice %arg3[%dma_start3A_308, %dma_start3A_309] : memref<1000x64xf32, #tpu.memory_space<hbm>> -> memref<1000x64xf32, #tpu.memory_space<hbm>>
        tpu.enqueue_indirect_dma source(%dma_start3A_310 : memref<1000x64xf32, #tpu.memory_space<hbm>>) target(%dma_start3A_304 : memref<50x64xf32, #tpu.memory_space<vmem>>) offsets(%dma_start3A_307 : memref<50xi32, #tpu.memory_space<vmem>>) semaphore(%arg8 : memref<!tpu.dma_semaphore, #tpu.memory_space<semaphore_mem>>)
        %mul3A_311 = arith.constant 8 : i32
        %mul3A_312 = arith.muli %add3A_250, %mul3A_311 : i32
        %add3A_313 = arith.constant 4 : i32
        %add3A_314 = arith.addi %mul3A_312, %add3A_313 : i32
        %dma_start3A_315 = arith.constant 4 : i32
        %dma_start3A_316 = arith.constant 0 : i32
        %dma_start3A_317 = arith.constant 0 : i32
        %dma_start3A_318 = tpu.memref_slice %arg6[%dma_start3A_315, %dma_start3A_316, %dma_start3A_317] : memref<8x50x64xf32, #tpu.memory_space<vmem>> -> memref<1x50x64xf32, #tpu.memory_space<vmem>>
        %dma_start3A_319 = tpu.memref_squeeze %dma_start3A_318 : memref<1x50x64xf32, #tpu.memory_space<vmem>> -> memref<50x64xf32, #tpu.memory_space<vmem>>
        %dma_start3A_320 = arith.constant 0 : i32
        %dma_start3A_321 = tpu.memref_slice %arg5[%add3A_314, %dma_start3A_320] : memref<128x50xi32, #tpu.memory_space<vmem>> -> memref<1x50xi32, #tpu.memory_space<vmem>>
        %dma_start3A_322 = tpu.memref_squeeze %dma_start3A_321 : memref<1x50xi32, #tpu.memory_space<vmem>> -> memref<50xi32, #tpu.memory_space<vmem>>
        %dma_start3A_323 = arith.constant 0 : i32
        %dma_start3A_324 = arith.constant 0 : i32
        %dma_start3A_325 = tpu.memref_slice %arg3[%dma_start3A_323, %dma_start3A_324] : memref<1000x64xf32, #tpu.memory_space<hbm>> -> memref<1000x64xf32, #tpu.memory_space<hbm>>
        tpu.enqueue_indirect_dma source(%dma_start3A_325 : memref<1000x64xf32, #tpu.memory_space<hbm>>) target(%dma_start3A_319 : memref<50x64xf32, #tpu.memory_space<vmem>>) offsets(%dma_start3A_322 : memref<50xi32, #tpu.memory_space<vmem>>) semaphore(%arg8 : memref<!tpu.dma_semaphore, #tpu.memory_space<semaphore_mem>>)
        %mul3A_326 = arith.constant 8 : i32
        %mul3A_327 = arith.muli %add3A_250, %mul3A_326 : i32
        %add3A_328 = arith.constant 5 : i32
        %add3A_329 = arith.addi %mul3A_327, %add3A_328 : i32
        %dma_start3A_330 = arith.constant 5 : i32
        %dma_start3A_331 = arith.constant 0 : i32
        %dma_start3A_332 = arith.constant 0 : i32
        %dma_start3A_333 = tpu.memref_slice %arg6[%dma_start3A_330, %dma_start3A_331, %dma_start3A_332] : memref<8x50x64xf32, #tpu.memory_space<vmem>> -> memref<1x50x64xf32, #tpu.memory_space<vmem>>
        %dma_start3A_334 = tpu.memref_squeeze %dma_start3A_333 : memref<1x50x64xf32, #tpu.memory_space<vmem>> -> memref<50x64xf32, #tpu.memory_space<vmem>>
        %dma_start3A_335 = arith.constant 0 : i32
        %dma_start3A_336 = tpu.memref_slice %arg5[%add3A_329, %dma_start3A_335] : memref<128x50xi32, #tpu.memory_space<vmem>> -> memref<1x50xi32, #tpu.memory_space<vmem>>
        %dma_start3A_337 = tpu.memref_squeeze %dma_start3A_336 : memref<1x50xi32, #tpu.memory_space<vmem>> -> memref<50xi32, #tpu.memory_space<vmem>>
        %dma_start3A_338 = arith.constant 0 : i32
        %dma_start3A_339 = arith.constant 0 : i32
        %dma_start3A_340 = tpu.memref_slice %arg3[%dma_start3A_338, %dma_start3A_339] : memref<1000x64xf32, #tpu.memory_space<hbm>> -> memref<1000x64xf32, #tpu.memory_space<hbm>>
        tpu.enqueue_indirect_dma source(%dma_start3A_340 : memref<1000x64xf32, #tpu.memory_space<hbm>>) target(%dma_start3A_334 : memref<50x64xf32, #tpu.memory_space<vmem>>) offsets(%dma_start3A_337 : memref<50xi32, #tpu.memory_space<vmem>>) semaphore(%arg8 : memref<!tpu.dma_semaphore, #tpu.memory_space<semaphore_mem>>)
        %mul3A_341 = arith.constant 8 : i32
        %mul3A_342 = arith.muli %add3A_250, %mul3A_341 : i32
        %add3A_343 = arith.constant 6 : i32
        %add3A_344 = arith.addi %mul3A_342, %add3A_343 : i32
        %dma_start3A_345 = arith.constant 6 : i32
        %dma_start3A_346 = arith.constant 0 : i32
        %dma_start3A_347 = arith.constant 0 : i32
        %dma_start3A_348 = tpu.memref_slice %arg6[%dma_start3A_345, %dma_start3A_346, %dma_start3A_347] : memref<8x50x64xf32, #tpu.memory_space<vmem>> -> memref<1x50x64xf32, #tpu.memory_space<vmem>>
        %dma_start3A_349 = tpu.memref_squeeze %dma_start3A_348 : memref<1x50x64xf32, #tpu.memory_space<vmem>> -> memref<50x64xf32, #tpu.memory_space<vmem>>
        %dma_start3A_350 = arith.constant 0 : i32
        %dma_start3A_351 = tpu.memref_slice %arg5[%add3A_344, %dma_start3A_350] : memref<128x50xi32, #tpu.memory_space<vmem>> -> memref<1x50xi32, #tpu.memory_space<vmem>>
        %dma_start3A_352 = tpu.memref_squeeze %dma_start3A_351 : memref<1x50xi32, #tpu.memory_space<vmem>> -> memref<50xi32, #tpu.memory_space<vmem>>
        %dma_start3A_353 = arith.constant 0 : i32
        %dma_start3A_354 = arith.constant 0 : i32
        %dma_start3A_355 = tpu.memref_slice %arg3[%dma_start3A_353, %dma_start3A_354] : memref<1000x64xf32, #tpu.memory_space<hbm>> -> memref<1000x64xf32, #tpu.memory_space<hbm>>
        tpu.enqueue_indirect_dma source(%dma_start3A_355 : memref<1000x64xf32, #tpu.memory_space<hbm>>) target(%dma_start3A_349 : memref<50x64xf32, #tpu.memory_space<vmem>>) offsets(%dma_start3A_352 : memref<50xi32, #tpu.memory_space<vmem>>) semaphore(%arg8 : memref<!tpu.dma_semaphore, #tpu.memory_space<semaphore_mem>>)
        %mul3A_356 = arith.constant 8 : i32
        %mul3A_357 = arith.muli %add3A_250, %mul3A_356 : i32
        %add3A_358 = arith.constant 7 : i32
        %add3A_359 = arith.addi %mul3A_357, %add3A_358 : i32
        %dma_start3A_360 = arith.constant 7 : i32
        %dma_start3A_361 = arith.constant 0 : i32
        %dma_start3A_362 = arith.constant 0 : i32
        %dma_start3A_363 = tpu.memref_slice %arg6[%dma_start3A_360, %dma_start3A_361, %dma_start3A_362] : memref<8x50x64xf32, #tpu.memory_space<vmem>> -> memref<1x50x64xf32, #tpu.memory_space<vmem>>
        %dma_start3A_364 = tpu.memref_squeeze %dma_start3A_363 : memref<1x50x64xf32, #tpu.memory_space<vmem>> -> memref<50x64xf32, #tpu.memory_space<vmem>>
        %dma_start3A_365 = arith.constant 0 : i32
        %dma_start3A_366 = tpu.memref_slice %arg5[%add3A_359, %dma_start3A_365] : memref<128x50xi32, #tpu.memory_space<vmem>> -> memref<1x50xi32, #tpu.memory_space<vmem>>
        %dma_start3A_367 = tpu.memref_squeeze %dma_start3A_366 : memref<1x50xi32, #tpu.memory_space<vmem>> -> memref<50xi32, #tpu.memory_space<vmem>>
        %dma_start3A_368 = arith.constant 0 : i32
        %dma_start3A_369 = arith.constant 0 : i32
        %dma_start3A_370 = tpu.memref_slice %arg3[%dma_start3A_368, %dma_start3A_369] : memref<1000x64xf32, #tpu.memory_space<hbm>> -> memref<1000x64xf32, #tpu.memory_space<hbm>>
        tpu.enqueue_indirect_dma source(%dma_start3A_370 : memref<1000x64xf32, #tpu.memory_space<hbm>>) target(%dma_start3A_364 : memref<50x64xf32, #tpu.memory_space<vmem>>) offsets(%dma_start3A_367 : memref<50xi32, #tpu.memory_space<vmem>>) semaphore(%arg8 : memref<!tpu.dma_semaphore, #tpu.memory_space<semaphore_mem>>)
      } else {
      }
      %add3A_238 = arith.constant 1 : i32
      %add3A_239 = arith.addi %mul3A_105, %add3A_238 : i32
      %mul3A_240 = arith.constant 8 : i32
      %mul3A_241 = arith.muli %add3A_239, %mul3A_240 : i32
      %add3A_242 = arith.addi %mul3A_2, %mul3A_241 : i32
      %dma_wait3A_243 = arith.constant 0 : i32
      %dma_wait3A_244 = arith.constant 0 : i32
      %dma_wait3A_245 = tpu.memref_slice %arg4[%add3A_242, %dma_wait3A_243, %dma_wait3A_244] : memref<4096x50x64xf32, #tpu.memory_space<hbm>> -> memref<8x50x64xf32, #tpu.memory_space<hbm>>
      %dma_wait3A_246 = arith.constant 0 : i32
      %dma_wait3A_247 = arith.constant 0 : i32
      %dma_wait3A_248 = tpu.memref_slice %arg4[%add3A_242, %dma_wait3A_246, %dma_wait3A_247] : memref<4096x50x64xf32, #tpu.memory_space<hbm>> -> memref<8x50x64xf32, #tpu.memory_space<hbm>>
      tpu.wait_dma2 semaphore(%arg9 : memref<!tpu.dma_semaphore, #tpu.memory_space<semaphore_mem>>) src(%dma_wait3A_248 : memref<8x50x64xf32, #tpu.memory_space<hbm>>) dst(%arg7 : memref<8x50x64xf32, #tpu.memory_space<vmem>>)
      "tpu.region"() ({
        %run_scoped3A = tpu.sem_alloc : memref<!tpu.dma_semaphore, #tpu.memory_space<semaphore_mem>>
        %dma_start3A_249 = arith.constant 0 : i32
        %dma_start3A_250 = arith.constant 0 : i32
        %dma_start3A_251 = tpu.memref_slice %arg4[%add3A_242, %dma_start3A_249, %dma_start3A_250] : memref<4096x50x64xf32, #tpu.memory_space<hbm>> -> memref<8x50x64xf32, #tpu.memory_space<hbm>>
        %dma_start3A_252 = arith.constant 0 : i32
        %dma_start3A_253 = arith.constant 0 : i32
        %dma_start3A_254 = tpu.memref_slice %arg4[%add3A_242, %dma_start3A_252, %dma_start3A_253] : memref<4096x50x64xf32, #tpu.memory_space<hbm>> -> memref<8x50x64xf32, #tpu.memory_space<hbm>>
        tpu.enqueue_dma source(%arg7 : memref<8x50x64xf32, #tpu.memory_space<vmem>>) target(%dma_start3A_254 : memref<8x50x64xf32, #tpu.memory_space<hbm>>) target_semaphore(%run_scoped3A : memref<!tpu.dma_semaphore, #tpu.memory_space<semaphore_mem>>)
        %dma_wait3A_255 = arith.constant 0 : i32
        %dma_wait3A_256 = arith.constant 0 : i32
        %dma_wait3A_257 = tpu.memref_slice %arg4[%add3A_242, %dma_wait3A_255, %dma_wait3A_256] : memref<4096x50x64xf32, #tpu.memory_space<hbm>> -> memref<8x50x64xf32, #tpu.memory_space<hbm>>
        %dma_wait3A_258 = arith.constant 0 : i32
        %dma_wait3A_259 = arith.constant 0 : i32
        %dma_wait3A_260 = tpu.memref_slice %arg4[%add3A_242, %dma_wait3A_258, %dma_wait3A_259] : memref<4096x50x64xf32, #tpu.memory_space<hbm>> -> memref<8x50x64xf32, #tpu.memory_space<hbm>>
        tpu.wait_dma2 semaphore(%run_scoped3A : memref<!tpu.dma_semaphore, #tpu.memory_space<semaphore_mem>>) src(%arg7 : memref<8x50x64xf32, #tpu.memory_space<vmem>>) dst(%dma_wait3A_260 : memref<8x50x64xf32, #tpu.memory_space<hbm>>)
        tpu.yield
      }) : () -> ()
    }
    %scan3A_102 = arith.constant 8 : i32
    return
  }
}

#map = affine_map<(d0, d1) -> (0, 0, 0)>
#map1 = affine_map<(d0, d1) -> (0, 0)>
module attributes {stable_mosaic.version = 14 : i64} {
  func.func @k(%arg0: i32, %arg1: i32, %arg2: memref<32x128x50xi32, #tpu.memory_space<hbm>>, %arg3: memref<1000x64xf32, #tpu.memory_space<hbm>>, %arg4: memref<4096x50x64xf32, #tpu.memory_space<hbm>>, %arg5: memref<128x50xi32, #tpu.memory_space<vmem>>, %arg6: memref<8x50x64xf32, #tpu.memory_space<vmem>>, %arg7: memref<8x50x64xf32, #tpu.memory_space<vmem>>, %arg8: memref<!tpu.dma_semaphore, #tpu.memory_space<semaphore_mem>>, %arg9: memref<!tpu.dma_semaphore, #tpu.memory_space<semaphore_mem>>) attributes {dimension_semantics = [#tpu.dimension_semantics<core_parallel>, #tpu.dimension_semantics<subcore_parallel>], iteration_bounds = array<i64: 2, 16>, scalar_prefetch = 0 : i64, scratch_operands = 5 : i64, tpu.core_type = #tpu.core_type<sc_vector_subcore>, window_params = [{transform_indices = #map}, {transform_indices = #map1}, {transform_indices = #map}]} {
    %mul3A = arith.constant 2 : i32
    %mul3A_0 = arith.muli %arg1, %mul3A : i32
    %add3A = arith.addi %mul3A_0, %arg0 : i32
    %mul3A_1 = arith.constant 128 : i32
    %mul3A_2 = arith.muli %add3A, %mul3A_1 : i32
    "tpu.region"() ({
      %run_scoped3A = tpu.sem_alloc : memref<!tpu.dma_semaphore, #tpu.memory_space<semaphore_mem>>
      %dma_start3A_103 = arith.constant 0 : i32
      %dma_start3A_104 = arith.constant 0 : i32
      %dma_start3A_105 = tpu.memref_slice %arg2[%add3A, %dma_start3A_103, %dma_start3A_104] : memref<32x128x50xi32, #tpu.memory_space<hbm>> -> memref<1x128x50xi32, #tpu.memory_space<hbm>>
      %dma_start3A_106 = tpu.memref_squeeze %dma_start3A_105 : memref<1x128x50xi32, #tpu.memory_space<hbm>> -> memref<128x50xi32, #tpu.memory_space<hbm>>
      %dma_start3A_107 = arith.constant 0 : i32
      %dma_start3A_108 = arith.constant 0 : i32
      %dma_start3A_109 = tpu.memref_slice %arg2[%add3A, %dma_start3A_107, %dma_start3A_108] : memref<32x128x50xi32, #tpu.memory_space<hbm>> -> memref<1x128x50xi32, #tpu.memory_space<hbm>>
      %dma_start3A_110 = tpu.memref_squeeze %dma_start3A_109 : memref<1x128x50xi32, #tpu.memory_space<hbm>> -> memref<128x50xi32, #tpu.memory_space<hbm>>
      tpu.enqueue_dma source(%dma_start3A_110 : memref<128x50xi32, #tpu.memory_space<hbm>>) target(%arg5 : memref<128x50xi32, #tpu.memory_space<vmem>>) target_semaphore(%run_scoped3A : memref<!tpu.dma_semaphore, #tpu.memory_space<semaphore_mem>>)
      %dma_wait3A = arith.constant 0 : i32
      %dma_wait3A_111 = arith.constant 0 : i32
      %dma_wait3A_112 = tpu.memref_slice %arg2[%add3A, %dma_wait3A, %dma_wait3A_111] : memref<32x128x50xi32, #tpu.memory_space<hbm>> -> memref<1x128x50xi32, #tpu.memory_space<hbm>>
      %dma_wait3A_113 = tpu.memref_squeeze %dma_wait3A_112 : memref<1x128x50xi32, #tpu.memory_space<hbm>> -> memref<128x50xi32, #tpu.memory_space<hbm>>
      %dma_wait3A_114 = arith.constant 0 : i32
      %dma_wait3A_115 = arith.constant 0 : i32
      %dma_wait3A_116 = tpu.memref_slice %arg2[%add3A, %dma_wait3A_114, %dma_wait3A_115] : memref<32x128x50xi32, #tpu.memory_space<hbm>> -> memref<1x128x50xi32, #tpu.memory_space<hbm>>
      %dma_wait3A_117 = tpu.memref_squeeze %dma_wait3A_116 : memref<1x128x50xi32, #tpu.memory_space<hbm>> -> memref<128x50xi32, #tpu.memory_space<hbm>>
      tpu.wait_dma2 semaphore(%run_scoped3A : memref<!tpu.dma_semaphore, #tpu.memory_space<semaphore_mem>>) src(%dma_wait3A_117 : memref<128x50xi32, #tpu.memory_space<hbm>>) dst(%arg5 : memref<128x50xi32, #tpu.memory_space<vmem>>)
      tpu.yield
    }) : () -> ()
    %dma_start3A = arith.constant 0 : i32
    %dma_start3A_3 = arith.constant 0 : i32
    %dma_start3A_4 = arith.constant 0 : i32
    %dma_start3A_5 = arith.constant 0 : i32
    %dma_start3A_6 = tpu.memref_slice %arg6[%dma_start3A_3, %dma_start3A_4, %dma_start3A_5] : memref<8x50x64xf32, #tpu.memory_space<vmem>> -> memref<1x50x64xf32, #tpu.memory_space<vmem>>
    %dma_start3A_7 = tpu.memref_squeeze %dma_start3A_6 : memref<1x50x64xf32, #tpu.memory_space<vmem>> -> memref<50x64xf32, #tpu.memory_space<vmem>>
    %dma_start3A_8 = arith.constant 0 : i32
    %dma_start3A_9 = tpu.memref_slice %arg5[%dma_start3A, %dma_start3A_8] : memref<128x50xi32, #tpu.memory_space<vmem>> -> memref<1x50xi32, #tpu.memory_space<vmem>>
    %dma_start3A_10 = tpu.memref_squeeze %dma_start3A_9 : memref<1x50xi32, #tpu.memory_space<vmem>> -> memref<50xi32, #tpu.memory_space<vmem>>
    %dma_start3A_11 = arith.constant 0 : i32
    %dma_start3A_12 = arith.constant 0 : i32
    %dma_start3A_13 = tpu.memref_slice %arg3[%dma_start3A_11, %dma_start3A_12] : memref<1000x64xf32, #tpu.memory_space<hbm>> -> memref<1000x64xf32, #tpu.memory_space<hbm>>
    tpu.enqueue_indirect_dma source(%dma_start3A_13 : memref<1000x64xf32, #tpu.memory_space<hbm>>) target(%dma_start3A_7 : memref<50x64xf32, #tpu.memory_space<vmem>>) offsets(%dma_start3A_10 : memref<50xi32, #tpu.memory_space<vmem>>) semaphore(%arg8 : memref<!tpu.dma_semaphore, #tpu.memory_space<semaphore_mem>>)
    %dma_start3A_14 = arith.constant 1 : i32
    %dma_start3A_15 = arith.constant 1 : i32
    %dma_start3A_16 = arith.constant 0 : i32
    %dma_start3A_17 = arith.constant 0 : i32
    %dma_start3A_18 = tpu.memref_slice %arg6[%dma_start3A_15, %dma_start3A_16, %dma_start3A_17] : memref<8x50x64xf32, #tpu.memory_space<vmem>> -> memref<1x50x64xf32, #tpu.memory_space<vmem>>
    %dma_start3A_19 = tpu.memref_squeeze %dma_start3A_18 : memref<1x50x64xf32, #tpu.memory_space<vmem>> -> memref<50x64xf32, #tpu.memory_space<vmem>>
    %dma_start3A_20 = arith.constant 0 : i32
    %dma_start3A_21 = tpu.memref_slice %arg5[%dma_start3A_14, %dma_start3A_20] : memref<128x50xi32, #tpu.memory_space<vmem>> -> memref<1x50xi32, #tpu.memory_space<vmem>>
    %dma_start3A_22 = tpu.memref_squeeze %dma_start3A_21 : memref<1x50xi32, #tpu.memory_space<vmem>> -> memref<50xi32, #tpu.memory_space<vmem>>
    %dma_start3A_23 = arith.constant 0 : i32
    %dma_start3A_24 = arith.constant 0 : i32
    %dma_start3A_25 = tpu.memref_slice %arg3[%dma_start3A_23, %dma_start3A_24] : memref<1000x64xf32, #tpu.memory_space<hbm>> -> memref<1000x64xf32, #tpu.memory_space<hbm>>
    tpu.enqueue_indirect_dma source(%dma_start3A_25 : memref<1000x64xf32, #tpu.memory_space<hbm>>) target(%dma_start3A_19 : memref<50x64xf32, #tpu.memory_space<vmem>>) offsets(%dma_start3A_22 : memref<50xi32, #tpu.memory_space<vmem>>) semaphore(%arg8 : memref<!tpu.dma_semaphore, #tpu.memory_space<semaphore_mem>>)
    %dma_start3A_26 = arith.constant 2 : i32
    %dma_start3A_27 = arith.constant 2 : i32
    %dma_start3A_28 = arith.constant 0 : i32
    %dma_start3A_29 = arith.constant 0 : i32
    %dma_start3A_30 = tpu.memref_slice %arg6[%dma_start3A_27, %dma_start3A_28, %dma_start3A_29] : memref<8x50x64xf32, #tpu.memory_space<vmem>> -> memref<1x50x64xf32, #tpu.memory_space<vmem>>
    %dma_start3A_31 = tpu.memref_squeeze %dma_start3A_30 : memref<1x50x64xf32, #tpu.memory_space<vmem>> -> memref<50x64xf32, #tpu.memory_space<vmem>>
    %dma_start3A_32 = arith.constant 0 : i32
    %dma_start3A_33 = tpu.memref_slice %arg5[%dma_start3A_26, %dma_start3A_32] : memref<128x50xi32, #tpu.memory_space<vmem>> -> memref<1x50xi32, #tpu.memory_space<vmem>>
    %dma_start3A_34 = tpu.memref_squeeze %dma_start3A_33 : memref<1x50xi32, #tpu.memory_space<vmem>> -> memref<50xi32, #tpu.memory_space<vmem>>
    %dma_start3A_35 = arith.constant 0 : i32
    %dma_start3A_36 = arith.constant 0 : i32
    %dma_start3A_37 = tpu.memref_slice %arg3[%dma_start3A_35, %dma_start3A_36] : memref<1000x64xf32, #tpu.memory_space<hbm>> -> memref<1000x64xf32, #tpu.memory_space<hbm>>
    tpu.enqueue_indirect_dma source(%dma_start3A_37 : memref<1000x64xf32, #tpu.memory_space<hbm>>) target(%dma_start3A_31 : memref<50x64xf32, #tpu.memory_space<vmem>>) offsets(%dma_start3A_34 : memref<50xi32, #tpu.memory_space<vmem>>) semaphore(%arg8 : memref<!tpu.dma_semaphore, #tpu.memory_space<semaphore_mem>>)
    %dma_start3A_38 = arith.constant 3 : i32
    %dma_start3A_39 = arith.constant 3 : i32
    %dma_start3A_40 = arith.constant 0 : i32
    %dma_start3A_41 = arith.constant 0 : i32
    %dma_start3A_42 = tpu.memref_slice %arg6[%dma_start3A_39, %dma_start3A_40, %dma_start3A_41] : memref<8x50x64xf32, #tpu.memory_space<vmem>> -> memref<1x50x64xf32, #tpu.memory_space<vmem>>
    %dma_start3A_43 = tpu.memref_squeeze %dma_start3A_42 : memref<1x50x64xf32, #tpu.memory_space<vmem>> -> memref<50x64xf32, #tpu.memory_space<vmem>>
    %dma_start3A_44 = arith.constant 0 : i32
    %dma_start3A_45 = tpu.memref_slice %arg5[%dma_start3A_38, %dma_start3A_44] : memref<128x50xi32, #tpu.memory_space<vmem>> -> memref<1x50xi32, #tpu.memory_space<vmem>>
    %dma_start3A_46 = tpu.memref_squeeze %dma_start3A_45 : memref<1x50xi32, #tpu.memory_space<vmem>> -> memref<50xi32, #tpu.memory_space<vmem>>
    %dma_start3A_47 = arith.constant 0 : i32
    %dma_start3A_48 = arith.constant 0 : i32
    %dma_start3A_49 = tpu.memref_slice %arg3[%dma_start3A_47, %dma_start3A_48] : memref<1000x64xf32, #tpu.memory_space<hbm>> -> memref<1000x64xf32, #tpu.memory_space<hbm>>
    tpu.enqueue_indirect_dma source(%dma_start3A_49 : memref<1000x64xf32, #tpu.memory_space<hbm>>) target(%dma_start3A_43 : memref<50x64xf32, #tpu.memory_space<vmem>>) offsets(%dma_start3A_46 : memref<50xi32, #tpu.memory_space<vmem>>) semaphore(%arg8 : memref<!tpu.dma_semaphore, #tpu.memory_space<semaphore_mem>>)
    %dma_start3A_50 = arith.constant 4 : i32
    %dma_start3A_51 = arith.constant 4 : i32
    %dma_start3A_52 = arith.constant 0 : i32
    %dma_start3A_53 = arith.constant 0 : i32
    %dma_start3A_54 = tpu.memref_slice %arg6[%dma_start3A_51, %dma_start3A_52, %dma_start3A_53] : memref<8x50x64xf32, #tpu.memory_space<vmem>> -> memref<1x50x64xf32, #tpu.memory_space<vmem>>
    %dma_start3A_55 = tpu.memref_squeeze %dma_start3A_54 : memref<1x50x64xf32, #tpu.memory_space<vmem>> -> memref<50x64xf32, #tpu.memory_space<vmem>>
    %dma_start3A_56 = arith.constant 0 : i32
    %dma_start3A_57 = tpu.memref_slice %arg5[%dma_start3A_50, %dma_start3A_56] : memref<128x50xi32, #tpu.memory_space<vmem>> -> memref<1x50xi32, #tpu.memory_space<vmem>>
    %dma_start3A_58 = tpu.memref_squeeze %dma_start3A_57 : memref<1x50xi32, #tpu.memory_space<vmem>> -> memref<50xi32, #tpu.memory_space<vmem>>
    %dma_start3A_59 = arith.constant 0 : i32
    %dma_start3A_60 = arith.constant 0 : i32
    %dma_start3A_61 = tpu.memref_slice %arg3[%dma_start3A_59, %dma_start3A_60] : memref<1000x64xf32, #tpu.memory_space<hbm>> -> memref<1000x64xf32, #tpu.memory_space<hbm>>
    tpu.enqueue_indirect_dma source(%dma_start3A_61 : memref<1000x64xf32, #tpu.memory_space<hbm>>) target(%dma_start3A_55 : memref<50x64xf32, #tpu.memory_space<vmem>>) offsets(%dma_start3A_58 : memref<50xi32, #tpu.memory_space<vmem>>) semaphore(%arg8 : memref<!tpu.dma_semaphore, #tpu.memory_space<semaphore_mem>>)
    %dma_start3A_62 = arith.constant 5 : i32
    %dma_start3A_63 = arith.constant 5 : i32
    %dma_start3A_64 = arith.constant 0 : i32
    %dma_start3A_65 = arith.constant 0 : i32
    %dma_start3A_66 = tpu.memref_slice %arg6[%dma_start3A_63, %dma_start3A_64, %dma_start3A_65] : memref<8x50x64xf32, #tpu.memory_space<vmem>> -> memref<1x50x64xf32, #tpu.memory_space<vmem>>
    %dma_start3A_67 = tpu.memref_squeeze %dma_start3A_66 : memref<1x50x64xf32, #tpu.memory_space<vmem>> -> memref<50x64xf32, #tpu.memory_space<vmem>>
    %dma_start3A_68 = arith.constant 0 : i32
    %dma_start3A_69 = tpu.memref_slice %arg5[%dma_start3A_62, %dma_start3A_68] : memref<128x50xi32, #tpu.memory_space<vmem>> -> memref<1x50xi32, #tpu.memory_space<vmem>>
    %dma_start3A_70 = tpu.memref_squeeze %dma_start3A_69 : memref<1x50xi32, #tpu.memory_space<vmem>> -> memref<50xi32, #tpu.memory_space<vmem>>
    %dma_start3A_71 = arith.constant 0 : i32
    %dma_start3A_72 = arith.constant 0 : i32
    %dma_start3A_73 = tpu.memref_slice %arg3[%dma_start3A_71, %dma_start3A_72] : memref<1000x64xf32, #tpu.memory_space<hbm>> -> memref<1000x64xf32, #tpu.memory_space<hbm>>
    tpu.enqueue_indirect_dma source(%dma_start3A_73 : memref<1000x64xf32, #tpu.memory_space<hbm>>) target(%dma_start3A_67 : memref<50x64xf32, #tpu.memory_space<vmem>>) offsets(%dma_start3A_70 : memref<50xi32, #tpu.memory_space<vmem>>) semaphore(%arg8 : memref<!tpu.dma_semaphore, #tpu.memory_space<semaphore_mem>>)
    %dma_start3A_74 = arith.constant 6 : i32
    %dma_start3A_75 = arith.constant 6 : i32
    %dma_start3A_76 = arith.constant 0 : i32
    %dma_start3A_77 = arith.constant 0 : i32
    %dma_start3A_78 = tpu.memref_slice %arg6[%dma_start3A_75, %dma_start3A_76, %dma_start3A_77] : memref<8x50x64xf32, #tpu.memory_space<vmem>> -> memref<1x50x64xf32, #tpu.memory_space<vmem>>
    %dma_start3A_79 = tpu.memref_squeeze %dma_start3A_78 : memref<1x50x64xf32, #tpu.memory_space<vmem>> -> memref<50x64xf32, #tpu.memory_space<vmem>>
    %dma_start3A_80 = arith.constant 0 : i32
    %dma_start3A_81 = tpu.memref_slice %arg5[%dma_start3A_74, %dma_start3A_80] : memref<128x50xi32, #tpu.memory_space<vmem>> -> memref<1x50xi32, #tpu.memory_space<vmem>>
    %dma_start3A_82 = tpu.memref_squeeze %dma_start3A_81 : memref<1x50xi32, #tpu.memory_space<vmem>> -> memref<50xi32, #tpu.memory_space<vmem>>
    %dma_start3A_83 = arith.constant 0 : i32
    %dma_start3A_84 = arith.constant 0 : i32
    %dma_start3A_85 = tpu.memref_slice %arg3[%dma_start3A_83, %dma_start3A_84] : memref<1000x64xf32, #tpu.memory_space<hbm>> -> memref<1000x64xf32, #tpu.memory_space<hbm>>
    tpu.enqueue_indirect_dma source(%dma_start3A_85 : memref<1000x64xf32, #tpu.memory_space<hbm>>) target(%dma_start3A_79 : memref<50x64xf32, #tpu.memory_space<vmem>>) offsets(%dma_start3A_82 : memref<50xi32, #tpu.memory_space<vmem>>) semaphore(%arg8 : memref<!tpu.dma_semaphore, #tpu.memory_space<semaphore_mem>>)
    %dma_start3A_86 = arith.constant 7 : i32
    %dma_start3A_87 = arith.constant 7 : i32
    %dma_start3A_88 = arith.constant 0 : i32
    %dma_start3A_89 = arith.constant 0 : i32
    %dma_start3A_90 = tpu.memref_slice %arg6[%dma_start3A_87, %dma_start3A_88, %dma_start3A_89] : memref<8x50x64xf32, #tpu.memory_space<vmem>> -> memref<1x50x64xf32, #tpu.memory_space<vmem>>
    %dma_start3A_91 = tpu.memref_squeeze %dma_start3A_90 : memref<1x50x64xf32, #tpu.memory_space<vmem>> -> memref<50x64xf32, #tpu.memory_space<vmem>>
    %dma_start3A_92 = arith.constant 0 : i32
    %dma_start3A_93 = tpu.memref_slice %arg5[%dma_start3A_86, %dma_start3A_92] : memref<128x50xi32, #tpu.memory_space<vmem>> -> memref<1x50xi32, #tpu.memory_space<vmem>>
    %dma_start3A_94 = tpu.memref_squeeze %dma_start3A_93 : memref<1x50xi32, #tpu.memory_space<vmem>> -> memref<50xi32, #tpu.memory_space<vmem>>
    %dma_start3A_95 = arith.constant 0 : i32
    %dma_start3A_96 = arith.constant 0 : i32
    %dma_start3A_97 = tpu.memref_slice %arg3[%dma_start3A_95, %dma_start3A_96] : memref<1000x64xf32, #tpu.memory_space<hbm>> -> memref<1000x64xf32, #tpu.memory_space<hbm>>
    tpu.enqueue_indirect_dma source(%dma_start3A_97 : memref<1000x64xf32, #tpu.memory_space<hbm>>) target(%dma_start3A_91 : memref<50x64xf32, #tpu.memory_space<vmem>>) offsets(%dma_start3A_94 : memref<50xi32, #tpu.memory_space<vmem>>) semaphore(%arg8 : memref<!tpu.dma_semaphore, #tpu.memory_space<semaphore_mem>>)
    %scan3A = arith.constant 0 : i32
    %scan3A_98 = arith.constant 0 : i32
    %scan3A_99 = arith.constant 8 : i32
    %scan3A_100 = arith.addi %scan3A_98, %scan3A_99 : i32
    %scan3A_101 = arith.constant 1 : i32
    scf.for %scan3A_103 = %scan3A_98 to %scan3A_100 step %scan3A_101  : i32 {
      %mul3A_104 = arith.constant 2 : i32
      %mul3A_105 = arith.muli %mul3A_104, %scan3A_103 : i32
      %add3A_106 = arith.constant 1 : i32
      %add3A_107 = arith.addi %mul3A_105, %add3A_106 : i32
      %mul3A_108 = arith.constant 8 : i32
      %mul3A_109 = arith.muli %add3A_107, %mul3A_108 : i32
      %add3A_110 = arith.constant 0 : i32
      %add3A_111 = arith.addi %mul3A_109, %add3A_110 : i32
      %dma_start3A_112 = arith.constant 0 : i32
      %dma_start3A_113 = arith.constant 0 : i32
      %dma_start3A_114 = arith.constant 0 : i32
      %dma_start3A_115 = tpu.memref_slice %arg7[%dma_start3A_112, %dma_start3A_113, %dma_start3A_114] : memref<8x50x64xf32, #tpu.memory_space<vmem>> -> memref<1x50x64xf32, #tpu.memory_space<vmem>>
      %dma_start3A_116 = tpu.memref_squeeze %dma_start3A_115 : memref<1x50x64xf32, #tpu.memory_space<vmem>> -> memref<50x64xf32, #tpu.memory_space<vmem>>
      %dma_start3A_117 = arith.constant 0 : i32
      %dma_start3A_118 = tpu.memref_slice %arg5[%add3A_111, %dma_start3A_117] : memref<128x50xi32, #tpu.memory_space<vmem>> -> memref<1x50xi32, #tpu.memory_space<vmem>>
      %dma_start3A_119 = tpu.memref_squeeze %dma_start3A_118 : memref<1x50xi32, #tpu.memory_space<vmem>> -> memref<50xi32, #tpu.memory_space<vmem>>
      %dma_start3A_120 = arith.constant 0 : i32
      %dma_start3A_121 = arith.constant 0 : i32
      %dma_start3A_122 = tpu.memref_slice %arg3[%dma_start3A_120, %dma_start3A_121] : memref<1000x64xf32, #tpu.memory_space<hbm>> -> memref<1000x64xf32, #tpu.memory_space<hbm>>
      tpu.enqueue_indirect_dma source(%dma_start3A_122 : memref<1000x64xf32, #tpu.memory_space<hbm>>) target(%dma_start3A_116 : memref<50x64xf32, #tpu.memory_space<vmem>>) offsets(%dma_start3A_119 : memref<50xi32, #tpu.memory_space<vmem>>) semaphore(%arg9 : memref<!tpu.dma_semaphore, #tpu.memory_space<semaphore_mem>>)
      %mul3A_123 = arith.constant 8 : i32
      %mul3A_124 = arith.muli %add3A_107, %mul3A_123 : i32
      %add3A_125 = arith.constant 1 : i32
      %add3A_126 = arith.addi %mul3A_124, %add3A_125 : i32
      %dma_start3A_127 = arith.constant 1 : i32
      %dma_start3A_128 = arith.constant 0 : i32
      %dma_start3A_129 = arith.constant 0 : i32
      %dma_start3A_130 = tpu.memref_slice %arg7[%dma_start3A_127, %dma_start3A_128, %dma_start3A_129] : memref<8x50x64xf32, #tpu.memory_space<vmem>> -> memref<1x50x64xf32, #tpu.memory_space<vmem>>
      %dma_start3A_131 = tpu.memref_squeeze %dma_start3A_130 : memref<1x50x64xf32, #tpu.memory_space<vmem>> -> memref<50x64xf32, #tpu.memory_space<vmem>>
      %dma_start3A_132 = arith.constant 0 : i32
      %dma_start3A_133 = tpu.memref_slice %arg5[%add3A_126, %dma_start3A_132] : memref<128x50xi32, #tpu.memory_space<vmem>> -> memref<1x50xi32, #tpu.memory_space<vmem>>
      %dma_start3A_134 = tpu.memref_squeeze %dma_start3A_133 : memref<1x50xi32, #tpu.memory_space<vmem>> -> memref<50xi32, #tpu.memory_space<vmem>>
      %dma_start3A_135 = arith.constant 0 : i32
      %dma_start3A_136 = arith.constant 0 : i32
      %dma_start3A_137 = tpu.memref_slice %arg3[%dma_start3A_135, %dma_start3A_136] : memref<1000x64xf32, #tpu.memory_space<hbm>> -> memref<1000x64xf32, #tpu.memory_space<hbm>>
      tpu.enqueue_indirect_dma source(%dma_start3A_137 : memref<1000x64xf32, #tpu.memory_space<hbm>>) target(%dma_start3A_131 : memref<50x64xf32, #tpu.memory_space<vmem>>) offsets(%dma_start3A_134 : memref<50xi32, #tpu.memory_space<vmem>>) semaphore(%arg9 : memref<!tpu.dma_semaphore, #tpu.memory_space<semaphore_mem>>)
      %mul3A_138 = arith.constant 8 : i32
      %mul3A_139 = arith.muli %add3A_107, %mul3A_138 : i32
      %add3A_140 = arith.constant 2 : i32
      %add3A_141 = arith.addi %mul3A_139, %add3A_140 : i32
      %dma_start3A_142 = arith.constant 2 : i32
      %dma_start3A_143 = arith.constant 0 : i32
      %dma_start3A_144 = arith.constant 0 : i32
      %dma_start3A_145 = tpu.memref_slice %arg7[%dma_start3A_142, %dma_start3A_143, %dma_start3A_144] : memref<8x50x64xf32, #tpu.memory_space<vmem>> -> memref<1x50x64xf32, #tpu.memory_space<vmem>>
      %dma_start3A_146 = tpu.memref_squeeze %dma_start3A_145 : memref<1x50x64xf32, #tpu.memory_space<vmem>> -> memref<50x64xf32, #tpu.memory_space<vmem>>
      %dma_start3A_147 = arith.constant 0 : i32
      %dma_start3A_148 = tpu.memref_slice %arg5[%add3A_141, %dma_start3A_147] : memref<128x50xi32, #tpu.memory_space<vmem>> -> memref<1x50xi32, #tpu.memory_space<vmem>>
      %dma_start3A_149 = tpu.memref_squeeze %dma_start3A_148 : memref<1x50xi32, #tpu.memory_space<vmem>> -> memref<50xi32, #tpu.memory_space<vmem>>
      %dma_start3A_150 = arith.constant 0 : i32
      %dma_start3A_151 = arith.constant 0 : i32
      %dma_start3A_152 = tpu.memref_slice %arg3[%dma_start3A_150, %dma_start3A_151] : memref<1000x64xf32, #tpu.memory_space<hbm>> -> memref<1000x64xf32, #tpu.memory_space<hbm>>
      tpu.enqueue_indirect_dma source(%dma_start3A_152 : memref<1000x64xf32, #tpu.memory_space<hbm>>) target(%dma_start3A_146 : memref<50x64xf32, #tpu.memory_space<vmem>>) offsets(%dma_start3A_149 : memref<50xi32, #tpu.memory_space<vmem>>) semaphore(%arg9 : memref<!tpu.dma_semaphore, #tpu.memory_space<semaphore_mem>>)
      %mul3A_153 = arith.constant 8 : i32
      %mul3A_154 = arith.muli %add3A_107, %mul3A_153 : i32
      %add3A_155 = arith.constant 3 : i32
      %add3A_156 = arith.addi %mul3A_154, %add3A_155 : i32
      %dma_start3A_157 = arith.constant 3 : i32
      %dma_start3A_158 = arith.constant 0 : i32
      %dma_start3A_159 = arith.constant 0 : i32
      %dma_start3A_160 = tpu.memref_slice %arg7[%dma_start3A_157, %dma_start3A_158, %dma_start3A_159] : memref<8x50x64xf32, #tpu.memory_space<vmem>> -> memref<1x50x64xf32, #tpu.memory_space<vmem>>
      %dma_start3A_161 = tpu.memref_squeeze %dma_start3A_160 : memref<1x50x64xf32, #tpu.memory_space<vmem>> -> memref<50x64xf32, #tpu.memory_space<vmem>>
      %dma_start3A_162 = arith.constant 0 : i32
      %dma_start3A_163 = tpu.memref_slice %arg5[%add3A_156, %dma_start3A_162] : memref<128x50xi32, #tpu.memory_space<vmem>> -> memref<1x50xi32, #tpu.memory_space<vmem>>
      %dma_start3A_164 = tpu.memref_squeeze %dma_start3A_163 : memref<1x50xi32, #tpu.memory_space<vmem>> -> memref<50xi32, #tpu.memory_space<vmem>>
      %dma_start3A_165 = arith.constant 0 : i32
      %dma_start3A_166 = arith.constant 0 : i32
      %dma_start3A_167 = tpu.memref_slice %arg3[%dma_start3A_165, %dma_start3A_166] : memref<1000x64xf32, #tpu.memory_space<hbm>> -> memref<1000x64xf32, #tpu.memory_space<hbm>>
      tpu.enqueue_indirect_dma source(%dma_start3A_167 : memref<1000x64xf32, #tpu.memory_space<hbm>>) target(%dma_start3A_161 : memref<50x64xf32, #tpu.memory_space<vmem>>) offsets(%dma_start3A_164 : memref<50xi32, #tpu.memory_space<vmem>>) semaphore(%arg9 : memref<!tpu.dma_semaphore, #tpu.memory_space<semaphore_mem>>)
      %mul3A_168 = arith.constant 8 : i32
      %mul3A_169 = arith.muli %add3A_107, %mul3A_168 : i32
      %add3A_170 = arith.constant 4 : i32
      %add3A_171 = arith.addi %mul3A_169, %add3A_170 : i32
      %dma_start3A_172 = arith.constant 4 : i32
      %dma_start3A_173 = arith.constant 0 : i32
      %dma_start3A_174 = arith.constant 0 : i32
      %dma_start3A_175 = tpu.memref_slice %arg7[%dma_start3A_172, %dma_start3A_173, %dma_start3A_174] : memref<8x50x64xf32, #tpu.memory_space<vmem>> -> memref<1x50x64xf32, #tpu.memory_space<vmem>>
      %dma_start3A_176 = tpu.memref_squeeze %dma_start3A_175 : memref<1x50x64xf32, #tpu.memory_space<vmem>> -> memref<50x64xf32, #tpu.memory_space<vmem>>
      %dma_start3A_177 = arith.constant 0 : i32
      %dma_start3A_178 = tpu.memref_slice %arg5[%add3A_171, %dma_start3A_177] : memref<128x50xi32, #tpu.memory_space<vmem>> -> memref<1x50xi32, #tpu.memory_space<vmem>>
      %dma_start3A_179 = tpu.memref_squeeze %dma_start3A_178 : memref<1x50xi32, #tpu.memory_space<vmem>> -> memref<50xi32, #tpu.memory_space<vmem>>
      %dma_start3A_180 = arith.constant 0 : i32
      %dma_start3A_181 = arith.constant 0 : i32
      %dma_start3A_182 = tpu.memref_slice %arg3[%dma_start3A_180, %dma_start3A_181] : memref<1000x64xf32, #tpu.memory_space<hbm>> -> memref<1000x64xf32, #tpu.memory_space<hbm>>
      tpu.enqueue_indirect_dma source(%dma_start3A_182 : memref<1000x64xf32, #tpu.memory_space<hbm>>) target(%dma_start3A_176 : memref<50x64xf32, #tpu.memory_space<vmem>>) offsets(%dma_start3A_179 : memref<50xi32, #tpu.memory_space<vmem>>) semaphore(%arg9 : memref<!tpu.dma_semaphore, #tpu.memory_space<semaphore_mem>>)
      %mul3A_183 = arith.constant 8 : i32
      %mul3A_184 = arith.muli %add3A_107, %mul3A_183 : i32
      %add3A_185 = arith.constant 5 : i32
      %add3A_186 = arith.addi %mul3A_184, %add3A_185 : i32
      %dma_start3A_187 = arith.constant 5 : i32
      %dma_start3A_188 = arith.constant 0 : i32
      %dma_start3A_189 = arith.constant 0 : i32
      %dma_start3A_190 = tpu.memref_slice %arg7[%dma_start3A_187, %dma_start3A_188, %dma_start3A_189] : memref<8x50x64xf32, #tpu.memory_space<vmem>> -> memref<1x50x64xf32, #tpu.memory_space<vmem>>
      %dma_start3A_191 = tpu.memref_squeeze %dma_start3A_190 : memref<1x50x64xf32, #tpu.memory_space<vmem>> -> memref<50x64xf32, #tpu.memory_space<vmem>>
      %dma_start3A_192 = arith.constant 0 : i32
      %dma_start3A_193 = tpu.memref_slice %arg5[%add3A_186, %dma_start3A_192] : memref<128x50xi32, #tpu.memory_space<vmem>> -> memref<1x50xi32, #tpu.memory_space<vmem>>
      %dma_start3A_194 = tpu.memref_squeeze %dma_start3A_193 : memref<1x50xi32, #tpu.memory_space<vmem>> -> memref<50xi32, #tpu.memory_space<vmem>>
      %dma_start3A_195 = arith.constant 0 : i32
      %dma_start3A_196 = arith.constant 0 : i32
      %dma_start3A_197 = tpu.memref_slice %arg3[%dma_start3A_195, %dma_start3A_196] : memref<1000x64xf32, #tpu.memory_space<hbm>> -> memref<1000x64xf32, #tpu.memory_space<hbm>>
      tpu.enqueue_indirect_dma source(%dma_start3A_197 : memref<1000x64xf32, #tpu.memory_space<hbm>>) target(%dma_start3A_191 : memref<50x64xf32, #tpu.memory_space<vmem>>) offsets(%dma_start3A_194 : memref<50xi32, #tpu.memory_space<vmem>>) semaphore(%arg9 : memref<!tpu.dma_semaphore, #tpu.memory_space<semaphore_mem>>)
      %mul3A_198 = arith.constant 8 : i32
      %mul3A_199 = arith.muli %add3A_107, %mul3A_198 : i32
      %add3A_200 = arith.constant 6 : i32
      %add3A_201 = arith.addi %mul3A_199, %add3A_200 : i32
      %dma_start3A_202 = arith.constant 6 : i32
      %dma_start3A_203 = arith.constant 0 : i32
      %dma_start3A_204 = arith.constant 0 : i32
      %dma_start3A_205 = tpu.memref_slice %arg7[%dma_start3A_202, %dma_start3A_203, %dma_start3A_204] : memref<8x50x64xf32, #tpu.memory_space<vmem>> -> memref<1x50x64xf32, #tpu.memory_space<vmem>>
      %dma_start3A_206 = tpu.memref_squeeze %dma_start3A_205 : memref<1x50x64xf32, #tpu.memory_space<vmem>> -> memref<50x64xf32, #tpu.memory_space<vmem>>
      %dma_start3A_207 = arith.constant 0 : i32
      %dma_start3A_208 = tpu.memref_slice %arg5[%add3A_201, %dma_start3A_207] : memref<128x50xi32, #tpu.memory_space<vmem>> -> memref<1x50xi32, #tpu.memory_space<vmem>>
      %dma_start3A_209 = tpu.memref_squeeze %dma_start3A_208 : memref<1x50xi32, #tpu.memory_space<vmem>> -> memref<50xi32, #tpu.memory_space<vmem>>
      %dma_start3A_210 = arith.constant 0 : i32
      %dma_start3A_211 = arith.constant 0 : i32
      %dma_start3A_212 = tpu.memref_slice %arg3[%dma_start3A_210, %dma_start3A_211] : memref<1000x64xf32, #tpu.memory_space<hbm>> -> memref<1000x64xf32, #tpu.memory_space<hbm>>
      tpu.enqueue_indirect_dma source(%dma_start3A_212 : memref<1000x64xf32, #tpu.memory_space<hbm>>) target(%dma_start3A_206 : memref<50x64xf32, #tpu.memory_space<vmem>>) offsets(%dma_start3A_209 : memref<50xi32, #tpu.memory_space<vmem>>) semaphore(%arg9 : memref<!tpu.dma_semaphore, #tpu.memory_space<semaphore_mem>>)
      %mul3A_213 = arith.constant 8 : i32
      %mul3A_214 = arith.muli %add3A_107, %mul3A_213 : i32
      %add3A_215 = arith.constant 7 : i32
      %add3A_216 = arith.addi %mul3A_214, %add3A_215 : i32
      %dma_start3A_217 = arith.constant 7 : i32
      %dma_start3A_218 = arith.constant 0 : i32
      %dma_start3A_219 = arith.constant 0 : i32
      %dma_start3A_220 = tpu.memref_slice %arg7[%dma_start3A_217, %dma_start3A_218, %dma_start3A_219] : memref<8x50x64xf32, #tpu.memory_space<vmem>> -> memref<1x50x64xf32, #tpu.memory_space<vmem>>
      %dma_start3A_221 = tpu.memref_squeeze %dma_start3A_220 : memref<1x50x64xf32, #tpu.memory_space<vmem>> -> memref<50x64xf32, #tpu.memory_space<vmem>>
      %dma_start3A_222 = arith.constant 0 : i32
      %dma_start3A_223 = tpu.memref_slice %arg5[%add3A_216, %dma_start3A_222] : memref<128x50xi32, #tpu.memory_space<vmem>> -> memref<1x50xi32, #tpu.memory_space<vmem>>
      %dma_start3A_224 = tpu.memref_squeeze %dma_start3A_223 : memref<1x50xi32, #tpu.memory_space<vmem>> -> memref<50xi32, #tpu.memory_space<vmem>>
      %dma_start3A_225 = arith.constant 0 : i32
      %dma_start3A_226 = arith.constant 0 : i32
      %dma_start3A_227 = tpu.memref_slice %arg3[%dma_start3A_225, %dma_start3A_226] : memref<1000x64xf32, #tpu.memory_space<hbm>> -> memref<1000x64xf32, #tpu.memory_space<hbm>>
      tpu.enqueue_indirect_dma source(%dma_start3A_227 : memref<1000x64xf32, #tpu.memory_space<hbm>>) target(%dma_start3A_221 : memref<50x64xf32, #tpu.memory_space<vmem>>) offsets(%dma_start3A_224 : memref<50xi32, #tpu.memory_space<vmem>>) semaphore(%arg9 : memref<!tpu.dma_semaphore, #tpu.memory_space<semaphore_mem>>)
      %mul3A_228 = arith.constant 8 : i32
      %mul3A_229 = arith.muli %mul3A_105, %mul3A_228 : i32
      %add3A_230 = arith.addi %mul3A_2, %mul3A_229 : i32
      %dma_wait3A = arith.constant 0 : i32
      %dma_wait3A_231 = arith.constant 0 : i32
      %dma_wait3A_232 = tpu.memref_slice %arg4[%add3A_230, %dma_wait3A, %dma_wait3A_231] : memref<4096x50x64xf32, #tpu.memory_space<hbm>> -> memref<8x50x64xf32, #tpu.memory_space<hbm>>
      %dma_wait3A_233 = arith.constant 0 : i32
      %dma_wait3A_234 = arith.constant 0 : i32
      %dma_wait3A_235 = tpu.memref_slice %arg4[%add3A_230, %dma_wait3A_233, %dma_wait3A_234] : memref<4096x50x64xf32, #tpu.memory_space<hbm>> -> memref<8x50x64xf32, #tpu.memory_space<hbm>>
      tpu.wait_dma2 semaphore(%arg8 : memref<!tpu.dma_semaphore, #tpu.memory_space<semaphore_mem>>) src(%dma_wait3A_235 : memref<8x50x64xf32, #tpu.memory_space<hbm>>) dst(%arg6 : memref<8x50x64xf32, #tpu.memory_space<vmem>>)
      "tpu.region"() ({
        %run_scoped3A = tpu.sem_alloc : memref<!tpu.dma_semaphore, #tpu.memory_space<semaphore_mem>>
        %dma_start3A_249 = arith.constant 0 : i32
        %dma_start3A_250 = arith.constant 0 : i32
        %dma_start3A_251 = tpu.memref_slice %arg4[%add3A_230, %dma_start3A_249, %dma_start3A_250] : memref<4096x50x64xf32, #tpu.memory_space<hbm>> -> memref<8x50x64xf32, #tpu.memory_space<hbm>>
        %dma_start3A_252 = arith.constant 0 : i32
        %dma_start3A_253 = arith.constant 0 : i32
        %dma_start3A_254 = tpu.memref_slice %arg4[%add3A_230, %dma_start3A_252, %dma_start3A_253] : memref<4096x50x64xf32, #tpu.memory_space<hbm>> -> memref<8x50x64xf32, #tpu.memory_space<hbm>>
        tpu.enqueue_dma source(%arg6 : memref<8x50x64xf32, #tpu.memory_space<vmem>>) target(%dma_start3A_254 : memref<8x50x64xf32, #tpu.memory_space<hbm>>) target_semaphore(%run_scoped3A : memref<!tpu.dma_semaphore, #tpu.memory_space<semaphore_mem>>)
        %dma_wait3A_255 = arith.constant 0 : i32
        %dma_wait3A_256 = arith.constant 0 : i32
        %dma_wait3A_257 = tpu.memref_slice %arg4[%add3A_230, %dma_wait3A_255, %dma_wait3A_256] : memref<4096x50x64xf32, #tpu.memory_space<hbm>> -> memref<8x50x64xf32, #tpu.memory_space<hbm>>
        %dma_wait3A_258 = arith.constant 0 : i32
        %dma_wait3A_259 = arith.constant 0 : i32
        %dma_wait3A_260 = tpu.memref_slice %arg4[%add3A_230, %dma_wait3A_258, %dma_wait3A_259] : memref<4096x50x64xf32, #tpu.memory_space<hbm>> -> memref<8x50x64xf32, #tpu.memory_space<hbm>>
        tpu.wait_dma2 semaphore(%run_scoped3A : memref<!tpu.dma_semaphore, #tpu.memory_space<semaphore_mem>>) src(%arg6 : memref<8x50x64xf32, #tpu.memory_space<vmem>>) dst(%dma_wait3A_260 : memref<8x50x64xf32, #tpu.memory_space<hbm>>)
        tpu.yield
      }) : () -> ()
      %lt3A = arith.constant 7 : i32
      %lt3A_236 = arith.cmpi slt, %scan3A_103, %lt3A : i32
      %convert_element_type3A = arith.extui %lt3A_236 : i1 to i32
      %cond3A = arith.constant 0 : i32
      %cond3A_237 = arith.cmpi ne, %convert_element_type3A, %cond3A : i32
      scf.if %cond3A_237 {
        %add3A_249 = arith.constant 2 : i32
        %add3A_250 = arith.addi %mul3A_105, %add3A_249 : i32
        %mul3A_251 = arith.constant 8 : i32
        %mul3A_252 = arith.muli %add3A_250, %mul3A_251 : i32
        %add3A_253 = arith.constant 0 : i32
        %add3A_254 = arith.addi %mul3A_252, %add3A_253 : i32
        %dma_start3A_255 = arith.constant 0 : i32
        %dma_start3A_256 = arith.constant 0 : i32
        %dma_start3A_257 = arith.constant 0 : i32
        %dma_start3A_258 = tpu.memref_slice %arg6[%dma_start3A_255, %dma_start3A_256, %dma_start3A_257] : memref<8x50x64xf32, #tpu.memory_space<vmem>> -> memref<1x50x64xf32, #tpu.memory_space<vmem>>
        %dma_start3A_259 = tpu.memref_squeeze %dma_start3A_258 : memref<1x50x64xf32, #tpu.memory_space<vmem>> -> memref<50x64xf32, #tpu.memory_space<vmem>>
        %dma_start3A_260 = arith.constant 0 : i32
        %dma_start3A_261 = tpu.memref_slice %arg5[%add3A_254, %dma_start3A_260] : memref<128x50xi32, #tpu.memory_space<vmem>> -> memref<1x50xi32, #tpu.memory_space<vmem>>
        %dma_start3A_262 = tpu.memref_squeeze %dma_start3A_261 : memref<1x50xi32, #tpu.memory_space<vmem>> -> memref<50xi32, #tpu.memory_space<vmem>>
        %dma_start3A_263 = arith.constant 0 : i32
        %dma_start3A_264 = arith.constant 0 : i32
        %dma_start3A_265 = tpu.memref_slice %arg3[%dma_start3A_263, %dma_start3A_264] : memref<1000x64xf32, #tpu.memory_space<hbm>> -> memref<1000x64xf32, #tpu.memory_space<hbm>>
        tpu.enqueue_indirect_dma source(%dma_start3A_265 : memref<1000x64xf32, #tpu.memory_space<hbm>>) target(%dma_start3A_259 : memref<50x64xf32, #tpu.memory_space<vmem>>) offsets(%dma_start3A_262 : memref<50xi32, #tpu.memory_space<vmem>>) semaphore(%arg8 : memref<!tpu.dma_semaphore, #tpu.memory_space<semaphore_mem>>)
        %mul3A_266 = arith.constant 8 : i32
        %mul3A_267 = arith.muli %add3A_250, %mul3A_266 : i32
        %add3A_268 = arith.constant 1 : i32
        %add3A_269 = arith.addi %mul3A_267, %add3A_268 : i32
        %dma_start3A_270 = arith.constant 1 : i32
        %dma_start3A_271 = arith.constant 0 : i32
        %dma_start3A_272 = arith.constant 0 : i32
        %dma_start3A_273 = tpu.memref_slice %arg6[%dma_start3A_270, %dma_start3A_271, %dma_start3A_272] : memref<8x50x64xf32, #tpu.memory_space<vmem>> -> memref<1x50x64xf32, #tpu.memory_space<vmem>>
        %dma_start3A_274 = tpu.memref_squeeze %dma_start3A_273 : memref<1x50x64xf32, #tpu.memory_space<vmem>> -> memref<50x64xf32, #tpu.memory_space<vmem>>
        %dma_start3A_275 = arith.constant 0 : i32
        %dma_start3A_276 = tpu.memref_slice %arg5[%add3A_269, %dma_start3A_275] : memref<128x50xi32, #tpu.memory_space<vmem>> -> memref<1x50xi32, #tpu.memory_space<vmem>>
        %dma_start3A_277 = tpu.memref_squeeze %dma_start3A_276 : memref<1x50xi32, #tpu.memory_space<vmem>> -> memref<50xi32, #tpu.memory_space<vmem>>
        %dma_start3A_278 = arith.constant 0 : i32
        %dma_start3A_279 = arith.constant 0 : i32
        %dma_start3A_280 = tpu.memref_slice %arg3[%dma_start3A_278, %dma_start3A_279] : memref<1000x64xf32, #tpu.memory_space<hbm>> -> memref<1000x64xf32, #tpu.memory_space<hbm>>
        tpu.enqueue_indirect_dma source(%dma_start3A_280 : memref<1000x64xf32, #tpu.memory_space<hbm>>) target(%dma_start3A_274 : memref<50x64xf32, #tpu.memory_space<vmem>>) offsets(%dma_start3A_277 : memref<50xi32, #tpu.memory_space<vmem>>) semaphore(%arg8 : memref<!tpu.dma_semaphore, #tpu.memory_space<semaphore_mem>>)
        %mul3A_281 = arith.constant 8 : i32
        %mul3A_282 = arith.muli %add3A_250, %mul3A_281 : i32
        %add3A_283 = arith.constant 2 : i32
        %add3A_284 = arith.addi %mul3A_282, %add3A_283 : i32
        %dma_start3A_285 = arith.constant 2 : i32
        %dma_start3A_286 = arith.constant 0 : i32
        %dma_start3A_287 = arith.constant 0 : i32
        %dma_start3A_288 = tpu.memref_slice %arg6[%dma_start3A_285, %dma_start3A_286, %dma_start3A_287] : memref<8x50x64xf32, #tpu.memory_space<vmem>> -> memref<1x50x64xf32, #tpu.memory_space<vmem>>
        %dma_start3A_289 = tpu.memref_squeeze %dma_start3A_288 : memref<1x50x64xf32, #tpu.memory_space<vmem>> -> memref<50x64xf32, #tpu.memory_space<vmem>>
        %dma_start3A_290 = arith.constant 0 : i32
        %dma_start3A_291 = tpu.memref_slice %arg5[%add3A_284, %dma_start3A_290] : memref<128x50xi32, #tpu.memory_space<vmem>> -> memref<1x50xi32, #tpu.memory_space<vmem>>
        %dma_start3A_292 = tpu.memref_squeeze %dma_start3A_291 : memref<1x50xi32, #tpu.memory_space<vmem>> -> memref<50xi32, #tpu.memory_space<vmem>>
        %dma_start3A_293 = arith.constant 0 : i32
        %dma_start3A_294 = arith.constant 0 : i32
        %dma_start3A_295 = tpu.memref_slice %arg3[%dma_start3A_293, %dma_start3A_294] : memref<1000x64xf32, #tpu.memory_space<hbm>> -> memref<1000x64xf32, #tpu.memory_space<hbm>>
        tpu.enqueue_indirect_dma source(%dma_start3A_295 : memref<1000x64xf32, #tpu.memory_space<hbm>>) target(%dma_start3A_289 : memref<50x64xf32, #tpu.memory_space<vmem>>) offsets(%dma_start3A_292 : memref<50xi32, #tpu.memory_space<vmem>>) semaphore(%arg8 : memref<!tpu.dma_semaphore, #tpu.memory_space<semaphore_mem>>)
        %mul3A_296 = arith.constant 8 : i32
        %mul3A_297 = arith.muli %add3A_250, %mul3A_296 : i32
        %add3A_298 = arith.constant 3 : i32
        %add3A_299 = arith.addi %mul3A_297, %add3A_298 : i32
        %dma_start3A_300 = arith.constant 3 : i32
        %dma_start3A_301 = arith.constant 0 : i32
        %dma_start3A_302 = arith.constant 0 : i32
        %dma_start3A_303 = tpu.memref_slice %arg6[%dma_start3A_300, %dma_start3A_301, %dma_start3A_302] : memref<8x50x64xf32, #tpu.memory_space<vmem>> -> memref<1x50x64xf32, #tpu.memory_space<vmem>>
        %dma_start3A_304 = tpu.memref_squeeze %dma_start3A_303 : memref<1x50x64xf32, #tpu.memory_space<vmem>> -> memref<50x64xf32, #tpu.memory_space<vmem>>
        %dma_start3A_305 = arith.constant 0 : i32
        %dma_start3A_306 = tpu.memref_slice %arg5[%add3A_299, %dma_start3A_305] : memref<128x50xi32, #tpu.memory_space<vmem>> -> memref<1x50xi32, #tpu.memory_space<vmem>>
        %dma_start3A_307 = tpu.memref_squeeze %dma_start3A_306 : memref<1x50xi32, #tpu.memory_space<vmem>> -> memref<50xi32, #tpu.memory_space<vmem>>
        %dma_start3A_308 = arith.constant 0 : i32
        %dma_start3A_309 = arith.constant 0 : i32
        %dma_start3A_310 = tpu.memref_slice %arg3[%dma_start3A_308, %dma_start3A_309] : memref<1000x64xf32, #tpu.memory_space<hbm>> -> memref<1000x64xf32, #tpu.memory_space<hbm>>
        tpu.enqueue_indirect_dma source(%dma_start3A_310 : memref<1000x64xf32, #tpu.memory_space<hbm>>) target(%dma_start3A_304 : memref<50x64xf32, #tpu.memory_space<vmem>>) offsets(%dma_start3A_307 : memref<50xi32, #tpu.memory_space<vmem>>) semaphore(%arg8 : memref<!tpu.dma_semaphore, #tpu.memory_space<semaphore_mem>>)
        %mul3A_311 = arith.constant 8 : i32
        %mul3A_312 = arith.muli %add3A_250, %mul3A_311 : i32
        %add3A_313 = arith.constant 4 : i32
        %add3A_314 = arith.addi %mul3A_312, %add3A_313 : i32
        %dma_start3A_315 = arith.constant 4 : i32
        %dma_start3A_316 = arith.constant 0 : i32
        %dma_start3A_317 = arith.constant 0 : i32
        %dma_start3A_318 = tpu.memref_slice %arg6[%dma_start3A_315, %dma_start3A_316, %dma_start3A_317] : memref<8x50x64xf32, #tpu.memory_space<vmem>> -> memref<1x50x64xf32, #tpu.memory_space<vmem>>
        %dma_start3A_319 = tpu.memref_squeeze %dma_start3A_318 : memref<1x50x64xf32, #tpu.memory_space<vmem>> -> memref<50x64xf32, #tpu.memory_space<vmem>>
        %dma_start3A_320 = arith.constant 0 : i32
        %dma_start3A_321 = tpu.memref_slice %arg5[%add3A_314, %dma_start3A_320] : memref<128x50xi32, #tpu.memory_space<vmem>> -> memref<1x50xi32, #tpu.memory_space<vmem>>
        %dma_start3A_322 = tpu.memref_squeeze %dma_start3A_321 : memref<1x50xi32, #tpu.memory_space<vmem>> -> memref<50xi32, #tpu.memory_space<vmem>>
        %dma_start3A_323 = arith.constant 0 : i32
        %dma_start3A_324 = arith.constant 0 : i32
        %dma_start3A_325 = tpu.memref_slice %arg3[%dma_start3A_323, %dma_start3A_324] : memref<1000x64xf32, #tpu.memory_space<hbm>> -> memref<1000x64xf32, #tpu.memory_space<hbm>>
        tpu.enqueue_indirect_dma source(%dma_start3A_325 : memref<1000x64xf32, #tpu.memory_space<hbm>>) target(%dma_start3A_319 : memref<50x64xf32, #tpu.memory_space<vmem>>) offsets(%dma_start3A_322 : memref<50xi32, #tpu.memory_space<vmem>>) semaphore(%arg8 : memref<!tpu.dma_semaphore, #tpu.memory_space<semaphore_mem>>)
        %mul3A_326 = arith.constant 8 : i32
        %mul3A_327 = arith.muli %add3A_250, %mul3A_326 : i32
        %add3A_328 = arith.constant 5 : i32
        %add3A_329 = arith.addi %mul3A_327, %add3A_328 : i32
        %dma_start3A_330 = arith.constant 5 : i32
        %dma_start3A_331 = arith.constant 0 : i32
        %dma_start3A_332 = arith.constant 0 : i32
        %dma_start3A_333 = tpu.memref_slice %arg6[%dma_start3A_330, %dma_start3A_331, %dma_start3A_332] : memref<8x50x64xf32, #tpu.memory_space<vmem>> -> memref<1x50x64xf32, #tpu.memory_space<vmem>>
        %dma_start3A_334 = tpu.memref_squeeze %dma_start3A_333 : memref<1x50x64xf32, #tpu.memory_space<vmem>> -> memref<50x64xf32, #tpu.memory_space<vmem>>
        %dma_start3A_335 = arith.constant 0 : i32
        %dma_start3A_336 = tpu.memref_slice %arg5[%add3A_329, %dma_start3A_335] : memref<128x50xi32, #tpu.memory_space<vmem>> -> memref<1x50xi32, #tpu.memory_space<vmem>>
        %dma_start3A_337 = tpu.memref_squeeze %dma_start3A_336 : memref<1x50xi32, #tpu.memory_space<vmem>> -> memref<50xi32, #tpu.memory_space<vmem>>
        %dma_start3A_338 = arith.constant 0 : i32
        %dma_start3A_339 = arith.constant 0 : i32
        %dma_start3A_340 = tpu.memref_slice %arg3[%dma_start3A_338, %dma_start3A_339] : memref<1000x64xf32, #tpu.memory_space<hbm>> -> memref<1000x64xf32, #tpu.memory_space<hbm>>
        tpu.enqueue_indirect_dma source(%dma_start3A_340 : memref<1000x64xf32, #tpu.memory_space<hbm>>) target(%dma_start3A_334 : memref<50x64xf32, #tpu.memory_space<vmem>>) offsets(%dma_start3A_337 : memref<50xi32, #tpu.memory_space<vmem>>) semaphore(%arg8 : memref<!tpu.dma_semaphore, #tpu.memory_space<semaphore_mem>>)
        %mul3A_341 = arith.constant 8 : i32
        %mul3A_342 = arith.muli %add3A_250, %mul3A_341 : i32
        %add3A_343 = arith.constant 6 : i32
        %add3A_344 = arith.addi %mul3A_342, %add3A_343 : i32
        %dma_start3A_345 = arith.constant 6 : i32
        %dma_start3A_346 = arith.constant 0 : i32
        %dma_start3A_347 = arith.constant 0 : i32
        %dma_start3A_348 = tpu.memref_slice %arg6[%dma_start3A_345, %dma_start3A_346, %dma_start3A_347] : memref<8x50x64xf32, #tpu.memory_space<vmem>> -> memref<1x50x64xf32, #tpu.memory_space<vmem>>
        %dma_start3A_349 = tpu.memref_squeeze %dma_start3A_348 : memref<1x50x64xf32, #tpu.memory_space<vmem>> -> memref<50x64xf32, #tpu.memory_space<vmem>>
        %dma_start3A_350 = arith.constant 0 : i32
        %dma_start3A_351 = tpu.memref_slice %arg5[%add3A_344, %dma_start3A_350] : memref<128x50xi32, #tpu.memory_space<vmem>> -> memref<1x50xi32, #tpu.memory_space<vmem>>
        %dma_start3A_352 = tpu.memref_squeeze %dma_start3A_351 : memref<1x50xi32, #tpu.memory_space<vmem>> -> memref<50xi32, #tpu.memory_space<vmem>>
        %dma_start3A_353 = arith.constant 0 : i32
        %dma_start3A_354 = arith.constant 0 : i32
        %dma_start3A_355 = tpu.memref_slice %arg3[%dma_start3A_353, %dma_start3A_354] : memref<1000x64xf32, #tpu.memory_space<hbm>> -> memref<1000x64xf32, #tpu.memory_space<hbm>>
        tpu.enqueue_indirect_dma source(%dma_start3A_355 : memref<1000x64xf32, #tpu.memory_space<hbm>>) target(%dma_start3A_349 : memref<50x64xf32, #tpu.memory_space<vmem>>) offsets(%dma_start3A_352 : memref<50xi32, #tpu.memory_space<vmem>>) semaphore(%arg8 : memref<!tpu.dma_semaphore, #tpu.memory_space<semaphore_mem>>)
        %mul3A_356 = arith.constant 8 : i32
        %mul3A_357 = arith.muli %add3A_250, %mul3A_356 : i32
        %add3A_358 = arith.constant 7 : i32
        %add3A_359 = arith.addi %mul3A_357, %add3A_358 : i32
        %dma_start3A_360 = arith.constant 7 : i32
        %dma_start3A_361 = arith.constant 0 : i32
        %dma_start3A_362 = arith.constant 0 : i32
        %dma_start3A_363 = tpu.memref_slice %arg6[%dma_start3A_360, %dma_start3A_361, %dma_start3A_362] : memref<8x50x64xf32, #tpu.memory_space<vmem>> -> memref<1x50x64xf32, #tpu.memory_space<vmem>>
        %dma_start3A_364 = tpu.memref_squeeze %dma_start3A_363 : memref<1x50x64xf32, #tpu.memory_space<vmem>> -> memref<50x64xf32, #tpu.memory_space<vmem>>
        %dma_start3A_365 = arith.constant 0 : i32
        %dma_start3A_366 = tpu.memref_slice %arg5[%add3A_359, %dma_start3A_365] : memref<128x50xi32, #tpu.memory_space<vmem>> -> memref<1x50xi32, #tpu.memory_space<vmem>>
        %dma_start3A_367 = tpu.memref_squeeze %dma_start3A_366 : memref<1x50xi32, #tpu.memory_space<vmem>> -> memref<50xi32, #tpu.memory_space<vmem>>
        %dma_start3A_368 = arith.constant 0 : i32
        %dma_start3A_369 = arith.constant 0 : i32
        %dma_start3A_370 = tpu.memref_slice %arg3[%dma_start3A_368, %dma_start3A_369] : memref<1000x64xf32, #tpu.memory_space<hbm>> -> memref<1000x64xf32, #tpu.memory_space<hbm>>
        tpu.enqueue_indirect_dma source(%dma_start3A_370 : memref<1000x64xf32, #tpu.memory_space<hbm>>) target(%dma_start3A_364 : memref<50x64xf32, #tpu.memory_space<vmem>>) offsets(%dma_start3A_367 : memref<50xi32, #tpu.memory_space<vmem>>) semaphore(%arg8 : memref<!tpu.dma_semaphore, #tpu.memory_space<semaphore_mem>>)
      } else {
      }
      %add3A_238 = arith.constant 1 : i32
      %add3A_239 = arith.addi %mul3A_105, %add3A_238 : i32
      %mul3A_240 = arith.constant 8 : i32
      %mul3A_241 = arith.muli %add3A_239, %mul3A_240 : i32
      %add3A_242 = arith.addi %mul3A_2, %mul3A_241 : i32
      %dma_wait3A_243 = arith.constant 0 : i32
      %dma_wait3A_244 = arith.constant 0 : i32
      %dma_wait3A_245 = tpu.memref_slice %arg4[%add3A_242, %dma_wait3A_243, %dma_wait3A_244] : memref<4096x50x64xf32, #tpu.memory_space<hbm>> -> memref<8x50x64xf32, #tpu.memory_space<hbm>>
      %dma_wait3A_246 = arith.constant 0 : i32
      %dma_wait3A_247 = arith.constant 0 : i32
      %dma_wait3A_248 = tpu.memref_slice %arg4[%add3A_242, %dma_wait3A_246, %dma_wait3A_247] : memref<4096x50x64xf32, #tpu.memory_space<hbm>> -> memref<8x50x64xf32, #tpu.memory_space<hbm>>
      tpu.wait_dma2 semaphore(%arg9 : memref<!tpu.dma_semaphore, #tpu.memory_space<semaphore_mem>>) src(%dma_wait3A_248 : memref<8x50x64xf32, #tpu.memory_space<hbm>>) dst(%arg7 : memref<8x50x64xf32, #tpu.memory_space<vmem>>)
      "tpu.region"() ({
        %run_scoped3A = tpu.sem_alloc : memref<!tpu.dma_semaphore, #tpu.memory_space<semaphore_mem>>
        %dma_start3A_249 = arith.constant 0 : i32
        %dma_start3A_250 = arith.constant 0 : i32
        %dma_start3A_251 = tpu.memref_slice %arg4[%add3A_242, %dma_start3A_249, %dma_start3A_250] : memref<4096x50x64xf32, #tpu.memory_space<hbm>> -> memref<8x50x64xf32, #tpu.memory_space<hbm>>
        %dma_start3A_252 = arith.constant 0 : i32
        %dma_start3A_253 = arith.constant 0 : i32
        %dma_start3A_254 = tpu.memref_slice %arg4[%add3A_242, %dma_start3A_252, %dma_start3A_253] : memref<4096x50x64xf32, #tpu.memory_space<hbm>> -> memref<8x50x64xf32, #tpu.memory_space<hbm>>
        tpu.enqueue_dma source(%arg7 : memref<8x50x64xf32, #tpu.memory_space<vmem>>) target(%dma_start3A_254 : memref<8x50x64xf32, #tpu.memory_space<hbm>>) target_semaphore(%run_scoped3A : memref<!tpu.dma_semaphore, #tpu.memory_space<semaphore_mem>>)
        %dma_wait3A_255 = arith.constant 0 : i32
        %dma_wait3A_256 = arith.constant 0 : i32
        %dma_wait3A_257 = tpu.memref_slice %arg4[%add3A_242, %dma_wait3A_255, %dma_wait3A_256] : memref<4096x50x64xf32, #tpu.memory_space<hbm>> -> memref<8x50x64xf32, #tpu.memory_space<hbm>>
        %dma_wait3A_258 = arith.constant 0 : i32
        %dma_wait3A_259 = arith.constant 0 : i32
        %dma_wait3A_260 = tpu.memref_slice %arg4[%add3A_242, %dma_wait3A_258, %dma_wait3A_259] : memref<4096x50x64xf32, #tpu.memory_space<hbm>> -> memref<8x50x64xf32, #tpu.memory_space<hbm>>
        tpu.wait_dma2 semaphore(%run_scoped3A : memref<!tpu.dma_semaphore, #tpu.memory_space<semaphore_mem>>) src(%arg7 : memref<8x50x64xf32, #tpu.memory_space<vmem>>) dst(%dma_wait3A_260 : memref<8x50x64xf32, #tpu.memory_space<hbm>>)
        tpu.yield
      }) : () -> ()
    }
    %scan3A_102 = arith.constant 8 : i32
    return
  }
}

</mosaic_0001>

<sc_bundles>
// kernel: kernel.12.cloned.1.call-start
scs
__scs_entry_jumppad:
0x0: {  	(pc) =	sbr.rel $0x88, $3  }
0x1: {  	(tag) =	ssettag $0x0;
	lr =	simm.s32 $0x1  }
0x2: {  	[smem:$0x3F9F] =	sst lr;
	_ =	strace $0xD0000000  }
0x3: {  	_ = 	snop  }
0x4: {  	_ = 	snop  }
0x5: {  	_ = 	snop  }
0x6: {  	_ = 	snop  }
0x7: {  	_ = 	snop  }
__scs_overlays_trampoline_lowered:
0x8: {  	[smem:$0x3FAE] =	sst s0  }
0x9: {  	[smem:$0x3FAF] =	sst s1  }
0xa: {  	[smem:$0x3FB0] =	sst s2  }
0xb: {  	[smem:$0x3FB1] =	sst s3  }
0xc: {  	[smem:$0x3FB2] =	sst s4  }
0xd: {  	[smem:$0x3FB3] =	sst s5  }
0xe: {  	[smem:$0x3FB4] =	sst s6  }
0xf: {  	[smem:$0x3FB5] =	sst s7  }
0x10: {  	[smem:$0x3FB6] =	sst s8  }
0x11: {  	[smem:$0x3FB7] =	sst s9;
	s0 =	simm.s32 @!p0 $0x0  }
0x12: {  	s1 =	sld [smem:$0x3F9D];
	s0 =	simm.s32 @p0 $0x1  }
0x13: {  	[smem:$0x3FB8] =	sst s0;
	s0 =	simm.s32 @!p1 $0x0  }
0x14: {  	s2 =	sld [smem:$0x3F9C];
	s0 =	simm.s32 @p1 $0x1  }
0x15: {  	[smem:$0x3FB9] =	sst s0;
	s0 =	simm.s32 @!p2 $0x0  }
0x16: {  	s3 =	sld [smem:$0x3FDB];
	s0 =	simm.s32 @p2 $0x1  }
0x17: {  	s4 =	simm.s32 $0x1BF5;
	[smem:$0x3FBB] =	sst s0  }
0x18: {  	s0 =	sld [smem:$0x3F9E];
	_ =	swait.ge [sflag:s4], $0x0  }
0x19: {  	s7 =	sld [smem:$0x3F9F]  }
0x1a: {  	s8 =	sadd.s32 $0xFFFFE003, lr  }
0x1b: {  	s9 =	sadd.s32 $0xFFFFFEF7, lr;
	s5 =	simm.s32 $0xFFFFFFFF;
	p2 =	slt.u32 s8, $0xFFFFF086  }
0x1c: {  	p1 =	slt.u32 s9, $0xF7A;
	s5 =	simm.s32 @!p2 $0x0  }
0x1d: {  	s5 =	simm.s32 @p1 $0x1;
	p0 =	seq.s32 s7, s2  }
0x1e: {  	s7 =	smul.u32 @!p0 $0xF7A, s2;
	p2 =	seq.s32 @!p0 s5, $0x0  }
0x1f: {  	s9 =	smul.u32 $0xF7A, s1;
	s8 =	simm.s32 @!p0 $0x1BF5;
	p2 =	por !p2, p0  }
0x20: {  	[sflag:s8] =	ssyncset.s32 @!p0 $0xFFFFF086;
	s6 =	sadd.s32 @!p0 s3, s7;
	s7 =	simm.s32 @!p0 $0x108  }
0x21: {  	s3 =	sadd.s32 s3, s9;
	s6 =	sadd.s32 @!p0 $0x88, s6;
	s7 =	simm.s32 @p2 $0x1082  }
0x22: {  	[simem:s7], [sflag:s8] =	dma.local @!p0 [hbm:s6], $0xF7A  }
0x23: {  	s9 =	sor.u32 $0xD0000000, s2;
	s6 =	simm.s32 $0x108;
	_ =	swait.ge @!p0 [sflag:s8], $0x0  }
0x24: {  	s3 =	sadd.s32 $0x88, s3;
	s6 =	simm.s32 @!p1 $0x1082;
	[sflag:s4] =	ssyncset.s32 $0xFFFFF086  }
0x25: {  	[simem:s6], [sflag:s4] =	dma.local [hbm:s3], $0xF7A  }
0x26: {  	[smem:$0x3F9F] =	sst s1;
	(tag) =	ssettag s2;
	_ =	strace s9  }
0x27: {  	s1 =	sld [smem:$0x3FAF]  }
0x28: {  	s2 =	sld [smem:$0x3FB0]  }
0x29: {  	s4 =	sld [smem:$0x3FB2]  }
0x2a: {  	p0 =	seq.s32 s5, $0x0;
	s5 =	sld [smem:$0x3FB3]  }
0x2b: {  	s6 =	sld [smem:$0x3FB4]  }
0x2c: {  	s7 =	sld [smem:$0x3FB5]  }
0x2d: {  	s3 =	simm.s32 $0x108;
	s8 =	sld [smem:$0x3FB6]  }
0x2e: {  	s3 =	simm.s32 @!p0 $0x1082;
	s9 =	sld [smem:$0x3FB7]  }
0x2f: {  	lr =	sadd.s32 s0, s3;
	s0 =	sld [smem:$0x3FAE]  }
0x30: {  	s3 =	sld [smem:$0x3FB1]  }
0x31: {  	[smem:$0x3FBA] =	sst s10  }
0x32: {  	s10 =	sld [smem:$0x3FB8];
	_ =	sdelay $0x3  }
0x33: {  	p0 =	seq.s32 s10, $0x1;
	s10 =	sld [smem:$0x3FBA];
	_ =	sdelay $0x3  }
0x34: {  	[smem:$0x3FBA] =	sst s10  }
0x35: {  	s10 =	sld [smem:$0x3FB9];
	_ =	sdelay $0x3  }
0x36: {  	p1 =	seq.s32 s10, $0x1;
	s10 =	sld [smem:$0x3FBA];
	_ =	sdelay $0x3  }
0x37: {  	[smem:$0x3FBA] =	sst s10  }
0x38: {  	s10 =	sld [smem:$0x3FBB]  }
0x39: {  	_ = 	snop;
	(pc) =	sbr.ind lr, $3  }
0x3a: {  	_ = 	snop  }
0x3b: {  	_ = 	snop  }
0x3c: {  	p2 =	seq.s32 s10, $0x1;
	s10 =	sld [smem:$0x3FBA]  }
0x3d: {  	_ =	shalt  }
0x3e: {  	_ =	shalt  }
0x3f: {  	_ =	shalt  }
0x40: {  	_ =	shalt  }
0x41: {  	_ =	shalt  }
0x42: {  	_ =	shalt  }
0x43: {  	_ =	shalt  }
0x44: {  	_ =	shalt  }
0x45: {  	_ =	shalt  }
0x46: {  	_ =	shalt  }
0x47: {  	_ =	shalt  }
0x48: {  	_ =	shalt  }
0x49: {  	_ =	shalt  }
0x4a: {  	_ =	shalt  }
0x4b: {  	_ =	shalt  }
0x4c: {  	_ =	shalt  }
0x4d: {  	_ =	shalt  }
0x4e: {  	_ =	shalt  }
0x4f: {  	_ =	shalt  }
0x50: {  	_ =	shalt  }
0x51: {  	_ =	shalt  }
0x52: {  	_ =	shalt  }
0x53: {  	_ =	shalt  }
0x54: {  	_ =	shalt  }
0x55: {  	_ =	shalt  }
0x56: {  	_ =	shalt  }
0x57: {  	_ =	shalt  }
0x58: {  	_ =	shalt  }
0x59: {  	_ =	shalt  }
0x5a: {  	_ =	shalt  }
0x5b: {  	_ =	shalt  }
0x5c: {  	_ =	shalt  }
0x5d: {  	_ =	shalt  }
0x5e: {  	_ =	shalt  }
0x5f: {  	_ =	shalt  }
0x60: {  	_ =	shalt  }
0x61: {  	_ =	shalt  }
0x62: {  	_ =	shalt  }
0x63: {  	_ =	shalt  }
0x64: {  	_ =	shalt  }
0x65: {  	_ =	shalt  }
0x66: {  	_ =	shalt  }
0x67: {  	_ =	shalt  }
0x68: {  	_ =	shalt  }
0x69: {  	_ =	shalt  }
0x6a: {  	_ =	shalt  }
0x6b: {  	_ =	shalt  }
0x6c: {  	_ =	shalt  }
0x6d: {  	_ =	shalt  }
0x6e: {  	_ =	shalt  }
0x6f: {  	_ =	shalt  }
0x70: {  	_ =	shalt  }
0x71: {  	_ =	shalt  }
0x72: {  	_ =	shalt  }
0x73: {  	_ =	shalt  }
0x74: {  	_ =	shalt  }
0x75: {  	_ =	shalt  }
0x76: {  	_ =	shalt  }
0x77: {  	_ =	shalt  }
0x78: {  	_ =	shalt  }
0x79: {  	_ =	shalt  }
0x7a: {  	_ =	shalt  }
0x7b: {  	_ =	shalt  }
0x7c: {  	_ =	shalt  }
0x7d: {  	_ =	shalt  }
0x7e: {  	_ =	shalt  }
0x7f: {  	_ =	shalt  }
0x80: {  	_ =	shalt  }
0x81: {  	_ =	shalt  }
0x82: {  	_ =	shalt  }
0x83: {  	_ =	shalt  }
0x84: {  	_ =	shalt  }
0x85: {  	_ =	shalt  }
0x86: {  	_ =	shalt  }
0x87: {  	_ =	shalt  }
.Lfunc_end0:
.L_simem_size_0:
called_computation.6_lowered:
.L_overlay_start_0:
0x88: {  	s2 =	sld [smem:$0x3FD9]  }
0x89: {  	s3 =	sld [smem:$0x3FFE];
	_ =	sdelay $0x1  }
0x8a: {  	s1 =	srdreg.scid  }
0x8b: {  	s0 =	sand.u32 $0x1, s1  }
0x8c: {  	s17 =	sshll.u32 s0, $0xA;
	s2 =	sadd.s32 s3, s2  }
0x8d: {  	s2 =	sadd.s32 s2, s17  }
0x8e: {  	[smem:$0x3FC6] =	sst s2  }
0x8f: {  	_ = 	snop  }
0x90: {  	(tm) =	ssettm $0x1  }
0x91: {  	s18 =	sld [smem:$0x3FFB];
	_ =	sdelay $0x3  }
0x92: {  	_ =	strace s18  }
0x93: {  	s2 =	sld [smem:$0x3FFC];
	_ =	sdelay $0x3  }
0x94: {  	_ =	strace s2  }
0x95: {  	s2 =	sld [smem:$0x3FFD];
	_ =	sdelay $0x3  }
0x96: {  	_ =	strace s2  }
0x97: {  	_ =	strace $0x8FFFFFFF  }
0x98: {  	s19 =	sld [smem:$0x3FDB];
	_ =	sdelay $0x1  }
0x99: {  	s20 =	simm.s32 $_scs_section_size  }
0x9a: {  	s4 =	simm.s32 $_size__tile_overlayer_lowered;
	s5 =	simm.s32 $_tile_overlayer_lowered  }
0x9b: {  	s6 =	simm.s32 $0x1BFF;
	s21 =	sshll.u32 s5, $0x1;
	s3 =	sadd.s32 s20, s19  }
0x9c: {  	s22 =	simm.s32 $0x0;
	s4 =	sshll.u32 s4, $0x1;
	s5 =	sadd.s32 s21, s3  }
0x9d: {  	[timem:s22], [sflag:s6] =	dma.local [hbm:s5], s4  }
0x9e: {  	_ =	swait.ge [sflag:s6], s4  }
0x9f: {  	s4 =	ssub.s32 $0x0, s4;
	[sflag:s6] =	ssyncset.done $0x0  }
0xa0: {  	[sflag:s6] =	ssyncadd.s32 s4;
	_ =	sdelay $0x1  }
0xa1: {  	s23 =	simm.s32 $0x1B8B  }
0xa2: {  	_ =	swait.ge [sflag:s23], $0x1  }
0xa3: {  	[sflag:s23] =	ssyncset.done $0x0  }
0xa4: {  	[sflag:s23] =	ssyncadd.s32 $0xFFFFFFFF  }
0xa5: {  	s4 =	sld [smem:$0x0]  }
0xa6: {  	s5 =	sand.u32 $0xFFFFFFFE, s1  }
0xa7: {  	p0 =	sne.s32 s1, s5  }
0xa8: {  	s5 =	sshll.u32 @p0 s5, $0xE  }
0xa9: {  	s5 =	sadd.s32 @p0 $0x11B8D, s5;
	s6 =	sshll.u32 @p0 s4, $0x11  }
0xaa: {  	s5 =	sor.u32 @p0 s6, s5  }
0xab: {  	[sflag:s5] =	ssyncadd.remote.s32 @p0 $0x1;
	_ =	sdelay $0x1  }
0xac: {  	s5 =	simm.s32 @p0 $0x1B8D  }
0xad: {  	_ =	swait.eq @p0 [sflag:s5], $0x1  }
0xae: {  	[sflag:s5] =	ssyncadd.s32 @p0 $0xFFFFFFFF  }
0xaf: {  	s6 =	sshll.u32 @!p0 s1, $0xE  }
0xb0: {  	s6 =	sor.u32 @!p0 $0x4000, s6;
	s5 =	simm.s32 @!p0 $0x1B8D  }
0xb1: {  	s4 =	sshll.u32 @!p0 s4, $0x11;
	s6 =	sadd.s32 @!p0 $0x11B8D, s6;
	_ =	swait.eq @!p0 [sflag:s5], $0x1  }
0xb2: {  	s4 =	sor.u32 @!p0 s4, s6;
	[sflag:s5] =	ssyncadd.s32 @!p0 $0xFFFFFFFF  }
0xb3: {  	s25 =	simm.s32 $0x1B8E;
	s24 =	sld [smem:$0x3FFE];
	[sflag:s4] =	ssyncadd.remote.s32 @!p0 $0x1  }
0xb4: {  	s26 =	simm.s32 $execute0_lowered;
	[smem:$0x3FD2] =	sst s25  }
0xb5: {  	s5 =	sshll.u32 s26, $0x1;
	_ =	strace $0x8000004C;
	[dreg:$0x1] =	wrdreg $0xFFFFFFFF  }
0xb6: {  	s28 =	simm.s32 $_size_execute0_lowered;
	s3 =	sadd.s32 s3, s5;
	[dreg:$0x0] =	wrdreg $0x0  }
0xb7: {  	s5 =	sshll.u32 s28, $0x1;
	[dreg:$0x2] =	wrdreg s3  }
0xb8: {  	[dreg:$0x3] =	wrdreg s5  }
0xb9: {  	[dreg:$0x4] =	wrdreg $0xC0  }
0xba: {  	_ =	task [dreg:s22], $0x5FFFF  }
0xbb: {  	[dreg:$0x1] =	wrdreg $0xFFFFFFFF  }
0xbc: {  	[dreg:$0x0] =	wrdreg $0x60  }
0xbd: {  	[dreg:$0x2] =	wrdreg s24  }
0xbe: {  	[dreg:$0x3] =	wrdreg $0xC  }
0xbf: {  	_ =	task.clear_ibuf [dreg:s22], $0x4FFFF;
	_ =	strace $0x9000004C  }
0xc0: {  	s29 =	simm.s32 $0xC;
	_ =	strace $0x8000004E  }
0xc1: {  	_ =	swait.ge [sflag:s29], $0x1  }
0xc2: {  	[sflag:s29] =	ssyncadd.s32 $0xFFFFFFFF  }
0xc3: {  	_ =	strace $0x9000004E  }
0xc4: {  	_ =	sfence  }
0xc5: {  	s30 =	sld [smem:$0x0];
	_ =	sdelay $0x2  }
0xc6: {  	s31 =	sshll.u32 s1, $0xD;
	s1 =	sshrl.u32 s1, $0x2  }
0xc7: {  	s4 =	sand.u32 $0x4000, s31;
	s1 =	sadd.s32 s1, s30  }
0xc8: {  	s0 =	sor.u32 s4, s0;
	s1 =	sshll.u32 s1, $0x11  }
0xc9: {  	s0 =	sor.u32 s1, s0  }
0xca: {  	s0 =	sadd.s32 $0x8F2B, s0  }
0xcb: {  	[sflag:s0] =	ssyncadd.remote.s32 $0x1  }
0xcc: {  	_ =	sfence.sel $0xFFFF  }
0xcd: {  	[dreg:$0x0] =	wrdreg $0xFFFFFFFF;
	(pc) =	sbr.abs _section_cstart, $3  }
0xce: {  	[dreg:$0x1] =	wrdreg $0xFFFFFFFF  }
0xcf: {  	_ =	task.clear_ibuf [dreg:s22], $0x2FFFF;
	_ =	strace $0x9FFFFFFF  }
0xd0: {  	(tm) =	ssettm $0x7FFFFFFF  }
0xd1: {  	_ =	shalt  }
tec
execute0_lowered:
.L_overlay_start_1:
0x0: {  	(tag) =	ssettag $0x1  }
0x1: {  	s0 =	srdreg.scid;
	s8 =	stileid.u32  }
0x2: {  	s4 =	rddreg [dreg:$0x0];
	s2 =	simm.s32 $0x0;
	s9 =	simm.s32 $0x3  }
0x3: {  	s10 =	simm.s32 $0x32;
	s11 =	simm.s32 $0x1C00;
	s13 =	simm.s32 $0x2880  }
0x4: {  	s15 =	simm.s32 $0x3500;
	s17 =	simm.s32 $0x4180;
	s19 =	simm.s32 $0x4E00  }
0x5: {  	s21 =	simm.s32 $0x5A80;
	s23 =	simm.s32 $0x6700;
	s28 =	simm.s32 $0x8C80  }
0x6: {  	s29 =	simm.s32 $0x9900;
	s30 =	simm.s32 $0xA580;
	s31 =	simm.s32 $0xB200  }
0x7: {  	s12 =	simm.s32 $0xD780;
	s14 =	simm.s32 $0x1;
	s16 =	simm.s32 $0x2  }
0x8: {  	s0 =	sand.u32 $0x1, s0;
	s1 =	sshll.u32 s8, $0x1;
	s8 =	smul.u32 $0x19000, s8  }
0x9: {  	s1 =	sor.u32 s0, s1;
	s6 =	ssub.s32 $0x2, s0;
	s0 =	smul.u32 $0xC800, s0  }
0xa: {  	s18 =	simm.s32 $0x0;
	[smem:$0x7FF] =	sst s2;
	s3 =	smul.u32 $0x380, s1  }
0xb: {  	_ =	strace $0x8000004D;
	s1 =	smul.u32 $0xC800, s1;
	s7 =	sshrl.u32 s6, $0x1  }
0xc: {  	s6 =	ssub.s32 s6, s7;
	s5 =	sadd.s32 s3, s4;
	s3 =	sadd.s32 $0x2400, s4  }
0xd: {  	s4 =	sadd.s32 $0x1B0400, s4;
	s25 =	smax.u32 s6, $0x1;
	s5 =	sadd.s32 $0x1A9400, s5  }
0xe: {  	[dreg:$0x3] =	wrdreg s25;
	s1 =	sadd.s32 s4, s1;
	s4 =	sadd.s32 s8, s4  }
0xf: {  	s25 =	simm.s32 $0x7380;
	[dreg:$0x2] =	wrdreg s5;
	s26 =	sadd.s32 $0xAF00, s1  }
0x10: {  	s7 =	sadd.s32 $0xBB80, s1;
	s8 =	sadd.s32 s0, s4;
	s1 =	simm.s32 $0xBE80  }
0x11: {  	s0 =	simm.s32 $0xCB00;
	[dreg:$0x4] =	wrdreg s26;
	s26 =	simm.s32 $0x8000  }
.LBB2_1:
0x12: {  	s4 =	rddreg [dreg:$0x2]  }
0x13: {  	[tilespmem:s2], [sflag:$0x3] =	stream.linear.gather [hbm4b:s4+s2], $0x1C00, $0x38;
	[tilespmem:$0xE400] =	vst v63  }
0x14: {  	_ =	swait.ge [sflag:s9], $0x1C00  }
0x15: {  	[sflag:s9] =	ssyncset.done $0x0  }
0x16: {  	[sflag:s9] =	ssyncadd.s32 $0xFFFFE400  }
0x17: {  	[tilespmem:s11], [sflag:$0x1] =	stream.indirect.gather [hbm4b:s3+s10], $0x40, s2, s10, $0xb8;
	[tilespmem:$0xE400] =	vst v63  }
0x18: {  	s6 =	simm.s32 $0x38  }
0x19: {  	[tilespmem:s13], [sflag:$0x1] =	stream.indirect.gather [hbm4b:s3+s10], $0x40, s6, s10, $0xb8;
	[tilespmem:$0xE400] =	vst v63  }
0x1a: {  	s20 =	simm.s32 $0x70  }
0x1b: {  	[tilespmem:s15], [sflag:$0x1] =	stream.indirect.gather [hbm4b:s3+s10], $0x40, s20, s10, $0xb8;
	[tilespmem:$0xE400] =	vst v63  }
0x1c: {  	s22 =	simm.s32 $0xA8  }
0x1d: {  	[tilespmem:s17], [sflag:$0x1] =	stream.indirect.gather [hbm4b:s3+s10], $0x40, s22, s10, $0xb8;
	[tilespmem:$0xE400] =	vst v63  }
0x1e: {  	s24 =	simm.s32 $0xE0  }
0x1f: {  	[tilespmem:s19], [sflag:$0x1] =	stream.indirect.gather [hbm4b:s3+s10], $0x40, s24, s10, $0xb8;
	[tilespmem:$0xE400] =	vst v63  }
0x20: {  	s5 =	simm.s32 $0x118  }
0x21: {  	[tilespmem:s21], [sflag:$0x1] =	stream.indirect.gather [hbm4b:s3+s10], $0x40, s5, s10, $0xb8;
	[tilespmem:$0xE400] =	vst v63  }
0x22: {  	s6 =	simm.s32 $0x150  }
0x23: {  	[tilespmem:s23], [sflag:$0x1] =	stream.indirect.gather [hbm4b:s3+s10], $0x40, s6, s10, $0xb8;
	[tilespmem:$0xE400] =	vst v63  }
0x24: {  	s20 =	simm.s32 $0x188  }
0x25: {  	[tilespmem:s25], [sflag:$0x1] =	stream.indirect.gather [hbm4b:s3+s10], $0x40, s20, s10, $0xb8;
	[tilespmem:$0xE400] =	vst v63  }
0x26: {  	s22 =	simm.s32 $0x1C0  }
0x27: {  	[tilespmem:s26], [sflag:$0x2] =	stream.indirect.gather [hbm4b:s3+s10], $0x40, s22, s10, $0xb8;
	[tilespmem:$0xE400] =	vst v63  }
0x28: {  	s24 =	simm.s32 $0x1F8  }
0x29: {  	[tilespmem:s28], [sflag:$0x2] =	stream.indirect.gather [hbm4b:s3+s10], $0x40, s24, s10, $0xb8;
	[tilespmem:$0xE400] =	vst v63  }
0x2a: {  	s5 =	simm.s32 $0x230  }
0x2b: {  	[tilespmem:s29], [sflag:$0x2] =	stream.indirect.gather [hbm4b:s3+s10], $0x40, s5, s10, $0xb8;
	[tilespmem:$0xE400] =	vst v63  }
0x2c: {  	s6 =	simm.s32 $0x268  }
0x2d: {  	[tilespmem:s30], [sflag:$0x2] =	stream.indirect.gather [hbm4b:s3+s10], $0x40, s6, s10, $0xb8;
	[tilespmem:$0xE400] =	vst v63  }
0x2e: {  	s20 =	simm.s32 $0x2A0  }
0x2f: {  	[tilespmem:s31], [sflag:$0x2] =	stream.indirect.gather [hbm4b:s3+s10], $0x40, s20, s10, $0xb8;
	[tilespmem:$0xE400] =	vst v63  }
0x30: {  	s22 =	simm.s32 $0x2D8  }
0x31: {  	[tilespmem:s1], [sflag:$0x2] =	stream.indirect.gather [hbm4b:s3+s10], $0x40, s22, s10, $0xb8;
	[tilespmem:$0xE400] =	vst v63  }
0x32: {  	s24 =	simm.s32 $0x310  }
0x33: {  	[tilespmem:s0], [sflag:$0x2] =	stream.indirect.gather [hbm4b:s3+s10], $0x40, s24, s10, $0xb8;
	[tilespmem:$0xE400] =	vst v63  }
0x34: {  	s5 =	simm.s32 $0x348  }
0x35: {  	[tilespmem:s12], [sflag:$0x2] =	stream.indirect.gather [hbm4b:s3+s10], $0x40, s5, s10, $0xb8;
	[tilespmem:$0xE400] =	vst v63  }
0x36: {  	_ =	swait.ge [sflag:s14], $0x6400  }
0x37: {  	[sflag:s14] =	ssyncset.done $0x0  }
0x38: {  	[sflag:s14] =	ssyncadd.s32 $0xFFFF9C00  }
0x39: {  	[hbm4b:s8+s2] =	stream.linear.scatter [tilespmem:s11], [sflag:$0x3], $0x6400, $0x38;
	[tilespmem:$0xE400] =	vst v63  }
0x3a: {  	_ =	swait.ge [sflag:s9], $0x6400  }
0x3b: {  	[sflag:s9] =	ssyncset.done $0x0  }
0x3c: {  	s6 =	simm.s32 $0x380;
	[sflag:s9] =	ssyncadd.s32 $0xFFFF9C00  }
0x3d: {  	[tilespmem:s11], [sflag:$0x1] =	stream.indirect.gather [hbm4b:s3+s10], $0x40, s6, s10, $0xb8;
	[tilespmem:$0xE400] =	vst v63  }
0x3e: {  	s20 =	simm.s32 $0x3B8  }
0x3f: {  	[tilespmem:s13], [sflag:$0x1] =	stream.indirect.gather [hbm4b:s3+s10], $0x40, s20, s10, $0xb8;
	[tilespmem:$0xE400] =	vst v63  }
0x40: {  	s22 =	simm.s32 $0x3F0  }
0x41: {  	[tilespmem:s15], [sflag:$0x1] =	stream.indirect.gather [hbm4b:s3+s10], $0x40, s22, s10, $0xb8;
	[tilespmem:$0xE400] =	vst v63  }
0x42: {  	s24 =	simm.s32 $0x428  }
0x43: {  	[tilespmem:s17], [sflag:$0x1] =	stream.indirect.gather [hbm4b:s3+s10], $0x40, s24, s10, $0xb8;
	[tilespmem:$0xE400] =	vst v63  }
0x44: {  	s5 =	simm.s32 $0x460  }
0x45: {  	[tilespmem:s19], [sflag:$0x1] =	stream.indirect.gather [hbm4b:s3+s10], $0x40, s5, s10, $0xb8;
	[tilespmem:$0xE400] =	vst v63  }
0x46: {  	s6 =	simm.s32 $0x498  }
0x47: {  	[tilespmem:s21], [sflag:$0x1] =	stream.indirect.gather [hbm4b:s3+s10], $0x40, s6, s10, $0xb8;
	[tilespmem:$0xE400] =	vst v63  }
0x48: {  	s20 =	simm.s32 $0x4D0  }
0x49: {  	[tilespmem:s23], [sflag:$0x1] =	stream.indirect.gather [hbm4b:s3+s10], $0x40, s20, s10, $0xb8;
	[tilespmem:$0xE400] =	vst v63  }
0x4a: {  	s22 =	simm.s32 $0x508  }
0x4b: {  	[tilespmem:s25], [sflag:$0x1] =	stream.indirect.gather [hbm4b:s3+s10], $0x40, s22, s10, $0xb8;
	[tilespmem:$0xE400] =	vst v63  }
0x4c: {  	_ =	swait.ge [sflag:s16], $0x6400  }
0x4d: {  	[sflag:s16] =	ssyncset.done $0x0  }
0x4e: {  	s24 =	sadd.s32 $0xC80, s8;
	[sflag:s16] =	ssyncadd.s32 $0xFFFF9C00  }
0x4f: {  	[hbm4b:s24+s2] =	stream.linear.scatter [tilespmem:s26], [sflag:$0x3], $0x6400, $0x38;
	[tilespmem:$0xE400] =	vst v63  }
0x50: {  	s20 =	sadd.s32 $0x1900, s8;
	_ =	swait.ge [sflag:s9], $0x6400  }
0x51: {  	s22 =	simm.s32 $0x380;
	s24 =	simm.s32 $0x1C00;
	[sflag:s9] =	ssyncset.done $0x0  }
.LBB2_2:
0x52: {  	s6 =	sadd.s32 $0x1C0, s22  }
0x53: {  	[sflag:s9] =	ssyncadd.s32 $0xFFFF9C00;
	s4 =	smov.u32 s24;
	s5 =	sadd.s32 $0xE00, s24  }
0x54: {  	[tilespmem:s26], [sflag:$0x2] =	stream.indirect.gather [hbm4b:s3+s10], $0x40, s6, s10, $0xb8;
	[tilespmem:$0xE400] =	vst v63  }
0x55: {  	p0 =	sne.s32 s24, $0x5400;
	s6 =	sadd.s32 $0x1F8, s22  }
0x56: {  	[tilespmem:s28], [sflag:$0x2] =	stream.indirect.gather [hbm4b:s3+s10], $0x40, s6, s10, $0xb8;
	[tilespmem:$0xE400] =	vst v63  }
0x57: {  	s6 =	sadd.s32 $0x230, s22  }
0x58: {  	[tilespmem:s29], [sflag:$0x2] =	stream.indirect.gather [hbm4b:s3+s10], $0x40, s6, s10, $0xb8;
	[tilespmem:$0xE400] =	vst v63  }
0x59: {  	s6 =	sadd.s32 $0x268, s22  }
0x5a: {  	[tilespmem:s30], [sflag:$0x2] =	stream.indirect.gather [hbm4b:s3+s10], $0x40, s6, s10, $0xb8;
	[tilespmem:$0xE400] =	vst v63  }
0x5b: {  	s6 =	sadd.s32 $0x2A0, s22  }
0x5c: {  	[tilespmem:s31], [sflag:$0x2] =	stream.indirect.gather [hbm4b:s3+s10], $0x40, s6, s10, $0xb8;
	[tilespmem:$0xE400] =	vst v63  }
0x5d: {  	s6 =	sadd.s32 $0x2D8, s22  }
0x5e: {  	[tilespmem:s1], [sflag:$0x2] =	stream.indirect.gather [hbm4b:s3+s10], $0x40, s6, s10, $0xb8;
	[tilespmem:$0xE400] =	vst v63  }
0x5f: {  	s6 =	sadd.s32 $0x310, s22  }
0x60: {  	[tilespmem:s0], [sflag:$0x2] =	stream.indirect.gather [hbm4b:s3+s10], $0x40, s6, s10, $0xb8;
	[tilespmem:$0xE400] =	vst v63  }
0x61: {  	s6 =	sadd.s32 $0x348, s22  }
0x62: {  	[tilespmem:s12], [sflag:$0x2] =	stream.indirect.gather [hbm4b:s3+s10], $0x40, s6, s10, $0xb8;
	[tilespmem:$0xE400] =	vst v63  }
0x63: {  	_ =	swait.ge [sflag:s14], $0x6400  }
0x64: {  	[sflag:s14] =	ssyncset.done $0x0  }
0x65: {  	[sflag:s14] =	ssyncadd.s32 $0xFFFF9C00  }
0x66: {  	[hbm4b:s20+s2] =	stream.linear.scatter [tilespmem:s11], [sflag:$0x3], $0x6400, $0x38;
	[tilespmem:$0xE400] =	vst v63  }
0x67: {  	_ =	swait.ge [sflag:s9], $0x6400  }
0x68: {  	[sflag:s9] =	ssyncset.done $0x0  }
0x69: {  	s6 =	sadd.s32 $0x380, s22;
	[sflag:s9] =	ssyncadd.s32 $0xFFFF9C00  }
0x6a: {  	[tilespmem:s11], [sflag:$0x1] =	stream.indirect.gather [hbm4b:s3+s10], $0x40, s6, s10, $0xb8;
	[tilespmem:$0xE400] =	vst v63  }
0x6b: {  	s6 =	sadd.s32 $0x3B8, s22  }
0x6c: {  	[tilespmem:s13], [sflag:$0x1] =	stream.indirect.gather [hbm4b:s3+s10], $0x40, s6, s10, $0xb8;
	[tilespmem:$0xE400] =	vst v63  }
0x6d: {  	s6 =	sadd.s32 $0x3F0, s22  }
0x6e: {  	[tilespmem:s15], [sflag:$0x1] =	stream.indirect.gather [hbm4b:s3+s10], $0x40, s6, s10, $0xb8;
	[tilespmem:$0xE400] =	vst v63  }
0x6f: {  	s6 =	sadd.s32 $0x428, s22  }
0x70: {  	[tilespmem:s17], [sflag:$0x1] =	stream.indirect.gather [hbm4b:s3+s10], $0x40, s6, s10, $0xb8;
	[tilespmem:$0xE400] =	vst v63  }
0x71: {  	s6 =	sadd.s32 $0x460, s22  }
0x72: {  	[tilespmem:s19], [sflag:$0x1] =	stream.indirect.gather [hbm4b:s3+s10], $0x40, s6, s10, $0xb8;
	[tilespmem:$0xE400] =	vst v63  }
0x73: {  	s6 =	sadd.s32 $0x498, s22  }
0x74: {  	[tilespmem:s21], [sflag:$0x1] =	stream.indirect.gather [hbm4b:s3+s10], $0x40, s6, s10, $0xb8;
	[tilespmem:$0xE400] =	vst v63  }
0x75: {  	s6 =	sadd.s32 $0x4D0, s22  }
0x76: {  	[tilespmem:s23], [sflag:$0x1] =	stream.indirect.gather [hbm4b:s3+s10], $0x40, s6, s10, $0xb8;
	[tilespmem:$0xE400] =	vst v63  }
0x77: {  	s6 =	sadd.s32 $0x508, s22  }
0x78: {  	[tilespmem:s25], [sflag:$0x1] =	stream.indirect.gather [hbm4b:s3+s10], $0x40, s6, s10, $0xb8;
	[tilespmem:$0xE400] =	vst v63  }
0x79: {  	_ =	swait.ge [sflag:s16], $0x6400  }
.Ltmp0:
0x7a: {  	[sflag:s16] =	ssyncset.done $0x0;
	(pc) =	sbr.rel @p0 .LBB2_2-.Ltmp0, $4  }
0x7b: {  	s6 =	sadd.s32 $0xC80, s20;
	[sflag:s16] =	ssyncadd.s32 $0xFFFF9C00  }
0x7c: {  	[hbm4b:s6+s2] =	stream.linear.scatter [tilespmem:s26], [sflag:$0x3], $0x6400, $0x38;
	[tilespmem:$0xE400] =	vst v63  }
0x7d: {  	s24 =	smov.u32 s5;
	_ =	swait.ge [sflag:s9], $0x6400  }
0x7e: {  	s22 =	sshra.s32 s4, $0x2;
	s20 =	sadd.s32 $0x1900, s20;
	[sflag:s9] =	ssyncset.done $0x0  }
0x7f: {  	s4 =	sadd.s32 $0x1C0, s22;
	[sflag:s9] =	ssyncadd.s32 $0xFFFF9C00  }
0x80: {  	[tilespmem:s26], [sflag:$0x2] =	stream.indirect.gather [hbm4b:s3+s10], $0x40, s4, s10, $0xb8;
	[tilespmem:$0xE400] =	vst v63  }
0x81: {  	s5 =	sadd.s32 $0x1F8, s22  }
0x82: {  	[tilespmem:s28], [sflag:$0x2] =	stream.indirect.gather [hbm4b:s3+s10], $0x40, s5, s10, $0xb8;
	[tilespmem:$0xE400] =	vst v63  }
0x83: {  	s6 =	sadd.s32 $0x230, s22  }
0x84: {  	[tilespmem:s29], [sflag:$0x2] =	stream.indirect.gather [hbm4b:s3+s10], $0x40, s6, s10, $0xb8;
	[tilespmem:$0xE400] =	vst v63  }
0x85: {  	s24 =	sadd.s32 $0x268, s22  }
0x86: {  	[tilespmem:s30], [sflag:$0x2] =	stream.indirect.gather [hbm4b:s3+s10], $0x40, s24, s10, $0xb8;
	[tilespmem:$0xE400] =	vst v63  }
0x87: {  	s5 =	sadd.s32 $0x2A0, s22  }
0x88: {  	[tilespmem:s31], [sflag:$0x2] =	stream.indirect.gather [hbm4b:s3+s10], $0x40, s5, s10, $0xb8;
	[tilespmem:$0xE400] =	vst v63  }
0x89: {  	s6 =	sadd.s32 $0x2D8, s22  }
0x8a: {  	[tilespmem:s1], [sflag:$0x2] =	stream.indirect.gather [hbm4b:s3+s10], $0x40, s6, s10, $0xb8;
	[tilespmem:$0xE400] =	vst v63  }
0x8b: {  	s24 =	sadd.s32 $0x310, s22  }
0x8c: {  	[tilespmem:s0], [sflag:$0x2] =	stream.indirect.gather [hbm4b:s3+s10], $0x40, s24, s10, $0xb8;
	[tilespmem:$0xE400] =	vst v63  }
0x8d: {  	s5 =	sadd.s32 $0x348, s22  }
0x8e: {  	[tilespmem:s12], [sflag:$0x2] =	stream.indirect.gather [hbm4b:s3+s10], $0x40, s5, s10, $0xb8;
	[tilespmem:$0xE400] =	vst v63  }
0x8f: {  	_ =	swait.ge [sflag:s14], $0x6400  }
0x90: {  	[sflag:s14] =	ssyncset.done $0x0  }
0x91: {  	[sflag:s14] =	ssyncadd.s32 $0xFFFF9C00  }
0x92: {  	[hbm4b:s20+s2] =	stream.linear.scatter [tilespmem:s11], [sflag:$0x3], $0x6400, $0x38;
	[tilespmem:$0xE400] =	vst v63  }
0x93: {  	_ =	swait.ge [sflag:s9], $0x6400  }
0x94: {  	[sflag:s9] =	ssyncset.done $0x0  }
0x95: {  	s6 =	sadd.s32 $0x380, s22;
	[sflag:s9] =	ssyncadd.s32 $0xFFFF9C00  }
0x96: {  	[tilespmem:s11], [sflag:$0x1] =	stream.indirect.gather [hbm4b:s3+s10], $0x40, s6, s10, $0xb8;
	[tilespmem:$0xE400] =	vst v63  }
0x97: {  	s24 =	sadd.s32 $0x3B8, s22  }
0x98: {  	[tilespmem:s13], [sflag:$0x1] =	stream.indirect.gather [hbm4b:s3+s10], $0x40, s24, s10, $0xb8;
	[tilespmem:$0xE400] =	vst v63  }
0x99: {  	s5 =	sadd.s32 $0x3F0, s22  }
0x9a: {  	[tilespmem:s15], [sflag:$0x1] =	stream.indirect.gather [hbm4b:s3+s10], $0x40, s5, s10, $0xb8;
	[tilespmem:$0xE400] =	vst v63  }
0x9b: {  	s6 =	sadd.s32 $0x428, s22  }
0x9c: {  	[tilespmem:s17], [sflag:$0x1] =	stream.indirect.gather [hbm4b:s3+s10], $0x40, s6, s10, $0xb8;
	[tilespmem:$0xE400] =	vst v63  }
0x9d: {  	s24 =	sadd.s32 $0x460, s22  }
0x9e: {  	[tilespmem:s19], [sflag:$0x1] =	stream.indirect.gather [hbm4b:s3+s10], $0x40, s24, s10, $0xb8;
	[tilespmem:$0xE400] =	vst v63  }
0x9f: {  	s5 =	sadd.s32 $0x498, s22  }
0xa0: {  	[tilespmem:s21], [sflag:$0x1] =	stream.indirect.gather [hbm4b:s3+s10], $0x40, s5, s10, $0xb8;
	[tilespmem:$0xE400] =	vst v63  }
0xa1: {  	s6 =	sadd.s32 $0x4D0, s22  }
0xa2: {  	[tilespmem:s23], [sflag:$0x1] =	stream.indirect.gather [hbm4b:s3+s10], $0x40, s6, s10, $0xb8;
	[tilespmem:$0xE400] =	vst v63  }
0xa3: {  	s22 =	sadd.s32 $0x508, s22  }
0xa4: {  	[tilespmem:s25], [sflag:$0x1] =	stream.indirect.gather [hbm4b:s3+s10], $0x40, s22, s10, $0xb8;
	[tilespmem:$0xE400] =	vst v63  }
0xa5: {  	_ =	swait.ge [sflag:s16], $0x6400  }
0xa6: {  	[sflag:s16] =	ssyncset.done $0x0  }
0xa7: {  	s24 =	sadd.s32 $0xC80, s20;
	[sflag:s16] =	ssyncadd.s32 $0xFFFF9C00  }
0xa8: {  	[hbm4b:s24+s2] =	stream.linear.scatter [tilespmem:s26], [sflag:$0x3], $0x6400, $0x38;
	[tilespmem:$0xE400] =	vst v63  }
0xa9: {  	_ =	swait.ge [sflag:s9], $0x6400  }
0xaa: {  	[sflag:s9] =	ssyncset.done $0x0  }
0xab: {  	s5 =	simm.s32 $0x1A40;
	[sflag:s9] =	ssyncadd.s32 $0xFFFF9C00  }
0xac: {  	[tilespmem:s26], [sflag:$0x2] =	stream.indirect.gather [hbm4b:s3+s10], $0x40, s5, s10, $0xb8;
	[tilespmem:$0xE400] =	vst v63  }
0xad: {  	s6 =	simm.s32 $0x1A78  }
0xae: {  	[tilespmem:s28], [sflag:$0x2] =	stream.indirect.gather [hbm4b:s3+s10], $0x40, s6, s10, $0xb8;
	[tilespmem:$0xE400] =	vst v63  }
0xaf: {  	s20 =	simm.s32 $0x1AB0  }
0xb0: {  	[tilespmem:s29], [sflag:$0x2] =	stream.indirect.gather [hbm4b:s3+s10], $0x40, s20, s10, $0xb8;
	[tilespmem:$0xE400] =	vst v63  }
0xb1: {  	s22 =	simm.s32 $0x1AE8  }
0xb2: {  	[tilespmem:s30], [sflag:$0x2] =	stream.indirect.gather [hbm4b:s3+s10], $0x40, s22, s10, $0xb8;
	[tilespmem:$0xE400] =	vst v63  }
0xb3: {  	s24 =	simm.s32 $0x1B20  }
0xb4: {  	[tilespmem:s31], [sflag:$0x2] =	stream.indirect.gather [hbm4b:s3+s10], $0x40, s24, s10, $0xb8;
	[tilespmem:$0xE400] =	vst v63  }
0xb5: {  	s5 =	simm.s32 $0x1B58  }
0xb6: {  	[tilespmem:s1], [sflag:$0x2] =	stream.indirect.gather [hbm4b:s3+s10], $0x40, s5, s10, $0xb8;
	[tilespmem:$0xE400] =	vst v63  }
0xb7: {  	s6 =	simm.s32 $0x1B90  }
0xb8: {  	[tilespmem:s0], [sflag:$0x2] =	stream.indirect.gather [hbm4b:s3+s10], $0x40, s6, s10, $0xb8;
	[tilespmem:$0xE400] =	vst v63  }
0xb9: {  	s20 =	simm.s32 $0x1BC8  }
0xba: {  	[tilespmem:s12], [sflag:$0x2] =	stream.indirect.gather [hbm4b:s3+s10], $0x40, s20, s10, $0xb8;
	[tilespmem:$0xE400] =	vst v63  }
0xbb: {  	_ =	swait.ge [sflag:s14], $0x6400  }
0xbc: {  	[sflag:s14] =	ssyncset.done $0x0  }
0xbd: {  	s22 =	rddreg [dreg:$0x4];
	[sflag:s14] =	ssyncadd.s32 $0xFFFF9C00  }
0xbe: {  	[hbm4b:s22+s2] =	stream.linear.scatter [tilespmem:s11], [sflag:$0x3], $0x6400, $0x38;
	[tilespmem:$0xE400] =	vst v63  }
0xbf: {  	_ =	swait.ge [sflag:s9], $0x6400  }
0xc0: {  	[sflag:s9] =	ssyncset.done $0x0  }
0xc1: {  	[sflag:s9] =	ssyncadd.s32 $0xFFFF9C00  }
0xc2: {  	_ =	swait.ge [sflag:s16], $0x6400  }
0xc3: {  	[sflag:s16] =	ssyncset.done $0x0  }
0xc4: {  	[sflag:s16] =	ssyncadd.s32 $0xFFFF9C00  }
0xc5: {  	[hbm4b:s7+s2] =	stream.linear.scatter [tilespmem:s26], [sflag:$0x3], $0x6400, $0x38;
	[tilespmem:$0xE400] =	vst v63  }
0xc6: {  	_ =	swait.ge [sflag:s9], $0x6400  }
0xc7: {  	s18 =	sadd.s32 $0x1, s18;
	s24 =	rddreg [dreg:$0x3]  }
0xc8: {  	p0 =	sne.s32 s18, s24  }
.Ltmp1:
0xc9: {  	_ = 	snop;
	(pc) =	sbr.rel @p0 .LBB2_1-.Ltmp1, $3  }
0xca: {  	_ =	sdelay $0x1  }
0xcb: {  	[sflag:s9] =	ssyncset.done $0x0  }
0xcc: {  	[sflag:s9] =	ssyncadd.s32 $0xFFFF9C00  }
0xcd: {  	_ =	sfence.sel $0x180000  }
0xce: {  	[bflag:$0x0] =	sbarrier.arrive $0xFFFF  }
0xcf: {  	_ =	strace $0x9000004D  }
0xd0: {  	s0 =	stileid.u32;
	[bflag:$0x2] =	sbarrier.arrive $0xFFFF  }
0xd1: {  	p0 =	sne.s32 s0, $0x0;
	s0 =	rddreg [dreg:$0x1]  }
0xd2: {  	s0 =	sadd.s32 @!p0 $0x100000, s0  }
0xd3: {  	[sflag:s0] =	ssyncadd.tile.s32 @!p0 $0x1;
	_ =	shalt  }
.Lfunc_end2:
_tile_overlayer_lowered:
.L_overlay_start_2:
0xd4: {  	(tag) =	ssettag $0x2  }
0xd5: {  	s0 =	rddreg [dreg:$0x0];
	s2 =	stileid.u32  }
0xd6: {  	s1 =	rddreg [dreg:$0x1];
	p0 =	sne.s32 s2, $0x0  }
0xd7: {  	s3 =	rddreg [dreg:$0x2];
	[bflag:$0x3] =	sbarrier.arrive $0xFFFF;
	s2 =	simm.s32 @!p0 $0x1C03  }
0xd8: {  	[timem:s3], [sflag:s2] =	dma.local @!p0 [hbm:s0], s1  }
0xd9: {  	s0 =	simm.s32 @!p0 $0x3  }
0xda: {  	_ =	swait.ge @!p0 [sflag:s0], s1  }
0xdb: {  	s1 =	ssub.s32 @!p0 $0x0, s1;
	[sflag:s0] =	ssyncset.done @!p0 $0x0  }
0xdc: {  	[sflag:s0] =	ssyncadd.s32 @!p0 s1  }
0xdd: {  	[bflag:$0x3] =	sbarrier.arrive $0xFFFF  }
0xde: {  	_ =	shalt  }

// kernel: kernel.15.cloned.1.call-start
scs
__scs_entry_jumppad:
0x0: {  	(pc) =	sbr.rel $0x88, $3  }
0x1: {  	(tag) =	ssettag $0x0;
	lr =	simm.s32 $0x1  }
0x2: {  	[smem:$0x3F9F] =	sst lr;
	_ =	strace $0xD0000000  }
0x3: {  	_ = 	snop  }
0x4: {  	_ = 	snop  }
0x5: {  	_ = 	snop  }
0x6: {  	_ = 	snop  }
0x7: {  	_ = 	snop  }
__scs_overlays_trampoline_lowered:
0x8: {  	[smem:$0x3FAE] =	sst s0  }
0x9: {  	[smem:$0x3FAF] =	sst s1  }
0xa: {  	[smem:$0x3FB0] =	sst s2  }
0xb: {  	[smem:$0x3FB1] =	sst s3  }
0xc: {  	[smem:$0x3FB2] =	sst s4  }
0xd: {  	[smem:$0x3FB3] =	sst s5  }
0xe: {  	[smem:$0x3FB4] =	sst s6  }
0xf: {  	[smem:$0x3FB5] =	sst s7  }
0x10: {  	[smem:$0x3FB6] =	sst s8  }
0x11: {  	[smem:$0x3FB7] =	sst s9;
	s0 =	simm.s32 @!p0 $0x0  }
0x12: {  	s1 =	sld [smem:$0x3F9D];
	s0 =	simm.s32 @p0 $0x1  }
0x13: {  	[smem:$0x3FB8] =	sst s0;
	s0 =	simm.s32 @!p1 $0x0  }
0x14: {  	s2 =	sld [smem:$0x3F9C];
	s0 =	simm.s32 @p1 $0x1  }
0x15: {  	[smem:$0x3FB9] =	sst s0;
	s0 =	simm.s32 @!p2 $0x0  }
0x16: {  	s3 =	sld [smem:$0x3FDB];
	s0 =	simm.s32 @p2 $0x1  }
0x17: {  	s4 =	simm.s32 $0x1BF5;
	[smem:$0x3FBB] =	sst s0  }
0x18: {  	s0 =	sld [smem:$0x3F9E];
	_ =	swait.ge [sflag:s4], $0x0  }
0x19: {  	s7 =	sld [smem:$0x3F9F]  }
0x1a: {  	s8 =	sadd.s32 $0xFFFFE003, lr  }
0x1b: {  	s9 =	sadd.s32 $0xFFFFFEF7, lr;
	s5 =	simm.s32 $0xFFFFFFFF;
	p2 =	slt.u32 s8, $0xFFFFF086  }
0x1c: {  	p1 =	slt.u32 s9, $0xF7A;
	s5 =	simm.s32 @!p2 $0x0  }
0x1d: {  	s5 =	simm.s32 @p1 $0x1;
	p0 =	seq.s32 s7, s2  }
0x1e: {  	s7 =	smul.u32 @!p0 $0xF7A, s2;
	p2 =	seq.s32 @!p0 s5, $0x0  }
0x1f: {  	s9 =	smul.u32 $0xF7A, s1;
	s8 =	simm.s32 @!p0 $0x1BF5;
	p2 =	por !p2, p0  }
0x20: {  	[sflag:s8] =	ssyncset.s32 @!p0 $0xFFFFF086;
	s6 =	sadd.s32 @!p0 s3, s7;
	s7 =	simm.s32 @!p0 $0x108  }
0x21: {  	s3 =	sadd.s32 s3, s9;
	s6 =	sadd.s32 @!p0 $0x88, s6;
	s7 =	simm.s32 @p2 $0x1082  }
0x22: {  	[simem:s7], [sflag:s8] =	dma.local @!p0 [hbm:s6], $0xF7A  }
0x23: {  	s9 =	sor.u32 $0xD0000000, s2;
	s6 =	simm.s32 $0x108;
	_ =	swait.ge @!p0 [sflag:s8], $0x0  }
0x24: {  	s3 =	sadd.s32 $0x88, s3;
	s6 =	simm.s32 @!p1 $0x1082;
	[sflag:s4] =	ssyncset.s32 $0xFFFFF086  }
0x25: {  	[simem:s6], [sflag:s4] =	dma.local [hbm:s3], $0xF7A  }
0x26: {  	[smem:$0x3F9F] =	sst s1;
	(tag) =	ssettag s2;
	_ =	strace s9  }
0x27: {  	s1 =	sld [smem:$0x3FAF]  }
0x28: {  	s2 =	sld [smem:$0x3FB0]  }
0x29: {  	s4 =	sld [smem:$0x3FB2]  }
0x2a: {  	p0 =	seq.s32 s5, $0x0;
	s5 =	sld [smem:$0x3FB3]  }
0x2b: {  	s6 =	sld [smem:$0x3FB4]  }
0x2c: {  	s7 =	sld [smem:$0x3FB5]  }
0x2d: {  	s3 =	simm.s32 $0x108;
	s8 =	sld [smem:$0x3FB6]  }
0x2e: {  	s3 =	simm.s32 @!p0 $0x1082;
	s9 =	sld [smem:$0x3FB7]  }
0x2f: {  	lr =	sadd.s32 s0, s3;
	s0 =	sld [smem:$0x3FAE]  }
0x30: {  	s3 =	sld [smem:$0x3FB1]  }
0x31: {  	[smem:$0x3FBA] =	sst s10  }
0x32: {  	s10 =	sld [smem:$0x3FB8];
	_ =	sdelay $0x3  }
0x33: {  	p0 =	seq.s32 s10, $0x1;
	s10 =	sld [smem:$0x3FBA];
	_ =	sdelay $0x3  }
0x34: {  	[smem:$0x3FBA] =	sst s10  }
0x35: {  	s10 =	sld [smem:$0x3FB9];
	_ =	sdelay $0x3  }
0x36: {  	p1 =	seq.s32 s10, $0x1;
	s10 =	sld [smem:$0x3FBA];
	_ =	sdelay $0x3  }
0x37: {  	[smem:$0x3FBA] =	sst s10  }
0x38: {  	s10 =	sld [smem:$0x3FBB]  }
0x39: {  	_ = 	snop;
	(pc) =	sbr.ind lr, $3  }
0x3a: {  	_ = 	snop  }
0x3b: {  	_ = 	snop  }
0x3c: {  	p2 =	seq.s32 s10, $0x1;
	s10 =	sld [smem:$0x3FBA]  }
0x3d: {  	_ =	shalt  }
0x3e: {  	_ =	shalt  }
0x3f: {  	_ =	shalt  }
0x40: {  	_ =	shalt  }
0x41: {  	_ =	shalt  }
0x42: {  	_ =	shalt  }
0x43: {  	_ =	shalt  }
0x44: {  	_ =	shalt  }
0x45: {  	_ =	shalt  }
0x46: {  	_ =	shalt  }
0x47: {  	_ =	shalt  }
0x48: {  	_ =	shalt  }
0x49: {  	_ =	shalt  }
0x4a: {  	_ =	shalt  }
0x4b: {  	_ =	shalt  }
0x4c: {  	_ =	shalt  }
0x4d: {  	_ =	shalt  }
0x4e: {  	_ =	shalt  }
0x4f: {  	_ =	shalt  }
0x50: {  	_ =	shalt  }
0x51: {  	_ =	shalt  }
0x52: {  	_ =	shalt  }
0x53: {  	_ =	shalt  }
0x54: {  	_ =	shalt  }
0x55: {  	_ =	shalt  }
0x56: {  	_ =	shalt  }
0x57: {  	_ =	shalt  }
0x58: {  	_ =	shalt  }
0x59: {  	_ =	shalt  }
0x5a: {  	_ =	shalt  }
0x5b: {  	_ =	shalt  }
0x5c: {  	_ =	shalt  }
0x5d: {  	_ =	shalt  }
0x5e: {  	_ =	shalt  }
0x5f: {  	_ =	shalt  }
0x60: {  	_ =	shalt  }
0x61: {  	_ =	shalt  }
0x62: {  	_ =	shalt  }
0x63: {  	_ =	shalt  }
0x64: {  	_ =	shalt  }
0x65: {  	_ =	shalt  }
0x66: {  	_ =	shalt  }
0x67: {  	_ =	shalt  }
0x68: {  	_ =	shalt  }
0x69: {  	_ =	shalt  }
0x6a: {  	_ =	shalt  }
0x6b: {  	_ =	shalt  }
0x6c: {  	_ =	shalt  }
0x6d: {  	_ =	shalt  }
0x6e: {  	_ =	shalt  }
0x6f: {  	_ =	shalt  }
0x70: {  	_ =	shalt  }
0x71: {  	_ =	shalt  }
0x72: {  	_ =	shalt  }
0x73: {  	_ =	shalt  }
0x74: {  	_ =	shalt  }
0x75: {  	_ =	shalt  }
0x76: {  	_ =	shalt  }
0x77: {  	_ =	shalt  }
0x78: {  	_ =	shalt  }
0x79: {  	_ =	shalt  }
0x7a: {  	_ =	shalt  }
0x7b: {  	_ =	shalt  }
0x7c: {  	_ =	shalt  }
0x7d: {  	_ =	shalt  }
0x7e: {  	_ =	shalt  }
0x7f: {  	_ =	shalt  }
0x80: {  	_ =	shalt  }
0x81: {  	_ =	shalt  }
0x82: {  	_ =	shalt  }
0x83: {  	_ =	shalt  }
0x84: {  	_ =	shalt  }
0x85: {  	_ =	shalt  }
0x86: {  	_ =	shalt  }
0x87: {  	_ =	shalt  }
.Lfunc_end0:
.L_simem_size_0:
called_computation.7_lowered:
.L_overlay_start_0:
0x88: {  	s2 =	sld [smem:$0x3FD9]  }
0x89: {  	s3 =	sld [smem:$0x3FFE];
	_ =	sdelay $0x1  }
0x8a: {  	s1 =	srdreg.scid  }
0x8b: {  	s0 =	sand.u32 $0x1, s1  }
0x8c: {  	s17 =	sshll.u32 s0, $0xA;
	s2 =	sadd.s32 s3, s2  }
0x8d: {  	s2 =	sadd.s32 s2, s17  }
0x8e: {  	[smem:$0x3FC6] =	sst s2  }
0x8f: {  	_ = 	snop  }
0x90: {  	(tm) =	ssettm $0x1  }
0x91: {  	s18 =	sld [smem:$0x3FFB];
	_ =	sdelay $0x3  }
0x92: {  	_ =	strace s18  }
0x93: {  	s2 =	sld [smem:$0x3FFC];
	_ =	sdelay $0x3  }
0x94: {  	_ =	strace s2  }
0x95: {  	s2 =	sld [smem:$0x3FFD];
	_ =	sdelay $0x3  }
0x96: {  	_ =	strace s2  }
0x97: {  	_ =	strace $0x8FFFFFFF  }
0x98: {  	s19 =	sld [smem:$0x3FDB];
	_ =	sdelay $0x1  }
0x99: {  	s20 =	simm.s32 $_scs_section_size  }
0x9a: {  	s4 =	simm.s32 $_size__tile_overlayer_lowered;
	s5 =	simm.s32 $_tile_overlayer_lowered  }
0x9b: {  	s6 =	simm.s32 $0x1BFF;
	s21 =	sshll.u32 s5, $0x1;
	s3 =	sadd.s32 s20, s19  }
0x9c: {  	s22 =	simm.s32 $0x0;
	s4 =	sshll.u32 s4, $0x1;
	s5 =	sadd.s32 s21, s3  }
0x9d: {  	[timem:s22], [sflag:s6] =	dma.local [hbm:s5], s4  }
0x9e: {  	_ =	swait.ge [sflag:s6], s4  }
0x9f: {  	s4 =	ssub.s32 $0x0, s4;
	[sflag:s6] =	ssyncset.done $0x0  }
0xa0: {  	[sflag:s6] =	ssyncadd.s32 s4;
	_ =	sdelay $0x1  }
0xa1: {  	s23 =	simm.s32 $0x1B8B  }
0xa2: {  	_ =	swait.ge [sflag:s23], $0x1  }
0xa3: {  	[sflag:s23] =	ssyncset.done $0x0  }
0xa4: {  	[sflag:s23] =	ssyncadd.s32 $0xFFFFFFFF  }
0xa5: {  	s4 =	sld [smem:$0x0]  }
0xa6: {  	s5 =	sand.u32 $0xFFFFFFFE, s1  }
0xa7: {  	p0 =	sne.s32 s1, s5  }
0xa8: {  	s5 =	sshll.u32 @p0 s5, $0xE  }
0xa9: {  	s5 =	sadd.s32 @p0 $0x11B8D, s5;
	s6 =	sshll.u32 @p0 s4, $0x11  }
0xaa: {  	s5 =	sor.u32 @p0 s6, s5  }
0xab: {  	[sflag:s5] =	ssyncadd.remote.s32 @p0 $0x1;
	_ =	sdelay $0x1  }
0xac: {  	s5 =	simm.s32 @p0 $0x1B8D  }
0xad: {  	_ =	swait.eq @p0 [sflag:s5], $0x1  }
0xae: {  	[sflag:s5] =	ssyncadd.s32 @p0 $0xFFFFFFFF  }
0xaf: {  	s6 =	sshll.u32 @!p0 s1, $0xE  }
0xb0: {  	s6 =	sor.u32 @!p0 $0x4000, s6;
	s5 =	simm.s32 @!p0 $0x1B8D  }
0xb1: {  	s4 =	sshll.u32 @!p0 s4, $0x11;
	s6 =	sadd.s32 @!p0 $0x11B8D, s6;
	_ =	swait.eq @!p0 [sflag:s5], $0x1  }
0xb2: {  	s4 =	sor.u32 @!p0 s4, s6;
	[sflag:s5] =	ssyncadd.s32 @!p0 $0xFFFFFFFF  }
0xb3: {  	s25 =	simm.s32 $0x1B8E;
	s24 =	sld [smem:$0x3FFE];
	[sflag:s4] =	ssyncadd.remote.s32 @!p0 $0x1  }
0xb4: {  	s26 =	simm.s32 $execute0_lowered;
	[smem:$0x3FD2] =	sst s25  }
0xb5: {  	s5 =	sshll.u32 s26, $0x1;
	_ =	strace $0x80000049;
	[dreg:$0x1] =	wrdreg $0xFFFFFFFF  }
0xb6: {  	s28 =	simm.s32 $_size_execute0_lowered;
	s3 =	sadd.s32 s3, s5;
	[dreg:$0x0] =	wrdreg $0x0  }
0xb7: {  	s5 =	sshll.u32 s28, $0x1;
	[dreg:$0x2] =	wrdreg s3  }
0xb8: {  	[dreg:$0x3] =	wrdreg s5  }
0xb9: {  	[dreg:$0x4] =	wrdreg $0xC0  }
0xba: {  	_ =	task [dreg:s22], $0x5FFFF  }
0xbb: {  	[dreg:$0x1] =	wrdreg $0xFFFFFFFF  }
0xbc: {  	[dreg:$0x0] =	wrdreg $0x60  }
0xbd: {  	[dreg:$0x2] =	wrdreg s24  }
0xbe: {  	[dreg:$0x3] =	wrdreg $0xB  }
0xbf: {  	_ =	task.clear_ibuf [dreg:s22], $0x4FFFF;
	_ =	strace $0x90000049  }
0xc0: {  	s29 =	simm.s32 $0xB;
	_ =	strace $0x8000004B  }
0xc1: {  	_ =	swait.ge [sflag:s29], $0x1  }
0xc2: {  	[sflag:s29] =	ssyncadd.s32 $0xFFFFFFFF  }
0xc3: {  	_ =	strace $0x9000004B  }
0xc4: {  	_ =	sfence  }
0xc5: {  	s30 =	sld [smem:$0x0];
	_ =	sdelay $0x2  }
0xc6: {  	s31 =	sshll.u32 s1, $0xD;
	s1 =	sshrl.u32 s1, $0x2  }
0xc7: {  	s4 =	sand.u32 $0x4000, s31;
	s1 =	sadd.s32 s1, s30  }
0xc8: {  	s0 =	sor.u32 s4, s0;
	s1 =	sshll.u32 s1, $0x11  }
0xc9: {  	s0 =	sor.u32 s1, s0  }
0xca: {  	s0 =	sadd.s32 $0x8F2B, s0  }
0xcb: {  	[sflag:s0] =	ssyncadd.remote.s32 $0x1  }
0xcc: {  	_ =	sfence.sel $0xFFFF  }
0xcd: {  	[dreg:$0x0] =	wrdreg $0xFFFFFFFF;
	(pc) =	sbr.abs _section_cstart, $3  }
0xce: {  	[dreg:$0x1] =	wrdreg $0xFFFFFFFF  }
0xcf: {  	_ =	task.clear_ibuf [dreg:s22], $0x2FFFF;
	_ =	strace $0x9FFFFFFF  }
0xd0: {  	(tm) =	ssettm $0x7FFFFFFF  }
0xd1: {  	_ =	shalt  }
tec
execute0_lowered:
.L_overlay_start_1:
0x0: {  	(tag) =	ssettag $0x1  }
0x1: {  	s0 =	srdreg.scid;
	s8 =	stileid.u32  }
0x2: {  	s4 =	rddreg [dreg:$0x0];
	s2 =	simm.s32 $0x0;
	s9 =	simm.s32 $0x3  }
0x3: {  	s10 =	simm.s32 $0x32;
	s11 =	simm.s32 $0x1C00;
	s13 =	simm.s32 $0x2880  }
0x4: {  	s15 =	simm.s32 $0x3500;
	s17 =	simm.s32 $0x4180;
	s19 =	simm.s32 $0x4E00  }
0x5: {  	s21 =	simm.s32 $0x5A80;
	s23 =	simm.s32 $0x6700;
	s28 =	simm.s32 $0x8C80  }
0x6: {  	s29 =	simm.s32 $0x9900;
	s30 =	simm.s32 $0xA580;
	s31 =	simm.s32 $0xB200  }
0x7: {  	s12 =	simm.s32 $0xD780;
	s14 =	simm.s32 $0x1;
	s16 =	simm.s32 $0x2  }
0x8: {  	s0 =	sand.u32 $0x1, s0;
	s1 =	sshll.u32 s8, $0x1;
	s8 =	smul.u32 $0x19000, s8  }
0x9: {  	s1 =	sor.u32 s0, s1;
	s6 =	ssub.s32 $0x2, s0;
	s0 =	smul.u32 $0xC800, s0  }
0xa: {  	s18 =	simm.s32 $0x0;
	[smem:$0x7FF] =	sst s2;
	s3 =	smul.u32 $0x380, s1  }
0xb: {  	_ =	strace $0x8000004A;
	s1 =	smul.u32 $0xC800, s1;
	s7 =	sshrl.u32 s6, $0x1  }
0xc: {  	s6 =	ssub.s32 s6, s7;
	s5 =	sadd.s32 s3, s4;
	s3 =	sadd.s32 $0x2400, s4  }
0xd: {  	s4 =	sadd.s32 $0x19400, s4;
	s25 =	smax.u32 s6, $0x1;
	s5 =	sadd.s32 $0x12400, s5  }
0xe: {  	[dreg:$0x3] =	wrdreg s25;
	s1 =	sadd.s32 s4, s1;
	s4 =	sadd.s32 s8, s4  }
0xf: {  	s25 =	simm.s32 $0x7380;
	[dreg:$0x2] =	wrdreg s5;
	s26 =	sadd.s32 $0xAF00, s1  }
0x10: {  	s7 =	sadd.s32 $0xBB80, s1;
	s8 =	sadd.s32 s0, s4;
	s1 =	simm.s32 $0xBE80  }
0x11: {  	s0 =	simm.s32 $0xCB00;
	[dreg:$0x4] =	wrdreg s26;
	s26 =	simm.s32 $0x8000  }
.LBB2_1:
0x12: {  	s4 =	rddreg [dreg:$0x2]  }
0x13: {  	[tilespmem:s2], [sflag:$0x3] =	stream.linear.gather [hbm4b:s4+s2], $0x1C00, $0x38;
	[tilespmem:$0xE400] =	vst v63  }
0x14: {  	_ =	swait.ge [sflag:s9], $0x1C00  }
0x15: {  	[sflag:s9] =	ssyncset.done $0x0  }
0x16: {  	[sflag:s9] =	ssyncadd.s32 $0xFFFFE400  }
0x17: {  	[tilespmem:s11], [sflag:$0x1] =	stream.indirect.gather [hbm4b:s3+s10], $0x40, s2, s10, $0xb8;
	[tilespmem:$0xE400] =	vst v63  }
0x18: {  	s6 =	simm.s32 $0x38  }
0x19: {  	[tilespmem:s13], [sflag:$0x1] =	stream.indirect.gather [hbm4b:s3+s10], $0x40, s6, s10, $0xb8;
	[tilespmem:$0xE400] =	vst v63  }
0x1a: {  	s20 =	simm.s32 $0x70  }
0x1b: {  	[tilespmem:s15], [sflag:$0x1] =	stream.indirect.gather [hbm4b:s3+s10], $0x40, s20, s10, $0xb8;
	[tilespmem:$0xE400] =	vst v63  }
0x1c: {  	s22 =	simm.s32 $0xA8  }
0x1d: {  	[tilespmem:s17], [sflag:$0x1] =	stream.indirect.gather [hbm4b:s3+s10], $0x40, s22, s10, $0xb8;
	[tilespmem:$0xE400] =	vst v63  }
0x1e: {  	s24 =	simm.s32 $0xE0  }
0x1f: {  	[tilespmem:s19], [sflag:$0x1] =	stream.indirect.gather [hbm4b:s3+s10], $0x40, s24, s10, $0xb8;
	[tilespmem:$0xE400] =	vst v63  }
0x20: {  	s5 =	simm.s32 $0x118  }
0x21: {  	[tilespmem:s21], [sflag:$0x1] =	stream.indirect.gather [hbm4b:s3+s10], $0x40, s5, s10, $0xb8;
	[tilespmem:$0xE400] =	vst v63  }
0x22: {  	s6 =	simm.s32 $0x150  }
0x23: {  	[tilespmem:s23], [sflag:$0x1] =	stream.indirect.gather [hbm4b:s3+s10], $0x40, s6, s10, $0xb8;
	[tilespmem:$0xE400] =	vst v63  }
0x24: {  	s20 =	simm.s32 $0x188  }
0x25: {  	[tilespmem:s25], [sflag:$0x1] =	stream.indirect.gather [hbm4b:s3+s10], $0x40, s20, s10, $0xb8;
	[tilespmem:$0xE400] =	vst v63  }
0x26: {  	s22 =	simm.s32 $0x1C0  }
0x27: {  	[tilespmem:s26], [sflag:$0x2] =	stream.indirect.gather [hbm4b:s3+s10], $0x40, s22, s10, $0xb8;
	[tilespmem:$0xE400] =	vst v63  }
0x28: {  	s24 =	simm.s32 $0x1F8  }
0x29: {  	[tilespmem:s28], [sflag:$0x2] =	stream.indirect.gather [hbm4b:s3+s10], $0x40, s24, s10, $0xb8;
	[tilespmem:$0xE400] =	vst v63  }
0x2a: {  	s5 =	simm.s32 $0x230  }
0x2b: {  	[tilespmem:s29], [sflag:$0x2] =	stream.indirect.gather [hbm4b:s3+s10], $0x40, s5, s10, $0xb8;
	[tilespmem:$0xE400] =	vst v63  }
0x2c: {  	s6 =	simm.s32 $0x268  }
0x2d: {  	[tilespmem:s30], [sflag:$0x2] =	stream.indirect.gather [hbm4b:s3+s10], $0x40, s6, s10, $0xb8;
	[tilespmem:$0xE400] =	vst v63  }
0x2e: {  	s20 =	simm.s32 $0x2A0  }
0x2f: {  	[tilespmem:s31], [sflag:$0x2] =	stream.indirect.gather [hbm4b:s3+s10], $0x40, s20, s10, $0xb8;
	[tilespmem:$0xE400] =	vst v63  }
0x30: {  	s22 =	simm.s32 $0x2D8  }
0x31: {  	[tilespmem:s1], [sflag:$0x2] =	stream.indirect.gather [hbm4b:s3+s10], $0x40, s22, s10, $0xb8;
	[tilespmem:$0xE400] =	vst v63  }
0x32: {  	s24 =	simm.s32 $0x310  }
0x33: {  	[tilespmem:s0], [sflag:$0x2] =	stream.indirect.gather [hbm4b:s3+s10], $0x40, s24, s10, $0xb8;
	[tilespmem:$0xE400] =	vst v63  }
0x34: {  	s5 =	simm.s32 $0x348  }
0x35: {  	[tilespmem:s12], [sflag:$0x2] =	stream.indirect.gather [hbm4b:s3+s10], $0x40, s5, s10, $0xb8;
	[tilespmem:$0xE400] =	vst v63  }
0x36: {  	_ =	swait.ge [sflag:s14], $0x6400  }
0x37: {  	[sflag:s14] =	ssyncset.done $0x0  }
0x38: {  	[sflag:s14] =	ssyncadd.s32 $0xFFFF9C00  }
0x39: {  	[hbm4b:s8+s2] =	stream.linear.scatter [tilespmem:s11], [sflag:$0x3], $0x6400, $0x38;
	[tilespmem:$0xE400] =	vst v63  }
0x3a: {  	_ =	swait.ge [sflag:s9], $0x6400  }
0x3b: {  	[sflag:s9] =	ssyncset.done $0x0  }
0x3c: {  	s6 =	simm.s32 $0x380;
	[sflag:s9] =	ssyncadd.s32 $0xFFFF9C00  }
0x3d: {  	[tilespmem:s11], [sflag:$0x1] =	stream.indirect.gather [hbm4b:s3+s10], $0x40, s6, s10, $0xb8;
	[tilespmem:$0xE400] =	vst v63  }
0x3e: {  	s20 =	simm.s32 $0x3B8  }
0x3f: {  	[tilespmem:s13], [sflag:$0x1] =	stream.indirect.gather [hbm4b:s3+s10], $0x40, s20, s10, $0xb8;
	[tilespmem:$0xE400] =	vst v63  }
0x40: {  	s22 =	simm.s32 $0x3F0  }
0x41: {  	[tilespmem:s15], [sflag:$0x1] =	stream.indirect.gather [hbm4b:s3+s10], $0x40, s22, s10, $0xb8;
	[tilespmem:$0xE400] =	vst v63  }
0x42: {  	s24 =	simm.s32 $0x428  }
0x43: {  	[tilespmem:s17], [sflag:$0x1] =	stream.indirect.gather [hbm4b:s3+s10], $0x40, s24, s10, $0xb8;
	[tilespmem:$0xE400] =	vst v63  }
0x44: {  	s5 =	simm.s32 $0x460  }
0x45: {  	[tilespmem:s19], [sflag:$0x1] =	stream.indirect.gather [hbm4b:s3+s10], $0x40, s5, s10, $0xb8;
	[tilespmem:$0xE400] =	vst v63  }
0x46: {  	s6 =	simm.s32 $0x498  }
0x47: {  	[tilespmem:s21], [sflag:$0x1] =	stream.indirect.gather [hbm4b:s3+s10], $0x40, s6, s10, $0xb8;
	[tilespmem:$0xE400] =	vst v63  }
0x48: {  	s20 =	simm.s32 $0x4D0  }
0x49: {  	[tilespmem:s23], [sflag:$0x1] =	stream.indirect.gather [hbm4b:s3+s10], $0x40, s20, s10, $0xb8;
	[tilespmem:$0xE400] =	vst v63  }
0x4a: {  	s22 =	simm.s32 $0x508  }
0x4b: {  	[tilespmem:s25], [sflag:$0x1] =	stream.indirect.gather [hbm4b:s3+s10], $0x40, s22, s10, $0xb8;
	[tilespmem:$0xE400] =	vst v63  }
0x4c: {  	_ =	swait.ge [sflag:s16], $0x6400  }
0x4d: {  	[sflag:s16] =	ssyncset.done $0x0  }
0x4e: {  	s24 =	sadd.s32 $0xC80, s8;
	[sflag:s16] =	ssyncadd.s32 $0xFFFF9C00  }
0x4f: {  	[hbm4b:s24+s2] =	stream.linear.scatter [tilespmem:s26], [sflag:$0x3], $0x6400, $0x38;
	[tilespmem:$0xE400] =	vst v63  }
0x50: {  	s20 =	sadd.s32 $0x1900, s8;
	_ =	swait.ge [sflag:s9], $0x6400  }
0x51: {  	s22 =	simm.s32 $0x380;
	s24 =	simm.s32 $0x1C00;
	[sflag:s9] =	ssyncset.done $0x0  }
.LBB2_2:
0x52: {  	s6 =	sadd.s32 $0x1C0, s22  }
0x53: {  	[sflag:s9] =	ssyncadd.s32 $0xFFFF9C00;
	s4 =	smov.u32 s24;
	s5 =	sadd.s32 $0xE00, s24  }
0x54: {  	[tilespmem:s26], [sflag:$0x2] =	stream.indirect.gather [hbm4b:s3+s10], $0x40, s6, s10, $0xb8;
	[tilespmem:$0xE400] =	vst v63  }
0x55: {  	p0 =	sne.s32 s24, $0x5400;
	s6 =	sadd.s32 $0x1F8, s22  }
0x56: {  	[tilespmem:s28], [sflag:$0x2] =	stream.indirect.gather [hbm4b:s3+s10], $0x40, s6, s10, $0xb8;
	[tilespmem:$0xE400] =	vst v63  }
0x57: {  	s6 =	sadd.s32 $0x230, s22  }
0x58: {  	[tilespmem:s29], [sflag:$0x2] =	stream.indirect.gather [hbm4b:s3+s10], $0x40, s6, s10, $0xb8;
	[tilespmem:$0xE400] =	vst v63  }
0x59: {  	s6 =	sadd.s32 $0x268, s22  }
0x5a: {  	[tilespmem:s30], [sflag:$0x2] =	stream.indirect.gather [hbm4b:s3+s10], $0x40, s6, s10, $0xb8;
	[tilespmem:$0xE400] =	vst v63  }
0x5b: {  	s6 =	sadd.s32 $0x2A0, s22  }
0x5c: {  	[tilespmem:s31], [sflag:$0x2] =	stream.indirect.gather [hbm4b:s3+s10], $0x40, s6, s10, $0xb8;
	[tilespmem:$0xE400] =	vst v63  }
0x5d: {  	s6 =	sadd.s32 $0x2D8, s22  }
0x5e: {  	[tilespmem:s1], [sflag:$0x2] =	stream.indirect.gather [hbm4b:s3+s10], $0x40, s6, s10, $0xb8;
	[tilespmem:$0xE400] =	vst v63  }
0x5f: {  	s6 =	sadd.s32 $0x310, s22  }
0x60: {  	[tilespmem:s0], [sflag:$0x2] =	stream.indirect.gather [hbm4b:s3+s10], $0x40, s6, s10, $0xb8;
	[tilespmem:$0xE400] =	vst v63  }
0x61: {  	s6 =	sadd.s32 $0x348, s22  }
0x62: {  	[tilespmem:s12], [sflag:$0x2] =	stream.indirect.gather [hbm4b:s3+s10], $0x40, s6, s10, $0xb8;
	[tilespmem:$0xE400] =	vst v63  }
0x63: {  	_ =	swait.ge [sflag:s14], $0x6400  }
0x64: {  	[sflag:s14] =	ssyncset.done $0x0  }
0x65: {  	[sflag:s14] =	ssyncadd.s32 $0xFFFF9C00  }
0x66: {  	[hbm4b:s20+s2] =	stream.linear.scatter [tilespmem:s11], [sflag:$0x3], $0x6400, $0x38;
	[tilespmem:$0xE400] =	vst v63  }
0x67: {  	_ =	swait.ge [sflag:s9], $0x6400  }
0x68: {  	[sflag:s9] =	ssyncset.done $0x0  }
0x69: {  	s6 =	sadd.s32 $0x380, s22;
	[sflag:s9] =	ssyncadd.s32 $0xFFFF9C00  }
0x6a: {  	[tilespmem:s11], [sflag:$0x1] =	stream.indirect.gather [hbm4b:s3+s10], $0x40, s6, s10, $0xb8;
	[tilespmem:$0xE400] =	vst v63  }
0x6b: {  	s6 =	sadd.s32 $0x3B8, s22  }
0x6c: {  	[tilespmem:s13], [sflag:$0x1] =	stream.indirect.gather [hbm4b:s3+s10], $0x40, s6, s10, $0xb8;
	[tilespmem:$0xE400] =	vst v63  }
0x6d: {  	s6 =	sadd.s32 $0x3F0, s22  }
0x6e: {  	[tilespmem:s15], [sflag:$0x1] =	stream.indirect.gather [hbm4b:s3+s10], $0x40, s6, s10, $0xb8;
	[tilespmem:$0xE400] =	vst v63  }
0x6f: {  	s6 =	sadd.s32 $0x428, s22  }
0x70: {  	[tilespmem:s17], [sflag:$0x1] =	stream.indirect.gather [hbm4b:s3+s10], $0x40, s6, s10, $0xb8;
	[tilespmem:$0xE400] =	vst v63  }
0x71: {  	s6 =	sadd.s32 $0x460, s22  }
0x72: {  	[tilespmem:s19], [sflag:$0x1] =	stream.indirect.gather [hbm4b:s3+s10], $0x40, s6, s10, $0xb8;
	[tilespmem:$0xE400] =	vst v63  }
0x73: {  	s6 =	sadd.s32 $0x498, s22  }
0x74: {  	[tilespmem:s21], [sflag:$0x1] =	stream.indirect.gather [hbm4b:s3+s10], $0x40, s6, s10, $0xb8;
	[tilespmem:$0xE400] =	vst v63  }
0x75: {  	s6 =	sadd.s32 $0x4D0, s22  }
0x76: {  	[tilespmem:s23], [sflag:$0x1] =	stream.indirect.gather [hbm4b:s3+s10], $0x40, s6, s10, $0xb8;
	[tilespmem:$0xE400] =	vst v63  }
0x77: {  	s6 =	sadd.s32 $0x508, s22  }
0x78: {  	[tilespmem:s25], [sflag:$0x1] =	stream.indirect.gather [hbm4b:s3+s10], $0x40, s6, s10, $0xb8;
	[tilespmem:$0xE400] =	vst v63  }
0x79: {  	_ =	swait.ge [sflag:s16], $0x6400  }
.Ltmp0:
0x7a: {  	[sflag:s16] =	ssyncset.done $0x0;
	(pc) =	sbr.rel @p0 .LBB2_2-.Ltmp0, $4  }
0x7b: {  	s6 =	sadd.s32 $0xC80, s20;
	[sflag:s16] =	ssyncadd.s32 $0xFFFF9C00  }
0x7c: {  	[hbm4b:s6+s2] =	stream.linear.scatter [tilespmem:s26], [sflag:$0x3], $0x6400, $0x38;
	[tilespmem:$0xE400] =	vst v63  }
0x7d: {  	s24 =	smov.u32 s5;
	_ =	swait.ge [sflag:s9], $0x6400  }
0x7e: {  	s22 =	sshra.s32 s4, $0x2;
	s20 =	sadd.s32 $0x1900, s20;
	[sflag:s9] =	ssyncset.done $0x0  }
0x7f: {  	s4 =	sadd.s32 $0x1C0, s22;
	[sflag:s9] =	ssyncadd.s32 $0xFFFF9C00  }
0x80: {  	[tilespmem:s26], [sflag:$0x2] =	stream.indirect.gather [hbm4b:s3+s10], $0x40, s4, s10, $0xb8;
	[tilespmem:$0xE400] =	vst v63  }
0x81: {  	s5 =	sadd.s32 $0x1F8, s22  }
0x82: {  	[tilespmem:s28], [sflag:$0x2] =	stream.indirect.gather [hbm4b:s3+s10], $0x40, s5, s10, $0xb8;
	[tilespmem:$0xE400] =	vst v63  }
0x83: {  	s6 =	sadd.s32 $0x230, s22  }
0x84: {  	[tilespmem:s29], [sflag:$0x2] =	stream.indirect.gather [hbm4b:s3+s10], $0x40, s6, s10, $0xb8;
	[tilespmem:$0xE400] =	vst v63  }
0x85: {  	s24 =	sadd.s32 $0x268, s22  }
0x86: {  	[tilespmem:s30], [sflag:$0x2] =	stream.indirect.gather [hbm4b:s3+s10], $0x40, s24, s10, $0xb8;
	[tilespmem:$0xE400] =	vst v63  }
0x87: {  	s5 =	sadd.s32 $0x2A0, s22  }
0x88: {  	[tilespmem:s31], [sflag:$0x2] =	stream.indirect.gather [hbm4b:s3+s10], $0x40, s5, s10, $0xb8;
	[tilespmem:$0xE400] =	vst v63  }
0x89: {  	s6 =	sadd.s32 $0x2D8, s22  }
0x8a: {  	[tilespmem:s1], [sflag:$0x2] =	stream.indirect.gather [hbm4b:s3+s10], $0x40, s6, s10, $0xb8;
	[tilespmem:$0xE400] =	vst v63  }
0x8b: {  	s24 =	sadd.s32 $0x310, s22  }
0x8c: {  	[tilespmem:s0], [sflag:$0x2] =	stream.indirect.gather [hbm4b:s3+s10], $0x40, s24, s10, $0xb8;
	[tilespmem:$0xE400] =	vst v63  }
0x8d: {  	s5 =	sadd.s32 $0x348, s22  }
0x8e: {  	[tilespmem:s12], [sflag:$0x2] =	stream.indirect.gather [hbm4b:s3+s10], $0x40, s5, s10, $0xb8;
	[tilespmem:$0xE400] =	vst v63  }
0x8f: {  	_ =	swait.ge [sflag:s14], $0x6400  }
0x90: {  	[sflag:s14] =	ssyncset.done $0x0  }
0x91: {  	[sflag:s14] =	ssyncadd.s32 $0xFFFF9C00  }
0x92: {  	[hbm4b:s20+s2] =	stream.linear.scatter [tilespmem:s11], [sflag:$0x3], $0x6400, $0x38;
	[tilespmem:$0xE400] =	vst v63  }
0x93: {  	_ =	swait.ge [sflag:s9], $0x6400  }
0x94: {  	[sflag:s9] =	ssyncset.done $0x0  }
0x95: {  	s6 =	sadd.s32 $0x380, s22;
	[sflag:s9] =	ssyncadd.s32 $0xFFFF9C00  }
0x96: {  	[tilespmem:s11], [sflag:$0x1] =	stream.indirect.gather [hbm4b:s3+s10], $0x40, s6, s10, $0xb8;
	[tilespmem:$0xE400] =	vst v63  }
0x97: {  	s24 =	sadd.s32 $0x3B8, s22  }
0x98: {  	[tilespmem:s13], [sflag:$0x1] =	stream.indirect.gather [hbm4b:s3+s10], $0x40, s24, s10, $0xb8;
	[tilespmem:$0xE400] =	vst v63  }
0x99: {  	s5 =	sadd.s32 $0x3F0, s22  }
0x9a: {  	[tilespmem:s15], [sflag:$0x1] =	stream.indirect.gather [hbm4b:s3+s10], $0x40, s5, s10, $0xb8;
	[tilespmem:$0xE400] =	vst v63  }
0x9b: {  	s6 =	sadd.s32 $0x428, s22  }
0x9c: {  	[tilespmem:s17], [sflag:$0x1] =	stream.indirect.gather [hbm4b:s3+s10], $0x40, s6, s10, $0xb8;
	[tilespmem:$0xE400] =	vst v63  }
0x9d: {  	s24 =	sadd.s32 $0x460, s22  }
0x9e: {  	[tilespmem:s19], [sflag:$0x1] =	stream.indirect.gather [hbm4b:s3+s10], $0x40, s24, s10, $0xb8;
	[tilespmem:$0xE400] =	vst v63  }
0x9f: {  	s5 =	sadd.s32 $0x498, s22  }
0xa0: {  	[tilespmem:s21], [sflag:$0x1] =	stream.indirect.gather [hbm4b:s3+s10], $0x40, s5, s10, $0xb8;
	[tilespmem:$0xE400] =	vst v63  }
0xa1: {  	s6 =	sadd.s32 $0x4D0, s22  }
0xa2: {  	[tilespmem:s23], [sflag:$0x1] =	stream.indirect.gather [hbm4b:s3+s10], $0x40, s6, s10, $0xb8;
	[tilespmem:$0xE400] =	vst v63  }
0xa3: {  	s22 =	sadd.s32 $0x508, s22  }
0xa4: {  	[tilespmem:s25], [sflag:$0x1] =	stream.indirect.gather [hbm4b:s3+s10], $0x40, s22, s10, $0xb8;
	[tilespmem:$0xE400] =	vst v63  }
0xa5: {  	_ =	swait.ge [sflag:s16], $0x6400  }
0xa6: {  	[sflag:s16] =	ssyncset.done $0x0  }
0xa7: {  	s24 =	sadd.s32 $0xC80, s20;
	[sflag:s16] =	ssyncadd.s32 $0xFFFF9C00  }
0xa8: {  	[hbm4b:s24+s2] =	stream.linear.scatter [tilespmem:s26], [sflag:$0x3], $0x6400, $0x38;
	[tilespmem:$0xE400] =	vst v63  }
0xa9: {  	_ =	swait.ge [sflag:s9], $0x6400  }
0xaa: {  	[sflag:s9] =	ssyncset.done $0x0  }
0xab: {  	s5 =	simm.s32 $0x1A40;
	[sflag:s9] =	ssyncadd.s32 $0xFFFF9C00  }
0xac: {  	[tilespmem:s26], [sflag:$0x2] =	stream.indirect.gather [hbm4b:s3+s10], $0x40, s5, s10, $0xb8;
	[tilespmem:$0xE400] =	vst v63  }
0xad: {  	s6 =	simm.s32 $0x1A78  }
0xae: {  	[tilespmem:s28], [sflag:$0x2] =	stream.indirect.gather [hbm4b:s3+s10], $0x40, s6, s10, $0xb8;
	[tilespmem:$0xE400] =	vst v63  }
0xaf: {  	s20 =	simm.s32 $0x1AB0  }
0xb0: {  	[tilespmem:s29], [sflag:$0x2] =	stream.indirect.gather [hbm4b:s3+s10], $0x40, s20, s10, $0xb8;
	[tilespmem:$0xE400] =	vst v63  }
0xb1: {  	s22 =	simm.s32 $0x1AE8  }
0xb2: {  	[tilespmem:s30], [sflag:$0x2] =	stream.indirect.gather [hbm4b:s3+s10], $0x40, s22, s10, $0xb8;
	[tilespmem:$0xE400] =	vst v63  }
0xb3: {  	s24 =	simm.s32 $0x1B20  }
0xb4: {  	[tilespmem:s31], [sflag:$0x2] =	stream.indirect.gather [hbm4b:s3+s10], $0x40, s24, s10, $0xb8;
	[tilespmem:$0xE400] =	vst v63  }
0xb5: {  	s5 =	simm.s32 $0x1B58  }
0xb6: {  	[tilespmem:s1], [sflag:$0x2] =	stream.indirect.gather [hbm4b:s3+s10], $0x40, s5, s10, $0xb8;
	[tilespmem:$0xE400] =	vst v63  }
0xb7: {  	s6 =	simm.s32 $0x1B90  }
0xb8: {  	[tilespmem:s0], [sflag:$0x2] =	stream.indirect.gather [hbm4b:s3+s10], $0x40, s6, s10, $0xb8;
	[tilespmem:$0xE400] =	vst v63  }
0xb9: {  	s20 =	simm.s32 $0x1BC8  }
0xba: {  	[tilespmem:s12], [sflag:$0x2] =	stream.indirect.gather [hbm4b:s3+s10], $0x40, s20, s10, $0xb8;
	[tilespmem:$0xE400] =	vst v63  }
0xbb: {  	_ =	swait.ge [sflag:s14], $0x6400  }
0xbc: {  	[sflag:s14] =	ssyncset.done $0x0  }
0xbd: {  	s22 =	rddreg [dreg:$0x4];
	[sflag:s14] =	ssyncadd.s32 $0xFFFF9C00  }
0xbe: {  	[hbm4b:s22+s2] =	stream.linear.scatter [tilespmem:s11], [sflag:$0x3], $0x6400, $0x38;
	[tilespmem:$0xE400] =	vst v63  }
0xbf: {  	_ =	swait.ge [sflag:s9], $0x6400  }
0xc0: {  	[sflag:s9] =	ssyncset.done $0x0  }
0xc1: {  	[sflag:s9] =	ssyncadd.s32 $0xFFFF9C00  }
0xc2: {  	_ =	swait.ge [sflag:s16], $0x6400  }
0xc3: {  	[sflag:s16] =	ssyncset.done $0x0  }
0xc4: {  	[sflag:s16] =	ssyncadd.s32 $0xFFFF9C00  }
0xc5: {  	[hbm4b:s7+s2] =	stream.linear.scatter [tilespmem:s26], [sflag:$0x3], $0x6400, $0x38;
	[tilespmem:$0xE400] =	vst v63  }
0xc6: {  	_ =	swait.ge [sflag:s9], $0x6400  }
0xc7: {  	s18 =	sadd.s32 $0x1, s18;
	s24 =	rddreg [dreg:$0x3]  }
0xc8: {  	p0 =	sne.s32 s18, s24  }
.Ltmp1:
0xc9: {  	_ = 	snop;
	(pc) =	sbr.rel @p0 .LBB2_1-.Ltmp1, $3  }
0xca: {  	_ =	sdelay $0x1  }
0xcb: {  	[sflag:s9] =	ssyncset.done $0x0  }
0xcc: {  	[sflag:s9] =	ssyncadd.s32 $0xFFFF9C00  }
0xcd: {  	_ =	sfence.sel $0x180000  }
0xce: {  	[bflag:$0x0] =	sbarrier.arrive $0xFFFF  }
0xcf: {  	_ =	strace $0x9000004A  }
0xd0: {  	s0 =	stileid.u32;
	[bflag:$0x2] =	sbarrier.arrive $0xFFFF  }
0xd1: {  	p0 =	sne.s32 s0, $0x0;
	s0 =	rddreg [dreg:$0x1]  }
0xd2: {  	s0 =	sadd.s32 @!p0 $0x100000, s0  }
0xd3: {  	[sflag:s0] =	ssyncadd.tile.s32 @!p0 $0x1;
	_ =	shalt  }
.Lfunc_end2:
_tile_overlayer_lowered:
.L_overlay_start_2:
0xd4: {  	(tag) =	ssettag $0x2  }
0xd5: {  	s0 =	rddreg [dreg:$0x0];
	s2 =	stileid.u32  }
0xd6: {  	s1 =	rddreg [dreg:$0x1];
	p0 =	sne.s32 s2, $0x0  }
0xd7: {  	s3 =	rddreg [dreg:$0x2];
	[bflag:$0x3] =	sbarrier.arrive $0xFFFF;
	s2 =	simm.s32 @!p0 $0x1C03  }
0xd8: {  	[timem:s3], [sflag:s2] =	dma.local @!p0 [hbm:s0], s1  }
0xd9: {  	s0 =	simm.s32 @!p0 $0x3  }
0xda: {  	_ =	swait.ge @!p0 [sflag:s0], s1  }
0xdb: {  	s1 =	ssub.s32 @!p0 $0x0, s1;
	[sflag:s0] =	ssyncset.done @!p0 $0x0  }
0xdc: {  	[sflag:s0] =	ssyncadd.s32 @!p0 s1  }
0xdd: {  	[bflag:$0x3] =	sbarrier.arrive $0xFFFF  }
0xde: {  	_ =	shalt  }

// kernel: kernel.6.cloned.1.call-start
scs
__scs_entry_jumppad:
0x0: {  	(pc) =	sbr.rel $0x88, $3  }
0x1: {  	(tag) =	ssettag $0x0;
	lr =	simm.s32 $0x1  }
0x2: {  	[smem:$0x3F9F] =	sst lr;
	_ =	strace $0xD0000000  }
0x3: {  	_ = 	snop  }
0x4: {  	_ = 	snop  }
0x5: {  	_ = 	snop  }
0x6: {  	_ = 	snop  }
0x7: {  	_ = 	snop  }
__scs_overlays_trampoline_lowered:
0x8: {  	[smem:$0x3FAE] =	sst s0  }
0x9: {  	[smem:$0x3FAF] =	sst s1  }
0xa: {  	[smem:$0x3FB0] =	sst s2  }
0xb: {  	[smem:$0x3FB1] =	sst s3  }
0xc: {  	[smem:$0x3FB2] =	sst s4  }
0xd: {  	[smem:$0x3FB3] =	sst s5  }
0xe: {  	[smem:$0x3FB4] =	sst s6  }
0xf: {  	[smem:$0x3FB5] =	sst s7  }
0x10: {  	[smem:$0x3FB6] =	sst s8  }
0x11: {  	[smem:$0x3FB7] =	sst s9;
	s0 =	simm.s32 @!p0 $0x0  }
0x12: {  	s1 =	sld [smem:$0x3F9D];
	s0 =	simm.s32 @p0 $0x1  }
0x13: {  	[smem:$0x3FB8] =	sst s0;
	s0 =	simm.s32 @!p1 $0x0  }
0x14: {  	s2 =	sld [smem:$0x3F9C];
	s0 =	simm.s32 @p1 $0x1  }
0x15: {  	[smem:$0x3FB9] =	sst s0;
	s0 =	simm.s32 @!p2 $0x0  }
0x16: {  	s3 =	sld [smem:$0x3FDB];
	s0 =	simm.s32 @p2 $0x1  }
0x17: {  	s4 =	simm.s32 $0x1BF5;
	[smem:$0x3FBB] =	sst s0  }
0x18: {  	s0 =	sld [smem:$0x3F9E];
	_ =	swait.ge [sflag:s4], $0x0  }
0x19: {  	s7 =	sld [smem:$0x3F9F]  }
0x1a: {  	s8 =	sadd.s32 $0xFFFFE003, lr  }
0x1b: {  	s9 =	sadd.s32 $0xFFFFFEF7, lr;
	s5 =	simm.s32 $0xFFFFFFFF;
	p2 =	slt.u32 s8, $0xFFFFF086  }
0x1c: {  	p1 =	slt.u32 s9, $0xF7A;
	s5 =	simm.s32 @!p2 $0x0  }
0x1d: {  	s5 =	simm.s32 @p1 $0x1;
	p0 =	seq.s32 s7, s2  }
0x1e: {  	s7 =	smul.u32 @!p0 $0xF7A, s2;
	p2 =	seq.s32 @!p0 s5, $0x0  }
0x1f: {  	s9 =	smul.u32 $0xF7A, s1;
	s8 =	simm.s32 @!p0 $0x1BF5;
	p2 =	por !p2, p0  }
0x20: {  	[sflag:s8] =	ssyncset.s32 @!p0 $0xFFFFF086;
	s6 =	sadd.s32 @!p0 s3, s7;
	s7 =	simm.s32 @!p0 $0x108  }
0x21: {  	s3 =	sadd.s32 s3, s9;
	s6 =	sadd.s32 @!p0 $0x88, s6;
	s7 =	simm.s32 @p2 $0x1082  }
0x22: {  	[simem:s7], [sflag:s8] =	dma.local @!p0 [hbm:s6], $0xF7A  }
0x23: {  	s9 =	sor.u32 $0xD0000000, s2;
	s6 =	simm.s32 $0x108;
	_ =	swait.ge @!p0 [sflag:s8], $0x0  }
0x24: {  	s3 =	sadd.s32 $0x88, s3;
	s6 =	simm.s32 @!p1 $0x1082;
	[sflag:s4] =	ssyncset.s32 $0xFFFFF086  }
0x25: {  	[simem:s6], [sflag:s4] =	dma.local [hbm:s3], $0xF7A  }
0x26: {  	[smem:$0x3F9F] =	sst s1;
	(tag) =	ssettag s2;
	_ =	strace s9  }
0x27: {  	s1 =	sld [smem:$0x3FAF]  }
0x28: {  	s2 =	sld [smem:$0x3FB0]  }
0x29: {  	s4 =	sld [smem:$0x3FB2]  }
0x2a: {  	p0 =	seq.s32 s5, $0x0;
	s5 =	sld [smem:$0x3FB3]  }
0x2b: {  	s6 =	sld [smem:$0x3FB4]  }
0x2c: {  	s7 =	sld [smem:$0x3FB5]  }
0x2d: {  	s3 =	simm.s32 $0x108;
	s8 =	sld [smem:$0x3FB6]  }
0x2e: {  	s3 =	simm.s32 @!p0 $0x1082;
	s9 =	sld [smem:$0x3FB7]  }
0x2f: {  	lr =	sadd.s32 s0, s3;
	s0 =	sld [smem:$0x3FAE]  }
0x30: {  	s3 =	sld [smem:$0x3FB1]  }
0x31: {  	[smem:$0x3FBA] =	sst s10  }
0x32: {  	s10 =	sld [smem:$0x3FB8];
	_ =	sdelay $0x3  }
0x33: {  	p0 =	seq.s32 s10, $0x1;
	s10 =	sld [smem:$0x3FBA];
	_ =	sdelay $0x3  }
0x34: {  	[smem:$0x3FBA] =	sst s10  }
0x35: {  	s10 =	sld [smem:$0x3FB9];
	_ =	sdelay $0x3  }
0x36: {  	p1 =	seq.s32 s10, $0x1;
	s10 =	sld [smem:$0x3FBA];
	_ =	sdelay $0x3  }
0x37: {  	[smem:$0x3FBA] =	sst s10  }
0x38: {  	s10 =	sld [smem:$0x3FBB]  }
0x39: {  	_ = 	snop;
	(pc) =	sbr.ind lr, $3  }
0x3a: {  	_ = 	snop  }
0x3b: {  	_ = 	snop  }
0x3c: {  	p2 =	seq.s32 s10, $0x1;
	s10 =	sld [smem:$0x3FBA]  }
0x3d: {  	_ =	shalt  }
0x3e: {  	_ =	shalt  }
0x3f: {  	_ =	shalt  }
0x40: {  	_ =	shalt  }
0x41: {  	_ =	shalt  }
0x42: {  	_ =	shalt  }
0x43: {  	_ =	shalt  }
0x44: {  	_ =	shalt  }
0x45: {  	_ =	shalt  }
0x46: {  	_ =	shalt  }
0x47: {  	_ =	shalt  }
0x48: {  	_ =	shalt  }
0x49: {  	_ =	shalt  }
0x4a: {  	_ =	shalt  }
0x4b: {  	_ =	shalt  }
0x4c: {  	_ =	shalt  }
0x4d: {  	_ =	shalt  }
0x4e: {  	_ =	shalt  }
0x4f: {  	_ =	shalt  }
0x50: {  	_ =	shalt  }
0x51: {  	_ =	shalt  }
0x52: {  	_ =	shalt  }
0x53: {  	_ =	shalt  }
0x54: {  	_ =	shalt  }
0x55: {  	_ =	shalt  }
0x56: {  	_ =	shalt  }
0x57: {  	_ =	shalt  }
0x58: {  	_ =	shalt  }
0x59: {  	_ =	shalt  }
0x5a: {  	_ =	shalt  }
0x5b: {  	_ =	shalt  }
0x5c: {  	_ =	shalt  }
0x5d: {  	_ =	shalt  }
0x5e: {  	_ =	shalt  }
0x5f: {  	_ =	shalt  }
0x60: {  	_ =	shalt  }
0x61: {  	_ =	shalt  }
0x62: {  	_ =	shalt  }
0x63: {  	_ =	shalt  }
0x64: {  	_ =	shalt  }
0x65: {  	_ =	shalt  }
0x66: {  	_ =	shalt  }
0x67: {  	_ =	shalt  }
0x68: {  	_ =	shalt  }
0x69: {  	_ =	shalt  }
0x6a: {  	_ =	shalt  }
0x6b: {  	_ =	shalt  }
0x6c: {  	_ =	shalt  }
0x6d: {  	_ =	shalt  }
0x6e: {  	_ =	shalt  }
0x6f: {  	_ =	shalt  }
0x70: {  	_ =	shalt  }
0x71: {  	_ =	shalt  }
0x72: {  	_ =	shalt  }
0x73: {  	_ =	shalt  }
0x74: {  	_ =	shalt  }
0x75: {  	_ =	shalt  }
0x76: {  	_ =	shalt  }
0x77: {  	_ =	shalt  }
0x78: {  	_ =	shalt  }
0x79: {  	_ =	shalt  }
0x7a: {  	_ =	shalt  }
0x7b: {  	_ =	shalt  }
0x7c: {  	_ =	shalt  }
0x7d: {  	_ =	shalt  }
0x7e: {  	_ =	shalt  }
0x7f: {  	_ =	shalt  }
0x80: {  	_ =	shalt  }
0x81: {  	_ =	shalt  }
0x82: {  	_ =	shalt  }
0x83: {  	_ =	shalt  }
0x84: {  	_ =	shalt  }
0x85: {  	_ =	shalt  }
0x86: {  	_ =	shalt  }
0x87: {  	_ =	shalt  }
.Lfunc_end0:
.L_simem_size_0:
called_computation.4_lowered:
.L_overlay_start_0:
0x88: {  	s2 =	sld [smem:$0x3FD9]  }
0x89: {  	s3 =	sld [smem:$0x3FFE];
	_ =	sdelay $0x1  }
0x8a: {  	s1 =	srdreg.scid  }
0x8b: {  	s0 =	sand.u32 $0x1, s1  }
0x8c: {  	s17 =	sshll.u32 s0, $0xA;
	s2 =	sadd.s32 s3, s2  }
0x8d: {  	s2 =	sadd.s32 s2, s17  }
0x8e: {  	[smem:$0x3FC6] =	sst s2  }
0x8f: {  	_ = 	snop  }
0x90: {  	s2 =	sld [smem:$0x3FD0];
	(tm) =	ssettm $0x1  }
0x91: {  	s18 =	sld [smem:$0x3FFB];
	_ =	sdelay $0x3  }
0x92: {  	_ =	strace s18  }
0x93: {  	s3 =	sld [smem:$0x3FFC];
	_ =	sdelay $0x3  }
0x94: {  	_ =	strace s3  }
0x95: {  	s3 =	sld [smem:$0x3FFD];
	_ =	sdelay $0x3  }
0x96: {  	_ =	strace s3  }
0x97: {  	_ =	strace $0x8FFFFFFF  }
0x98: {  	s19 =	sld [smem:$0x3FDB];
	_ =	sdelay $0x1  }
0x99: {  	s4 =	simm.s32 $_scs_section_size  }
0x9a: {  	s5 =	simm.s32 $_size__tile_overlayer_lowered;
	s6 =	simm.s32 $_tile_overlayer_lowered  }
0x9b: {  	s22 =	simm.s32 $0x1BFF;
	s21 =	sshll.u32 s6, $0x1;
	s3 =	sadd.s32 s4, s19  }
0x9c: {  	s7 =	simm.s32 $0x0;
	s20 =	sshll.u32 s5, $0x1;
	s5 =	sadd.s32 s21, s3  }
0x9d: {  	[timem:s7], [sflag:s22] =	dma.local [hbm:s5], s20  }
0x9e: {  	_ =	swait.ge [sflag:s22], s20  }
0x9f: {  	s4 =	ssub.s32 $0x0, s20;
	[sflag:s22] =	ssyncset.done $0x0  }
0xa0: {  	[sflag:s22] =	ssyncadd.s32 s4;
	_ =	sdelay $0x1  }
0xa1: {  	s23 =	simm.s32 $0x1B8B  }
0xa2: {  	_ =	swait.ge [sflag:s23], $0x1  }
0xa3: {  	[sflag:s23] =	ssyncset.done $0x0  }
0xa4: {  	s25 =	simm.s32 $0x1B8E;
	s24 =	sld [smem:$0x3FFE];
	[sflag:s23] =	ssyncadd.s32 $0xFFFFFFFF  }
0xa5: {  	s26 =	simm.s32 $execute0_lowered;
	[smem:$0x3FD2] =	sst s25  }
0xa6: {  	s5 =	sshll.u32 s26, $0x1;
	_ =	strace $0x80000046;
	[dreg:$0x1] =	wrdreg $0xFFFFFFFF  }
0xa7: {  	s28 =	simm.s32 $_size_execute0_lowered;
	s3 =	sadd.s32 s3, s5;
	[dreg:$0x0] =	wrdreg $0x0  }
0xa8: {  	s5 =	sshll.u32 s28, $0x1;
	[dreg:$0x2] =	wrdreg s3  }
0xa9: {  	[dreg:$0x3] =	wrdreg s5  }
0xaa: {  	[dreg:$0x4] =	wrdreg $0xC0  }
0xab: {  	_ =	task [dreg:s7], $0x5FFFF  }
0xac: {  	[dreg:$0x1] =	wrdreg $0xFFFFFFFF  }
0xad: {  	[dreg:$0x0] =	wrdreg $0x60  }
0xae: {  	[dreg:$0x2] =	wrdreg s24  }
0xaf: {  	[dreg:$0x3] =	wrdreg s2  }
0xb0: {  	[dreg:$0x4] =	wrdreg $0x9  }
0xb1: {  	_ =	task.clear_ibuf [dreg:s7], $0x5FFFF;
	_ =	strace $0x90000046  }
0xb2: {  	s29 =	simm.s32 $0x9;
	_ =	strace $0x80000048  }
0xb3: {  	_ =	swait.ge [sflag:s29], $0x1  }
0xb4: {  	[sflag:s29] =	ssyncadd.s32 $0xFFFFFFFF  }
0xb5: {  	_ =	strace $0x90000048  }
0xb6: {  	_ =	sfence  }
0xb7: {  	s30 =	sld [smem:$0x0];
	_ =	sdelay $0x2  }
0xb8: {  	s31 =	sshll.u32 s1, $0xD;
	s1 =	sshrl.u32 s1, $0x2  }
0xb9: {  	s3 =	sand.u32 $0x4000, s31;
	s1 =	sadd.s32 s1, s30  }
0xba: {  	s0 =	sor.u32 s3, s0;
	s1 =	sshll.u32 s1, $0x11  }
0xbb: {  	s0 =	sor.u32 s1, s0  }
0xbc: {  	s0 =	sadd.s32 $0x8F2B, s0  }
0xbd: {  	[sflag:s0] =	ssyncadd.remote.s32 $0x1  }
0xbe: {  	_ =	sfence.sel $0xFFFF  }
0xbf: {  	[dreg:$0x0] =	wrdreg $0xFFFFFFFF;
	(pc) =	sbr.abs _section_cstart, $3  }
0xc0: {  	[dreg:$0x1] =	wrdreg $0xFFFFFFFF  }
0xc1: {  	_ =	task.clear_ibuf [dreg:s7], $0x2FFFF;
	_ =	strace $0x9FFFFFFF  }
0xc2: {  	(tm) =	ssettm $0x7FFFFFFF  }
0xc3: {  	_ =	shalt  }
tec
execute0_lowered:
.L_overlay_start_1:
0x0: {  	(tag) =	ssettag $0x1  }
0x1: {  	s0 =	rddreg [dreg:$0x0];
	s1 =	srdreg.scid  }
0x2: {  	s8 =	stileid.u32;
	s4 =	rddreg [dreg:$0x1];
	s2 =	simm.s32 $0x0  }
0x3: {  	s9 =	simm.s32 $0x3;
	s10 =	simm.s32 $0x32;
	s11 =	simm.s32 $0x1C00  }
0x4: {  	s13 =	simm.s32 $0x2880;
	s15 =	simm.s32 $0x3500;
	s17 =	simm.s32 $0x4180  }
0x5: {  	s19 =	simm.s32 $0x4E00;
	s21 =	simm.s32 $0x5A80;
	s23 =	simm.s32 $0x6700  }
0x6: {  	s28 =	simm.s32 $0x8C80;
	s29 =	simm.s32 $0x9900;
	s30 =	simm.s32 $0xA580  }
0x7: {  	s31 =	simm.s32 $0xB200;
	s12 =	simm.s32 $0xD780;
	s14 =	simm.s32 $0x1  }
0x8: {  	s1 =	sand.u32 $0x1, s1;
	s3 =	sshll.u32 s8, $0x1;
	s8 =	smul.u32 $0x19000, s8  }
0x9: {  	s3 =	sor.u32 s1, s3;
	s6 =	ssub.s32 $0x2, s1;
	s1 =	smul.u32 $0xC800, s1  }
0xa: {  	s16 =	simm.s32 $0x2;
	[smem:$0x7FF] =	sst s2;
	s5 =	smul.u32 $0x380, s3  }
0xb: {  	s18 =	simm.s32 $0x0;
	_ =	strace $0x80000047;
	s7 =	smul.u32 $0xC800, s3  }
0xc: {  	s3 =	sadd.s32 $0x2400, s0;
	s24 =	sshrl.u32 s6, $0x1;
	s5 =	sadd.s32 s5, s0  }
0xd: {  	s0 =	ssub.s32 s6, s24;
	s25 =	sadd.s32 s4, s7;
	s4 =	sadd.s32 s8, s4  }
0xe: {  	s5 =	sadd.s32 $0xB400, s5;
	s0 =	smax.u32 s0, $0x1;
	s26 =	sadd.s32 $0xAF00, s25  }
0xf: {  	s7 =	sadd.s32 $0xBB80, s25;
	s8 =	sadd.s32 s1, s4;
	[dreg:$0x3] =	wrdreg s5  }
0x10: {  	s25 =	simm.s32 $0x7380;
	s1 =	simm.s32 $0xBE80;
	[dreg:$0x4] =	wrdreg s0  }
0x11: {  	[dreg:$0x5] =	wrdreg s26;
	s26 =	simm.s32 $0x8000;
	s0 =	simm.s32 $0xCB00  }
.LBB2_1:
0x12: {  	s4 =	rddreg [dreg:$0x3]  }
0x13: {  	[tilespmem:s2], [sflag:$0x3] =	stream.linear.gather [hbm4b:s4+s2], $0x1C00, $0x38;
	[tilespmem:$0xE400] =	vst v63  }
0x14: {  	_ =	swait.ge [sflag:s9], $0x1C00  }
0x15: {  	[sflag:s9] =	ssyncset.done $0x0  }
0x16: {  	[sflag:s9] =	ssyncadd.s32 $0xFFFFE400  }
0x17: {  	[tilespmem:s11], [sflag:$0x1] =	stream.indirect.gather [hbm4b:s3+s10], $0x40, s2, s10, $0xb8;
	[tilespmem:$0xE400] =	vst v63  }
0x18: {  	s6 =	simm.s32 $0x38  }
0x19: {  	[tilespmem:s13], [sflag:$0x1] =	stream.indirect.gather [hbm4b:s3+s10], $0x40, s6, s10, $0xb8;
	[tilespmem:$0xE400] =	vst v63  }
0x1a: {  	s20 =	simm.s32 $0x70  }
0x1b: {  	[tilespmem:s15], [sflag:$0x1] =	stream.indirect.gather [hbm4b:s3+s10], $0x40, s20, s10, $0xb8;
	[tilespmem:$0xE400] =	vst v63  }
0x1c: {  	s22 =	simm.s32 $0xA8  }
0x1d: {  	[tilespmem:s17], [sflag:$0x1] =	stream.indirect.gather [hbm4b:s3+s10], $0x40, s22, s10, $0xb8;
	[tilespmem:$0xE400] =	vst v63  }
0x1e: {  	s24 =	simm.s32 $0xE0  }
0x1f: {  	[tilespmem:s19], [sflag:$0x1] =	stream.indirect.gather [hbm4b:s3+s10], $0x40, s24, s10, $0xb8;
	[tilespmem:$0xE400] =	vst v63  }
0x20: {  	s5 =	simm.s32 $0x118  }
0x21: {  	[tilespmem:s21], [sflag:$0x1] =	stream.indirect.gather [hbm4b:s3+s10], $0x40, s5, s10, $0xb8;
	[tilespmem:$0xE400] =	vst v63  }
0x22: {  	s6 =	simm.s32 $0x150  }
0x23: {  	[tilespmem:s23], [sflag:$0x1] =	stream.indirect.gather [hbm4b:s3+s10], $0x40, s6, s10, $0xb8;
	[tilespmem:$0xE400] =	vst v63  }
0x24: {  	s20 =	simm.s32 $0x188  }
0x25: {  	[tilespmem:s25], [sflag:$0x1] =	stream.indirect.gather [hbm4b:s3+s10], $0x40, s20, s10, $0xb8;
	[tilespmem:$0xE400] =	vst v63  }
0x26: {  	s22 =	simm.s32 $0x1C0  }
0x27: {  	[tilespmem:s26], [sflag:$0x2] =	stream.indirect.gather [hbm4b:s3+s10], $0x40, s22, s10, $0xb8;
	[tilespmem:$0xE400] =	vst v63  }
0x28: {  	s24 =	simm.s32 $0x1F8  }
0x29: {  	[tilespmem:s28], [sflag:$0x2] =	stream.indirect.gather [hbm4b:s3+s10], $0x40, s24, s10, $0xb8;
	[tilespmem:$0xE400] =	vst v63  }
0x2a: {  	s5 =	simm.s32 $0x230  }
0x2b: {  	[tilespmem:s29], [sflag:$0x2] =	stream.indirect.gather [hbm4b:s3+s10], $0x40, s5, s10, $0xb8;
	[tilespmem:$0xE400] =	vst v63  }
0x2c: {  	s6 =	simm.s32 $0x268  }
0x2d: {  	[tilespmem:s30], [sflag:$0x2] =	stream.indirect.gather [hbm4b:s3+s10], $0x40, s6, s10, $0xb8;
	[tilespmem:$0xE400] =	vst v63  }
0x2e: {  	s20 =	simm.s32 $0x2A0  }
0x2f: {  	[tilespmem:s31], [sflag:$0x2] =	stream.indirect.gather [hbm4b:s3+s10], $0x40, s20, s10, $0xb8;
	[tilespmem:$0xE400] =	vst v63  }
0x30: {  	s22 =	simm.s32 $0x2D8  }
0x31: {  	[tilespmem:s1], [sflag:$0x2] =	stream.indirect.gather [hbm4b:s3+s10], $0x40, s22, s10, $0xb8;
	[tilespmem:$0xE400] =	vst v63  }
0x32: {  	s24 =	simm.s32 $0x310  }
0x33: {  	[tilespmem:s0], [sflag:$0x2] =	stream.indirect.gather [hbm4b:s3+s10], $0x40, s24, s10, $0xb8;
	[tilespmem:$0xE400] =	vst v63  }
0x34: {  	s5 =	simm.s32 $0x348  }
0x35: {  	[tilespmem:s12], [sflag:$0x2] =	stream.indirect.gather [hbm4b:s3+s10], $0x40, s5, s10, $0xb8;
	[tilespmem:$0xE400] =	vst v63  }
0x36: {  	_ =	swait.ge [sflag:s14], $0x6400  }
0x37: {  	[sflag:s14] =	ssyncset.done $0x0  }
0x38: {  	[sflag:s14] =	ssyncadd.s32 $0xFFFF9C00  }
0x39: {  	[hbm4b:s8+s2] =	stream.linear.scatter [tilespmem:s11], [sflag:$0x3], $0x6400, $0x38;
	[tilespmem:$0xE400] =	vst v63  }
0x3a: {  	_ =	swait.ge [sflag:s9], $0x6400  }
0x3b: {  	[sflag:s9] =	ssyncset.done $0x0  }
0x3c: {  	s6 =	simm.s32 $0x380;
	[sflag:s9] =	ssyncadd.s32 $0xFFFF9C00  }
0x3d: {  	[tilespmem:s11], [sflag:$0x1] =	stream.indirect.gather [hbm4b:s3+s10], $0x40, s6, s10, $0xb8;
	[tilespmem:$0xE400] =	vst v63  }
0x3e: {  	s20 =	simm.s32 $0x3B8  }
0x3f: {  	[tilespmem:s13], [sflag:$0x1] =	stream.indirect.gather [hbm4b:s3+s10], $0x40, s20, s10, $0xb8;
	[tilespmem:$0xE400] =	vst v63  }
0x40: {  	s22 =	simm.s32 $0x3F0  }
0x41: {  	[tilespmem:s15], [sflag:$0x1] =	stream.indirect.gather [hbm4b:s3+s10], $0x40, s22, s10, $0xb8;
	[tilespmem:$0xE400] =	vst v63  }
0x42: {  	s24 =	simm.s32 $0x428  }
0x43: {  	[tilespmem:s17], [sflag:$0x1] =	stream.indirect.gather [hbm4b:s3+s10], $0x40, s24, s10, $0xb8;
	[tilespmem:$0xE400] =	vst v63  }
0x44: {  	s5 =	simm.s32 $0x460  }
0x45: {  	[tilespmem:s19], [sflag:$0x1] =	stream.indirect.gather [hbm4b:s3+s10], $0x40, s5, s10, $0xb8;
	[tilespmem:$0xE400] =	vst v63  }
0x46: {  	s6 =	simm.s32 $0x498  }
0x47: {  	[tilespmem:s21], [sflag:$0x1] =	stream.indirect.gather [hbm4b:s3+s10], $0x40, s6, s10, $0xb8;
	[tilespmem:$0xE400] =	vst v63  }
0x48: {  	s20 =	simm.s32 $0x4D0  }
0x49: {  	[tilespmem:s23], [sflag:$0x1] =	stream.indirect.gather [hbm4b:s3+s10], $0x40, s20, s10, $0xb8;
	[tilespmem:$0xE400] =	vst v63  }
0x4a: {  	s22 =	simm.s32 $0x508  }
0x4b: {  	[tilespmem:s25], [sflag:$0x1] =	stream.indirect.gather [hbm4b:s3+s10], $0x40, s22, s10, $0xb8;
	[tilespmem:$0xE400] =	vst v63  }
0x4c: {  	_ =	swait.ge [sflag:s16], $0x6400  }
0x4d: {  	[sflag:s16] =	ssyncset.done $0x0  }
0x4e: {  	s24 =	sadd.s32 $0xC80, s8;
	[sflag:s16] =	ssyncadd.s32 $0xFFFF9C00  }
0x4f: {  	[hbm4b:s24+s2] =	stream.linear.scatter [tilespmem:s26], [sflag:$0x3], $0x6400, $0x38;
	[tilespmem:$0xE400] =	vst v63  }
0x50: {  	s20 =	sadd.s32 $0x1900, s8;
	_ =	swait.ge [sflag:s9], $0x6400  }
0x51: {  	s22 =	simm.s32 $0x380;
	s24 =	simm.s32 $0x1C00;
	[sflag:s9] =	ssyncset.done $0x0  }
.LBB2_2:
0x52: {  	s6 =	sadd.s32 $0x1C0, s22  }
0x53: {  	[sflag:s9] =	ssyncadd.s32 $0xFFFF9C00;
	s4 =	smov.u32 s24;
	s5 =	sadd.s32 $0xE00, s24  }
0x54: {  	[tilespmem:s26], [sflag:$0x2] =	stream.indirect.gather [hbm4b:s3+s10], $0x40, s6, s10, $0xb8;
	[tilespmem:$0xE400] =	vst v63  }
0x55: {  	p0 =	sne.s32 s24, $0x5400;
	s6 =	sadd.s32 $0x1F8, s22  }
0x56: {  	[tilespmem:s28], [sflag:$0x2] =	stream.indirect.gather [hbm4b:s3+s10], $0x40, s6, s10, $0xb8;
	[tilespmem:$0xE400] =	vst v63  }
0x57: {  	s6 =	sadd.s32 $0x230, s22  }
0x58: {  	[tilespmem:s29], [sflag:$0x2] =	stream.indirect.gather [hbm4b:s3+s10], $0x40, s6, s10, $0xb8;
	[tilespmem:$0xE400] =	vst v63  }
0x59: {  	s6 =	sadd.s32 $0x268, s22  }
0x5a: {  	[tilespmem:s30], [sflag:$0x2] =	stream.indirect.gather [hbm4b:s3+s10], $0x40, s6, s10, $0xb8;
	[tilespmem:$0xE400] =	vst v63  }
0x5b: {  	s6 =	sadd.s32 $0x2A0, s22  }
0x5c: {  	[tilespmem:s31], [sflag:$0x2] =	stream.indirect.gather [hbm4b:s3+s10], $0x40, s6, s10, $0xb8;
	[tilespmem:$0xE400] =	vst v63  }
0x5d: {  	s6 =	sadd.s32 $0x2D8, s22  }
0x5e: {  	[tilespmem:s1], [sflag:$0x2] =	stream.indirect.gather [hbm4b:s3+s10], $0x40, s6, s10, $0xb8;
	[tilespmem:$0xE400] =	vst v63  }
0x5f: {  	s6 =	sadd.s32 $0x310, s22  }
0x60: {  	[tilespmem:s0], [sflag:$0x2] =	stream.indirect.gather [hbm4b:s3+s10], $0x40, s6, s10, $0xb8;
	[tilespmem:$0xE400] =	vst v63  }
0x61: {  	s6 =	sadd.s32 $0x348, s22  }
0x62: {  	[tilespmem:s12], [sflag:$0x2] =	stream.indirect.gather [hbm4b:s3+s10], $0x40, s6, s10, $0xb8;
	[tilespmem:$0xE400] =	vst v63  }
0x63: {  	_ =	swait.ge [sflag:s14], $0x6400  }
0x64: {  	[sflag:s14] =	ssyncset.done $0x0  }
0x65: {  	[sflag:s14] =	ssyncadd.s32 $0xFFFF9C00  }
0x66: {  	[hbm4b:s20+s2] =	stream.linear.scatter [tilespmem:s11], [sflag:$0x3], $0x6400, $0x38;
	[tilespmem:$0xE400] =	vst v63  }
0x67: {  	_ =	swait.ge [sflag:s9], $0x6400  }
0x68: {  	[sflag:s9] =	ssyncset.done $0x0  }
0x69: {  	s6 =	sadd.s32 $0x380, s22;
	[sflag:s9] =	ssyncadd.s32 $0xFFFF9C00  }
0x6a: {  	[tilespmem:s11], [sflag:$0x1] =	stream.indirect.gather [hbm4b:s3+s10], $0x40, s6, s10, $0xb8;
	[tilespmem:$0xE400] =	vst v63  }
0x6b: {  	s6 =	sadd.s32 $0x3B8, s22  }
0x6c: {  	[tilespmem:s13], [sflag:$0x1] =	stream.indirect.gather [hbm4b:s3+s10], $0x40, s6, s10, $0xb8;
	[tilespmem:$0xE400] =	vst v63  }
0x6d: {  	s6 =	sadd.s32 $0x3F0, s22  }
0x6e: {  	[tilespmem:s15], [sflag:$0x1] =	stream.indirect.gather [hbm4b:s3+s10], $0x40, s6, s10, $0xb8;
	[tilespmem:$0xE400] =	vst v63  }
0x6f: {  	s6 =	sadd.s32 $0x428, s22  }
0x70: {  	[tilespmem:s17], [sflag:$0x1] =	stream.indirect.gather [hbm4b:s3+s10], $0x40, s6, s10, $0xb8;
	[tilespmem:$0xE400] =	vst v63  }
0x71: {  	s6 =	sadd.s32 $0x460, s22  }
0x72: {  	[tilespmem:s19], [sflag:$0x1] =	stream.indirect.gather [hbm4b:s3+s10], $0x40, s6, s10, $0xb8;
	[tilespmem:$0xE400] =	vst v63  }
0x73: {  	s6 =	sadd.s32 $0x498, s22  }
0x74: {  	[tilespmem:s21], [sflag:$0x1] =	stream.indirect.gather [hbm4b:s3+s10], $0x40, s6, s10, $0xb8;
	[tilespmem:$0xE400] =	vst v63  }
0x75: {  	s6 =	sadd.s32 $0x4D0, s22  }
0x76: {  	[tilespmem:s23], [sflag:$0x1] =	stream.indirect.gather [hbm4b:s3+s10], $0x40, s6, s10, $0xb8;
	[tilespmem:$0xE400] =	vst v63  }
0x77: {  	s6 =	sadd.s32 $0x508, s22  }
0x78: {  	[tilespmem:s25], [sflag:$0x1] =	stream.indirect.gather [hbm4b:s3+s10], $0x40, s6, s10, $0xb8;
	[tilespmem:$0xE400] =	vst v63  }
0x79: {  	_ =	swait.ge [sflag:s16], $0x6400  }
.Ltmp0:
0x7a: {  	[sflag:s16] =	ssyncset.done $0x0;
	(pc) =	sbr.rel @p0 .LBB2_2-.Ltmp0, $4  }
0x7b: {  	s6 =	sadd.s32 $0xC80, s20;
	[sflag:s16] =	ssyncadd.s32 $0xFFFF9C00  }
0x7c: {  	[hbm4b:s6+s2] =	stream.linear.scatter [tilespmem:s26], [sflag:$0x3], $0x6400, $0x38;
	[tilespmem:$0xE400] =	vst v63  }
0x7d: {  	s24 =	smov.u32 s5;
	_ =	swait.ge [sflag:s9], $0x6400  }
0x7e: {  	s22 =	sshra.s32 s4, $0x2;
	s20 =	sadd.s32 $0x1900, s20;
	[sflag:s9] =	ssyncset.done $0x0  }
0x7f: {  	s4 =	sadd.s32 $0x1C0, s22;
	[sflag:s9] =	ssyncadd.s32 $0xFFFF9C00  }
0x80: {  	[tilespmem:s26], [sflag:$0x2] =	stream.indirect.gather [hbm4b:s3+s10], $0x40, s4, s10, $0xb8;
	[tilespmem:$0xE400] =	vst v63  }
0x81: {  	s5 =	sadd.s32 $0x1F8, s22  }
0x82: {  	[tilespmem:s28], [sflag:$0x2] =	stream.indirect.gather [hbm4b:s3+s10], $0x40, s5, s10, $0xb8;
	[tilespmem:$0xE400] =	vst v63  }
0x83: {  	s6 =	sadd.s32 $0x230, s22  }
0x84: {  	[tilespmem:s29], [sflag:$0x2] =	stream.indirect.gather [hbm4b:s3+s10], $0x40, s6, s10, $0xb8;
	[tilespmem:$0xE400] =	vst v63  }
0x85: {  	s24 =	sadd.s32 $0x268, s22  }
0x86: {  	[tilespmem:s30], [sflag:$0x2] =	stream.indirect.gather [hbm4b:s3+s10], $0x40, s24, s10, $0xb8;
	[tilespmem:$0xE400] =	vst v63  }
0x87: {  	s5 =	sadd.s32 $0x2A0, s22  }
0x88: {  	[tilespmem:s31], [sflag:$0x2] =	stream.indirect.gather [hbm4b:s3+s10], $0x40, s5, s10, $0xb8;
	[tilespmem:$0xE400] =	vst v63  }
0x89: {  	s6 =	sadd.s32 $0x2D8, s22  }
0x8a: {  	[tilespmem:s1], [sflag:$0x2] =	stream.indirect.gather [hbm4b:s3+s10], $0x40, s6, s10, $0xb8;
	[tilespmem:$0xE400] =	vst v63  }
0x8b: {  	s24 =	sadd.s32 $0x310, s22  }
0x8c: {  	[tilespmem:s0], [sflag:$0x2] =	stream.indirect.gather [hbm4b:s3+s10], $0x40, s24, s10, $0xb8;
	[tilespmem:$0xE400] =	vst v63  }
0x8d: {  	s5 =	sadd.s32 $0x348, s22  }
0x8e: {  	[tilespmem:s12], [sflag:$0x2] =	stream.indirect.gather [hbm4b:s3+s10], $0x40, s5, s10, $0xb8;
	[tilespmem:$0xE400] =	vst v63  }
0x8f: {  	_ =	swait.ge [sflag:s14], $0x6400  }
0x90: {  	[sflag:s14] =	ssyncset.done $0x0  }
0x91: {  	[sflag:s14] =	ssyncadd.s32 $0xFFFF9C00  }
0x92: {  	[hbm4b:s20+s2] =	stream.linear.scatter [tilespmem:s11], [sflag:$0x3], $0x6400, $0x38;
	[tilespmem:$0xE400] =	vst v63  }
0x93: {  	_ =	swait.ge [sflag:s9], $0x6400  }
0x94: {  	[sflag:s9] =	ssyncset.done $0x0  }
0x95: {  	s6 =	sadd.s32 $0x380, s22;
	[sflag:s9] =	ssyncadd.s32 $0xFFFF9C00  }
0x96: {  	[tilespmem:s11], [sflag:$0x1] =	stream.indirect.gather [hbm4b:s3+s10], $0x40, s6, s10, $0xb8;
	[tilespmem:$0xE400] =	vst v63  }
0x97: {  	s24 =	sadd.s32 $0x3B8, s22  }
0x98: {  	[tilespmem:s13], [sflag:$0x1] =	stream.indirect.gather [hbm4b:s3+s10], $0x40, s24, s10, $0xb8;
	[tilespmem:$0xE400] =	vst v63  }
0x99: {  	s5 =	sadd.s32 $0x3F0, s22  }
0x9a: {  	[tilespmem:s15], [sflag:$0x1] =	stream.indirect.gather [hbm4b:s3+s10], $0x40, s5, s10, $0xb8;
	[tilespmem:$0xE400] =	vst v63  }
0x9b: {  	s6 =	sadd.s32 $0x428, s22  }
0x9c: {  	[tilespmem:s17], [sflag:$0x1] =	stream.indirect.gather [hbm4b:s3+s10], $0x40, s6, s10, $0xb8;
	[tilespmem:$0xE400] =	vst v63  }
0x9d: {  	s24 =	sadd.s32 $0x460, s22  }
0x9e: {  	[tilespmem:s19], [sflag:$0x1] =	stream.indirect.gather [hbm4b:s3+s10], $0x40, s24, s10, $0xb8;
	[tilespmem:$0xE400] =	vst v63  }
0x9f: {  	s5 =	sadd.s32 $0x498, s22  }
0xa0: {  	[tilespmem:s21], [sflag:$0x1] =	stream.indirect.gather [hbm4b:s3+s10], $0x40, s5, s10, $0xb8;
	[tilespmem:$0xE400] =	vst v63  }
0xa1: {  	s6 =	sadd.s32 $0x4D0, s22  }
0xa2: {  	[tilespmem:s23], [sflag:$0x1] =	stream.indirect.gather [hbm4b:s3+s10], $0x40, s6, s10, $0xb8;
	[tilespmem:$0xE400] =	vst v63  }
0xa3: {  	s22 =	sadd.s32 $0x508, s22  }
0xa4: {  	[tilespmem:s25], [sflag:$0x1] =	stream.indirect.gather [hbm4b:s3+s10], $0x40, s22, s10, $0xb8;
	[tilespmem:$0xE400] =	vst v63  }
0xa5: {  	_ =	swait.ge [sflag:s16], $0x6400  }
0xa6: {  	[sflag:s16] =	ssyncset.done $0x0  }
0xa7: {  	s24 =	sadd.s32 $0xC80, s20;
	[sflag:s16] =	ssyncadd.s32 $0xFFFF9C00  }
0xa8: {  	[hbm4b:s24+s2] =	stream.linear.scatter [tilespmem:s26], [sflag:$0x3], $0x6400, $0x38;
	[tilespmem:$0xE400] =	vst v63  }
0xa9: {  	_ =	swait.ge [sflag:s9], $0x6400  }
0xaa: {  	[sflag:s9] =	ssyncset.done $0x0  }
0xab: {  	s5 =	simm.s32 $0x1A40;
	[sflag:s9] =	ssyncadd.s32 $0xFFFF9C00  }
0xac: {  	[tilespmem:s26], [sflag:$0x2] =	stream.indirect.gather [hbm4b:s3+s10], $0x40, s5, s10, $0xb8;
	[tilespmem:$0xE400] =	vst v63  }
0xad: {  	s6 =	simm.s32 $0x1A78  }
0xae: {  	[tilespmem:s28], [sflag:$0x2] =	stream.indirect.gather [hbm4b:s3+s10], $0x40, s6, s10, $0xb8;
	[tilespmem:$0xE400] =	vst v63  }
0xaf: {  	s20 =	simm.s32 $0x1AB0  }
0xb0: {  	[tilespmem:s29], [sflag:$0x2] =	stream.indirect.gather [hbm4b:s3+s10], $0x40, s20, s10, $0xb8;
	[tilespmem:$0xE400] =	vst v63  }
0xb1: {  	s22 =	simm.s32 $0x1AE8  }
0xb2: {  	[tilespmem:s30], [sflag:$0x2] =	stream.indirect.gather [hbm4b:s3+s10], $0x40, s22, s10, $0xb8;
	[tilespmem:$0xE400] =	vst v63  }
0xb3: {  	s24 =	simm.s32 $0x1B20  }
0xb4: {  	[tilespmem:s31], [sflag:$0x2] =	stream.indirect.gather [hbm4b:s3+s10], $0x40, s24, s10, $0xb8;
	[tilespmem:$0xE400] =	vst v63  }
0xb5: {  	s5 =	simm.s32 $0x1B58  }
0xb6: {  	[tilespmem:s1], [sflag:$0x2] =	stream.indirect.gather [hbm4b:s3+s10], $0x40, s5, s10, $0xb8;
	[tilespmem:$0xE400] =	vst v63  }
0xb7: {  	s6 =	simm.s32 $0x1B90  }
0xb8: {  	[tilespmem:s0], [sflag:$0x2] =	stream.indirect.gather [hbm4b:s3+s10], $0x40, s6, s10, $0xb8;
	[tilespmem:$0xE400] =	vst v63  }
0xb9: {  	s20 =	simm.s32 $0x1BC8  }
0xba: {  	[tilespmem:s12], [sflag:$0x2] =	stream.indirect.gather [hbm4b:s3+s10], $0x40, s20, s10, $0xb8;
	[tilespmem:$0xE400] =	vst v63  }
0xbb: {  	_ =	swait.ge [sflag:s14], $0x6400  }
0xbc: {  	[sflag:s14] =	ssyncset.done $0x0  }
0xbd: {  	s22 =	rddreg [dreg:$0x5];
	[sflag:s14] =	ssyncadd.s32 $0xFFFF9C00  }
0xbe: {  	[hbm4b:s22+s2] =	stream.linear.scatter [tilespmem:s11], [sflag:$0x3], $0x6400, $0x38;
	[tilespmem:$0xE400] =	vst v63  }
0xbf: {  	_ =	swait.ge [sflag:s9], $0x6400  }
0xc0: {  	[sflag:s9] =	ssyncset.done $0x0  }
0xc1: {  	[sflag:s9] =	ssyncadd.s32 $0xFFFF9C00  }
0xc2: {  	_ =	swait.ge [sflag:s16], $0x6400  }
0xc3: {  	[sflag:s16] =	ssyncset.done $0x0  }
0xc4: {  	[sflag:s16] =	ssyncadd.s32 $0xFFFF9C00  }
0xc5: {  	[hbm4b:s7+s2] =	stream.linear.scatter [tilespmem:s26], [sflag:$0x3], $0x6400, $0x38;
	[tilespmem:$0xE400] =	vst v63  }
0xc6: {  	_ =	swait.ge [sflag:s9], $0x6400  }
0xc7: {  	s18 =	sadd.s32 $0x1, s18;
	s24 =	rddreg [dreg:$0x4]  }
0xc8: {  	p0 =	sne.s32 s18, s24  }
.Ltmp1:
0xc9: {  	_ = 	snop;
	(pc) =	sbr.rel @p0 .LBB2_1-.Ltmp1, $3  }
0xca: {  	_ =	sdelay $0x1  }
0xcb: {  	[sflag:s9] =	ssyncset.done $0x0  }
0xcc: {  	[sflag:s9] =	ssyncadd.s32 $0xFFFF9C00  }
0xcd: {  	_ =	sfence.sel $0x180000  }
0xce: {  	[bflag:$0x0] =	sbarrier.arrive $0xFFFF  }
0xcf: {  	_ =	strace $0x90000047  }
0xd0: {  	s0 =	stileid.u32;
	[bflag:$0x2] =	sbarrier.arrive $0xFFFF  }
0xd1: {  	p0 =	sne.s32 s0, $0x0;
	s0 =	rddreg [dreg:$0x2]  }
0xd2: {  	s0 =	sadd.s32 @!p0 $0x100000, s0  }
0xd3: {  	[sflag:s0] =	ssyncadd.tile.s32 @!p0 $0x1;
	_ =	shalt  }
.Lfunc_end2:
_tile_overlayer_lowered:
.L_overlay_start_2:
0xd4: {  	(tag) =	ssettag $0x2  }
0xd5: {  	s0 =	rddreg [dreg:$0x0];
	s2 =	stileid.u32  }
0xd6: {  	s1 =	rddreg [dreg:$0x1];
	p0 =	sne.s32 s2, $0x0  }
0xd7: {  	s3 =	rddreg [dreg:$0x2];
	[bflag:$0x3] =	sbarrier.arrive $0xFFFF;
	s2 =	simm.s32 @!p0 $0x1C03  }
0xd8: {  	[timem:s3], [sflag:s2] =	dma.local @!p0 [hbm:s0], s1  }
0xd9: {  	s0 =	simm.s32 @!p0 $0x3  }
0xda: {  	_ =	swait.ge @!p0 [sflag:s0], s1  }
0xdb: {  	s1 =	ssub.s32 @!p0 $0x0, s1;
	[sflag:s0] =	ssyncset.done @!p0 $0x0  }
0xdc: {  	[sflag:s0] =	ssyncadd.s32 @!p0 s1  }
0xdd: {  	[bflag:$0x3] =	sbarrier.arrive $0xFFFF  }
0xde: {  	_ =	shalt  }

// kernel: kernel.9.cloned.1.call-start
scs
__scs_entry_jumppad:
0x0: {  	(pc) =	sbr.rel $0x88, $3  }
0x1: {  	(tag) =	ssettag $0x0;
	lr =	simm.s32 $0x1  }
0x2: {  	[smem:$0x3F9F] =	sst lr;
	_ =	strace $0xD0000000  }
0x3: {  	_ = 	snop  }
0x4: {  	_ = 	snop  }
0x5: {  	_ = 	snop  }
0x6: {  	_ = 	snop  }
0x7: {  	_ = 	snop  }
__scs_overlays_trampoline_lowered:
0x8: {  	[smem:$0x3FAE] =	sst s0  }
0x9: {  	[smem:$0x3FAF] =	sst s1  }
0xa: {  	[smem:$0x3FB0] =	sst s2  }
0xb: {  	[smem:$0x3FB1] =	sst s3  }
0xc: {  	[smem:$0x3FB2] =	sst s4  }
0xd: {  	[smem:$0x3FB3] =	sst s5  }
0xe: {  	[smem:$0x3FB4] =	sst s6  }
0xf: {  	[smem:$0x3FB5] =	sst s7  }
0x10: {  	[smem:$0x3FB6] =	sst s8  }
0x11: {  	[smem:$0x3FB7] =	sst s9;
	s0 =	simm.s32 @!p0 $0x0  }
0x12: {  	s1 =	sld [smem:$0x3F9D];
	s0 =	simm.s32 @p0 $0x1  }
0x13: {  	[smem:$0x3FB8] =	sst s0;
	s0 =	simm.s32 @!p1 $0x0  }
0x14: {  	s2 =	sld [smem:$0x3F9C];
	s0 =	simm.s32 @p1 $0x1  }
0x15: {  	[smem:$0x3FB9] =	sst s0;
	s0 =	simm.s32 @!p2 $0x0  }
0x16: {  	s3 =	sld [smem:$0x3FDB];
	s0 =	simm.s32 @p2 $0x1  }
0x17: {  	s4 =	simm.s32 $0x1BF5;
	[smem:$0x3FBB] =	sst s0  }
0x18: {  	s0 =	sld [smem:$0x3F9E];
	_ =	swait.ge [sflag:s4], $0x0  }
0x19: {  	s7 =	sld [smem:$0x3F9F]  }
0x1a: {  	s8 =	sadd.s32 $0xFFFFE003, lr  }
0x1b: {  	s9 =	sadd.s32 $0xFFFFFEF7, lr;
	s5 =	simm.s32 $0xFFFFFFFF;
	p2 =	slt.u32 s8, $0xFFFFF086  }
0x1c: {  	p1 =	slt.u32 s9, $0xF7A;
	s5 =	simm.s32 @!p2 $0x0  }
0x1d: {  	s5 =	simm.s32 @p1 $0x1;
	p0 =	seq.s32 s7, s2  }
0x1e: {  	s7 =	smul.u32 @!p0 $0xF7A, s2;
	p2 =	seq.s32 @!p0 s5, $0x0  }
0x1f: {  	s9 =	smul.u32 $0xF7A, s1;
	s8 =	simm.s32 @!p0 $0x1BF5;
	p2 =	por !p2, p0  }
0x20: {  	[sflag:s8] =	ssyncset.s32 @!p0 $0xFFFFF086;
	s6 =	sadd.s32 @!p0 s3, s7;
	s7 =	simm.s32 @!p0 $0x108  }
0x21: {  	s3 =	sadd.s32 s3, s9;
	s6 =	sadd.s32 @!p0 $0x88, s6;
	s7 =	simm.s32 @p2 $0x1082  }
0x22: {  	[simem:s7], [sflag:s8] =	dma.local @!p0 [hbm:s6], $0xF7A  }
0x23: {  	s9 =	sor.u32 $0xD0000000, s2;
	s6 =	simm.s32 $0x108;
	_ =	swait.ge @!p0 [sflag:s8], $0x0  }
0x24: {  	s3 =	sadd.s32 $0x88, s3;
	s6 =	simm.s32 @!p1 $0x1082;
	[sflag:s4] =	ssyncset.s32 $0xFFFFF086  }
0x25: {  	[simem:s6], [sflag:s4] =	dma.local [hbm:s3], $0xF7A  }
0x26: {  	[smem:$0x3F9F] =	sst s1;
	(tag) =	ssettag s2;
	_ =	strace s9  }
0x27: {  	s1 =	sld [smem:$0x3FAF]  }
0x28: {  	s2 =	sld [smem:$0x3FB0]  }
0x29: {  	s4 =	sld [smem:$0x3FB2]  }
0x2a: {  	p0 =	seq.s32 s5, $0x0;
	s5 =	sld [smem:$0x3FB3]  }
0x2b: {  	s6 =	sld [smem:$0x3FB4]  }
0x2c: {  	s7 =	sld [smem:$0x3FB5]  }
0x2d: {  	s3 =	simm.s32 $0x108;
	s8 =	sld [smem:$0x3FB6]  }
0x2e: {  	s3 =	simm.s32 @!p0 $0x1082;
	s9 =	sld [smem:$0x3FB7]  }
0x2f: {  	lr =	sadd.s32 s0, s3;
	s0 =	sld [smem:$0x3FAE]  }
0x30: {  	s3 =	sld [smem:$0x3FB1]  }
0x31: {  	[smem:$0x3FBA] =	sst s10  }
0x32: {  	s10 =	sld [smem:$0x3FB8];
	_ =	sdelay $0x3  }
0x33: {  	p0 =	seq.s32 s10, $0x1;
	s10 =	sld [smem:$0x3FBA];
	_ =	sdelay $0x3  }
0x34: {  	[smem:$0x3FBA] =	sst s10  }
0x35: {  	s10 =	sld [smem:$0x3FB9];
	_ =	sdelay $0x3  }
0x36: {  	p1 =	seq.s32 s10, $0x1;
	s10 =	sld [smem:$0x3FBA];
	_ =	sdelay $0x3  }
0x37: {  	[smem:$0x3FBA] =	sst s10  }
0x38: {  	s10 =	sld [smem:$0x3FBB]  }
0x39: {  	_ = 	snop;
	(pc) =	sbr.ind lr, $3  }
0x3a: {  	_ = 	snop  }
0x3b: {  	_ = 	snop  }
0x3c: {  	p2 =	seq.s32 s10, $0x1;
	s10 =	sld [smem:$0x3FBA]  }
0x3d: {  	_ =	shalt  }
0x3e: {  	_ =	shalt  }
0x3f: {  	_ =	shalt  }
0x40: {  	_ =	shalt  }
0x41: {  	_ =	shalt  }
0x42: {  	_ =	shalt  }
0x43: {  	_ =	shalt  }
0x44: {  	_ =	shalt  }
0x45: {  	_ =	shalt  }
0x46: {  	_ =	shalt  }
0x47: {  	_ =	shalt  }
0x48: {  	_ =	shalt  }
0x49: {  	_ =	shalt  }
0x4a: {  	_ =	shalt  }
0x4b: {  	_ =	shalt  }
0x4c: {  	_ =	shalt  }
0x4d: {  	_ =	shalt  }
0x4e: {  	_ =	shalt  }
0x4f: {  	_ =	shalt  }
0x50: {  	_ =	shalt  }
0x51: {  	_ =	shalt  }
0x52: {  	_ =	shalt  }
0x53: {  	_ =	shalt  }
0x54: {  	_ =	shalt  }
0x55: {  	_ =	shalt  }
0x56: {  	_ =	shalt  }
0x57: {  	_ =	shalt  }
0x58: {  	_ =	shalt  }
0x59: {  	_ =	shalt  }
0x5a: {  	_ =	shalt  }
0x5b: {  	_ =	shalt  }
0x5c: {  	_ =	shalt  }
0x5d: {  	_ =	shalt  }
0x5e: {  	_ =	shalt  }
0x5f: {  	_ =	shalt  }
0x60: {  	_ =	shalt  }
0x61: {  	_ =	shalt  }
0x62: {  	_ =	shalt  }
0x63: {  	_ =	shalt  }
0x64: {  	_ =	shalt  }
0x65: {  	_ =	shalt  }
0x66: {  	_ =	shalt  }
0x67: {  	_ =	shalt  }
0x68: {  	_ =	shalt  }
0x69: {  	_ =	shalt  }
0x6a: {  	_ =	shalt  }
0x6b: {  	_ =	shalt  }
0x6c: {  	_ =	shalt  }
0x6d: {  	_ =	shalt  }
0x6e: {  	_ =	shalt  }
0x6f: {  	_ =	shalt  }
0x70: {  	_ =	shalt  }
0x71: {  	_ =	shalt  }
0x72: {  	_ =	shalt  }
0x73: {  	_ =	shalt  }
0x74: {  	_ =	shalt  }
0x75: {  	_ =	shalt  }
0x76: {  	_ =	shalt  }
0x77: {  	_ =	shalt  }
0x78: {  	_ =	shalt  }
0x79: {  	_ =	shalt  }
0x7a: {  	_ =	shalt  }
0x7b: {  	_ =	shalt  }
0x7c: {  	_ =	shalt  }
0x7d: {  	_ =	shalt  }
0x7e: {  	_ =	shalt  }
0x7f: {  	_ =	shalt  }
0x80: {  	_ =	shalt  }
0x81: {  	_ =	shalt  }
0x82: {  	_ =	shalt  }
0x83: {  	_ =	shalt  }
0x84: {  	_ =	shalt  }
0x85: {  	_ =	shalt  }
0x86: {  	_ =	shalt  }
0x87: {  	_ =	shalt  }
.Lfunc_end0:
.L_simem_size_0:
called_computation.5_lowered:
.L_overlay_start_0:
0x88: {  	s2 =	sld [smem:$0x3FD9]  }
0x89: {  	s3 =	sld [smem:$0x3FFE];
	_ =	sdelay $0x1  }
0x8a: {  	s1 =	srdreg.scid  }
0x8b: {  	s0 =	sand.u32 $0x1, s1  }
0x8c: {  	s17 =	sshll.u32 s0, $0xA;
	s2 =	sadd.s32 s3, s2  }
0x8d: {  	s2 =	sadd.s32 s2, s17  }
0x8e: {  	[smem:$0x3FC6] =	sst s2  }
0x8f: {  	_ = 	snop  }
0x90: {  	(tm) =	ssettm $0x1  }
0x91: {  	s18 =	sld [smem:$0x3FFB];
	_ =	sdelay $0x3  }
0x92: {  	_ =	strace s18  }
0x93: {  	s2 =	sld [smem:$0x3FFC];
	_ =	sdelay $0x3  }
0x94: {  	_ =	strace s2  }
0x95: {  	s2 =	sld [smem:$0x3FFD];
	_ =	sdelay $0x3  }
0x96: {  	_ =	strace s2  }
0x97: {  	_ =	strace $0x8FFFFFFF  }
0x98: {  	s19 =	sld [smem:$0x3FDB];
	_ =	sdelay $0x1  }
0x99: {  	s20 =	simm.s32 $_scs_section_size  }
0x9a: {  	s4 =	simm.s32 $_size__tile_overlayer_lowered;
	s5 =	simm.s32 $_tile_overlayer_lowered  }
0x9b: {  	s6 =	simm.s32 $0x1BFF;
	s21 =	sshll.u32 s5, $0x1;
	s3 =	sadd.s32 s20, s19  }
0x9c: {  	s22 =	simm.s32 $0x0;
	s4 =	sshll.u32 s4, $0x1;
	s5 =	sadd.s32 s21, s3  }
0x9d: {  	[timem:s22], [sflag:s6] =	dma.local [hbm:s5], s4  }
0x9e: {  	_ =	swait.ge [sflag:s6], s4  }
0x9f: {  	s4 =	ssub.s32 $0x0, s4;
	[sflag:s6] =	ssyncset.done $0x0  }
0xa0: {  	[sflag:s6] =	ssyncadd.s32 s4;
	_ =	sdelay $0x1  }
0xa1: {  	s23 =	simm.s32 $0x1B8B  }
0xa2: {  	_ =	swait.ge [sflag:s23], $0x1  }
0xa3: {  	[sflag:s23] =	ssyncset.done $0x0  }
0xa4: {  	[sflag:s23] =	ssyncadd.s32 $0xFFFFFFFF  }
0xa5: {  	s4 =	sld [smem:$0x0]  }
0xa6: {  	s5 =	sand.u32 $0xFFFFFFFE, s1  }
0xa7: {  	p0 =	sne.s32 s1, s5  }
0xa8: {  	s5 =	sshll.u32 @p0 s5, $0xE  }
0xa9: {  	s5 =	sadd.s32 @p0 $0x11B8D, s5;
	s6 =	sshll.u32 @p0 s4, $0x11  }
0xaa: {  	s5 =	sor.u32 @p0 s6, s5  }
0xab: {  	[sflag:s5] =	ssyncadd.remote.s32 @p0 $0x1;
	_ =	sdelay $0x1  }
0xac: {  	s5 =	simm.s32 @p0 $0x1B8D  }
0xad: {  	_ =	swait.eq @p0 [sflag:s5], $0x1  }
0xae: {  	[sflag:s5] =	ssyncadd.s32 @p0 $0xFFFFFFFF  }
0xaf: {  	s6 =	sshll.u32 @!p0 s1, $0xE  }
0xb0: {  	s6 =	sor.u32 @!p0 $0x4000, s6;
	s5 =	simm.s32 @!p0 $0x1B8D  }
0xb1: {  	s4 =	sshll.u32 @!p0 s4, $0x11;
	s6 =	sadd.s32 @!p0 $0x11B8D, s6;
	_ =	swait.eq @!p0 [sflag:s5], $0x1  }
0xb2: {  	s4 =	sor.u32 @!p0 s4, s6;
	[sflag:s5] =	ssyncadd.s32 @!p0 $0xFFFFFFFF  }
0xb3: {  	s25 =	simm.s32 $0x1B8E;
	s24 =	sld [smem:$0x3FFE];
	[sflag:s4] =	ssyncadd.remote.s32 @!p0 $0x1  }
0xb4: {  	s26 =	simm.s32 $execute0_lowered;
	[smem:$0x3FD2] =	sst s25  }
0xb5: {  	s5 =	sshll.u32 s26, $0x1;
	_ =	strace $0x8000004F;
	[dreg:$0x1] =	wrdreg $0xFFFFFFFF  }
0xb6: {  	s28 =	simm.s32 $_size_execute0_lowered;
	s3 =	sadd.s32 s3, s5;
	[dreg:$0x0] =	wrdreg $0x0  }
0xb7: {  	s5 =	sshll.u32 s28, $0x1;
	[dreg:$0x2] =	wrdreg s3  }
0xb8: {  	[dreg:$0x3] =	wrdreg s5  }
0xb9: {  	[dreg:$0x4] =	wrdreg $0xC0  }
0xba: {  	_ =	task [dreg:s22], $0x5FFFF  }
0xbb: {  	[dreg:$0x1] =	wrdreg $0xFFFFFFFF  }
0xbc: {  	[dreg:$0x0] =	wrdreg $0x60  }
0xbd: {  	[dreg:$0x2] =	wrdreg s24  }
0xbe: {  	[dreg:$0x3] =	wrdreg $0xA  }
0xbf: {  	_ =	task.clear_ibuf [dreg:s22], $0x4FFFF;
	_ =	strace $0x9000004F  }
0xc0: {  	s29 =	simm.s32 $0xA;
	_ =	strace $0x80000051  }
0xc1: {  	_ =	swait.ge [sflag:s29], $0x1  }
0xc2: {  	[sflag:s29] =	ssyncadd.s32 $0xFFFFFFFF  }
0xc3: {  	_ =	strace $0x90000051  }
0xc4: {  	_ =	sfence  }
0xc5: {  	s30 =	sld [smem:$0x0];
	_ =	sdelay $0x2  }
0xc6: {  	s31 =	sshll.u32 s1, $0xD;
	s1 =	sshrl.u32 s1, $0x2  }
0xc7: {  	s4 =	sand.u32 $0x4000, s31;
	s1 =	sadd.s32 s1, s30  }
0xc8: {  	s0 =	sor.u32 s4, s0;
	s1 =	sshll.u32 s1, $0x11  }
0xc9: {  	s0 =	sor.u32 s1, s0  }
0xca: {  	s0 =	sadd.s32 $0x8F2B, s0  }
0xcb: {  	[sflag:s0] =	ssyncadd.remote.s32 $0x1  }
0xcc: {  	_ =	sfence.sel $0xFFFF  }
0xcd: {  	[dreg:$0x0] =	wrdreg $0xFFFFFFFF;
	(pc) =	sbr.abs _section_cstart, $3  }
0xce: {  	[dreg:$0x1] =	wrdreg $0xFFFFFFFF  }
0xcf: {  	_ =	task.clear_ibuf [dreg:s22], $0x2FFFF;
	_ =	strace $0x9FFFFFFF  }
0xd0: {  	(tm) =	ssettm $0x7FFFFFFF  }
0xd1: {  	_ =	shalt  }
tec
execute0_lowered:
.L_overlay_start_1:
0x0: {  	(tag) =	ssettag $0x1  }
0x1: {  	s0 =	srdreg.scid;
	s8 =	stileid.u32  }
0x2: {  	s4 =	rddreg [dreg:$0x0];
	s2 =	simm.s32 $0x0;
	s9 =	simm.s32 $0x3  }
0x3: {  	s10 =	simm.s32 $0x32;
	s11 =	simm.s32 $0x1C00;
	s13 =	simm.s32 $0x2880  }
0x4: {  	s15 =	simm.s32 $0x3500;
	s17 =	simm.s32 $0x4180;
	s19 =	simm.s32 $0x4E00  }
0x5: {  	s21 =	simm.s32 $0x5A80;
	s23 =	simm.s32 $0x6700;
	s28 =	simm.s32 $0x8C80  }
0x6: {  	s29 =	simm.s32 $0x9900;
	s30 =	simm.s32 $0xA580;
	s31 =	simm.s32 $0xB200  }
0x7: {  	s12 =	simm.s32 $0xD780;
	s14 =	simm.s32 $0x1;
	s16 =	simm.s32 $0x2  }
0x8: {  	s0 =	sand.u32 $0x1, s0;
	s1 =	sshll.u32 s8, $0x1;
	s8 =	smul.u32 $0x19000, s8  }
0x9: {  	s1 =	sor.u32 s0, s1;
	s6 =	ssub.s32 $0x2, s0;
	s0 =	smul.u32 $0xC800, s0  }
0xa: {  	s18 =	simm.s32 $0x0;
	[smem:$0x7FF] =	sst s2;
	s3 =	smul.u32 $0x380, s1  }
0xb: {  	_ =	strace $0x80000050;
	s1 =	smul.u32 $0xC800, s1;
	s7 =	sshrl.u32 s6, $0x1  }
0xc: {  	s6 =	ssub.s32 s6, s7;
	s5 =	sadd.s32 s3, s4;
	s3 =	sadd.s32 $0x2400, s4  }
0xd: {  	s4 =	sadd.s32 $0x340400, s4;
	s25 =	smax.u32 s6, $0x1;
	s5 =	sadd.s32 $0x4400, s5  }
0xe: {  	[dreg:$0x3] =	wrdreg s25;
	s1 =	sadd.s32 s4, s1;
	s4 =	sadd.s32 s8, s4  }
0xf: {  	s25 =	simm.s32 $0x7380;
	[dreg:$0x2] =	wrdreg s5;
	s26 =	sadd.s32 $0xAF00, s1  }
0x10: {  	s7 =	sadd.s32 $0xBB80, s1;
	s8 =	sadd.s32 s0, s4;
	s1 =	simm.s32 $0xBE80  }
0x11: {  	s0 =	simm.s32 $0xCB00;
	[dreg:$0x4] =	wrdreg s26;
	s26 =	simm.s32 $0x8000  }
.LBB2_1:
0x12: {  	s4 =	rddreg [dreg:$0x2]  }
0x13: {  	[tilespmem:s2], [sflag:$0x3] =	stream.linear.gather [hbm4b:s4+s2], $0x1C00, $0x38;
	[tilespmem:$0xE400] =	vst v63  }
0x14: {  	_ =	swait.ge [sflag:s9], $0x1C00  }
0x15: {  	[sflag:s9] =	ssyncset.done $0x0  }
0x16: {  	[sflag:s9] =	ssyncadd.s32 $0xFFFFE400  }
0x17: {  	[tilespmem:s11], [sflag:$0x1] =	stream.indirect.gather [hbm4b:s3+s10], $0x40, s2, s10, $0xb8;
	[tilespmem:$0xE400] =	vst v63  }
0x18: {  	s6 =	simm.s32 $0x38  }
0x19: {  	[tilespmem:s13], [sflag:$0x1] =	stream.indirect.gather [hbm4b:s3+s10], $0x40, s6, s10, $0xb8;
	[tilespmem:$0xE400] =	vst v63  }
0x1a: {  	s20 =	simm.s32 $0x70  }
0x1b: {  	[tilespmem:s15], [sflag:$0x1] =	stream.indirect.gather [hbm4b:s3+s10], $0x40, s20, s10, $0xb8;
	[tilespmem:$0xE400] =	vst v63  }
0x1c: {  	s22 =	simm.s32 $0xA8  }
0x1d: {  	[tilespmem:s17], [sflag:$0x1] =	stream.indirect.gather [hbm4b:s3+s10], $0x40, s22, s10, $0xb8;
	[tilespmem:$0xE400] =	vst v63  }
0x1e: {  	s24 =	simm.s32 $0xE0  }
0x1f: {  	[tilespmem:s19], [sflag:$0x1] =	stream.indirect.gather [hbm4b:s3+s10], $0x40, s24, s10, $0xb8;
	[tilespmem:$0xE400] =	vst v63  }
0x20: {  	s5 =	simm.s32 $0x118  }
0x21: {  	[tilespmem:s21], [sflag:$0x1] =	stream.indirect.gather [hbm4b:s3+s10], $0x40, s5, s10, $0xb8;
	[tilespmem:$0xE400] =	vst v63  }
0x22: {  	s6 =	simm.s32 $0x150  }
0x23: {  	[tilespmem:s23], [sflag:$0x1] =	stream.indirect.gather [hbm4b:s3+s10], $0x40, s6, s10, $0xb8;
	[tilespmem:$0xE400] =	vst v63  }
0x24: {  	s20 =	simm.s32 $0x188  }
0x25: {  	[tilespmem:s25], [sflag:$0x1] =	stream.indirect.gather [hbm4b:s3+s10], $0x40, s20, s10, $0xb8;
	[tilespmem:$0xE400] =	vst v63  }
0x26: {  	s22 =	simm.s32 $0x1C0  }
0x27: {  	[tilespmem:s26], [sflag:$0x2] =	stream.indirect.gather [hbm4b:s3+s10], $0x40, s22, s10, $0xb8;
	[tilespmem:$0xE400] =	vst v63  }
0x28: {  	s24 =	simm.s32 $0x1F8  }
0x29: {  	[tilespmem:s28], [sflag:$0x2] =	stream.indirect.gather [hbm4b:s3+s10], $0x40, s24, s10, $0xb8;
	[tilespmem:$0xE400] =	vst v63  }
0x2a: {  	s5 =	simm.s32 $0x230  }
0x2b: {  	[tilespmem:s29], [sflag:$0x2] =	stream.indirect.gather [hbm4b:s3+s10], $0x40, s5, s10, $0xb8;
	[tilespmem:$0xE400] =	vst v63  }
0x2c: {  	s6 =	simm.s32 $0x268  }
0x2d: {  	[tilespmem:s30], [sflag:$0x2] =	stream.indirect.gather [hbm4b:s3+s10], $0x40, s6, s10, $0xb8;
	[tilespmem:$0xE400] =	vst v63  }
0x2e: {  	s20 =	simm.s32 $0x2A0  }
0x2f: {  	[tilespmem:s31], [sflag:$0x2] =	stream.indirect.gather [hbm4b:s3+s10], $0x40, s20, s10, $0xb8;
	[tilespmem:$0xE400] =	vst v63  }
0x30: {  	s22 =	simm.s32 $0x2D8  }
0x31: {  	[tilespmem:s1], [sflag:$0x2] =	stream.indirect.gather [hbm4b:s3+s10], $0x40, s22, s10, $0xb8;
	[tilespmem:$0xE400] =	vst v63  }
0x32: {  	s24 =	simm.s32 $0x310  }
0x33: {  	[tilespmem:s0], [sflag:$0x2] =	stream.indirect.gather [hbm4b:s3+s10], $0x40, s24, s10, $0xb8;
	[tilespmem:$0xE400] =	vst v63  }
0x34: {  	s5 =	simm.s32 $0x348  }
0x35: {  	[tilespmem:s12], [sflag:$0x2] =	stream.indirect.gather [hbm4b:s3+s10], $0x40, s5, s10, $0xb8;
	[tilespmem:$0xE400] =	vst v63  }
0x36: {  	_ =	swait.ge [sflag:s14], $0x6400  }
0x37: {  	[sflag:s14] =	ssyncset.done $0x0  }
0x38: {  	[sflag:s14] =	ssyncadd.s32 $0xFFFF9C00  }
0x39: {  	[hbm4b:s8+s2] =	stream.linear.scatter [tilespmem:s11], [sflag:$0x3], $0x6400, $0x38;
	[tilespmem:$0xE400] =	vst v63  }
0x3a: {  	_ =	swait.ge [sflag:s9], $0x6400  }
0x3b: {  	[sflag:s9] =	ssyncset.done $0x0  }
0x3c: {  	s6 =	simm.s32 $0x380;
	[sflag:s9] =	ssyncadd.s32 $0xFFFF9C00  }
0x3d: {  	[tilespmem:s11], [sflag:$0x1] =	stream.indirect.gather [hbm4b:s3+s10], $0x40, s6, s10, $0xb8;
	[tilespmem:$0xE400] =	vst v63  }
0x3e: {  	s20 =	simm.s32 $0x3B8  }
0x3f: {  	[tilespmem:s13], [sflag:$0x1] =	stream.indirect.gather [hbm4b:s3+s10], $0x40, s20, s10, $0xb8;
	[tilespmem:$0xE400] =	vst v63  }
0x40: {  	s22 =	simm.s32 $0x3F0  }
0x41: {  	[tilespmem:s15], [sflag:$0x1] =	stream.indirect.gather [hbm4b:s3+s10], $0x40, s22, s10, $0xb8;
	[tilespmem:$0xE400] =	vst v63  }
0x42: {  	s24 =	simm.s32 $0x428  }
0x43: {  	[tilespmem:s17], [sflag:$0x1] =	stream.indirect.gather [hbm4b:s3+s10], $0x40, s24, s10, $0xb8;
	[tilespmem:$0xE400] =	vst v63  }
0x44: {  	s5 =	simm.s32 $0x460  }
0x45: {  	[tilespmem:s19], [sflag:$0x1] =	stream.indirect.gather [hbm4b:s3+s10], $0x40, s5, s10, $0xb8;
	[tilespmem:$0xE400] =	vst v63  }
0x46: {  	s6 =	simm.s32 $0x498  }
0x47: {  	[tilespmem:s21], [sflag:$0x1] =	stream.indirect.gather [hbm4b:s3+s10], $0x40, s6, s10, $0xb8;
	[tilespmem:$0xE400] =	vst v63  }
0x48: {  	s20 =	simm.s32 $0x4D0  }
0x49: {  	[tilespmem:s23], [sflag:$0x1] =	stream.indirect.gather [hbm4b:s3+s10], $0x40, s20, s10, $0xb8;
	[tilespmem:$0xE400] =	vst v63  }
0x4a: {  	s22 =	simm.s32 $0x508  }
0x4b: {  	[tilespmem:s25], [sflag:$0x1] =	stream.indirect.gather [hbm4b:s3+s10], $0x40, s22, s10, $0xb8;
	[tilespmem:$0xE400] =	vst v63  }
0x4c: {  	_ =	swait.ge [sflag:s16], $0x6400  }
0x4d: {  	[sflag:s16] =	ssyncset.done $0x0  }
0x4e: {  	s24 =	sadd.s32 $0xC80, s8;
	[sflag:s16] =	ssyncadd.s32 $0xFFFF9C00  }
0x4f: {  	[hbm4b:s24+s2] =	stream.linear.scatter [tilespmem:s26], [sflag:$0x3], $0x6400, $0x38;
	[tilespmem:$0xE400] =	vst v63  }
0x50: {  	s20 =	sadd.s32 $0x1900, s8;
	_ =	swait.ge [sflag:s9], $0x6400  }
0x51: {  	s22 =	simm.s32 $0x380;
	s24 =	simm.s32 $0x1C00;
	[sflag:s9] =	ssyncset.done $0x0  }
.LBB2_2:
0x52: {  	s6 =	sadd.s32 $0x1C0, s22  }
0x53: {  	[sflag:s9] =	ssyncadd.s32 $0xFFFF9C00;
	s4 =	smov.u32 s24;
	s5 =	sadd.s32 $0xE00, s24  }
0x54: {  	[tilespmem:s26], [sflag:$0x2] =	stream.indirect.gather [hbm4b:s3+s10], $0x40, s6, s10, $0xb8;
	[tilespmem:$0xE400] =	vst v63  }
0x55: {  	p0 =	sne.s32 s24, $0x5400;
	s6 =	sadd.s32 $0x1F8, s22  }
0x56: {  	[tilespmem:s28], [sflag:$0x2] =	stream.indirect.gather [hbm4b:s3+s10], $0x40, s6, s10, $0xb8;
	[tilespmem:$0xE400] =	vst v63  }
0x57: {  	s6 =	sadd.s32 $0x230, s22  }
0x58: {  	[tilespmem:s29], [sflag:$0x2] =	stream.indirect.gather [hbm4b:s3+s10], $0x40, s6, s10, $0xb8;
	[tilespmem:$0xE400] =	vst v63  }
0x59: {  	s6 =	sadd.s32 $0x268, s22  }
0x5a: {  	[tilespmem:s30], [sflag:$0x2] =	stream.indirect.gather [hbm4b:s3+s10], $0x40, s6, s10, $0xb8;
	[tilespmem:$0xE400] =	vst v63  }
0x5b: {  	s6 =	sadd.s32 $0x2A0, s22  }
0x5c: {  	[tilespmem:s31], [sflag:$0x2] =	stream.indirect.gather [hbm4b:s3+s10], $0x40, s6, s10, $0xb8;
	[tilespmem:$0xE400] =	vst v63  }
0x5d: {  	s6 =	sadd.s32 $0x2D8, s22  }
0x5e: {  	[tilespmem:s1], [sflag:$0x2] =	stream.indirect.gather [hbm4b:s3+s10], $0x40, s6, s10, $0xb8;
	[tilespmem:$0xE400] =	vst v63  }
0x5f: {  	s6 =	sadd.s32 $0x310, s22  }
0x60: {  	[tilespmem:s0], [sflag:$0x2] =	stream.indirect.gather [hbm4b:s3+s10], $0x40, s6, s10, $0xb8;
	[tilespmem:$0xE400] =	vst v63  }
0x61: {  	s6 =	sadd.s32 $0x348, s22  }
0x62: {  	[tilespmem:s12], [sflag:$0x2] =	stream.indirect.gather [hbm4b:s3+s10], $0x40, s6, s10, $0xb8;
	[tilespmem:$0xE400] =	vst v63  }
0x63: {  	_ =	swait.ge [sflag:s14], $0x6400  }
0x64: {  	[sflag:s14] =	ssyncset.done $0x0  }
0x65: {  	[sflag:s14] =	ssyncadd.s32 $0xFFFF9C00  }
0x66: {  	[hbm4b:s20+s2] =	stream.linear.scatter [tilespmem:s11], [sflag:$0x3], $0x6400, $0x38;
	[tilespmem:$0xE400] =	vst v63  }
0x67: {  	_ =	swait.ge [sflag:s9], $0x6400  }
0x68: {  	[sflag:s9] =	ssyncset.done $0x0  }
0x69: {  	s6 =	sadd.s32 $0x380, s22;
	[sflag:s9] =	ssyncadd.s32 $0xFFFF9C00  }
0x6a: {  	[tilespmem:s11], [sflag:$0x1] =	stream.indirect.gather [hbm4b:s3+s10], $0x40, s6, s10, $0xb8;
	[tilespmem:$0xE400] =	vst v63  }
0x6b: {  	s6 =	sadd.s32 $0x3B8, s22  }
0x6c: {  	[tilespmem:s13], [sflag:$0x1] =	stream.indirect.gather [hbm4b:s3+s10], $0x40, s6, s10, $0xb8;
	[tilespmem:$0xE400] =	vst v63  }
0x6d: {  	s6 =	sadd.s32 $0x3F0, s22  }
0x6e: {  	[tilespmem:s15], [sflag:$0x1] =	stream.indirect.gather [hbm4b:s3+s10], $0x40, s6, s10, $0xb8;
	[tilespmem:$0xE400] =	vst v63  }
0x6f: {  	s6 =	sadd.s32 $0x428, s22  }
0x70: {  	[tilespmem:s17], [sflag:$0x1] =	stream.indirect.gather [hbm4b:s3+s10], $0x40, s6, s10, $0xb8;
	[tilespmem:$0xE400] =	vst v63  }
0x71: {  	s6 =	sadd.s32 $0x460, s22  }
0x72: {  	[tilespmem:s19], [sflag:$0x1] =	stream.indirect.gather [hbm4b:s3+s10], $0x40, s6, s10, $0xb8;
	[tilespmem:$0xE400] =	vst v63  }
0x73: {  	s6 =	sadd.s32 $0x498, s22  }
0x74: {  	[tilespmem:s21], [sflag:$0x1] =	stream.indirect.gather [hbm4b:s3+s10], $0x40, s6, s10, $0xb8;
	[tilespmem:$0xE400] =	vst v63  }
0x75: {  	s6 =	sadd.s32 $0x4D0, s22  }
0x76: {  	[tilespmem:s23], [sflag:$0x1] =	stream.indirect.gather [hbm4b:s3+s10], $0x40, s6, s10, $0xb8;
	[tilespmem:$0xE400] =	vst v63  }
0x77: {  	s6 =	sadd.s32 $0x508, s22  }
0x78: {  	[tilespmem:s25], [sflag:$0x1] =	stream.indirect.gather [hbm4b:s3+s10], $0x40, s6, s10, $0xb8;
	[tilespmem:$0xE400] =	vst v63  }
0x79: {  	_ =	swait.ge [sflag:s16], $0x6400  }
.Ltmp0:
0x7a: {  	[sflag:s16] =	ssyncset.done $0x0;
	(pc) =	sbr.rel @p0 .LBB2_2-.Ltmp0, $4  }
0x7b: {  	s6 =	sadd.s32 $0xC80, s20;
	[sflag:s16] =	ssyncadd.s32 $0xFFFF9C00  }
0x7c: {  	[hbm4b:s6+s2] =	stream.linear.scatter [tilespmem:s26], [sflag:$0x3], $0x6400, $0x38;
	[tilespmem:$0xE400] =	vst v63  }
0x7d: {  	s24 =	smov.u32 s5;
	_ =	swait.ge [sflag:s9], $0x6400  }
0x7e: {  	s22 =	sshra.s32 s4, $0x2;
	s20 =	sadd.s32 $0x1900, s20;
	[sflag:s9] =	ssyncset.done $0x0  }
0x7f: {  	s4 =	sadd.s32 $0x1C0, s22;
	[sflag:s9] =	ssyncadd.s32 $0xFFFF9C00  }
0x80: {  	[tilespmem:s26], [sflag:$0x2] =	stream.indirect.gather [hbm4b:s3+s10], $0x40, s4, s10, $0xb8;
	[tilespmem:$0xE400] =	vst v63  }
0x81: {  	s5 =	sadd.s32 $0x1F8, s22  }
0x82: {  	[tilespmem:s28], [sflag:$0x2] =	stream.indirect.gather [hbm4b:s3+s10], $0x40, s5, s10, $0xb8;
	[tilespmem:$0xE400] =	vst v63  }
0x83: {  	s6 =	sadd.s32 $0x230, s22  }
0x84: {  	[tilespmem:s29], [sflag:$0x2] =	stream.indirect.gather [hbm4b:s3+s10], $0x40, s6, s10, $0xb8;
	[tilespmem:$0xE400] =	vst v63  }
0x85: {  	s24 =	sadd.s32 $0x268, s22  }
0x86: {  	[tilespmem:s30], [sflag:$0x2] =	stream.indirect.gather [hbm4b:s3+s10], $0x40, s24, s10, $0xb8;
	[tilespmem:$0xE400] =	vst v63  }
0x87: {  	s5 =	sadd.s32 $0x2A0, s22  }
0x88: {  	[tilespmem:s31], [sflag:$0x2] =	stream.indirect.gather [hbm4b:s3+s10], $0x40, s5, s10, $0xb8;
	[tilespmem:$0xE400] =	vst v63  }
0x89: {  	s6 =	sadd.s32 $0x2D8, s22  }
0x8a: {  	[tilespmem:s1], [sflag:$0x2] =	stream.indirect.gather [hbm4b:s3+s10], $0x40, s6, s10, $0xb8;
	[tilespmem:$0xE400] =	vst v63  }
0x8b: {  	s24 =	sadd.s32 $0x310, s22  }
0x8c: {  	[tilespmem:s0], [sflag:$0x2] =	stream.indirect.gather [hbm4b:s3+s10], $0x40, s24, s10, $0xb8;
	[tilespmem:$0xE400] =	vst v63  }
0x8d: {  	s5 =	sadd.s32 $0x348, s22  }
0x8e: {  	[tilespmem:s12], [sflag:$0x2] =	stream.indirect.gather [hbm4b:s3+s10], $0x40, s5, s10, $0xb8;
	[tilespmem:$0xE400] =	vst v63  }
0x8f: {  	_ =	swait.ge [sflag:s14], $0x6400  }
0x90: {  	[sflag:s14] =	ssyncset.done $0x0  }
0x91: {  	[sflag:s14] =	ssyncadd.s32 $0xFFFF9C00  }
0x92: {  	[hbm4b:s20+s2] =	stream.linear.scatter [tilespmem:s11], [sflag:$0x3], $0x6400, $0x38;
	[tilespmem:$0xE400] =	vst v63  }
0x93: {  	_ =	swait.ge [sflag:s9], $0x6400  }
0x94: {  	[sflag:s9] =	ssyncset.done $0x0  }
0x95: {  	s6 =	sadd.s32 $0x380, s22;
	[sflag:s9] =	ssyncadd.s32 $0xFFFF9C00  }
0x96: {  	[tilespmem:s11], [sflag:$0x1] =	stream.indirect.gather [hbm4b:s3+s10], $0x40, s6, s10, $0xb8;
	[tilespmem:$0xE400] =	vst v63  }
0x97: {  	s24 =	sadd.s32 $0x3B8, s22  }
0x98: {  	[tilespmem:s13], [sflag:$0x1] =	stream.indirect.gather [hbm4b:s3+s10], $0x40, s24, s10, $0xb8;
	[tilespmem:$0xE400] =	vst v63  }
0x99: {  	s5 =	sadd.s32 $0x3F0, s22  }
0x9a: {  	[tilespmem:s15], [sflag:$0x1] =	stream.indirect.gather [hbm4b:s3+s10], $0x40, s5, s10, $0xb8;
	[tilespmem:$0xE400] =	vst v63  }
0x9b: {  	s6 =	sadd.s32 $0x428, s22  }
0x9c: {  	[tilespmem:s17], [sflag:$0x1] =	stream.indirect.gather [hbm4b:s3+s10], $0x40, s6, s10, $0xb8;
	[tilespmem:$0xE400] =	vst v63  }
0x9d: {  	s24 =	sadd.s32 $0x460, s22  }
0x9e: {  	[tilespmem:s19], [sflag:$0x1] =	stream.indirect.gather [hbm4b:s3+s10], $0x40, s24, s10, $0xb8;
	[tilespmem:$0xE400] =	vst v63  }
0x9f: {  	s5 =	sadd.s32 $0x498, s22  }
0xa0: {  	[tilespmem:s21], [sflag:$0x1] =	stream.indirect.gather [hbm4b:s3+s10], $0x40, s5, s10, $0xb8;
	[tilespmem:$0xE400] =	vst v63  }
0xa1: {  	s6 =	sadd.s32 $0x4D0, s22  }
0xa2: {  	[tilespmem:s23], [sflag:$0x1] =	stream.indirect.gather [hbm4b:s3+s10], $0x40, s6, s10, $0xb8;
	[tilespmem:$0xE400] =	vst v63  }
0xa3: {  	s22 =	sadd.s32 $0x508, s22  }
0xa4: {  	[tilespmem:s25], [sflag:$0x1] =	stream.indirect.gather [hbm4b:s3+s10], $0x40, s22, s10, $0xb8;
	[tilespmem:$0xE400] =	vst v63  }
0xa5: {  	_ =	swait.ge [sflag:s16], $0x6400  }
0xa6: {  	[sflag:s16] =	ssyncset.done $0x0  }
0xa7: {  	s24 =	sadd.s32 $0xC80, s20;
	[sflag:s16] =	ssyncadd.s32 $0xFFFF9C00  }
0xa8: {  	[hbm4b:s24+s2] =	stream.linear.scatter [tilespmem:s26], [sflag:$0x3], $0x6400, $0x38;
	[tilespmem:$0xE400] =	vst v63  }
0xa9: {  	_ =	swait.ge [sflag:s9], $0x6400  }
0xaa: {  	[sflag:s9] =	ssyncset.done $0x0  }
0xab: {  	s5 =	simm.s32 $0x1A40;
	[sflag:s9] =	ssyncadd.s32 $0xFFFF9C00  }
0xac: {  	[tilespmem:s26], [sflag:$0x2] =	stream.indirect.gather [hbm4b:s3+s10], $0x40, s5, s10, $0xb8;
	[tilespmem:$0xE400] =	vst v63  }
0xad: {  	s6 =	simm.s32 $0x1A78  }
0xae: {  	[tilespmem:s28], [sflag:$0x2] =	stream.indirect.gather [hbm4b:s3+s10], $0x40, s6, s10, $0xb8;
	[tilespmem:$0xE400] =	vst v63  }
0xaf: {  	s20 =	simm.s32 $0x1AB0  }
0xb0: {  	[tilespmem:s29], [sflag:$0x2] =	stream.indirect.gather [hbm4b:s3+s10], $0x40, s20, s10, $0xb8;
	[tilespmem:$0xE400] =	vst v63  }
0xb1: {  	s22 =	simm.s32 $0x1AE8  }
0xb2: {  	[tilespmem:s30], [sflag:$0x2] =	stream.indirect.gather [hbm4b:s3+s10], $0x40, s22, s10, $0xb8;
	[tilespmem:$0xE400] =	vst v63  }
0xb3: {  	s24 =	simm.s32 $0x1B20  }
0xb4: {  	[tilespmem:s31], [sflag:$0x2] =	stream.indirect.gather [hbm4b:s3+s10], $0x40, s24, s10, $0xb8;
	[tilespmem:$0xE400] =	vst v63  }
0xb5: {  	s5 =	simm.s32 $0x1B58  }
0xb6: {  	[tilespmem:s1], [sflag:$0x2] =	stream.indirect.gather [hbm4b:s3+s10], $0x40, s5, s10, $0xb8;
	[tilespmem:$0xE400] =	vst v63  }
0xb7: {  	s6 =	simm.s32 $0x1B90  }
0xb8: {  	[tilespmem:s0], [sflag:$0x2] =	stream.indirect.gather [hbm4b:s3+s10], $0x40, s6, s10, $0xb8;
	[tilespmem:$0xE400] =	vst v63  }
0xb9: {  	s20 =	simm.s32 $0x1BC8  }
0xba: {  	[tilespmem:s12], [sflag:$0x2] =	stream.indirect.gather [hbm4b:s3+s10], $0x40, s20, s10, $0xb8;
	[tilespmem:$0xE400] =	vst v63  }
0xbb: {  	_ =	swait.ge [sflag:s14], $0x6400  }
0xbc: {  	[sflag:s14] =	ssyncset.done $0x0  }
0xbd: {  	s22 =	rddreg [dreg:$0x4];
	[sflag:s14] =	ssyncadd.s32 $0xFFFF9C00  }
0xbe: {  	[hbm4b:s22+s2] =	stream.linear.scatter [tilespmem:s11], [sflag:$0x3], $0x6400, $0x38;
	[tilespmem:$0xE400] =	vst v63  }
0xbf: {  	_ =	swait.ge [sflag:s9], $0x6400  }
0xc0: {  	[sflag:s9] =	ssyncset.done $0x0  }
0xc1: {  	[sflag:s9] =	ssyncadd.s32 $0xFFFF9C00  }
0xc2: {  	_ =	swait.ge [sflag:s16], $0x6400  }
0xc3: {  	[sflag:s16] =	ssyncset.done $0x0  }
0xc4: {  	[sflag:s16] =	ssyncadd.s32 $0xFFFF9C00  }
0xc5: {  	[hbm4b:s7+s2] =	stream.linear.scatter [tilespmem:s26], [sflag:$0x3], $0x6400, $0x38;
	[tilespmem:$0xE400] =	vst v63  }
0xc6: {  	_ =	swait.ge [sflag:s9], $0x6400  }
0xc7: {  	s18 =	sadd.s32 $0x1, s18;
	s24 =	rddreg [dreg:$0x3]  }
0xc8: {  	p0 =	sne.s32 s18, s24  }
.Ltmp1:
0xc9: {  	_ = 	snop;
	(pc) =	sbr.rel @p0 .LBB2_1-.Ltmp1, $3  }
0xca: {  	_ =	sdelay $0x1  }
0xcb: {  	[sflag:s9] =	ssyncset.done $0x0  }
0xcc: {  	[sflag:s9] =	ssyncadd.s32 $0xFFFF9C00  }
0xcd: {  	_ =	sfence.sel $0x180000  }
0xce: {  	[bflag:$0x0] =	sbarrier.arrive $0xFFFF  }
0xcf: {  	_ =	strace $0x90000050  }
0xd0: {  	s0 =	stileid.u32;
	[bflag:$0x2] =	sbarrier.arrive $0xFFFF  }
0xd1: {  	p0 =	sne.s32 s0, $0x0;
	s0 =	rddreg [dreg:$0x1]  }
0xd2: {  	s0 =	sadd.s32 @!p0 $0x100000, s0  }
0xd3: {  	[sflag:s0] =	ssyncadd.tile.s32 @!p0 $0x1;
	_ =	shalt  }
.Lfunc_end2:
_tile_overlayer_lowered:
.L_overlay_start_2:
0xd4: {  	(tag) =	ssettag $0x2  }
0xd5: {  	s0 =	rddreg [dreg:$0x0];
	s2 =	stileid.u32  }
0xd6: {  	s1 =	rddreg [dreg:$0x1];
	p0 =	sne.s32 s2, $0x0  }
0xd7: {  	s3 =	rddreg [dreg:$0x2];
	[bflag:$0x3] =	sbarrier.arrive $0xFFFF;
	s2 =	simm.s32 @!p0 $0x1C03  }
0xd8: {  	[timem:s3], [sflag:s2] =	dma.local @!p0 [hbm:s0], s1  }
0xd9: {  	s0 =	simm.s32 @!p0 $0x3  }
0xda: {  	_ =	swait.ge @!p0 [sflag:s0], s1  }
0xdb: {  	s1 =	ssub.s32 @!p0 $0x0, s1;
	[sflag:s0] =	ssyncset.done @!p0 $0x0  }
0xdc: {  	[sflag:s0] =	ssyncadd.s32 @!p0 s1  }
0xdd: {  	[bflag:$0x3] =	sbarrier.arrive $0xFFFF  }
0xde: {  	_ =	shalt  }

// kernel: sparse-core-data-format-call.1.cloned.1.call-start
scs
called_computation.1_lowered:
.L_overlay_start_0:
0x0: {  	s2 =	sld [smem:$0x3FD9]  }
0x1: {  	s3 =	sld [smem:$0x3FFE];
	_ =	sdelay $0x1  }
0x2: {  	s1 =	srdreg.scid  }
0x3: {  	s0 =	sand.u32 $0x1, s1  }
0x4: {  	s18 =	sshll.u32 s0, $0xA;
	s2 =	sadd.s32 s3, s2  }
0x5: {  	s2 =	sadd.s32 s2, s18  }
0x6: {  	[smem:$0x3FC6] =	sst s2  }
0x7: {  	_ = 	snop  }
0x8: {  	(tm) =	ssettm $0x1  }
0x9: {  	s19 =	sld [smem:$0x3FFB];
	_ =	sdelay $0x3  }
0xa: {  	_ =	strace s19  }
0xb: {  	s2 =	sld [smem:$0x3FFC];
	_ =	sdelay $0x3  }
0xc: {  	_ =	strace s2  }
0xd: {  	s2 =	sld [smem:$0x3FFD];
	_ =	sdelay $0x3  }
0xe: {  	_ =	strace s2  }
0xf: {  	_ =	strace $0x8FFFFFFF  }
0x10: {  	s20 =	sld [smem:$0x3FDB];
	_ =	sdelay $0x1  }
0x11: {  	s21 =	simm.s32 $_scs_section_size  }
0x12: {  	s4 =	simm.s32 $_size__tile_overlayer_lowered;
	s5 =	simm.s32 $_tile_overlayer_lowered  }
0x13: {  	s6 =	simm.s32 $0x1BFF;
	s22 =	sshll.u32 s5, $0x1;
	s3 =	sadd.s32 s21, s20  }
0x14: {  	s23 =	simm.s32 $0x0;
	s4 =	sshll.u32 s4, $0x1;
	s5 =	sadd.s32 s22, s3  }
0x15: {  	[timem:s23], [sflag:s6] =	dma.local [hbm:s5], s4  }
0x16: {  	_ =	swait.ge [sflag:s6], s4  }
0x17: {  	s4 =	ssub.s32 $0x0, s4;
	[sflag:s6] =	ssyncset.done $0x0  }
0x18: {  	[sflag:s6] =	ssyncadd.s32 s4;
	_ =	sdelay $0x1  }
0x19: {  	s24 =	simm.s32 $0x1B8B  }
0x1a: {  	_ =	swait.ge [sflag:s24], $0x1  }
0x1b: {  	[sflag:s24] =	ssyncset.done $0x0  }
0x1c: {  	[sflag:s24] =	ssyncadd.s32 $0xFFFFFFFF  }
0x1d: {  	s4 =	sld [smem:$0x0]  }
0x1e: {  	s5 =	sand.u32 $0xFFFFFFFE, s1  }
0x1f: {  	p0 =	sne.s32 s1, s5  }
0x20: {  	s5 =	sshll.u32 @p0 s5, $0xE  }
0x21: {  	s5 =	sadd.s32 @p0 $0x11B8D, s5;
	s6 =	sshll.u32 @p0 s4, $0x11  }
0x22: {  	s5 =	sor.u32 @p0 s6, s5  }
0x23: {  	[sflag:s5] =	ssyncadd.remote.s32 @p0 $0x1;
	_ =	sdelay $0x1  }
0x24: {  	s5 =	simm.s32 @p0 $0x1B8D  }
0x25: {  	_ =	swait.eq @p0 [sflag:s5], $0x1  }
0x26: {  	[sflag:s5] =	ssyncadd.s32 @p0 $0xFFFFFFFF  }
0x27: {  	s6 =	sshll.u32 @!p0 s1, $0xE  }
0x28: {  	s6 =	sor.u32 @!p0 $0x4000, s6;
	s5 =	simm.s32 @!p0 $0x1B8D  }
0x29: {  	s4 =	sshll.u32 @!p0 s4, $0x11;
	s6 =	sadd.s32 @!p0 $0x11B8D, s6;
	_ =	swait.eq @!p0 [sflag:s5], $0x1  }
0x2a: {  	s4 =	sor.u32 @!p0 s4, s6;
	[sflag:s5] =	ssyncadd.s32 @!p0 $0xFFFFFFFF  }
0x2b: {  	s26 =	simm.s32 $0x1B8E;
	s25 =	sld [smem:$0x3FFE];
	[sflag:s4] =	ssyncadd.remote.s32 @!p0 $0x1  }
0x2c: {  	s27 =	simm.s32 $execute0_lowered;
	[smem:$0x3FD2] =	sst s26  }
0x2d: {  	s5 =	sshll.u32 s27, $0x1;
	_ =	strace $0x8000005B;
	[dreg:$0x1] =	wrdreg $0xFFFFFFFF  }
0x2e: {  	s28 =	simm.s32 $_size_execute0_lowered;
	s3 =	sadd.s32 s3, s5;
	[dreg:$0x0] =	wrdreg $0x0  }
0x2f: {  	s5 =	sshll.u32 s28, $0x1;
	[dreg:$0x2] =	wrdreg s3  }
0x30: {  	[dreg:$0x3] =	wrdreg s5  }
0x31: {  	[dreg:$0x4] =	wrdreg $0xC0  }
0x32: {  	_ =	task [dreg:s23], $0x5FFFF  }
0x33: {  	[dreg:$0x1] =	wrdreg $0xFFFFFFFF  }
0x34: {  	[dreg:$0x0] =	wrdreg $0x60  }
0x35: {  	[dreg:$0x2] =	wrdreg s25  }
0x36: {  	[dreg:$0x3] =	wrdreg $0xA  }
0x37: {  	_ =	task.clear_ibuf [dreg:s23], $0x4FFFF;
	_ =	strace $0x9000005B  }
0x38: {  	s29 =	simm.s32 $0xA;
	_ =	strace $0x8000005D  }
0x39: {  	_ =	swait.ge [sflag:s29], $0x1  }
0x3a: {  	[sflag:s29] =	ssyncadd.s32 $0xFFFFFFFF  }
0x3b: {  	_ =	strace $0x9000005D  }
0x3c: {  	_ =	sfence  }
0x3d: {  	s30 =	sld [smem:$0x0];
	_ =	sdelay $0x2  }
0x3e: {  	s31 =	sshll.u32 s1, $0xD;
	s1 =	sshrl.u32 s1, $0x2  }
0x3f: {  	s4 =	sand.u32 $0x4000, s31;
	s1 =	sadd.s32 s1, s30  }
0x40: {  	s0 =	sor.u32 s4, s0;
	s1 =	sshll.u32 s1, $0x11  }
0x41: {  	s0 =	sor.u32 s1, s0  }
0x42: {  	s0 =	sadd.s32 $0x8F2B, s0  }
0x43: {  	[sflag:s0] =	ssyncadd.remote.s32 $0x1  }
0x44: {  	_ =	sfence.sel $0xFFFF  }
0x45: {  	[dreg:$0x0] =	wrdreg $0xFFFFFFFF;
	(pc) =	sbr.abs _section_cstart, $3  }
0x46: {  	[dreg:$0x1] =	wrdreg $0xFFFFFFFF  }
0x47: {  	_ =	task.clear_ibuf [dreg:s23], $0x2FFFF;
	_ =	strace $0x9FFFFFFF  }
0x48: {  	(tm) =	ssettm $0x7FFFFFFF  }
0x49: {  	_ =	shalt  }
tec
execute0_lowered:
.L_overlay_start_1:
0x0: {  	(tag) =	ssettag $0x1  }
0x1: {  	s0 =	srdreg.scid  }
0x2: {  	s1 =	sshll.u32 s0, $0x4  }
0x3: {  	s0 =	stileid.u32;
	s1 =	sand.u32 $0x10, s1  }
0x4: {  	s1 =	sor.u32 s0, s1  }
0x5: {  	s6 =	rddreg [dreg:$0x0];
	s7 =	simm.s32 $0x2;
	s2 =	sshll.u32 s1, $0x7  }
0x6: {  	s12 =	simm.s32 $0x0;
	s8 =	simm.s32 $0x8000;
	s1 =	ssub.s32 $0x1000, s2  }
0x7: {  	s13 =	simm.s32 $0x0;
	s9 =	simm.s32 $0x0;
	s3 =	sand.u32 $0xF80, s1  }
0x8: {  	s11 =	simm.s32 $0x0;
	p0 =	sne.s32 s3, $0x0;
	s3 =	simm.s32 $0x1  }
.Ltmp0:
0x9: {  	s4 =	sshrl.u32 s1, $0xC;
	s3 =	simm.s32 @!p0 $0x0;
	(pc) =	sbr.rel .LBB1_1-.Ltmp0, $4  }
0xa: {  	s5 =	sadd.s32 $0xD60400, s6;
	s1 =	rddreg [dreg:$0x1];
	s4 =	sadd.s32 s3, s4  }
0xb: {  	_ =	strace $0x8000005C;
	s3 =	simm.s32 $0x1;
	s4 =	smul.u32 $0x32, s4  }
0xc: {  	s6 =	sadd.s32 $0x32B400, s6;
	s10 =	smov.u32 s2;
	[sflag:s3] =	ssyncpa.u1 $0x0  }
0xd: {  	p0 =	por $0x0, $0x0;
	[sflag:s7] =	ssyncpa.u1 $0x0;
	s7 =	sor.u32 $0x1, s4  }
.LBB1_4:
0xe: {  	s16 =	sshll.u32 s13, $0x3;
	s17 =	sand.u32 $0x78, s13  }
0xf: {  	s30 =	sand.u32 $0x7E00, s13;
	s12 =	sshll.u32 s12, $0xF;
	s16 =	sand.u32 $0xC00, s16  }
0x10: {  	[tilespmem:s15+$0x810 ss:$0x81] =	vst.msk $0xffff, v2;
	s31 =	sand.u32 $0x7, s13;
	s16 =	sor.u32 s17, s16;
	s17 =	sadd.s32 s6, s30  }
0x11: {  	[tilespmem:s15+$0x1020 ss:$0x81] =	vst.msk $0xffff, v0;
	s13 =	sshll.u32 s31, $0x12;
	s12 =	sadd.s32 s12, s17;
	s16 =	sshrl.u32 s16, $0x3  }
0x12: {  	[tilespmem:s15+$0x0 ss:$0x81] =	vst.msk $0xffff, v1;
	s13 =	sor.u32 $0x400, s13;
	s12 =	sadd.s32 s16, s12  }
0x13: {  	[hbm4b:s12+s13] =	stream.strided.scatter [tilespmem:s14], [sflag:$0x2], $0x2000, s8, s13, $0x20;
	[tilespmem:$0x8080] =	vst v63  }
.LBB1_5:
0x14: {  	s14 =	sadd.s32 $0x1, s9  }
0x15: {  	s12 =	sadd.s32 $0x1000, s10;
	s16 =	smov.u32 s10;
	p2 =	sgt.s32 s14, $0x31  }
0x16: {  	s16 =	smov.u32 @p2 s12  }
0x17: {  	s14 =	simm.s32 @p2 $0x0;
	p2 =	sgt.s32 s16, $0xFFF  }
0x18: {  	s16 =	smov.u32 @p2 s2;
	p2 =	sne.s32 s11, s7  }
.Ltmp1:
0x19: {  	p1 =	slt.u32 s11, $0x2;
	(pc) =	sbr.rel @!p2 .LBB1_6-.Ltmp1, $4  }
0x1a: {  	s15 =	simm.s32 @!p1 $0x2  }
0x1b: {  	s13 =	smov.u32 s10;
	p0 =	por !p0, !p0;
	_ =	swait.ge @!p1 [sflag:s15], $0x2000  }
0x1c: {  	s12 =	smov.u32 s9;
	[sflag:s15] =	ssyncset.done @!p1 $0x0;
	s9 =	smov.u32 s14  }
0x1d: {  	s11 =	sadd.s32 $0x1, s11;
	[sflag:s15] =	ssyncadd.s32 @!p1 $0xFFFFE000;
	s10 =	smov.u32 s16  }
.LBB1_1:
0x1e: {  	p1 =	sge.u32 s11, s4  }
0x1f: {  	s14 =	sand.u32 @!p1 $0x1FFFFFF, s9  }
0x20: {  	s15 =	smulhi.u32 @!p1 $0x4924925, s14;
	_ =	sdelay $0x1  }
0x21: {  	s15 =	smul.u32 @!p1 $0x38, s15  }
0x22: {  	s16 =	sxor.u32 @!p1 $0xFFFFFFFF, s11;
	s17 =	smul.u32 @!p1 $0x380, s10  }
0x23: {  	s31 =	sadd.s32 $0xFFFFFFFF, s11;
	s16 =	sshll.u32 @!p1 s16, $0xD;
	s14 =	ssub.s32 @!p1 s14, s15  }
0x24: {  	s15 =	sand.u32 @!p1 $0x2000, s16;
	s16 =	sadd.s32 @!p1 s5, s17;
	s14 =	sshll.u32 @!p1 s14, $0x4  }
0x25: {  	s17 =	simm.s32 @!p1 $0x1C00;
	s14 =	sadd.s32 @!p1 s14, s16;
	s16 =	simm.s32 @!p1 $0x40  }
0x26: {  	[tilespmem:s15], [sflag:$0x1] =	stream.strided.gather @!p1 [hbm4b:s14+s16], $0x2000, s17, s16, $0x38;
	[tilespmem:$0x8080] =	vst v63  }
0x27: {  	p1 =	sge.u32 s31, s4  }
.Ltmp2:
0x28: {  	_ = 	snop;
	(pc) =	sbr.rel @p1 .LBB1_5-.Ltmp2, $1  }
0x29: {  	_ =	sdelay $0x3  }
0x2a: {  	s14 =	simm.s32 $0x1  }
0x2b: {  	_ =	swait.ge [sflag:s3], $0x2000;
	s14 =	simm.s32 @!p0 $0x0  }
0x2c: {  	[sflag:s3] =	ssyncset.done $0x0;
	s15 =	sshll.u32 s14, $0xD  }
0x2d: {  	[sflag:s3] =	ssyncadd.s32 $0xFFFFE000;
	s18 =	sor.u32 $0x20, s15  }
0x2e: {  	s14 =	smul.u32 $0x8100, s14;
	v3 =	vld [tilespmem:s18+$0x10]  }
0x2f: {  	s30 =	sand.u32 $0x1, s11;
	v2 =	vld [tilespmem:s18+$0xFFFFFFF0]  }
0x30: {  	s15 =	smul.u32 $0x8100, s30;
	s14 =	sshrl.u32 s14, $0x2;
	v0 =	vld [tilespmem:s18+$0x0]  }
0x31: {  	v1 =	vld [tilespmem:s18+$0xFFFFFFE0];
	s16 =	sor.u32 $0x4000, s14  }
0x32: {  	s31 =	sshrl.u32 s15, $0x2;
	s15 =	sadd.s32 $0x0, s16  }
0x33: {  	s17 =	simm.s32 $0x4;
	s18 =	sadd.s32 $0x40, s18;
	s14 =	sor.u32 $0x4000, s31;
	[tilespmem:s15+$0x1830 ss:$0x81] =	vst.msk $0xffff, v3  }
.LBB1_3:
0x34: {  	v3 =	vld [tilespmem:s18+$0x10];
	p1 =	sne.s32 s17, $0x1FC;
	[tilespmem:s15+$0x810 ss:$0x81] =	vst.msk $0xffff, v2;
	s19 =	smov.u32 s17;
	s17 =	sadd.s32 $0x4, s17  }
.Ltmp3:
0x35: {  	v2 =	vld [tilespmem:s18+$0xFFFFFFF0];
	[tilespmem:s15+$0x1020 ss:$0x81] =	vst.msk $0xffff, v0;
	(pc) =	sbr.rel @p1 .LBB1_3-.Ltmp3, $4  }
0x36: {  	v0 =	vld [tilespmem:s18+$0x0];
	[tilespmem:s15+$0x0 ss:$0x81] =	vst.msk $0xffff, v1  }
0x37: {  	s15 =	sshra.s32 s19, $0x2;
	v1 =	vld [tilespmem:s18+$0xFFFFFFE0]  }
0x38: {  	s15 =	sadd.s32 s15, s16  }
0x39: {  	s18 =	sadd.s32 $0x40, s18;
	[tilespmem:s15+$0x1830 ss:$0x81] =	vst.msk $0xffff, v3  }
.Ltmp4:
0x3a: {  	_ = 	snop;
	(pc) =	sbr.rel .LBB1_4-.Ltmp4, $1  }
0x3b: {  	_ =	sdelay $0x3  }
.LBB1_6:
0x3c: {  	_ =	sfence.sel $0x180000  }
0x3d: {  	s2 =	simm.s32 $0x1;
	[bflag:$0x0] =	sbarrier.arrive $0xFFFF  }
0x3e: {  	s31 =	simm.s32 $0x2;
	[sflag:s2] =	ssyncpa.u1 $0x1  }
0x3f: {  	[sflag:s31] =	ssyncpa.u1 $0x1  }
0x40: {  	p0 =	sne.s32 s0, $0x0;
	_ =	strace $0x9000005C  }
0x41: {  	s0 =	sadd.s32 @!p0 $0x100000, s1;
	[bflag:$0x2] =	sbarrier.arrive $0xFFFF  }
0x42: {  	[sflag:s0] =	ssyncadd.tile.s32 @!p0 $0x1;
	_ =	shalt  }
.Lfunc_end1:
_tile_overlayer_lowered:
.L_overlay_start_2:
0x43: {  	(tag) =	ssettag $0x2  }
0x44: {  	s0 =	rddreg [dreg:$0x0];
	s2 =	stileid.u32  }
0x45: {  	s1 =	rddreg [dreg:$0x1];
	p0 =	sne.s32 s2, $0x0  }
0x46: {  	s3 =	rddreg [dreg:$0x2];
	[bflag:$0x3] =	sbarrier.arrive $0xFFFF;
	s2 =	simm.s32 @!p0 $0x1C01  }
0x47: {  	[timem:s3], [sflag:s2] =	dma.local @!p0 [hbm:s0], s1  }
0x48: {  	s0 =	simm.s32 @!p0 $0x1  }
0x49: {  	_ =	swait.ge @!p0 [sflag:s0], s1  }
0x4a: {  	s1 =	ssub.s32 @!p0 $0x0, s1;
	[sflag:s0] =	ssyncset.done @!p0 $0x0  }
0x4b: {  	[sflag:s0] =	ssyncadd.s32 @!p0 s1  }
0x4c: {  	[bflag:$0x3] =	sbarrier.arrive $0xFFFF  }
0x4d: {  	_ =	shalt  }

// kernel: sparse-core-data-format-call.2.cloned.1.call-start
scs
called_computation.2_lowered:
.L_overlay_start_0:
0x0: {  	s2 =	sld [smem:$0x3FD9]  }
0x1: {  	s3 =	sld [smem:$0x3FFE];
	_ =	sdelay $0x1  }
0x2: {  	s1 =	srdreg.scid  }
0x3: {  	s0 =	sand.u32 $0x1, s1  }
0x4: {  	s18 =	sshll.u32 s0, $0xA;
	s2 =	sadd.s32 s3, s2  }
0x5: {  	s2 =	sadd.s32 s2, s18  }
0x6: {  	[smem:$0x3FC6] =	sst s2  }
0x7: {  	_ = 	snop  }
0x8: {  	(tm) =	ssettm $0x1  }
0x9: {  	s19 =	sld [smem:$0x3FFB];
	_ =	sdelay $0x3  }
0xa: {  	_ =	strace s19  }
0xb: {  	s2 =	sld [smem:$0x3FFC];
	_ =	sdelay $0x3  }
0xc: {  	_ =	strace s2  }
0xd: {  	s2 =	sld [smem:$0x3FFD];
	_ =	sdelay $0x3  }
0xe: {  	_ =	strace s2  }
0xf: {  	_ =	strace $0x8FFFFFFF  }
0x10: {  	s20 =	sld [smem:$0x3FDB];
	_ =	sdelay $0x1  }
0x11: {  	s21 =	simm.s32 $_scs_section_size  }
0x12: {  	s4 =	simm.s32 $_size__tile_overlayer_lowered;
	s5 =	simm.s32 $_tile_overlayer_lowered  }
0x13: {  	s6 =	simm.s32 $0x1BFF;
	s22 =	sshll.u32 s5, $0x1;
	s3 =	sadd.s32 s21, s20  }
0x14: {  	s23 =	simm.s32 $0x0;
	s4 =	sshll.u32 s4, $0x1;
	s5 =	sadd.s32 s22, s3  }
0x15: {  	[timem:s23], [sflag:s6] =	dma.local [hbm:s5], s4  }
0x16: {  	_ =	swait.ge [sflag:s6], s4  }
0x17: {  	s4 =	ssub.s32 $0x0, s4;
	[sflag:s6] =	ssyncset.done $0x0  }
0x18: {  	[sflag:s6] =	ssyncadd.s32 s4;
	_ =	sdelay $0x1  }
0x19: {  	s24 =	simm.s32 $0x1B8B  }
0x1a: {  	_ =	swait.ge [sflag:s24], $0x1  }
0x1b: {  	[sflag:s24] =	ssyncset.done $0x0  }
0x1c: {  	[sflag:s24] =	ssyncadd.s32 $0xFFFFFFFF  }
0x1d: {  	s4 =	sld [smem:$0x0]  }
0x1e: {  	s5 =	sand.u32 $0xFFFFFFFE, s1  }
0x1f: {  	p0 =	sne.s32 s1, s5  }
0x20: {  	s5 =	sshll.u32 @p0 s5, $0xE  }
0x21: {  	s5 =	sadd.s32 @p0 $0x11B8D, s5;
	s6 =	sshll.u32 @p0 s4, $0x11  }
0x22: {  	s5 =	sor.u32 @p0 s6, s5  }
0x23: {  	[sflag:s5] =	ssyncadd.remote.s32 @p0 $0x1;
	_ =	sdelay $0x1  }
0x24: {  	s5 =	simm.s32 @p0 $0x1B8D  }
0x25: {  	_ =	swait.eq @p0 [sflag:s5], $0x1  }
0x26: {  	[sflag:s5] =	ssyncadd.s32 @p0 $0xFFFFFFFF  }
0x27: {  	s6 =	sshll.u32 @!p0 s1, $0xE  }
0x28: {  	s6 =	sor.u32 @!p0 $0x4000, s6;
	s5 =	simm.s32 @!p0 $0x1B8D  }
0x29: {  	s4 =	sshll.u32 @!p0 s4, $0x11;
	s6 =	sadd.s32 @!p0 $0x11B8D, s6;
	_ =	swait.eq @!p0 [sflag:s5], $0x1  }
0x2a: {  	s4 =	sor.u32 @!p0 s4, s6;
	[sflag:s5] =	ssyncadd.s32 @!p0 $0xFFFFFFFF  }
0x2b: {  	s26 =	simm.s32 $0x1B8E;
	s25 =	sld [smem:$0x3FFE];
	[sflag:s4] =	ssyncadd.remote.s32 @!p0 $0x1  }
0x2c: {  	s27 =	simm.s32 $execute0_lowered;
	[smem:$0x3FD2] =	sst s26  }
0x2d: {  	s5 =	sshll.u32 s27, $0x1;
	_ =	strace $0x80000058;
	[dreg:$0x1] =	wrdreg $0xFFFFFFFF  }
0x2e: {  	s28 =	simm.s32 $_size_execute0_lowered;
	s3 =	sadd.s32 s3, s5;
	[dreg:$0x0] =	wrdreg $0x0  }
0x2f: {  	s5 =	sshll.u32 s28, $0x1;
	[dreg:$0x2] =	wrdreg s3  }
0x30: {  	[dreg:$0x3] =	wrdreg s5  }
0x31: {  	[dreg:$0x4] =	wrdreg $0xC0  }
0x32: {  	_ =	task [dreg:s23], $0x5FFFF  }
0x33: {  	[dreg:$0x1] =	wrdreg $0xFFFFFFFF  }
0x34: {  	[dreg:$0x0] =	wrdreg $0x60  }
0x35: {  	[dreg:$0x2] =	wrdreg s25  }
0x36: {  	[dreg:$0x3] =	wrdreg $0xC  }
0x37: {  	_ =	task.clear_ibuf [dreg:s23], $0x4FFFF;
	_ =	strace $0x90000058  }
0x38: {  	s29 =	simm.s32 $0xC;
	_ =	strace $0x8000005A  }
0x39: {  	_ =	swait.ge [sflag:s29], $0x1  }
0x3a: {  	[sflag:s29] =	ssyncadd.s32 $0xFFFFFFFF  }
0x3b: {  	_ =	strace $0x9000005A  }
0x3c: {  	_ =	sfence  }
0x3d: {  	s30 =	sld [smem:$0x0];
	_ =	sdelay $0x2  }
0x3e: {  	s31 =	sshll.u32 s1, $0xD;
	s1 =	sshrl.u32 s1, $0x2  }
0x3f: {  	s4 =	sand.u32 $0x4000, s31;
	s1 =	sadd.s32 s1, s30  }
0x40: {  	s0 =	sor.u32 s4, s0;
	s1 =	sshll.u32 s1, $0x11  }
0x41: {  	s0 =	sor.u32 s1, s0  }
0x42: {  	s0 =	sadd.s32 $0x8F2B, s0  }
0x43: {  	[sflag:s0] =	ssyncadd.remote.s32 $0x1  }
0x44: {  	_ =	sfence.sel $0xFFFF  }
0x45: {  	[dreg:$0x0] =	wrdreg $0xFFFFFFFF;
	(pc) =	sbr.abs _section_cstart, $3  }
0x46: {  	[dreg:$0x1] =	wrdreg $0xFFFFFFFF  }
0x47: {  	_ =	task.clear_ibuf [dreg:s23], $0x2FFFF;
	_ =	strace $0x9FFFFFFF  }
0x48: {  	(tm) =	ssettm $0x7FFFFFFF  }
0x49: {  	_ =	shalt  }
tec
execute0_lowered:
.L_overlay_start_1:
0x0: {  	(tag) =	ssettag $0x1  }
0x1: {  	s0 =	srdreg.scid  }
0x2: {  	s1 =	sshll.u32 s0, $0x4  }
0x3: {  	s0 =	stileid.u32;
	s1 =	sand.u32 $0x10, s1  }
0x4: {  	s1 =	sor.u32 s0, s1  }
0x5: {  	s6 =	rddreg [dreg:$0x0];
	s7 =	simm.s32 $0x2;
	s2 =	sshll.u32 s1, $0x7  }
0x6: {  	s12 =	simm.s32 $0x0;
	s8 =	simm.s32 $0x8000;
	s1 =	ssub.s32 $0x1000, s2  }
0x7: {  	s13 =	simm.s32 $0x0;
	s9 =	simm.s32 $0x0;
	s3 =	sand.u32 $0xF80, s1  }
0x8: {  	s11 =	simm.s32 $0x0;
	p0 =	sne.s32 s3, $0x0;
	s3 =	simm.s32 $0x1  }
.Ltmp0:
0x9: {  	s4 =	sshrl.u32 s1, $0xC;
	s3 =	simm.s32 @!p0 $0x0;
	(pc) =	sbr.rel .LBB1_1-.Ltmp0, $4  }
0xa: {  	s5 =	sadd.s32 $0x9E0400, s6;
	s1 =	rddreg [dreg:$0x1];
	s4 =	sadd.s32 s3, s4  }
0xb: {  	_ =	strace $0x80000059;
	s3 =	simm.s32 $0x1;
	s4 =	smul.u32 $0x32, s4  }
0xc: {  	s6 =	sadd.s32 $0x19B400, s6;
	s10 =	smov.u32 s2;
	[sflag:s3] =	ssyncpa.u1 $0x0  }
0xd: {  	p0 =	por $0x0, $0x0;
	[sflag:s7] =	ssyncpa.u1 $0x0;
	s7 =	sor.u32 $0x1, s4  }
.LBB1_4:
0xe: {  	s16 =	sshll.u32 s13, $0x3;
	s17 =	sand.u32 $0x78, s13  }
0xf: {  	s30 =	sand.u32 $0x7E00, s13;
	s12 =	sshll.u32 s12, $0xF;
	s16 =	sand.u32 $0xC00, s16  }
0x10: {  	[tilespmem:s15+$0x810 ss:$0x81] =	vst.msk $0xffff, v2;
	s31 =	sand.u32 $0x7, s13;
	s16 =	sor.u32 s17, s16;
	s17 =	sadd.s32 s6, s30  }
0x11: {  	[tilespmem:s15+$0x1020 ss:$0x81] =	vst.msk $0xffff, v0;
	s13 =	sshll.u32 s31, $0x12;
	s12 =	sadd.s32 s12, s17;
	s16 =	sshrl.u32 s16, $0x3  }
0x12: {  	[tilespmem:s15+$0x0 ss:$0x81] =	vst.msk $0xffff, v1;
	s13 =	sor.u32 $0x400, s13;
	s12 =	sadd.s32 s16, s12  }
0x13: {  	[hbm4b:s12+s13] =	stream.strided.scatter [tilespmem:s14], [sflag:$0x2], $0x2000, s8, s13, $0x20;
	[tilespmem:$0x8080] =	vst v63  }
.LBB1_5:
0x14: {  	s14 =	sadd.s32 $0x1, s9  }
0x15: {  	s12 =	sadd.s32 $0x1000, s10;
	s16 =	smov.u32 s10;
	p2 =	sgt.s32 s14, $0x31  }
0x16: {  	s16 =	smov.u32 @p2 s12  }
0x17: {  	s14 =	simm.s32 @p2 $0x0;
	p2 =	sgt.s32 s16, $0xFFF  }
0x18: {  	s16 =	smov.u32 @p2 s2;
	p2 =	sne.s32 s11, s7  }
.Ltmp1:
0x19: {  	p1 =	slt.u32 s11, $0x2;
	(pc) =	sbr.rel @!p2 .LBB1_6-.Ltmp1, $4  }
0x1a: {  	s15 =	simm.s32 @!p1 $0x2  }
0x1b: {  	s13 =	smov.u32 s10;
	p0 =	por !p0, !p0;
	_ =	swait.ge @!p1 [sflag:s15], $0x2000  }
0x1c: {  	s12 =	smov.u32 s9;
	[sflag:s15] =	ssyncset.done @!p1 $0x0;
	s9 =	smov.u32 s14  }
0x1d: {  	s11 =	sadd.s32 $0x1, s11;
	[sflag:s15] =	ssyncadd.s32 @!p1 $0xFFFFE000;
	s10 =	smov.u32 s16  }
.LBB1_1:
0x1e: {  	p1 =	sge.u32 s11, s4  }
0x1f: {  	s14 =	sand.u32 @!p1 $0x1FFFFFF, s9  }
0x20: {  	s15 =	smulhi.u32 @!p1 $0x4924925, s14;
	_ =	sdelay $0x1  }
0x21: {  	s15 =	smul.u32 @!p1 $0x38, s15  }
0x22: {  	s16 =	sxor.u32 @!p1 $0xFFFFFFFF, s11;
	s17 =	smul.u32 @!p1 $0x380, s10  }
0x23: {  	s31 =	sadd.s32 $0xFFFFFFFF, s11;
	s16 =	sshll.u32 @!p1 s16, $0xD;
	s14 =	ssub.s32 @!p1 s14, s15  }
0x24: {  	s15 =	sand.u32 @!p1 $0x2000, s16;
	s16 =	sadd.s32 @!p1 s5, s17;
	s14 =	sshll.u32 @!p1 s14, $0x4  }
0x25: {  	s17 =	simm.s32 @!p1 $0x1C00;
	s14 =	sadd.s32 @!p1 s14, s16;
	s16 =	simm.s32 @!p1 $0x40  }
0x26: {  	[tilespmem:s15], [sflag:$0x1] =	stream.strided.gather @!p1 [hbm4b:s14+s16], $0x2000, s17, s16, $0x38;
	[tilespmem:$0x8080] =	vst v63  }
0x27: {  	p1 =	sge.u32 s31, s4  }
.Ltmp2:
0x28: {  	_ = 	snop;
	(pc) =	sbr.rel @p1 .LBB1_5-.Ltmp2, $1  }
0x29: {  	_ =	sdelay $0x3  }
0x2a: {  	s14 =	simm.s32 $0x1  }
0x2b: {  	_ =	swait.ge [sflag:s3], $0x2000;
	s14 =	simm.s32 @!p0 $0x0  }
0x2c: {  	[sflag:s3] =	ssyncset.done $0x0;
	s15 =	sshll.u32 s14, $0xD  }
0x2d: {  	[sflag:s3] =	ssyncadd.s32 $0xFFFFE000;
	s18 =	sor.u32 $0x20, s15  }
0x2e: {  	s14 =	smul.u32 $0x8100, s14;
	v3 =	vld [tilespmem:s18+$0x10]  }
0x2f: {  	s30 =	sand.u32 $0x1, s11;
	v2 =	vld [tilespmem:s18+$0xFFFFFFF0]  }
0x30: {  	s15 =	smul.u32 $0x8100, s30;
	s14 =	sshrl.u32 s14, $0x2;
	v0 =	vld [tilespmem:s18+$0x0]  }
0x31: {  	v1 =	vld [tilespmem:s18+$0xFFFFFFE0];
	s16 =	sor.u32 $0x4000, s14  }
0x32: {  	s31 =	sshrl.u32 s15, $0x2;
	s15 =	sadd.s32 $0x0, s16  }
0x33: {  	s17 =	simm.s32 $0x4;
	s18 =	sadd.s32 $0x40, s18;
	s14 =	sor.u32 $0x4000, s31;
	[tilespmem:s15+$0x1830 ss:$0x81] =	vst.msk $0xffff, v3  }
.LBB1_3:
0x34: {  	v3 =	vld [tilespmem:s18+$0x10];
	p1 =	sne.s32 s17, $0x1FC;
	[tilespmem:s15+$0x810 ss:$0x81] =	vst.msk $0xffff, v2;
	s19 =	smov.u32 s17;
	s17 =	sadd.s32 $0x4, s17  }
.Ltmp3:
0x35: {  	v2 =	vld [tilespmem:s18+$0xFFFFFFF0];
	[tilespmem:s15+$0x1020 ss:$0x81] =	vst.msk $0xffff, v0;
	(pc) =	sbr.rel @p1 .LBB1_3-.Ltmp3, $4  }
0x36: {  	v0 =	vld [tilespmem:s18+$0x0];
	[tilespmem:s15+$0x0 ss:$0x81] =	vst.msk $0xffff, v1  }
0x37: {  	s15 =	sshra.s32 s19, $0x2;
	v1 =	vld [tilespmem:s18+$0xFFFFFFE0]  }
0x38: {  	s15 =	sadd.s32 s15, s16  }
0x39: {  	s18 =	sadd.s32 $0x40, s18;
	[tilespmem:s15+$0x1830 ss:$0x81] =	vst.msk $0xffff, v3  }
.Ltmp4:
0x3a: {  	_ = 	snop;
	(pc) =	sbr.rel .LBB1_4-.Ltmp4, $1  }
0x3b: {  	_ =	sdelay $0x3  }
.LBB1_6:
0x3c: {  	_ =	sfence.sel $0x180000  }
0x3d: {  	s2 =	simm.s32 $0x1;
	[bflag:$0x0] =	sbarrier.arrive $0xFFFF  }
0x3e: {  	s31 =	simm.s32 $0x2;
	[sflag:s2] =	ssyncpa.u1 $0x1  }
0x3f: {  	[sflag:s31] =	ssyncpa.u1 $0x1  }
0x40: {  	p0 =	sne.s32 s0, $0x0;
	_ =	strace $0x90000059  }
0x41: {  	s0 =	sadd.s32 @!p0 $0x100000, s1;
	[bflag:$0x2] =	sbarrier.arrive $0xFFFF  }
0x42: {  	[sflag:s0] =	ssyncadd.tile.s32 @!p0 $0x1;
	_ =	shalt  }
.Lfunc_end1:
_tile_overlayer_lowered:
.L_overlay_start_2:
0x43: {  	(tag) =	ssettag $0x2  }
0x44: {  	s0 =	rddreg [dreg:$0x0];
	s2 =	stileid.u32  }
0x45: {  	s1 =	rddreg [dreg:$0x1];
	p0 =	sne.s32 s2, $0x0  }
0x46: {  	s3 =	rddreg [dreg:$0x2];
	[bflag:$0x3] =	sbarrier.arrive $0xFFFF;
	s2 =	simm.s32 @!p0 $0x1C01  }
0x47: {  	[timem:s3], [sflag:s2] =	dma.local @!p0 [hbm:s0], s1  }
0x48: {  	s0 =	simm.s32 @!p0 $0x1  }
0x49: {  	_ =	swait.ge @!p0 [sflag:s0], s1  }
0x4a: {  	s1 =	ssub.s32 @!p0 $0x0, s1;
	[sflag:s0] =	ssyncset.done @!p0 $0x0  }
0x4b: {  	[sflag:s0] =	ssyncadd.s32 @!p0 s1  }
0x4c: {  	[bflag:$0x3] =	sbarrier.arrive $0xFFFF  }
0x4d: {  	_ =	shalt  }

// kernel: sparse-core-data-format-call.3.cloned.1.call-start
scs
called_computation.3_lowered:
.L_overlay_start_0:
0x0: {  	s2 =	sld [smem:$0x3FD9]  }
0x1: {  	s3 =	sld [smem:$0x3FFE];
	_ =	sdelay $0x1  }
0x2: {  	s1 =	srdreg.scid  }
0x3: {  	s0 =	sand.u32 $0x1, s1  }
0x4: {  	s18 =	sshll.u32 s0, $0xA;
	s2 =	sadd.s32 s3, s2  }
0x5: {  	s2 =	sadd.s32 s2, s18  }
0x6: {  	[smem:$0x3FC6] =	sst s2  }
0x7: {  	_ = 	snop  }
0x8: {  	s19 =	sld [smem:$0x3FD0];
	(tm) =	ssettm $0x1  }
0x9: {  	s20 =	sld [smem:$0x3FFB];
	_ =	sdelay $0x3  }
0xa: {  	_ =	strace s20  }
0xb: {  	s2 =	sld [smem:$0x3FFC];
	_ =	sdelay $0x3  }
0xc: {  	_ =	strace s2  }
0xd: {  	s2 =	sld [smem:$0x3FFD];
	_ =	sdelay $0x3  }
0xe: {  	_ =	strace s2  }
0xf: {  	_ =	strace $0x8FFFFFFF  }
0x10: {  	s21 =	sld [smem:$0x3FDB];
	_ =	sdelay $0x1  }
0x11: {  	s4 =	simm.s32 $_scs_section_size  }
0x12: {  	s5 =	simm.s32 $_size__tile_overlayer_lowered;
	s6 =	simm.s32 $_tile_overlayer_lowered  }
0x13: {  	s7 =	simm.s32 $0x1BFF;
	s22 =	sshll.u32 s6, $0x1;
	s4 =	sadd.s32 s4, s21  }
0x14: {  	s23 =	simm.s32 $0x0;
	s5 =	sshll.u32 s5, $0x1;
	s6 =	sadd.s32 s22, s4  }
0x15: {  	[timem:s23], [sflag:s7] =	dma.local [hbm:s6], s5  }
0x16: {  	_ =	swait.ge [sflag:s7], s5  }
0x17: {  	s5 =	ssub.s32 $0x0, s5;
	[sflag:s7] =	ssyncset.done $0x0  }
0x18: {  	[sflag:s7] =	ssyncadd.s32 s5;
	_ =	sdelay $0x1  }
0x19: {  	s24 =	simm.s32 $0x1B8B  }
0x1a: {  	_ =	swait.ge [sflag:s24], $0x1  }
0x1b: {  	[sflag:s24] =	ssyncset.done $0x0  }
0x1c: {  	[sflag:s24] =	ssyncadd.s32 $0xFFFFFFFF  }
0x1d: {  	s5 =	sld [smem:$0x0]  }
0x1e: {  	s6 =	sand.u32 $0xFFFFFFFE, s1  }
0x1f: {  	p0 =	sne.s32 s1, s6  }
0x20: {  	s6 =	sshll.u32 @p0 s6, $0xE  }
0x21: {  	s6 =	sadd.s32 @p0 $0x11B8D, s6;
	s7 =	sshll.u32 @p0 s5, $0x11  }
0x22: {  	s6 =	sor.u32 @p0 s7, s6  }
0x23: {  	[sflag:s6] =	ssyncadd.remote.s32 @p0 $0x1;
	_ =	sdelay $0x1  }
0x24: {  	s6 =	simm.s32 @p0 $0x1B8D  }
0x25: {  	_ =	swait.eq @p0 [sflag:s6], $0x1  }
0x26: {  	[sflag:s6] =	ssyncadd.s32 @p0 $0xFFFFFFFF  }
0x27: {  	s7 =	sshll.u32 @!p0 s1, $0xE  }
0x28: {  	s7 =	sor.u32 @!p0 $0x4000, s7;
	s6 =	simm.s32 @!p0 $0x1B8D  }
0x29: {  	s5 =	sshll.u32 @!p0 s5, $0x11;
	s7 =	sadd.s32 @!p0 $0x11B8D, s7;
	_ =	swait.eq @!p0 [sflag:s6], $0x1  }
0x2a: {  	s5 =	sor.u32 @!p0 s5, s7;
	[sflag:s6] =	ssyncadd.s32 @!p0 $0xFFFFFFFF  }
0x2b: {  	s26 =	simm.s32 $0x1B8E;
	s25 =	sld [smem:$0x3FFE];
	[sflag:s5] =	ssyncadd.remote.s32 @!p0 $0x1  }
0x2c: {  	s27 =	simm.s32 $execute0_lowered;
	[smem:$0x3FD2] =	sst s26  }
0x2d: {  	s6 =	sshll.u32 s27, $0x1;
	_ =	strace $0x80000055;
	[dreg:$0x1] =	wrdreg $0xFFFFFFFF  }
0x2e: {  	s28 =	simm.s32 $_size_execute0_lowered;
	s4 =	sadd.s32 s4, s6;
	[dreg:$0x0] =	wrdreg $0x0  }
0x2f: {  	s6 =	sshll.u32 s28, $0x1;
	[dreg:$0x2] =	wrdreg s4  }
0x30: {  	[dreg:$0x3] =	wrdreg s6  }
0x31: {  	[dreg:$0x4] =	wrdreg $0xC0  }
0x32: {  	_ =	task [dreg:s23], $0x5FFFF  }
0x33: {  	[dreg:$0x1] =	wrdreg $0xFFFFFFFF  }
0x34: {  	[dreg:$0x0] =	wrdreg $0x60  }
0x35: {  	[dreg:$0x2] =	wrdreg s19  }
0x36: {  	[dreg:$0x3] =	wrdreg s25  }
0x37: {  	[dreg:$0x4] =	wrdreg $0xB  }
0x38: {  	_ =	task.clear_ibuf [dreg:s23], $0x5FFFF;
	_ =	strace $0x90000055  }
0x39: {  	s29 =	simm.s32 $0xB;
	_ =	strace $0x80000057  }
0x3a: {  	_ =	swait.ge [sflag:s29], $0x1  }
0x3b: {  	[sflag:s29] =	ssyncadd.s32 $0xFFFFFFFF  }
0x3c: {  	_ =	strace $0x90000057  }
0x3d: {  	_ =	sfence  }
0x3e: {  	s30 =	sld [smem:$0x0];
	_ =	sdelay $0x2  }
0x3f: {  	s31 =	sshll.u32 s1, $0xD;
	s1 =	sshrl.u32 s1, $0x2  }
0x40: {  	s4 =	sand.u32 $0x4000, s31;
	s1 =	sadd.s32 s1, s30  }
0x41: {  	s0 =	sor.u32 s4, s0;
	s1 =	sshll.u32 s1, $0x11  }
0x42: {  	s0 =	sor.u32 s1, s0  }
0x43: {  	s0 =	sadd.s32 $0x8F2B, s0  }
0x44: {  	[sflag:s0] =	ssyncadd.remote.s32 $0x1  }
0x45: {  	_ =	sfence.sel $0xFFFF  }
0x46: {  	[dreg:$0x0] =	wrdreg $0xFFFFFFFF;
	(pc) =	sbr.abs _section_cstart, $3  }
0x47: {  	[dreg:$0x1] =	wrdreg $0xFFFFFFFF  }
0x48: {  	_ =	task.clear_ibuf [dreg:s23], $0x2FFFF;
	_ =	strace $0x9FFFFFFF  }
0x49: {  	(tm) =	ssettm $0x7FFFFFFF  }
tec
execute0_lowered:
.L_overlay_start_1:
0x0: {  	(tag) =	ssettag $0x1  }
0x1: {  	s0 =	srdreg.scid  }
0x2: {  	s1 =	sshll.u32 s0, $0x4  }
0x3: {  	s0 =	stileid.u32;
	s1 =	sand.u32 $0x10, s1  }
0x4: {  	s3 =	rddreg [dreg:$0x0];
	s1 =	sor.u32 s0, s1  }
0x5: {  	s6 =	rddreg [dreg:$0x1];
	s2 =	sshll.u32 s1, $0x7  }
0x6: {  	s7 =	simm.s32 $0x2;
	s12 =	simm.s32 $0x0;
	s1 =	ssub.s32 $0x1000, s2  }
0x7: {  	s8 =	simm.s32 $0x8000;
	s13 =	simm.s32 $0x0;
	s4 =	sand.u32 $0xF80, s1  }
0x8: {  	s9 =	simm.s32 $0x0;
	p0 =	sne.s32 s4, $0x0;
	s4 =	simm.s32 $0x1  }
.Ltmp0:
0x9: {  	s5 =	sshrl.u32 s1, $0xC;
	s4 =	simm.s32 @!p0 $0x0;
	(pc) =	sbr.rel .LBB1_1-.Ltmp0, $4  }
0xa: {  	s11 =	simm.s32 $0x0;
	s1 =	rddreg [dreg:$0x2];
	s5 =	sadd.s32 s4, s5  }
0xb: {  	_ =	strace $0x80000056;
	s4 =	simm.s32 $0x1;
	s5 =	smul.u32 $0x32, s5  }
0xc: {  	s6 =	sadd.s32 $0xB400, s6;
	s10 =	smov.u32 s2;
	[sflag:s4] =	ssyncpa.u1 $0x0  }
0xd: {  	p0 =	por $0x0, $0x0;
	[sflag:s7] =	ssyncpa.u1 $0x0;
	s7 =	sor.u32 $0x1, s5  }
.LBB1_4:
0xe: {  	s16 =	sshll.u32 s13, $0x3;
	s17 =	sand.u32 $0x78, s13  }
0xf: {  	s30 =	sand.u32 $0x7E00, s13;
	s12 =	sshll.u32 s12, $0xF;
	s16 =	sand.u32 $0xC00, s16  }
0x10: {  	[tilespmem:s15+$0x810 ss:$0x81] =	vst.msk $0xffff, v2;
	s31 =	sand.u32 $0x7, s13;
	s16 =	sor.u32 s17, s16;
	s17 =	sadd.s32 s6, s30  }
0x11: {  	[tilespmem:s15+$0x1020 ss:$0x81] =	vst.msk $0xffff, v0;
	s13 =	sshll.u32 s31, $0x12;
	s12 =	sadd.s32 s12, s17;
	s16 =	sshrl.u32 s16, $0x3  }
0x12: {  	[tilespmem:s15+$0x0 ss:$0x81] =	vst.msk $0xffff, v1;
	s13 =	sor.u32 $0x400, s13;
	s12 =	sadd.s32 s16, s12  }
0x13: {  	[hbm4b:s12+s13] =	stream.strided.scatter [tilespmem:s14], [sflag:$0x2], $0x2000, s8, s13, $0x20;
	[tilespmem:$0x8080] =	vst v63  }
.LBB1_5:
0x14: {  	s14 =	sadd.s32 $0x1, s9  }
0x15: {  	s12 =	sadd.s32 $0x1000, s10;
	s16 =	smov.u32 s10;
	p2 =	sgt.s32 s14, $0x31  }
0x16: {  	s16 =	smov.u32 @p2 s12  }
0x17: {  	s14 =	simm.s32 @p2 $0x0;
	p2 =	sgt.s32 s16, $0xFFF  }
0x18: {  	s16 =	smov.u32 @p2 s2;
	p2 =	sne.s32 s11, s7  }
.Ltmp1:
0x19: {  	p1 =	slt.u32 s11, $0x2;
	(pc) =	sbr.rel @!p2 .LBB1_6-.Ltmp1, $4  }
0x1a: {  	s15 =	simm.s32 @!p1 $0x2  }
0x1b: {  	s13 =	smov.u32 s10;
	p0 =	por !p0, !p0;
	_ =	swait.ge @!p1 [sflag:s15], $0x2000  }
0x1c: {  	s12 =	smov.u32 s9;
	[sflag:s15] =	ssyncset.done @!p1 $0x0;
	s9 =	smov.u32 s14  }
0x1d: {  	s11 =	sadd.s32 $0x1, s11;
	[sflag:s15] =	ssyncadd.s32 @!p1 $0xFFFFE000;
	s10 =	smov.u32 s16  }
.LBB1_1:
0x1e: {  	p1 =	sge.u32 s11, s5  }
0x1f: {  	s14 =	sand.u32 @!p1 $0x1FFFFFF, s9  }
0x20: {  	s15 =	smulhi.u32 @!p1 $0x4924925, s14;
	_ =	sdelay $0x1  }
0x21: {  	s15 =	smul.u32 @!p1 $0x38, s15  }
0x22: {  	s16 =	sxor.u32 @!p1 $0xFFFFFFFF, s11;
	s17 =	smul.u32 @!p1 $0x380, s10  }
0x23: {  	s31 =	sadd.s32 $0xFFFFFFFF, s11;
	s16 =	sshll.u32 @!p1 s16, $0xD;
	s14 =	ssub.s32 @!p1 s14, s15  }
0x24: {  	s15 =	sand.u32 @!p1 $0x2000, s16;
	s16 =	sadd.s32 @!p1 s3, s17;
	s14 =	sshll.u32 @!p1 s14, $0x4  }
0x25: {  	s17 =	simm.s32 @!p1 $0x1C00;
	s14 =	sadd.s32 @!p1 s14, s16;
	s16 =	simm.s32 @!p1 $0x40  }
0x26: {  	[tilespmem:s15], [sflag:$0x1] =	stream.strided.gather @!p1 [hbm4b:s14+s16], $0x2000, s17, s16, $0x38;
	[tilespmem:$0x8080] =	vst v63  }
0x27: {  	p1 =	sge.u32 s31, s5  }
.Ltmp2:
0x28: {  	_ = 	snop;
	(pc) =	sbr.rel @p1 .LBB1_5-.Ltmp2, $1  }
0x29: {  	_ =	sdelay $0x3  }
0x2a: {  	s14 =	simm.s32 $0x1  }
0x2b: {  	_ =	swait.ge [sflag:s4], $0x2000;
	s14 =	simm.s32 @!p0 $0x0  }
0x2c: {  	[sflag:s4] =	ssyncset.done $0x0;
	s15 =	sshll.u32 s14, $0xD  }
0x2d: {  	[sflag:s4] =	ssyncadd.s32 $0xFFFFE000;
	s18 =	sor.u32 $0x20, s15  }
0x2e: {  	s14 =	smul.u32 $0x8100, s14;
	v3 =	vld [tilespmem:s18+$0x10]  }
0x2f: {  	s30 =	sand.u32 $0x1, s11;
	v2 =	vld [tilespmem:s18+$0xFFFFFFF0]  }
0x30: {  	s15 =	smul.u32 $0x8100, s30;
	s14 =	sshrl.u32 s14, $0x2;
	v0 =	vld [tilespmem:s18+$0x0]  }
0x31: {  	v1 =	vld [tilespmem:s18+$0xFFFFFFE0];
	s16 =	sor.u32 $0x4000, s14  }
0x32: {  	s31 =	sshrl.u32 s15, $0x2;
	s15 =	sadd.s32 $0x0, s16  }
0x33: {  	s17 =	simm.s32 $0x4;
	s18 =	sadd.s32 $0x40, s18;
	s14 =	sor.u32 $0x4000, s31;
	[tilespmem:s15+$0x1830 ss:$0x81] =	vst.msk $0xffff, v3  }
.LBB1_3:
0x34: {  	v3 =	vld [tilespmem:s18+$0x10];
	p1 =	sne.s32 s17, $0x1FC;
	[tilespmem:s15+$0x810 ss:$0x81] =	vst.msk $0xffff, v2;
	s19 =	smov.u32 s17;
	s17 =	sadd.s32 $0x4, s17  }
.Ltmp3:
0x35: {  	v2 =	vld [tilespmem:s18+$0xFFFFFFF0];
	[tilespmem:s15+$0x1020 ss:$0x81] =	vst.msk $0xffff, v0;
	(pc) =	sbr.rel @p1 .LBB1_3-.Ltmp3, $4  }
0x36: {  	v0 =	vld [tilespmem:s18+$0x0];
	[tilespmem:s15+$0x0 ss:$0x81] =	vst.msk $0xffff, v1  }
0x37: {  	s15 =	sshra.s32 s19, $0x2;
	v1 =	vld [tilespmem:s18+$0xFFFFFFE0]  }
0x38: {  	s15 =	sadd.s32 s15, s16  }
0x39: {  	s18 =	sadd.s32 $0x40, s18;
	[tilespmem:s15+$0x1830 ss:$0x81] =	vst.msk $0xffff, v3  }
.Ltmp4:
0x3a: {  	_ = 	snop;
	(pc) =	sbr.rel .LBB1_4-.Ltmp4, $1  }
0x3b: {  	_ =	sdelay $0x3  }
.LBB1_6:
0x3c: {  	_ =	sfence.sel $0x180000  }
0x3d: {  	s2 =	simm.s32 $0x1;
	[bflag:$0x0] =	sbarrier.arrive $0xFFFF  }
0x3e: {  	s31 =	simm.s32 $0x2;
	[sflag:s2] =	ssyncpa.u1 $0x1  }
0x3f: {  	[sflag:s31] =	ssyncpa.u1 $0x1  }
0x40: {  	p0 =	sne.s32 s0, $0x0;
	_ =	strace $0x90000056  }
0x41: {  	s0 =	sadd.s32 @!p0 $0x100000, s1;
	[bflag:$0x2] =	sbarrier.arrive $0xFFFF  }
0x42: {  	[sflag:s0] =	ssyncadd.tile.s32 @!p0 $0x1;
	_ =	shalt  }
.Lfunc_end1:
_tile_overlayer_lowered:
.L_overlay_start_2:
0x43: {  	(tag) =	ssettag $0x2  }
0x44: {  	s0 =	rddreg [dreg:$0x0];
	s2 =	stileid.u32  }
0x45: {  	s1 =	rddreg [dreg:$0x1];
	p0 =	sne.s32 s2, $0x0  }
0x46: {  	s3 =	rddreg [dreg:$0x2];
	[bflag:$0x3] =	sbarrier.arrive $0xFFFF;
	s2 =	simm.s32 @!p0 $0x1C01  }
0x47: {  	[timem:s3], [sflag:s2] =	dma.local @!p0 [hbm:s0], s1  }
0x48: {  	s0 =	simm.s32 @!p0 $0x1  }
0x49: {  	_ =	swait.ge @!p0 [sflag:s0], s1  }
0x4a: {  	s1 =	ssub.s32 @!p0 $0x0, s1;
	[sflag:s0] =	ssyncset.done @!p0 $0x0  }
0x4b: {  	[sflag:s0] =	ssyncadd.s32 @!p0 s1  }
0x4c: {  	[bflag:$0x3] =	sbarrier.arrive $0xFFFF  }
0x4d: {  	_ =	shalt  }

// kernel: sparse-core-data-format-call.cloned.1.call-start
scs
called_computation_lowered:
.L_overlay_start_0:
0x0: {  	s2 =	sld [smem:$0x3FD9]  }
0x1: {  	s3 =	sld [smem:$0x3FFE];
	_ =	sdelay $0x1  }
0x2: {  	s1 =	srdreg.scid  }
0x3: {  	s0 =	sand.u32 $0x1, s1  }
0x4: {  	s18 =	sshll.u32 s0, $0xA;
	s2 =	sadd.s32 s3, s2  }
0x5: {  	s2 =	sadd.s32 s2, s18  }
0x6: {  	[smem:$0x3FC6] =	sst s2  }
0x7: {  	_ = 	snop  }
0x8: {  	(tm) =	ssettm $0x1  }
0x9: {  	s19 =	sld [smem:$0x3FFB];
	_ =	sdelay $0x3  }
0xa: {  	_ =	strace s19  }
0xb: {  	s2 =	sld [smem:$0x3FFC];
	_ =	sdelay $0x3  }
0xc: {  	_ =	strace s2  }
0xd: {  	s2 =	sld [smem:$0x3FFD];
	_ =	sdelay $0x3  }
0xe: {  	_ =	strace s2  }
0xf: {  	_ =	strace $0x8FFFFFFF  }
0x10: {  	s20 =	sld [smem:$0x3FDB];
	_ =	sdelay $0x1  }
0x11: {  	s21 =	simm.s32 $_scs_section_size  }
0x12: {  	s4 =	simm.s32 $_size__tile_overlayer_lowered;
	s5 =	simm.s32 $_tile_overlayer_lowered  }
0x13: {  	s6 =	simm.s32 $0x1BFF;
	s22 =	sshll.u32 s5, $0x1;
	s3 =	sadd.s32 s21, s20  }
0x14: {  	s23 =	simm.s32 $0x0;
	s4 =	sshll.u32 s4, $0x1;
	s5 =	sadd.s32 s22, s3  }
0x15: {  	[timem:s23], [sflag:s6] =	dma.local [hbm:s5], s4  }
0x16: {  	_ =	swait.ge [sflag:s6], s4  }
0x17: {  	s4 =	ssub.s32 $0x0, s4;
	[sflag:s6] =	ssyncset.done $0x0  }
0x18: {  	[sflag:s6] =	ssyncadd.s32 s4;
	_ =	sdelay $0x1  }
0x19: {  	s24 =	simm.s32 $0x1B8B  }
0x1a: {  	_ =	swait.ge [sflag:s24], $0x1  }
0x1b: {  	[sflag:s24] =	ssyncset.done $0x0  }
0x1c: {  	[sflag:s24] =	ssyncadd.s32 $0xFFFFFFFF  }
0x1d: {  	s4 =	sld [smem:$0x0]  }
0x1e: {  	s5 =	sand.u32 $0xFFFFFFFE, s1  }
0x1f: {  	p0 =	sne.s32 s1, s5  }
0x20: {  	s5 =	sshll.u32 @p0 s5, $0xE  }
0x21: {  	s5 =	sadd.s32 @p0 $0x11B8D, s5;
	s6 =	sshll.u32 @p0 s4, $0x11  }
0x22: {  	s5 =	sor.u32 @p0 s6, s5  }
0x23: {  	[sflag:s5] =	ssyncadd.remote.s32 @p0 $0x1;
	_ =	sdelay $0x1  }
0x24: {  	s5 =	simm.s32 @p0 $0x1B8D  }
0x25: {  	_ =	swait.eq @p0 [sflag:s5], $0x1  }
0x26: {  	[sflag:s5] =	ssyncadd.s32 @p0 $0xFFFFFFFF  }
0x27: {  	s6 =	sshll.u32 @!p0 s1, $0xE  }
0x28: {  	s6 =	sor.u32 @!p0 $0x4000, s6;
	s5 =	simm.s32 @!p0 $0x1B8D  }
0x29: {  	s4 =	sshll.u32 @!p0 s4, $0x11;
	s6 =	sadd.s32 @!p0 $0x11B8D, s6;
	_ =	swait.eq @!p0 [sflag:s5], $0x1  }
0x2a: {  	s4 =	sor.u32 @!p0 s4, s6;
	[sflag:s5] =	ssyncadd.s32 @!p0 $0xFFFFFFFF  }
0x2b: {  	s26 =	simm.s32 $0x1B8E;
	s25 =	sld [smem:$0x3FFE];
	[sflag:s4] =	ssyncadd.remote.s32 @!p0 $0x1  }
0x2c: {  	s27 =	simm.s32 $execute0_lowered;
	[smem:$0x3FD2] =	sst s26  }
0x2d: {  	s5 =	sshll.u32 s27, $0x1;
	_ =	strace $0x80000052;
	[dreg:$0x1] =	wrdreg $0xFFFFFFFF  }
0x2e: {  	s28 =	simm.s32 $_size_execute0_lowered;
	s3 =	sadd.s32 s3, s5;
	[dreg:$0x0] =	wrdreg $0x0  }
0x2f: {  	s5 =	sshll.u32 s28, $0x1;
	[dreg:$0x2] =	wrdreg s3  }
0x30: {  	[dreg:$0x3] =	wrdreg s5  }
0x31: {  	[dreg:$0x4] =	wrdreg $0xC0  }
0x32: {  	_ =	task [dreg:s23], $0x5FFFF  }
0x33: {  	[dreg:$0x1] =	wrdreg $0xFFFFFFFF  }
0x34: {  	[dreg:$0x0] =	wrdreg $0x60  }
0x35: {  	[dreg:$0x2] =	wrdreg s25  }
0x36: {  	[dreg:$0x3] =	wrdreg $0x9  }
0x37: {  	_ =	task.clear_ibuf [dreg:s23], $0x4FFFF;
	_ =	strace $0x90000052  }
0x38: {  	s29 =	simm.s32 $0x9;
	_ =	strace $0x80000054  }
0x39: {  	_ =	swait.ge [sflag:s29], $0x1  }
0x3a: {  	[sflag:s29] =	ssyncadd.s32 $0xFFFFFFFF  }
0x3b: {  	_ =	strace $0x90000054  }
0x3c: {  	_ =	sfence  }
0x3d: {  	s30 =	sld [smem:$0x0];
	_ =	sdelay $0x2  }
0x3e: {  	s31 =	sshll.u32 s1, $0xD;
	s1 =	sshrl.u32 s1, $0x2  }
0x3f: {  	s4 =	sand.u32 $0x4000, s31;
	s1 =	sadd.s32 s1, s30  }
0x40: {  	s0 =	sor.u32 s4, s0;
	s1 =	sshll.u32 s1, $0x11  }
0x41: {  	s0 =	sor.u32 s1, s0  }
0x42: {  	s0 =	sadd.s32 $0x8F2B, s0  }
0x43: {  	[sflag:s0] =	ssyncadd.remote.s32 $0x1  }
0x44: {  	_ =	sfence.sel $0xFFFF  }
0x45: {  	[dreg:$0x0] =	wrdreg $0xFFFFFFFF;
	(pc) =	sbr.abs _section_cstart, $3  }
0x46: {  	[dreg:$0x1] =	wrdreg $0xFFFFFFFF  }
0x47: {  	_ =	task.clear_ibuf [dreg:s23], $0x2FFFF;
	_ =	strace $0x9FFFFFFF  }
0x48: {  	(tm) =	ssettm $0x7FFFFFFF  }
0x49: {  	_ =	shalt  }
tec
execute0_lowered:
.L_overlay_start_1:
0x0: {  	(tag) =	ssettag $0x1  }
0x1: {  	s0 =	srdreg.scid  }
0x2: {  	s1 =	sshll.u32 s0, $0x4  }
0x3: {  	s0 =	stileid.u32;
	s1 =	sand.u32 $0x10, s1  }
0x4: {  	s1 =	sor.u32 s0, s1  }
0x5: {  	s6 =	rddreg [dreg:$0x0];
	s7 =	simm.s32 $0x2;
	s2 =	sshll.u32 s1, $0x7  }
0x6: {  	s12 =	simm.s32 $0x0;
	s8 =	simm.s32 $0x8000;
	s1 =	ssub.s32 $0x1000, s2  }
0x7: {  	s13 =	simm.s32 $0x0;
	s9 =	simm.s32 $0x0;
	s3 =	sand.u32 $0xF80, s1  }
0x8: {  	s11 =	simm.s32 $0x0;
	p0 =	sne.s32 s3, $0x0;
	s3 =	simm.s32 $0x1  }
.Ltmp0:
0x9: {  	s4 =	sshrl.u32 s1, $0xC;
	s3 =	simm.s32 @!p0 $0x0;
	(pc) =	sbr.rel .LBB1_1-.Ltmp0, $4  }
0xa: {  	s5 =	sadd.s32 $0x4D0400, s6;
	s1 =	rddreg [dreg:$0x1];
	s4 =	sadd.s32 s3, s4  }
0xb: {  	_ =	strace $0x80000053;
	s3 =	simm.s32 $0x1;
	s4 =	smul.u32 $0x32, s4  }
0xc: {  	s6 =	sadd.s32 $0x850400, s6;
	s10 =	smov.u32 s2;
	[sflag:s3] =	ssyncpa.u1 $0x0  }
0xd: {  	p0 =	por $0x0, $0x0;
	[sflag:s7] =	ssyncpa.u1 $0x0;
	s7 =	sor.u32 $0x1, s4  }
.LBB1_4:
0xe: {  	s16 =	sshll.u32 s13, $0x3;
	s17 =	sand.u32 $0x78, s13  }
0xf: {  	s30 =	sand.u32 $0x7E00, s13;
	s12 =	sshll.u32 s12, $0xF;
	s16 =	sand.u32 $0xC00, s16  }
0x10: {  	[tilespmem:s15+$0x810 ss:$0x81] =	vst.msk $0xffff, v2;
	s31 =	sand.u32 $0x7, s13;
	s16 =	sor.u32 s17, s16;
	s17 =	sadd.s32 s6, s30  }
0x11: {  	[tilespmem:s15+$0x1020 ss:$0x81] =	vst.msk $0xffff, v0;
	s13 =	sshll.u32 s31, $0x12;
	s12 =	sadd.s32 s12, s17;
	s16 =	sshrl.u32 s16, $0x3  }
0x12: {  	[tilespmem:s15+$0x0 ss:$0x81] =	vst.msk $0xffff, v1;
	s13 =	sor.u32 $0x400, s13;
	s12 =	sadd.s32 s16, s12  }
0x13: {  	[hbm4b:s12+s13] =	stream.strided.scatter [tilespmem:s14], [sflag:$0x2], $0x2000, s8, s13, $0x20;
	[tilespmem:$0x8080] =	vst v63  }
.LBB1_5:
0x14: {  	s14 =	sadd.s32 $0x1, s9  }
0x15: {  	s12 =	sadd.s32 $0x1000, s10;
	s16 =	smov.u32 s10;
	p2 =	sgt.s32 s14, $0x31  }
0x16: {  	s16 =	smov.u32 @p2 s12  }
0x17: {  	s14 =	simm.s32 @p2 $0x0;
	p2 =	sgt.s32 s16, $0xFFF  }
0x18: {  	s16 =	smov.u32 @p2 s2;
	p2 =	sne.s32 s11, s7  }
.Ltmp1:
0x19: {  	p1 =	slt.u32 s11, $0x2;
	(pc) =	sbr.rel @!p2 .LBB1_6-.Ltmp1, $4  }
0x1a: {  	s15 =	simm.s32 @!p1 $0x2  }
0x1b: {  	s13 =	smov.u32 s10;
	p0 =	por !p0, !p0;
	_ =	swait.ge @!p1 [sflag:s15], $0x2000  }
0x1c: {  	s12 =	smov.u32 s9;
	[sflag:s15] =	ssyncset.done @!p1 $0x0;
	s9 =	smov.u32 s14  }
0x1d: {  	s11 =	sadd.s32 $0x1, s11;
	[sflag:s15] =	ssyncadd.s32 @!p1 $0xFFFFE000;
	s10 =	smov.u32 s16  }
.LBB1_1:
0x1e: {  	p1 =	sge.u32 s11, s4  }
0x1f: {  	s14 =	sand.u32 @!p1 $0x1FFFFFF, s9  }
0x20: {  	s15 =	smulhi.u32 @!p1 $0x4924925, s14;
	_ =	sdelay $0x1  }
0x21: {  	s15 =	smul.u32 @!p1 $0x38, s15  }
0x22: {  	s16 =	sxor.u32 @!p1 $0xFFFFFFFF, s11;
	s17 =	smul.u32 @!p1 $0x380, s10  }
0x23: {  	s31 =	sadd.s32 $0xFFFFFFFF, s11;
	s16 =	sshll.u32 @!p1 s16, $0xD;
	s14 =	ssub.s32 @!p1 s14, s15  }
0x24: {  	s15 =	sand.u32 @!p1 $0x2000, s16;
	s16 =	sadd.s32 @!p1 s5, s17;
	s14 =	sshll.u32 @!p1 s14, $0x4  }
0x25: {  	s17 =	simm.s32 @!p1 $0x1C00;
	s14 =	sadd.s32 @!p1 s14, s16;
	s16 =	simm.s32 @!p1 $0x40  }
0x26: {  	[tilespmem:s15], [sflag:$0x1] =	stream.strided.gather @!p1 [hbm4b:s14+s16], $0x2000, s17, s16, $0x38;
	[tilespmem:$0x8080] =	vst v63  }
0x27: {  	p1 =	sge.u32 s31, s4  }
.Ltmp2:
0x28: {  	_ = 	snop;
	(pc) =	sbr.rel @p1 .LBB1_5-.Ltmp2, $1  }
0x29: {  	_ =	sdelay $0x3  }
0x2a: {  	s14 =	simm.s32 $0x1  }
0x2b: {  	_ =	swait.ge [sflag:s3], $0x2000;
	s14 =	simm.s32 @!p0 $0x0  }
0x2c: {  	[sflag:s3] =	ssyncset.done $0x0;
	s15 =	sshll.u32 s14, $0xD  }
0x2d: {  	[sflag:s3] =	ssyncadd.s32 $0xFFFFE000;
	s18 =	sor.u32 $0x20, s15  }
0x2e: {  	s14 =	smul.u32 $0x8100, s14;
	v3 =	vld [tilespmem:s18+$0x10]  }
0x2f: {  	s30 =	sand.u32 $0x1, s11;
	v2 =	vld [tilespmem:s18+$0xFFFFFFF0]  }
0x30: {  	s15 =	smul.u32 $0x8100, s30;
	s14 =	sshrl.u32 s14, $0x2;
	v0 =	vld [tilespmem:s18+$0x0]  }
0x31: {  	v1 =	vld [tilespmem:s18+$0xFFFFFFE0];
	s16 =	sor.u32 $0x4000, s14  }
0x32: {  	s31 =	sshrl.u32 s15, $0x2;
	s15 =	sadd.s32 $0x0, s16  }
0x33: {  	s17 =	simm.s32 $0x4;
	s18 =	sadd.s32 $0x40, s18;
	s14 =	sor.u32 $0x4000, s31;
	[tilespmem:s15+$0x1830 ss:$0x81] =	vst.msk $0xffff, v3  }
.LBB1_3:
0x34: {  	v3 =	vld [tilespmem:s18+$0x10];
	p1 =	sne.s32 s17, $0x1FC;
	[tilespmem:s15+$0x810 ss:$0x81] =	vst.msk $0xffff, v2;
	s19 =	smov.u32 s17;
	s17 =	sadd.s32 $0x4, s17  }
.Ltmp3:
0x35: {  	v2 =	vld [tilespmem:s18+$0xFFFFFFF0];
	[tilespmem:s15+$0x1020 ss:$0x81] =	vst.msk $0xffff, v0;
	(pc) =	sbr.rel @p1 .LBB1_3-.Ltmp3, $4  }
0x36: {  	v0 =	vld [tilespmem:s18+$0x0];
	[tilespmem:s15+$0x0 ss:$0x81] =	vst.msk $0xffff, v1  }
0x37: {  	s15 =	sshra.s32 s19, $0x2;
	v1 =	vld [tilespmem:s18+$0xFFFFFFE0]  }
0x38: {  	s15 =	sadd.s32 s15, s16  }
0x39: {  	s18 =	sadd.s32 $0x40, s18;
	[tilespmem:s15+$0x1830 ss:$0x81] =	vst.msk $0xffff, v3  }
.Ltmp4:
0x3a: {  	_ = 	snop;
	(pc) =	sbr.rel .LBB1_4-.Ltmp4, $1  }
0x3b: {  	_ =	sdelay $0x3  }
.LBB1_6:
0x3c: {  	_ =	sfence.sel $0x180000  }
0x3d: {  	s2 =	simm.s32 $0x1;
	[bflag:$0x0] =	sbarrier.arrive $0xFFFF  }
0x3e: {  	s31 =	simm.s32 $0x2;
	[sflag:s2] =	ssyncpa.u1 $0x1  }
0x3f: {  	[sflag:s31] =	ssyncpa.u1 $0x1  }
0x40: {  	p0 =	sne.s32 s0, $0x0;
	_ =	strace $0x90000053  }
0x41: {  	s0 =	sadd.s32 @!p0 $0x100000, s1;
	[bflag:$0x2] =	sbarrier.arrive $0xFFFF  }
0x42: {  	[sflag:s0] =	ssyncadd.tile.s32 @!p0 $0x1;
	_ =	shalt  }
.Lfunc_end1:
_tile_overlayer_lowered:
.L_overlay_start_2:
0x43: {  	(tag) =	ssettag $0x2  }
0x44: {  	s0 =	rddreg [dreg:$0x0];
	s2 =	stileid.u32  }
0x45: {  	s1 =	rddreg [dreg:$0x1];
	p0 =	sne.s32 s2, $0x0  }
0x46: {  	s3 =	rddreg [dreg:$0x2];
	[bflag:$0x3] =	sbarrier.arrive $0xFFFF;
	s2 =	simm.s32 @!p0 $0x1C01  }
0x47: {  	[timem:s3], [sflag:s2] =	dma.local @!p0 [hbm:s0], s1  }
0x48: {  	s0 =	simm.s32 @!p0 $0x1  }
0x49: {  	_ =	swait.ge @!p0 [sflag:s0], s1  }
0x4a: {  	s1 =	ssub.s32 @!p0 $0x0, s1;
	[sflag:s0] =	ssyncset.done @!p0 $0x0  }
0x4b: {  	[sflag:s0] =	ssyncadd.s32 @!p0 s1  }
0x4c: {  	[bflag:$0x3] =	sbarrier.arrive $0xFFFF  }
0x4d: {  	_ =	shalt  }

</sc_bundles>
